<compile_context>
chip_gen: v7x
topology: tpu7x:2x2x1
jax: 0.10.2.dev20260603
libtpu: 0.0.44.dev20260713+nightly
codegen_flags: <defaults>
</compile_context>

<pallas_src>
import functools

import jax
import jax.numpy as jnp
from jax import lax
from jax.experimental import pallas as pl
from jax.experimental.pallas import tpu as pltpu
from jax.experimental.pallas import tpu_sc as plsc

NC = 2
NS = 16
NW = NC * NS
CH = 128
F = 16
NB = 10
LA = 5


def _sc_mesh():
    return plsc.VectorSubcoreMesh(
        core_axis_name="c", subcore_axis_name="s",
        num_cores=NC, num_subcores=NS)


def _make_deg_kernel(NPAD, CPW):
    stripe = NPAD // NS
    n_groups = CPW // NB

    def body(dsts_hbm, zeros_hbm, ones_hbm, out_hbm, dst_v, rows_v, agg_sh, ssem):
        c = lax.axis_index("c")
        s = lax.axis_index("s")
        wid = s * NC + c
        z = pltpu.async_copy(zeros_hbm.at[pl.ds(s * stripe, stripe)],
                             agg_sh.at[pl.ds(s * stripe, stripe)], ssem.at[NB - 1])
        a = pltpu.async_copy(ones_hbm, rows_v, ssem.at[NB - 2])
        b = pltpu.async_copy(dsts_hbm.at[:, wid], dst_v, ssem.at[NB - 3])
        z.wait()
        a.wait()
        b.wait()
        plsc.subcore_barrier()

        def fire(j, t):
            pltpu.async_copy(rows_v, agg_sh.at[dst_v.at[j]], ssem.at[t],
                             add=True)

        def drain(t):
            pltpu.make_async_copy(rows_v, agg_sh.at[dst_v.at[0]],
                                  ssem.at[t]).wait()

        def group(g, carry):
            for t in range(NB):
                j = g * NB + t
                @pl.when(j >= NB)
                def _():
                    drain(t)
                fire(j, t)
            return carry

        lax.fori_loop(0, n_groups, group, 0)
        for t in range(NB):
            drain(t)
        plsc.subcore_barrier()
        pltpu.sync_copy(agg_sh.at[pl.ds(s * stripe, stripe)],
                        out_hbm.at[pl.ds(c * NPAD + s * stripe, stripe)])

    return pl.kernel(
        body,
        out_type=jax.ShapeDtypeStruct((2 * NPAD, F), jnp.float32),
        mesh=_sc_mesh(),
        compiler_params=pltpu.CompilerParams(use_tc_tiling_on_sc=False),
        scratch_types=[
            pltpu.VMEM((CPW, CH), jnp.int32),
            pltpu.VMEM((CH, F), jnp.float32),
            pltpu.VMEM_SHARED((NPAD, F), jnp.float32),
            pltpu.SemaphoreType.DMA((NB,)),
        ],
    )


def _make_agg_kernel(NPAD, CPW):
    stripe = NPAD // NS
    n_groups = CPW // NB

    def body(h_hbm, srcs_hbm, dsts_hbm, zeros_hbm, out_hbm,
             src_v, dst_v, rows_v, agg_sh, gsem, ssem):
        c = lax.axis_index("c")
        s = lax.axis_index("s")
        wid = s * NC + c
        z = pltpu.async_copy(zeros_hbm.at[pl.ds(s * stripe, stripe)],
                             agg_sh.at[pl.ds(s * stripe, stripe)], gsem.at[NB - 1])
        a = pltpu.async_copy(srcs_hbm.at[:, wid], src_v, ssem.at[NB - 1])
        b = pltpu.async_copy(dsts_hbm.at[:, wid], dst_v, ssem.at[NB - 2])
        z.wait()
        a.wait()
        b.wait()
        plsc.subcore_barrier()

        def fire_gather(j, t):
            pltpu.async_copy(h_hbm.at[src_v.at[j]], rows_v.at[t], gsem.at[t])

        def wait_gather(t):
            pltpu.make_async_copy(h_hbm.at[src_v.at[0]], rows_v.at[t],
                                  gsem.at[t]).wait()

        def fire_scatter(j, t):
            pltpu.async_copy(rows_v.at[t], agg_sh.at[dst_v.at[j]], ssem.at[t],
                             add=True)

        def wait_scatter(t):
            pltpu.make_async_copy(rows_v.at[t], agg_sh.at[dst_v.at[0]],
                                  ssem.at[t]).wait()

        for t in range(LA):
            fire_gather(t, t)

        def group(g, carry):
            for t in range(NB):
                j = g * NB + t
                wait_gather(t)
                fire_scatter(j, t)
                s2 = (t + LA) % NB
                jg = j + LA

                @pl.when(jnp.logical_and(jg >= NB, jg < CPW))
                def _():
                    wait_scatter(s2)

                @pl.when(jg < CPW)
                def _():
                    fire_gather(jg, s2)
            return carry

        lax.fori_loop(0, n_groups, group, 0)
        for t in range(NB):
            wait_scatter(t)
        plsc.subcore_barrier()
        pltpu.sync_copy(agg_sh.at[pl.ds(s * stripe, stripe)],
                        out_hbm.at[pl.ds(c * NPAD + s * stripe, stripe)])

    return pl.kernel(
        body,
        out_type=jax.ShapeDtypeStruct((2 * NPAD, F), jnp.float32),
        mesh=_sc_mesh(),
        compiler_params=pltpu.CompilerParams(use_tc_tiling_on_sc=False),
        scratch_types=[
            pltpu.VMEM((CPW, CH), jnp.int32),
            pltpu.VMEM((CPW, CH), jnp.int32),
            pltpu.VMEM((NB, CH, F), jnp.float32),
            pltpu.VMEM_SHARED((NPAD, F), jnp.float32),
            pltpu.SemaphoreType.DMA((NB,)),
            pltpu.SemaphoreType.DMA((NB,)),
        ],
    )


def kernel(features, edge_index, W0, b0, W1, b1):
    N, IN_FEATS = features.shape
    E = edge_index.shape[1]
    f32 = jnp.float32

    NPAD = ((N // 256) + 1) * 256
    CPW = -(-E // (NW * CH))
    CPW = -(-CPW // NB) * NB
    EP = NW * CH * CPW
    P = N // 8
    PP = NPAD // 8

    src = edge_index[0]
    dst = edge_index[1]
    pad_i = jnp.arange(EP - E, dtype=jnp.int32)
    srcs = lax.optimization_barrier(
        jnp.concatenate([src, pad_i % 128])).reshape(CPW, NW, CH)
    dsts = jnp.concatenate([dst, N + pad_i % (NPAD - N)]).reshape(CPW, NW, CH)

    zeros_pad = jnp.zeros((NPAD, F), f32)
    ones_rows = jnp.ones((CH, F), f32)

    deg_k = _make_deg_kernel(NPAD, CPW)
    agg_k = _make_agg_kernel(NPAD, CPW)

    degp = deg_k(dsts, zeros_pad, ones_rows)

    feats3 = features.reshape(P, 8, IN_FEATS)

    def tc_x0(f3_ref, w0_ref, x0_ref):
        parts = [jnp.dot(f3_ref[:, u, :], w0_ref[...],
                         preferred_element_type=f32) for u in range(8)]
        x0 = jnp.concatenate(parts, axis=1)
        x0_ref[...] = jnp.concatenate(
            [x0, jnp.zeros((PP - P, 8 * F), f32)], axis=0)

    x0_pack = pl.pallas_call(
        tc_x0,
        out_shape=jax.ShapeDtypeStruct((PP, 8 * F), f32),
    )(feats3, W0)

    def tc1(x0_ref, degp_ref, h0n_ref, norm_ref):
        dp = degp_ref[...]
        deg = dp[:PP] + dp[PP:]
        norm = lax.rsqrt(jnp.maximum(deg, 1.0))
        norm_ref[...] = norm
        h0n_ref[...] = x0_ref[...] * norm

    h0n_pack, norm_pack = pl.pallas_call(
        tc1,
        out_shape=[jax.ShapeDtypeStruct((PP, 8 * F), f32),
                   jax.ShapeDtypeStruct((PP, 8 * F), f32)],
    )(x0_pack, degp.reshape(2 * PP, 8 * F))

    agg0p = agg_k(h0n_pack.reshape(8 * PP, F), srcs, dsts, zeros_pad)

    w1p = jnp.kron(jnp.eye(8, dtype=f32), W1)
    b0p = jnp.tile(b0, 8).reshape(1, 8 * F)

    def tc2(aggp_ref, norm_ref, w1p_ref, b0p_ref, h1n_ref):
        ap = aggp_ref[...]
        nrm = norm_ref[...]
        agg0 = (ap[:PP] + ap[PP:]) * nrm
        z0 = jnp.maximum(agg0 + b0p_ref[...], 0.0)
        h1n_ref[...] = jnp.dot(z0, w1p_ref[...],
                               preferred_element_type=f32) * nrm

    h1n_pack = pl.pallas_call(
        tc2,
        out_shape=jax.ShapeDtypeStruct((PP, 8 * F), f32),
    )(agg0p.reshape(2 * PP, 8 * F), norm_pack, w1p, b0p)

    agg1p = agg_k(h1n_pack.reshape(8 * PP, F), srcs, dsts, zeros_pad)

    b1p = jnp.tile(b1, 8).reshape(1, 8 * F)

    def tc3(aggp_ref, norm_ref, b1p_ref, out_ref):
        ap = aggp_ref[...]
        agg1 = (ap[:PP] + ap[PP:]) * norm_ref[...] + b1p_ref[...]
        out_ref[...] = agg1[:P].reshape(P, 8, F)

    out3 = pl.pallas_call(
        tc3,
        out_shape=jax.ShapeDtypeStruct((P, 8, F), f32),
    )(agg1p.reshape(2 * PP, 8 * F), norm_pack, b1p)

    return out3.reshape(N, F)

# --- scband reference (transcript-rebuilt; emitter-appended) ---
"""Pipeline reference for scband-gcn-gru-48842368090621 (READ-ONLY COPY).

The authoritative reference and input builder live on the scoring server;
editing this copy changes nothing except your own understanding.
"""

import jax, jax.numpy as jnp
import numpy as np

N = 10000
E = 320000
IN_FEATS = 128
N_HIDDEN = 16
N_CLASSES = 16


def setup_inputs(seed: int = 0) -> dict:
    key = jax.random.key(seed)
    k1, k2, k3, k4 = jax.random.split(key, 4)
    features = jax.random.normal(k1, (N, IN_FEATS), dtype=jnp.float32)
    edge_index = jax.random.randint(k2, (2, E), 0, N, dtype=jnp.int32)
    W0 = jax.random.normal(k3, (IN_FEATS, N_HIDDEN), dtype=jnp.float32) * (1.0 / np.sqrt(IN_FEATS))
    b0 = jnp.zeros((N_HIDDEN,), dtype=jnp.float32)
    W1 = jax.random.normal(k4, (N_HIDDEN, N_CLASSES), dtype=jnp.float32) * (1.0 / np.sqrt(N_HIDDEN))
    b1 = jnp.zeros((N_CLASSES,), dtype=jnp.float32)
    return {"features": features, "edge_index": edge_index, "W0": W0, "b0": b0, "W1": W1, "b1": b1}


def _gcn_layer(h, src, dst, W, b, activation):
    # symmetric degree normalization: D^{-1/2} A D^{-1/2} h W + b
    deg = jax.ops.segment_sum(jnp.ones((src.shape[0],), dtype=h.dtype), dst, num_segments=N)
    norm = jax.lax.rsqrt(jnp.maximum(deg, 1.0))
    h = h * norm[:, None]
    msgs = jnp.take(h, src, axis=0)                      # gather over edges
    agg = jax.ops.segment_sum(msgs, dst, num_segments=N)  # scatter-add per dst node
    agg = agg * norm[:, None]
    out = agg @ W + b
    if activation is not None:
        out = activation(out)
    return out


def reference(features, edge_index, W0, b0, W1, b1):
    src = edge_index[0]
    dst = edge_index[1]
    h = _gcn_layer(features, src, dst, W0, b0, jax.nn.relu)   # layer 0 (in_feats -> n_hidden, relu)
    # dropout is identity in eval mode
    h = _gcn_layer(h, src, dst, W1, b1, None)                  # output layer (n_hidden -> n_classes)
    return h

if __name__ == "__main__":
    import jax
    _d = setup_inputs()
    print(jax.jit(kernel)(*tuple(_d.values())))

</pallas_src>

<mosaic_0001>
#map = affine_map<(d0, d1) -> (0, 0, 0)>
#map1 = affine_map<(d0, d1) -> (0, 0)>
module attributes {stable_mosaic.version = 14 : i64} {
  func.func @body(%arg0: i32, %arg1: i32, %arg2: memref<80x32x128xi32, #tpu.memory_space<hbm>>, %arg3: memref<10240x16xf32, #tpu.memory_space<hbm>>, %arg4: memref<128x16xf32, #tpu.memory_space<hbm>>, %arg5: memref<20480x16xf32, #tpu.memory_space<hbm>>, %arg6: memref<80x128xi32, #tpu.memory_space<vmem>>, %arg7: memref<128x16xf32, #tpu.memory_space<vmem>>, %arg8: memref<10240x16xf32, #tpu.memory_space<vmem_shared>>, %arg9: memref<10x!tpu.dma_semaphore, #tpu.memory_space<semaphore_mem>>) attributes {dimension_semantics = [#tpu.dimension_semantics<core_parallel>, #tpu.dimension_semantics<subcore_parallel>], iteration_bounds = array<i64: 2, 16>, scalar_prefetch = 0 : i64, scratch_operands = 4 : i64, tpu.core_type = #tpu.core_type<sc_vector_subcore>, window_params = [{transform_indices = #map}, {transform_indices = #map1}, {transform_indices = #map1}, {transform_indices = #map1}]} {
    %mul3A = arith.constant 2 : i32
    %mul3A_0 = arith.muli %arg1, %mul3A : i32
    %add3A = arith.addi %mul3A_0, %arg0 : i32
    %mul3A_1 = arith.constant 640 : i32
    %mul3A_2 = arith.muli %arg1, %mul3A_1 : i32
    %mul3A_3 = arith.constant 640 : i32
    %mul3A_4 = arith.muli %arg1, %mul3A_3 : i32
    %dma_start3A = arith.constant 9 : i32
    %dma_start3A_5 = tpu.memref_slice %arg9[%dma_start3A] : memref<10x!tpu.dma_semaphore, #tpu.memory_space<semaphore_mem>> -> memref<1x!tpu.dma_semaphore, #tpu.memory_space<semaphore_mem>>
    %dma_start3A_6 = tpu.memref_squeeze %dma_start3A_5 : memref<1x!tpu.dma_semaphore, #tpu.memory_space<semaphore_mem>> -> memref<!tpu.dma_semaphore, #tpu.memory_space<semaphore_mem>>
    %dma_start3A_7 = arith.constant 0 : i32
    %dma_start3A_8 = tpu.memref_slice %arg8[%mul3A_4, %dma_start3A_7] : memref<10240x16xf32, #tpu.memory_space<vmem_shared>> -> memref<640x16xf32, #tpu.memory_space<vmem_shared>>
    %dma_start3A_9 = arith.constant 0 : i32
    %dma_start3A_10 = tpu.memref_slice %arg3[%mul3A_2, %dma_start3A_9] : memref<10240x16xf32, #tpu.memory_space<hbm>> -> memref<640x16xf32, #tpu.memory_space<hbm>>
    tpu.enqueue_dma source(%dma_start3A_10 : memref<640x16xf32, #tpu.memory_space<hbm>>) target(%dma_start3A_8 : memref<640x16xf32, #tpu.memory_space<vmem_shared>>) target_semaphore(%dma_start3A_6 : memref<!tpu.dma_semaphore, #tpu.memory_space<semaphore_mem>>)
    %dma_start3A_11 = arith.constant 8 : i32
    %dma_start3A_12 = tpu.memref_slice %arg9[%dma_start3A_11] : memref<10x!tpu.dma_semaphore, #tpu.memory_space<semaphore_mem>> -> memref<1x!tpu.dma_semaphore, #tpu.memory_space<semaphore_mem>>
    %dma_start3A_13 = tpu.memref_squeeze %dma_start3A_12 : memref<1x!tpu.dma_semaphore, #tpu.memory_space<semaphore_mem>> -> memref<!tpu.dma_semaphore, #tpu.memory_space<semaphore_mem>>
    tpu.enqueue_dma source(%arg4 : memref<128x16xf32, #tpu.memory_space<hbm>>) target(%arg7 : memref<128x16xf32, #tpu.memory_space<vmem>>) target_semaphore(%dma_start3A_13 : memref<!tpu.dma_semaphore, #tpu.memory_space<semaphore_mem>>)
    %dma_start3A_14 = arith.constant 7 : i32
    %dma_start3A_15 = arith.constant 0 : i32
    %dma_start3A_16 = arith.constant 0 : i32
    %dma_start3A_17 = tpu.memref_slice %arg2[%dma_start3A_15, %add3A, %dma_start3A_16] : memref<80x32x128xi32, #tpu.memory_space<hbm>> -> memref<80x1x128xi32, #tpu.memory_space<hbm>>
    %dma_start3A_18 = tpu.memref_squeeze %dma_start3A_17 : memref<80x1x128xi32, #tpu.memory_space<hbm>> -> memref<80x128xi32, #tpu.memory_space<hbm>>
    %dma_start3A_19 = tpu.memref_slice %arg9[%dma_start3A_14] : memref<10x!tpu.dma_semaphore, #tpu.memory_space<semaphore_mem>> -> memref<1x!tpu.dma_semaphore, #tpu.memory_space<semaphore_mem>>
    %dma_start3A_20 = tpu.memref_squeeze %dma_start3A_19 : memref<1x!tpu.dma_semaphore, #tpu.memory_space<semaphore_mem>> -> memref<!tpu.dma_semaphore, #tpu.memory_space<semaphore_mem>>
    %dma_start3A_21 = arith.constant 0 : i32
    %dma_start3A_22 = arith.constant 0 : i32
    %dma_start3A_23 = tpu.memref_slice %arg2[%dma_start3A_21, %add3A, %dma_start3A_22] : memref<80x32x128xi32, #tpu.memory_space<hbm>> -> memref<80x1x128xi32, #tpu.memory_space<hbm>>
    %dma_start3A_24 = tpu.memref_squeeze %dma_start3A_23 : memref<80x1x128xi32, #tpu.memory_space<hbm>> -> memref<80x128xi32, #tpu.memory_space<hbm>>
    tpu.enqueue_dma source(%dma_start3A_24 : memref<80x128xi32, #tpu.memory_space<hbm>>) target(%arg6 : memref<80x128xi32, #tpu.memory_space<vmem>>) target_semaphore(%dma_start3A_20 : memref<!tpu.dma_semaphore, #tpu.memory_space<semaphore_mem>>)
    %dma_wait3A = arith.constant 9 : i32
    %dma_wait3A_25 = tpu.memref_slice %arg9[%dma_wait3A] : memref<10x!tpu.dma_semaphore, #tpu.memory_space<semaphore_mem>> -> memref<1x!tpu.dma_semaphore, #tpu.memory_space<semaphore_mem>>
    %dma_wait3A_26 = tpu.memref_squeeze %dma_wait3A_25 : memref<1x!tpu.dma_semaphore, #tpu.memory_space<semaphore_mem>> -> memref<!tpu.dma_semaphore, #tpu.memory_space<semaphore_mem>>
    %dma_wait3A_27 = arith.constant 0 : i32
    %dma_wait3A_28 = tpu.memref_slice %arg8[%mul3A_4, %dma_wait3A_27] : memref<10240x16xf32, #tpu.memory_space<vmem_shared>> -> memref<640x16xf32, #tpu.memory_space<vmem_shared>>
    %dma_wait3A_29 = arith.constant 0 : i32
    %dma_wait3A_30 = tpu.memref_slice %arg3[%mul3A_2, %dma_wait3A_29] : memref<10240x16xf32, #tpu.memory_space<hbm>> -> memref<640x16xf32, #tpu.memory_space<hbm>>
    tpu.wait_dma2 semaphore(%dma_wait3A_26 : memref<!tpu.dma_semaphore, #tpu.memory_space<semaphore_mem>>) src(%dma_wait3A_30 : memref<640x16xf32, #tpu.memory_space<hbm>>) dst(%dma_wait3A_28 : memref<640x16xf32, #tpu.memory_space<vmem_shared>>)
    %dma_wait3A_31 = arith.constant 8 : i32
    %dma_wait3A_32 = tpu.memref_slice %arg9[%dma_wait3A_31] : memref<10x!tpu.dma_semaphore, #tpu.memory_space<semaphore_mem>> -> memref<1x!tpu.dma_semaphore, #tpu.memory_space<semaphore_mem>>
    %dma_wait3A_33 = tpu.memref_squeeze %dma_wait3A_32 : memref<1x!tpu.dma_semaphore, #tpu.memory_space<semaphore_mem>> -> memref<!tpu.dma_semaphore, #tpu.memory_space<semaphore_mem>>
    tpu.wait_dma2 semaphore(%dma_wait3A_33 : memref<!tpu.dma_semaphore, #tpu.memory_space<semaphore_mem>>) src(%arg4 : memref<128x16xf32, #tpu.memory_space<hbm>>) dst(%arg7 : memref<128x16xf32, #tpu.memory_space<vmem>>)
    %dma_wait3A_34 = arith.constant 7 : i32
    %dma_wait3A_35 = arith.constant 0 : i32
    %dma_wait3A_36 = arith.constant 0 : i32
    %dma_wait3A_37 = tpu.memref_slice %arg2[%dma_wait3A_35, %add3A, %dma_wait3A_36] : memref<80x32x128xi32, #tpu.memory_space<hbm>> -> memref<80x1x128xi32, #tpu.memory_space<hbm>>
    %dma_wait3A_38 = tpu.memref_squeeze %dma_wait3A_37 : memref<80x1x128xi32, #tpu.memory_space<hbm>> -> memref<80x128xi32, #tpu.memory_space<hbm>>
    %dma_wait3A_39 = tpu.memref_slice %arg9[%dma_wait3A_34] : memref<10x!tpu.dma_semaphore, #tpu.memory_space<semaphore_mem>> -> memref<1x!tpu.dma_semaphore, #tpu.memory_space<semaphore_mem>>
    %dma_wait3A_40 = tpu.memref_squeeze %dma_wait3A_39 : memref<1x!tpu.dma_semaphore, #tpu.memory_space<semaphore_mem>> -> memref<!tpu.dma_semaphore, #tpu.memory_space<semaphore_mem>>
    %dma_wait3A_41 = arith.constant 0 : i32
    %dma_wait3A_42 = arith.constant 0 : i32
    %dma_wait3A_43 = tpu.memref_slice %arg2[%dma_wait3A_41, %add3A, %dma_wait3A_42] : memref<80x32x128xi32, #tpu.memory_space<hbm>> -> memref<80x1x128xi32, #tpu.memory_space<hbm>>
    %dma_wait3A_44 = tpu.memref_squeeze %dma_wait3A_43 : memref<80x1x128xi32, #tpu.memory_space<hbm>> -> memref<80x128xi32, #tpu.memory_space<hbm>>
    tpu.wait_dma2 semaphore(%dma_wait3A_40 : memref<!tpu.dma_semaphore, #tpu.memory_space<semaphore_mem>>) src(%dma_wait3A_44 : memref<80x128xi32, #tpu.memory_space<hbm>>) dst(%arg6 : memref<80x128xi32, #tpu.memory_space<vmem>>)
    %barrier3A = arith.constant 0 : index
    tpu.barrier barrier_id(%barrier3A)
    %scan3A = arith.constant 0 : i32
    %scan3A_45 = arith.constant 0 : i32
    %scan3A_46 = arith.constant 8 : i32
    %scan3A_47 = arith.addi %scan3A_45, %scan3A_46 : i32
    %scan3A_48 = arith.constant 1 : i32
    scf.for %scan3A_158 = %scan3A_45 to %scan3A_47 step %scan3A_48  : i32 {
      %mul3A_159 = arith.constant 10 : i32
      %mul3A_160 = arith.muli %scan3A_158, %mul3A_159 : i32
      %add3A_161 = arith.constant 0 : i32
      %add3A_162 = arith.addi %mul3A_160, %add3A_161 : i32
      %ge3A = arith.constant 10 : i32
      %ge3A_163 = arith.cmpi sge, %add3A_162, %ge3A : i32
      %convert_element_type3A = arith.extui %ge3A_163 : i1 to i32
      %cond3A = arith.constant 0 : i32
      %cond3A_164 = arith.cmpi ne, %convert_element_type3A, %cond3A : i32
      scf.if %cond3A_164 {
        %dma_wait3A_336 = arith.constant 0 : i32
        %dma_wait3A_337 = arith.constant 0 : i32
        %dma_wait3A_338 = arith.constant 0 : i32
        %dma_wait3A_339 = tpu.memref_slice %arg6[%dma_wait3A_336, %dma_wait3A_338] : memref<80x128xi32, #tpu.memory_space<vmem>> -> memref<1x128xi32, #tpu.memory_space<vmem>>
        %dma_wait3A_340 = tpu.memref_squeeze %dma_wait3A_339 : memref<1x128xi32, #tpu.memory_space<vmem>> -> memref<128xi32, #tpu.memory_space<vmem>>
        %dma_wait3A_341 = arith.constant 0 : i32
        %dma_wait3A_342 = arith.constant 0 : i32
        %dma_wait3A_343 = tpu.memref_slice %arg8[%dma_wait3A_341, %dma_wait3A_342] : memref<10240x16xf32, #tpu.memory_space<vmem_shared>> -> memref<10240x16xf32, #tpu.memory_space<vmem_shared>>
        %dma_wait3A_344 = tpu.memref_slice %arg9[%dma_wait3A_337] : memref<10x!tpu.dma_semaphore, #tpu.memory_space<semaphore_mem>> -> memref<1x!tpu.dma_semaphore, #tpu.memory_space<semaphore_mem>>
        %dma_wait3A_345 = tpu.memref_squeeze %dma_wait3A_344 : memref<1x!tpu.dma_semaphore, #tpu.memory_space<semaphore_mem>> -> memref<!tpu.dma_semaphore, #tpu.memory_space<semaphore_mem>>
        tpu.wait_indirect_dma semaphore(%dma_wait3A_345 : memref<!tpu.dma_semaphore, #tpu.memory_space<semaphore_mem>>) src(%arg7 : memref<128x16xf32, #tpu.memory_space<vmem>>) dst(%dma_wait3A_343 : memref<10240x16xf32, #tpu.memory_space<vmem_shared>>)
      } else {
      }
      %dma_start3A_165 = arith.constant 0 : i32
      %dma_start3A_166 = arith.constant 0 : i32
      %dma_start3A_167 = tpu.memref_slice %arg6[%add3A_162, %dma_start3A_166] : memref<80x128xi32, #tpu.memory_space<vmem>> -> memref<1x128xi32, #tpu.memory_space<vmem>>
      %dma_start3A_168 = tpu.memref_squeeze %dma_start3A_167 : memref<1x128xi32, #tpu.memory_space<vmem>> -> memref<128xi32, #tpu.memory_space<vmem>>
      %dma_start3A_169 = arith.constant 0 : i32
      %dma_start3A_170 = arith.constant 0 : i32
      %dma_start3A_171 = tpu.memref_slice %arg8[%dma_start3A_169, %dma_start3A_170] : memref<10240x16xf32, #tpu.memory_space<vmem_shared>> -> memref<10240x16xf32, #tpu.memory_space<vmem_shared>>
      %dma_start3A_172 = tpu.memref_slice %arg9[%dma_start3A_165] : memref<10x!tpu.dma_semaphore, #tpu.memory_space<semaphore_mem>> -> memref<1x!tpu.dma_semaphore, #tpu.memory_space<semaphore_mem>>
      %dma_start3A_173 = tpu.memref_squeeze %dma_start3A_172 : memref<1x!tpu.dma_semaphore, #tpu.memory_space<semaphore_mem>> -> memref<!tpu.dma_semaphore, #tpu.memory_space<semaphore_mem>>
      tpu.enqueue_indirect_dma source(%arg7 : memref<128x16xf32, #tpu.memory_space<vmem>>) target(%dma_start3A_171 : memref<10240x16xf32, #tpu.memory_space<vmem_shared>>) offsets(%dma_start3A_168 : memref<128xi32, #tpu.memory_space<vmem>>) semaphore(%dma_start3A_173 : memref<!tpu.dma_semaphore, #tpu.memory_space<semaphore_mem>>) {add = true}
      %mul3A_174 = arith.constant 10 : i32
      %mul3A_175 = arith.muli %scan3A_158, %mul3A_174 : i32
      %add3A_176 = arith.constant 1 : i32
      %add3A_177 = arith.addi %mul3A_175, %add3A_176 : i32
      %ge3A_178 = arith.constant 10 : i32
      %ge3A_179 = arith.cmpi sge, %add3A_177, %ge3A_178 : i32
      %convert_element_type3A_180 = arith.extui %ge3A_179 : i1 to i32
      %cond3A_181 = arith.constant 0 : i32
      %cond3A_182 = arith.cmpi ne, %convert_element_type3A_180, %cond3A_181 : i32
      scf.if %cond3A_182 {
        %dma_wait3A_336 = arith.constant 0 : i32
        %dma_wait3A_337 = arith.constant 1 : i32
        %dma_wait3A_338 = arith.constant 0 : i32
        %dma_wait3A_339 = tpu.memref_slice %arg6[%dma_wait3A_336, %dma_wait3A_338] : memref<80x128xi32, #tpu.memory_space<vmem>> -> memref<1x128xi32, #tpu.memory_space<vmem>>
        %dma_wait3A_340 = tpu.memref_squeeze %dma_wait3A_339 : memref<1x128xi32, #tpu.memory_space<vmem>> -> memref<128xi32, #tpu.memory_space<vmem>>
        %dma_wait3A_341 = arith.constant 0 : i32
        %dma_wait3A_342 = arith.constant 0 : i32
        %dma_wait3A_343 = tpu.memref_slice %arg8[%dma_wait3A_341, %dma_wait3A_342] : memref<10240x16xf32, #tpu.memory_space<vmem_shared>> -> memref<10240x16xf32, #tpu.memory_space<vmem_shared>>
        %dma_wait3A_344 = tpu.memref_slice %arg9[%dma_wait3A_337] : memref<10x!tpu.dma_semaphore, #tpu.memory_space<semaphore_mem>> -> memref<1x!tpu.dma_semaphore, #tpu.memory_space<semaphore_mem>>
        %dma_wait3A_345 = tpu.memref_squeeze %dma_wait3A_344 : memref<1x!tpu.dma_semaphore, #tpu.memory_space<semaphore_mem>> -> memref<!tpu.dma_semaphore, #tpu.memory_space<semaphore_mem>>
        tpu.wait_indirect_dma semaphore(%dma_wait3A_345 : memref<!tpu.dma_semaphore, #tpu.memory_space<semaphore_mem>>) src(%arg7 : memref<128x16xf32, #tpu.memory_space<vmem>>) dst(%dma_wait3A_343 : memref<10240x16xf32, #tpu.memory_space<vmem_shared>>)
      } else {
      }
      %dma_start3A_183 = arith.constant 1 : i32
      %dma_start3A_184 = arith.constant 0 : i32
      %dma_start3A_185 = tpu.memref_slice %arg6[%add3A_177, %dma_start3A_184] : memref<80x128xi32, #tpu.memory_space<vmem>> -> memref<1x128xi32, #tpu.memory_space<vmem>>
      %dma_start3A_186 = tpu.memref_squeeze %dma_start3A_185 : memref<1x128xi32, #tpu.memory_space<vmem>> -> memref<128xi32, #tpu.memory_space<vmem>>
      %dma_start3A_187 = arith.constant 0 : i32
      %dma_start3A_188 = arith.constant 0 : i32
      %dma_start3A_189 = tpu.memref_slice %arg8[%dma_start3A_187, %dma_start3A_188] : memref<10240x16xf32, #tpu.memory_space<vmem_shared>> -> memref<10240x16xf32, #tpu.memory_space<vmem_shared>>
      %dma_start3A_190 = tpu.memref_slice %arg9[%dma_start3A_183] : memref<10x!tpu.dma_semaphore, #tpu.memory_space<semaphore_mem>> -> memref<1x!tpu.dma_semaphore, #tpu.memory_space<semaphore_mem>>
      %dma_start3A_191 = tpu.memref_squeeze %dma_start3A_190 : memref<1x!tpu.dma_semaphore, #tpu.memory_space<semaphore_mem>> -> memref<!tpu.dma_semaphore, #tpu.memory_space<semaphore_mem>>
      tpu.enqueue_indirect_dma source(%arg7 : memref<128x16xf32, #tpu.memory_space<vmem>>) target(%dma_start3A_189 : memref<10240x16xf32, #tpu.memory_space<vmem_shared>>) offsets(%dma_start3A_186 : memref<128xi32, #tpu.memory_space<vmem>>) semaphore(%dma_start3A_191 : memref<!tpu.dma_semaphore, #tpu.memory_space<semaphore_mem>>) {add = true}
      %mul3A_192 = arith.constant 10 : i32
      %mul3A_193 = arith.muli %scan3A_158, %mul3A_192 : i32
      %add3A_194 = arith.constant 2 : i32
      %add3A_195 = arith.addi %mul3A_193, %add3A_194 : i32
      %ge3A_196 = arith.constant 10 : i32
      %ge3A_197 = arith.cmpi sge, %add3A_195, %ge3A_196 : i32
      %convert_element_type3A_198 = arith.extui %ge3A_197 : i1 to i32
      %cond3A_199 = arith.constant 0 : i32
      %cond3A_200 = arith.cmpi ne, %convert_element_type3A_198, %cond3A_199 : i32
      scf.if %cond3A_200 {
        %dma_wait3A_336 = arith.constant 0 : i32
        %dma_wait3A_337 = arith.constant 2 : i32
        %dma_wait3A_338 = arith.constant 0 : i32
        %dma_wait3A_339 = tpu.memref_slice %arg6[%dma_wait3A_336, %dma_wait3A_338] : memref<80x128xi32, #tpu.memory_space<vmem>> -> memref<1x128xi32, #tpu.memory_space<vmem>>
        %dma_wait3A_340 = tpu.memref_squeeze %dma_wait3A_339 : memref<1x128xi32, #tpu.memory_space<vmem>> -> memref<128xi32, #tpu.memory_space<vmem>>
        %dma_wait3A_341 = arith.constant 0 : i32
        %dma_wait3A_342 = arith.constant 0 : i32
        %dma_wait3A_343 = tpu.memref_slice %arg8[%dma_wait3A_341, %dma_wait3A_342] : memref<10240x16xf32, #tpu.memory_space<vmem_shared>> -> memref<10240x16xf32, #tpu.memory_space<vmem_shared>>
        %dma_wait3A_344 = tpu.memref_slice %arg9[%dma_wait3A_337] : memref<10x!tpu.dma_semaphore, #tpu.memory_space<semaphore_mem>> -> memref<1x!tpu.dma_semaphore, #tpu.memory_space<semaphore_mem>>
        %dma_wait3A_345 = tpu.memref_squeeze %dma_wait3A_344 : memref<1x!tpu.dma_semaphore, #tpu.memory_space<semaphore_mem>> -> memref<!tpu.dma_semaphore, #tpu.memory_space<semaphore_mem>>
        tpu.wait_indirect_dma semaphore(%dma_wait3A_345 : memref<!tpu.dma_semaphore, #tpu.memory_space<semaphore_mem>>) src(%arg7 : memref<128x16xf32, #tpu.memory_space<vmem>>) dst(%dma_wait3A_343 : memref<10240x16xf32, #tpu.memory_space<vmem_shared>>)
      } else {
      }
      %dma_start3A_201 = arith.constant 2 : i32
      %dma_start3A_202 = arith.constant 0 : i32
      %dma_start3A_203 = tpu.memref_slice %arg6[%add3A_195, %dma_start3A_202] : memref<80x128xi32, #tpu.memory_space<vmem>> -> memref<1x128xi32, #tpu.memory_space<vmem>>
      %dma_start3A_204 = tpu.memref_squeeze %dma_start3A_203 : memref<1x128xi32, #tpu.memory_space<vmem>> -> memref<128xi32, #tpu.memory_space<vmem>>
      %dma_start3A_205 = arith.constant 0 : i32
      %dma_start3A_206 = arith.constant 0 : i32
      %dma_start3A_207 = tpu.memref_slice %arg8[%dma_start3A_205, %dma_start3A_206] : memref<10240x16xf32, #tpu.memory_space<vmem_shared>> -> memref<10240x16xf32, #tpu.memory_space<vmem_shared>>
      %dma_start3A_208 = tpu.memref_slice %arg9[%dma_start3A_201] : memref<10x!tpu.dma_semaphore, #tpu.memory_space<semaphore_mem>> -> memref<1x!tpu.dma_semaphore, #tpu.memory_space<semaphore_mem>>
      %dma_start3A_209 = tpu.memref_squeeze %dma_start3A_208 : memref<1x!tpu.dma_semaphore, #tpu.memory_space<semaphore_mem>> -> memref<!tpu.dma_semaphore, #tpu.memory_space<semaphore_mem>>
      tpu.enqueue_indirect_dma source(%arg7 : memref<128x16xf32, #tpu.memory_space<vmem>>) target(%dma_start3A_207 : memref<10240x16xf32, #tpu.memory_space<vmem_shared>>) offsets(%dma_start3A_204 : memref<128xi32, #tpu.memory_space<vmem>>) semaphore(%dma_start3A_209 : memref<!tpu.dma_semaphore, #tpu.memory_space<semaphore_mem>>) {add = true}
      %mul3A_210 = arith.constant 10 : i32
      %mul3A_211 = arith.muli %scan3A_158, %mul3A_210 : i32
      %add3A_212 = arith.constant 3 : i32
      %add3A_213 = arith.addi %mul3A_211, %add3A_212 : i32
      %ge3A_214 = arith.constant 10 : i32
      %ge3A_215 = arith.cmpi sge, %add3A_213, %ge3A_214 : i32
      %convert_element_type3A_216 = arith.extui %ge3A_215 : i1 to i32
      %cond3A_217 = arith.constant 0 : i32
      %cond3A_218 = arith.cmpi ne, %convert_element_type3A_216, %cond3A_217 : i32
      scf.if %cond3A_218 {
        %dma_wait3A_336 = arith.constant 0 : i32
        %dma_wait3A_337 = arith.constant 3 : i32
        %dma_wait3A_338 = arith.constant 0 : i32
        %dma_wait3A_339 = tpu.memref_slice %arg6[%dma_wait3A_336, %dma_wait3A_338] : memref<80x128xi32, #tpu.memory_space<vmem>> -> memref<1x128xi32, #tpu.memory_space<vmem>>
        %dma_wait3A_340 = tpu.memref_squeeze %dma_wait3A_339 : memref<1x128xi32, #tpu.memory_space<vmem>> -> memref<128xi32, #tpu.memory_space<vmem>>
        %dma_wait3A_341 = arith.constant 0 : i32
        %dma_wait3A_342 = arith.constant 0 : i32
        %dma_wait3A_343 = tpu.memref_slice %arg8[%dma_wait3A_341, %dma_wait3A_342] : memref<10240x16xf32, #tpu.memory_space<vmem_shared>> -> memref<10240x16xf32, #tpu.memory_space<vmem_shared>>
        %dma_wait3A_344 = tpu.memref_slice %arg9[%dma_wait3A_337] : memref<10x!tpu.dma_semaphore, #tpu.memory_space<semaphore_mem>> -> memref<1x!tpu.dma_semaphore, #tpu.memory_space<semaphore_mem>>
        %dma_wait3A_345 = tpu.memref_squeeze %dma_wait3A_344 : memref<1x!tpu.dma_semaphore, #tpu.memory_space<semaphore_mem>> -> memref<!tpu.dma_semaphore, #tpu.memory_space<semaphore_mem>>
        tpu.wait_indirect_dma semaphore(%dma_wait3A_345 : memref<!tpu.dma_semaphore, #tpu.memory_space<semaphore_mem>>) src(%arg7 : memref<128x16xf32, #tpu.memory_space<vmem>>) dst(%dma_wait3A_343 : memref<10240x16xf32, #tpu.memory_space<vmem_shared>>)
      } else {
      }
      %dma_start3A_219 = arith.constant 3 : i32
      %dma_start3A_220 = arith.constant 0 : i32
      %dma_start3A_221 = tpu.memref_slice %arg6[%add3A_213, %dma_start3A_220] : memref<80x128xi32, #tpu.memory_space<vmem>> -> memref<1x128xi32, #tpu.memory_space<vmem>>
      %dma_start3A_222 = tpu.memref_squeeze %dma_start3A_221 : memref<1x128xi32, #tpu.memory_space<vmem>> -> memref<128xi32, #tpu.memory_space<vmem>>
      %dma_start3A_223 = arith.constant 0 : i32
      %dma_start3A_224 = arith.constant 0 : i32
      %dma_start3A_225 = tpu.memref_slice %arg8[%dma_start3A_223, %dma_start3A_224] : memref<10240x16xf32, #tpu.memory_space<vmem_shared>> -> memref<10240x16xf32, #tpu.memory_space<vmem_shared>>
      %dma_start3A_226 = tpu.memref_slice %arg9[%dma_start3A_219] : memref<10x!tpu.dma_semaphore, #tpu.memory_space<semaphore_mem>> -> memref<1x!tpu.dma_semaphore, #tpu.memory_space<semaphore_mem>>
      %dma_start3A_227 = tpu.memref_squeeze %dma_start3A_226 : memref<1x!tpu.dma_semaphore, #tpu.memory_space<semaphore_mem>> -> memref<!tpu.dma_semaphore, #tpu.memory_space<semaphore_mem>>
      tpu.enqueue_indirect_dma source(%arg7 : memref<128x16xf32, #tpu.memory_space<vmem>>) target(%dma_start3A_225 : memref<10240x16xf32, #tpu.memory_space<vmem_shared>>) offsets(%dma_start3A_222 : memref<128xi32, #tpu.memory_space<vmem>>) semaphore(%dma_start3A_227 : memref<!tpu.dma_semaphore, #tpu.memory_space<semaphore_mem>>) {add = true}
      %mul3A_228 = arith.constant 10 : i32
      %mul3A_229 = arith.muli %scan3A_158, %mul3A_228 : i32
      %add3A_230 = arith.constant 4 : i32
      %add3A_231 = arith.addi %mul3A_229, %add3A_230 : i32
      %ge3A_232 = arith.constant 10 : i32
      %ge3A_233 = arith.cmpi sge, %add3A_231, %ge3A_232 : i32
      %convert_element_type3A_234 = arith.extui %ge3A_233 : i1 to i32
      %cond3A_235 = arith.constant 0 : i32
      %cond3A_236 = arith.cmpi ne, %convert_element_type3A_234, %cond3A_235 : i32
      scf.if %cond3A_236 {
        %dma_wait3A_336 = arith.constant 0 : i32
        %dma_wait3A_337 = arith.constant 4 : i32
        %dma_wait3A_338 = arith.constant 0 : i32
        %dma_wait3A_339 = tpu.memref_slice %arg6[%dma_wait3A_336, %dma_wait3A_338] : memref<80x128xi32, #tpu.memory_space<vmem>> -> memref<1x128xi32, #tpu.memory_space<vmem>>
        %dma_wait3A_340 = tpu.memref_squeeze %dma_wait3A_339 : memref<1x128xi32, #tpu.memory_space<vmem>> -> memref<128xi32, #tpu.memory_space<vmem>>
        %dma_wait3A_341 = arith.constant 0 : i32
        %dma_wait3A_342 = arith.constant 0 : i32
        %dma_wait3A_343 = tpu.memref_slice %arg8[%dma_wait3A_341, %dma_wait3A_342] : memref<10240x16xf32, #tpu.memory_space<vmem_shared>> -> memref<10240x16xf32, #tpu.memory_space<vmem_shared>>
        %dma_wait3A_344 = tpu.memref_slice %arg9[%dma_wait3A_337] : memref<10x!tpu.dma_semaphore, #tpu.memory_space<semaphore_mem>> -> memref<1x!tpu.dma_semaphore, #tpu.memory_space<semaphore_mem>>
        %dma_wait3A_345 = tpu.memref_squeeze %dma_wait3A_344 : memref<1x!tpu.dma_semaphore, #tpu.memory_space<semaphore_mem>> -> memref<!tpu.dma_semaphore, #tpu.memory_space<semaphore_mem>>
        tpu.wait_indirect_dma semaphore(%dma_wait3A_345 : memref<!tpu.dma_semaphore, #tpu.memory_space<semaphore_mem>>) src(%arg7 : memref<128x16xf32, #tpu.memory_space<vmem>>) dst(%dma_wait3A_343 : memref<10240x16xf32, #tpu.memory_space<vmem_shared>>)
      } else {
      }
      %dma_start3A_237 = arith.constant 4 : i32
      %dma_start3A_238 = arith.constant 0 : i32
      %dma_start3A_239 = tpu.memref_slice %arg6[%add3A_231, %dma_start3A_238] : memref<80x128xi32, #tpu.memory_space<vmem>> -> memref<1x128xi32, #tpu.memory_space<vmem>>
      %dma_start3A_240 = tpu.memref_squeeze %dma_start3A_239 : memref<1x128xi32, #tpu.memory_space<vmem>> -> memref<128xi32, #tpu.memory_space<vmem>>
      %dma_start3A_241 = arith.constant 0 : i32
      %dma_start3A_242 = arith.constant 0 : i32
      %dma_start3A_243 = tpu.memref_slice %arg8[%dma_start3A_241, %dma_start3A_242] : memref<10240x16xf32, #tpu.memory_space<vmem_shared>> -> memref<10240x16xf32, #tpu.memory_space<vmem_shared>>
      %dma_start3A_244 = tpu.memref_slice %arg9[%dma_start3A_237] : memref<10x!tpu.dma_semaphore, #tpu.memory_space<semaphore_mem>> -> memref<1x!tpu.dma_semaphore, #tpu.memory_space<semaphore_mem>>
      %dma_start3A_245 = tpu.memref_squeeze %dma_start3A_244 : memref<1x!tpu.dma_semaphore, #tpu.memory_space<semaphore_mem>> -> memref<!tpu.dma_semaphore, #tpu.memory_space<semaphore_mem>>
      tpu.enqueue_indirect_dma source(%arg7 : memref<128x16xf32, #tpu.memory_space<vmem>>) target(%dma_start3A_243 : memref<10240x16xf32, #tpu.memory_space<vmem_shared>>) offsets(%dma_start3A_240 : memref<128xi32, #tpu.memory_space<vmem>>) semaphore(%dma_start3A_245 : memref<!tpu.dma_semaphore, #tpu.memory_space<semaphore_mem>>) {add = true}
      %mul3A_246 = arith.constant 10 : i32
      %mul3A_247 = arith.muli %scan3A_158, %mul3A_246 : i32
      %add3A_248 = arith.constant 5 : i32
      %add3A_249 = arith.addi %mul3A_247, %add3A_248 : i32
      %ge3A_250 = arith.constant 10 : i32
      %ge3A_251 = arith.cmpi sge, %add3A_249, %ge3A_250 : i32
      %convert_element_type3A_252 = arith.extui %ge3A_251 : i1 to i32
      %cond3A_253 = arith.constant 0 : i32
      %cond3A_254 = arith.cmpi ne, %convert_element_type3A_252, %cond3A_253 : i32
      scf.if %cond3A_254 {
        %dma_wait3A_336 = arith.constant 0 : i32
        %dma_wait3A_337 = arith.constant 5 : i32
        %dma_wait3A_338 = arith.constant 0 : i32
        %dma_wait3A_339 = tpu.memref_slice %arg6[%dma_wait3A_336, %dma_wait3A_338] : memref<80x128xi32, #tpu.memory_space<vmem>> -> memref<1x128xi32, #tpu.memory_space<vmem>>
        %dma_wait3A_340 = tpu.memref_squeeze %dma_wait3A_339 : memref<1x128xi32, #tpu.memory_space<vmem>> -> memref<128xi32, #tpu.memory_space<vmem>>
        %dma_wait3A_341 = arith.constant 0 : i32
        %dma_wait3A_342 = arith.constant 0 : i32
        %dma_wait3A_343 = tpu.memref_slice %arg8[%dma_wait3A_341, %dma_wait3A_342] : memref<10240x16xf32, #tpu.memory_space<vmem_shared>> -> memref<10240x16xf32, #tpu.memory_space<vmem_shared>>
        %dma_wait3A_344 = tpu.memref_slice %arg9[%dma_wait3A_337] : memref<10x!tpu.dma_semaphore, #tpu.memory_space<semaphore_mem>> -> memref<1x!tpu.dma_semaphore, #tpu.memory_space<semaphore_mem>>
        %dma_wait3A_345 = tpu.memref_squeeze %dma_wait3A_344 : memref<1x!tpu.dma_semaphore, #tpu.memory_space<semaphore_mem>> -> memref<!tpu.dma_semaphore, #tpu.memory_space<semaphore_mem>>
        tpu.wait_indirect_dma semaphore(%dma_wait3A_345 : memref<!tpu.dma_semaphore, #tpu.memory_space<semaphore_mem>>) src(%arg7 : memref<128x16xf32, #tpu.memory_space<vmem>>) dst(%dma_wait3A_343 : memref<10240x16xf32, #tpu.memory_space<vmem_shared>>)
      } else {
      }
      %dma_start3A_255 = arith.constant 5 : i32
      %dma_start3A_256 = arith.constant 0 : i32
      %dma_start3A_257 = tpu.memref_slice %arg6[%add3A_249, %dma_start3A_256] : memref<80x128xi32, #tpu.memory_space<vmem>> -> memref<1x128xi32, #tpu.memory_space<vmem>>
      %dma_start3A_258 = tpu.memref_squeeze %dma_start3A_257 : memref<1x128xi32, #tpu.memory_space<vmem>> -> memref<128xi32, #tpu.memory_space<vmem>>
      %dma_start3A_259 = arith.constant 0 : i32
      %dma_start3A_260 = arith.constant 0 : i32
      %dma_start3A_261 = tpu.memref_slice %arg8[%dma_start3A_259, %dma_start3A_260] : memref<10240x16xf32, #tpu.memory_space<vmem_shared>> -> memref<10240x16xf32, #tpu.memory_space<vmem_shared>>
      %dma_start3A_262 = tpu.memref_slice %arg9[%dma_start3A_255] : memref<10x!tpu.dma_semaphore, #tpu.memory_space<semaphore_mem>> -> memref<1x!tpu.dma_semaphore, #tpu.memory_space<semaphore_mem>>
      %dma_start3A_263 = tpu.memref_squeeze %dma_start3A_262 : memref<1x!tpu.dma_semaphore, #tpu.memory_space<semaphore_mem>> -> memref<!tpu.dma_semaphore, #tpu.memory_space<semaphore_mem>>
      tpu.enqueue_indirect_dma source(%arg7 : memref<128x16xf32, #tpu.memory_space<vmem>>) target(%dma_start3A_261 : memref<10240x16xf32, #tpu.memory_space<vmem_shared>>) offsets(%dma_start3A_258 : memref<128xi32, #tpu.memory_space<vmem>>) semaphore(%dma_start3A_263 : memref<!tpu.dma_semaphore, #tpu.memory_space<semaphore_mem>>) {add = true}
      %mul3A_264 = arith.constant 10 : i32
      %mul3A_265 = arith.muli %scan3A_158, %mul3A_264 : i32
      %add3A_266 = arith.constant 6 : i32
      %add3A_267 = arith.addi %mul3A_265, %add3A_266 : i32
      %ge3A_268 = arith.constant 10 : i32
      %ge3A_269 = arith.cmpi sge, %add3A_267, %ge3A_268 : i32
      %convert_element_type3A_270 = arith.extui %ge3A_269 : i1 to i32
      %cond3A_271 = arith.constant 0 : i32
      %cond3A_272 = arith.cmpi ne, %convert_element_type3A_270, %cond3A_271 : i32
      scf.if %cond3A_272 {
        %dma_wait3A_336 = arith.constant 0 : i32
        %dma_wait3A_337 = arith.constant 6 : i32
        %dma_wait3A_338 = arith.constant 0 : i32
        %dma_wait3A_339 = tpu.memref_slice %arg6[%dma_wait3A_336, %dma_wait3A_338] : memref<80x128xi32, #tpu.memory_space<vmem>> -> memref<1x128xi32, #tpu.memory_space<vmem>>
        %dma_wait3A_340 = tpu.memref_squeeze %dma_wait3A_339 : memref<1x128xi32, #tpu.memory_space<vmem>> -> memref<128xi32, #tpu.memory_space<vmem>>
        %dma_wait3A_341 = arith.constant 0 : i32
        %dma_wait3A_342 = arith.constant 0 : i32
        %dma_wait3A_343 = tpu.memref_slice %arg8[%dma_wait3A_341, %dma_wait3A_342] : memref<10240x16xf32, #tpu.memory_space<vmem_shared>> -> memref<10240x16xf32, #tpu.memory_space<vmem_shared>>
        %dma_wait3A_344 = tpu.memref_slice %arg9[%dma_wait3A_337] : memref<10x!tpu.dma_semaphore, #tpu.memory_space<semaphore_mem>> -> memref<1x!tpu.dma_semaphore, #tpu.memory_space<semaphore_mem>>
        %dma_wait3A_345 = tpu.memref_squeeze %dma_wait3A_344 : memref<1x!tpu.dma_semaphore, #tpu.memory_space<semaphore_mem>> -> memref<!tpu.dma_semaphore, #tpu.memory_space<semaphore_mem>>
        tpu.wait_indirect_dma semaphore(%dma_wait3A_345 : memref<!tpu.dma_semaphore, #tpu.memory_space<semaphore_mem>>) src(%arg7 : memref<128x16xf32, #tpu.memory_space<vmem>>) dst(%dma_wait3A_343 : memref<10240x16xf32, #tpu.memory_space<vmem_shared>>)
      } else {
      }
      %dma_start3A_273 = arith.constant 6 : i32
      %dma_start3A_274 = arith.constant 0 : i32
      %dma_start3A_275 = tpu.memref_slice %arg6[%add3A_267, %dma_start3A_274] : memref<80x128xi32, #tpu.memory_space<vmem>> -> memref<1x128xi32, #tpu.memory_space<vmem>>
      %dma_start3A_276 = tpu.memref_squeeze %dma_start3A_275 : memref<1x128xi32, #tpu.memory_space<vmem>> -> memref<128xi32, #tpu.memory_space<vmem>>
      %dma_start3A_277 = arith.constant 0 : i32
      %dma_start3A_278 = arith.constant 0 : i32
      %dma_start3A_279 = tpu.memref_slice %arg8[%dma_start3A_277, %dma_start3A_278] : memref<10240x16xf32, #tpu.memory_space<vmem_shared>> -> memref<10240x16xf32, #tpu.memory_space<vmem_shared>>
      %dma_start3A_280 = tpu.memref_slice %arg9[%dma_start3A_273] : memref<10x!tpu.dma_semaphore, #tpu.memory_space<semaphore_mem>> -> memref<1x!tpu.dma_semaphore, #tpu.memory_space<semaphore_mem>>
      %dma_start3A_281 = tpu.memref_squeeze %dma_start3A_280 : memref<1x!tpu.dma_semaphore, #tpu.memory_space<semaphore_mem>> -> memref<!tpu.dma_semaphore, #tpu.memory_space<semaphore_mem>>
      tpu.enqueue_indirect_dma source(%arg7 : memref<128x16xf32, #tpu.memory_space<vmem>>) target(%dma_start3A_279 : memref<10240x16xf32, #tpu.memory_space<vmem_shared>>) offsets(%dma_start3A_276 : memref<128xi32, #tpu.memory_space<vmem>>) semaphore(%dma_start3A_281 : memref<!tpu.dma_semaphore, #tpu.memory_space<semaphore_mem>>) {add = true}
      %mul3A_282 = arith.constant 10 : i32
      %mul3A_283 = arith.muli %scan3A_158, %mul3A_282 : i32
      %add3A_284 = arith.constant 7 : i32
      %add3A_285 = arith.addi %mul3A_283, %add3A_284 : i32
      %ge3A_286 = arith.constant 10 : i32
      %ge3A_287 = arith.cmpi sge, %add3A_285, %ge3A_286 : i32
      %convert_element_type3A_288 = arith.extui %ge3A_287 : i1 to i32
      %cond3A_289 = arith.constant 0 : i32
      %cond3A_290 = arith.cmpi ne, %convert_element_type3A_288, %cond3A_289 : i32
      scf.if %cond3A_290 {
        %dma_wait3A_336 = arith.constant 0 : i32
        %dma_wait3A_337 = arith.constant 7 : i32
        %dma_wait3A_338 = arith.constant 0 : i32
        %dma_wait3A_339 = tpu.memref_slice %arg6[%dma_wait3A_336, %dma_wait3A_338] : memref<80x128xi32, #tpu.memory_space<vmem>> -> memref<1x128xi32, #tpu.memory_space<vmem>>
        %dma_wait3A_340 = tpu.memref_squeeze %dma_wait3A_339 : memref<1x128xi32, #tpu.memory_space<vmem>> -> memref<128xi32, #tpu.memory_space<vmem>>
        %dma_wait3A_341 = arith.constant 0 : i32
        %dma_wait3A_342 = arith.constant 0 : i32
        %dma_wait3A_343 = tpu.memref_slice %arg8[%dma_wait3A_341, %dma_wait3A_342] : memref<10240x16xf32, #tpu.memory_space<vmem_shared>> -> memref<10240x16xf32, #tpu.memory_space<vmem_shared>>
        %dma_wait3A_344 = tpu.memref_slice %arg9[%dma_wait3A_337] : memref<10x!tpu.dma_semaphore, #tpu.memory_space<semaphore_mem>> -> memref<1x!tpu.dma_semaphore, #tpu.memory_space<semaphore_mem>>
        %dma_wait3A_345 = tpu.memref_squeeze %dma_wait3A_344 : memref<1x!tpu.dma_semaphore, #tpu.memory_space<semaphore_mem>> -> memref<!tpu.dma_semaphore, #tpu.memory_space<semaphore_mem>>
        tpu.wait_indirect_dma semaphore(%dma_wait3A_345 : memref<!tpu.dma_semaphore, #tpu.memory_space<semaphore_mem>>) src(%arg7 : memref<128x16xf32, #tpu.memory_space<vmem>>) dst(%dma_wait3A_343 : memref<10240x16xf32, #tpu.memory_space<vmem_shared>>)
      } else {
      }
      %dma_start3A_291 = arith.constant 7 : i32
      %dma_start3A_292 = arith.constant 0 : i32
      %dma_start3A_293 = tpu.memref_slice %arg6[%add3A_285, %dma_start3A_292] : memref<80x128xi32, #tpu.memory_space<vmem>> -> memref<1x128xi32, #tpu.memory_space<vmem>>
      %dma_start3A_294 = tpu.memref_squeeze %dma_start3A_293 : memref<1x128xi32, #tpu.memory_space<vmem>> -> memref<128xi32, #tpu.memory_space<vmem>>
      %dma_start3A_295 = arith.constant 0 : i32
      %dma_start3A_296 = arith.constant 0 : i32
      %dma_start3A_297 = tpu.memref_slice %arg8[%dma_start3A_295, %dma_start3A_296] : memref<10240x16xf32, #tpu.memory_space<vmem_shared>> -> memref<10240x16xf32, #tpu.memory_space<vmem_shared>>
      %dma_start3A_298 = tpu.memref_slice %arg9[%dma_start3A_291] : memref<10x!tpu.dma_semaphore, #tpu.memory_space<semaphore_mem>> -> memref<1x!tpu.dma_semaphore, #tpu.memory_space<semaphore_mem>>
      %dma_start3A_299 = tpu.memref_squeeze %dma_start3A_298 : memref<1x!tpu.dma_semaphore, #tpu.memory_space<semaphore_mem>> -> memref<!tpu.dma_semaphore, #tpu.memory_space<semaphore_mem>>
      tpu.enqueue_indirect_dma source(%arg7 : memref<128x16xf32, #tpu.memory_space<vmem>>) target(%dma_start3A_297 : memref<10240x16xf32, #tpu.memory_space<vmem_shared>>) offsets(%dma_start3A_294 : memref<128xi32, #tpu.memory_space<vmem>>) semaphore(%dma_start3A_299 : memref<!tpu.dma_semaphore, #tpu.memory_space<semaphore_mem>>) {add = true}
      %mul3A_300 = arith.constant 10 : i32
      %mul3A_301 = arith.muli %scan3A_158, %mul3A_300 : i32
      %add3A_302 = arith.constant 8 : i32
      %add3A_303 = arith.addi %mul3A_301, %add3A_302 : i32
      %ge3A_304 = arith.constant 10 : i32
      %ge3A_305 = arith.cmpi sge, %add3A_303, %ge3A_304 : i32
      %convert_element_type3A_306 = arith.extui %ge3A_305 : i1 to i32
      %cond3A_307 = arith.constant 0 : i32
      %cond3A_308 = arith.cmpi ne, %convert_element_type3A_306, %cond3A_307 : i32
      scf.if %cond3A_308 {
        %dma_wait3A_336 = arith.constant 0 : i32
        %dma_wait3A_337 = arith.constant 8 : i32
        %dma_wait3A_338 = arith.constant 0 : i32
        %dma_wait3A_339 = tpu.memref_slice %arg6[%dma_wait3A_336, %dma_wait3A_338] : memref<80x128xi32, #tpu.memory_space<vmem>> -> memref<1x128xi32, #tpu.memory_space<vmem>>
        %dma_wait3A_340 = tpu.memref_squeeze %dma_wait3A_339 : memref<1x128xi32, #tpu.memory_space<vmem>> -> memref<128xi32, #tpu.memory_space<vmem>>
        %dma_wait3A_341 = arith.constant 0 : i32
        %dma_wait3A_342 = arith.constant 0 : i32
        %dma_wait3A_343 = tpu.memref_slice %arg8[%dma_wait3A_341, %dma_wait3A_342] : memref<10240x16xf32, #tpu.memory_space<vmem_shared>> -> memref<10240x16xf32, #tpu.memory_space<vmem_shared>>
        %dma_wait3A_344 = tpu.memref_slice %arg9[%dma_wait3A_337] : memref<10x!tpu.dma_semaphore, #tpu.memory_space<semaphore_mem>> -> memref<1x!tpu.dma_semaphore, #tpu.memory_space<semaphore_mem>>
        %dma_wait3A_345 = tpu.memref_squeeze %dma_wait3A_344 : memref<1x!tpu.dma_semaphore, #tpu.memory_space<semaphore_mem>> -> memref<!tpu.dma_semaphore, #tpu.memory_space<semaphore_mem>>
        tpu.wait_indirect_dma semaphore(%dma_wait3A_345 : memref<!tpu.dma_semaphore, #tpu.memory_space<semaphore_mem>>) src(%arg7 : memref<128x16xf32, #tpu.memory_space<vmem>>) dst(%dma_wait3A_343 : memref<10240x16xf32, #tpu.memory_space<vmem_shared>>)
      } else {
      }
      %dma_start3A_309 = arith.constant 8 : i32
      %dma_start3A_310 = arith.constant 0 : i32
      %dma_start3A_311 = tpu.memref_slice %arg6[%add3A_303, %dma_start3A_310] : memref<80x128xi32, #tpu.memory_space<vmem>> -> memref<1x128xi32, #tpu.memory_space<vmem>>
      %dma_start3A_312 = tpu.memref_squeeze %dma_start3A_311 : memref<1x128xi32, #tpu.memory_space<vmem>> -> memref<128xi32, #tpu.memory_space<vmem>>
      %dma_start3A_313 = arith.constant 0 : i32
      %dma_start3A_314 = arith.constant 0 : i32
      %dma_start3A_315 = tpu.memref_slice %arg8[%dma_start3A_313, %dma_start3A_314] : memref<10240x16xf32, #tpu.memory_space<vmem_shared>> -> memref<10240x16xf32, #tpu.memory_space<vmem_shared>>
      %dma_start3A_316 = tpu.memref_slice %arg9[%dma_start3A_309] : memref<10x!tpu.dma_semaphore, #tpu.memory_space<semaphore_mem>> -> memref<1x!tpu.dma_semaphore, #tpu.memory_space<semaphore_mem>>
      %dma_start3A_317 = tpu.memref_squeeze %dma_start3A_316 : memref<1x!tpu.dma_semaphore, #tpu.memory_space<semaphore_mem>> -> memref<!tpu.dma_semaphore, #tpu.memory_space<semaphore_mem>>
      tpu.enqueue_indirect_dma source(%arg7 : memref<128x16xf32, #tpu.memory_space<vmem>>) target(%dma_start3A_315 : memref<10240x16xf32, #tpu.memory_space<vmem_shared>>) offsets(%dma_start3A_312 : memref<128xi32, #tpu.memory_space<vmem>>) semaphore(%dma_start3A_317 : memref<!tpu.dma_semaphore, #tpu.memory_space<semaphore_mem>>) {add = true}
      %mul3A_318 = arith.constant 10 : i32
      %mul3A_319 = arith.muli %scan3A_158, %mul3A_318 : i32
      %add3A_320 = arith.constant 9 : i32
      %add3A_321 = arith.addi %mul3A_319, %add3A_320 : i32
      %ge3A_322 = arith.constant 10 : i32
      %ge3A_323 = arith.cmpi sge, %add3A_321, %ge3A_322 : i32
      %convert_element_type3A_324 = arith.extui %ge3A_323 : i1 to i32
      %cond3A_325 = arith.constant 0 : i32
      %cond3A_326 = arith.cmpi ne, %convert_element_type3A_324, %cond3A_325 : i32
      scf.if %cond3A_326 {
        %dma_wait3A_336 = arith.constant 0 : i32
        %dma_wait3A_337 = arith.constant 9 : i32
        %dma_wait3A_338 = arith.constant 0 : i32
        %dma_wait3A_339 = tpu.memref_slice %arg6[%dma_wait3A_336, %dma_wait3A_338] : memref<80x128xi32, #tpu.memory_space<vmem>> -> memref<1x128xi32, #tpu.memory_space<vmem>>
        %dma_wait3A_340 = tpu.memref_squeeze %dma_wait3A_339 : memref<1x128xi32, #tpu.memory_space<vmem>> -> memref<128xi32, #tpu.memory_space<vmem>>
        %dma_wait3A_341 = arith.constant 0 : i32
        %dma_wait3A_342 = arith.constant 0 : i32
        %dma_wait3A_343 = tpu.memref_slice %arg8[%dma_wait3A_341, %dma_wait3A_342] : memref<10240x16xf32, #tpu.memory_space<vmem_shared>> -> memref<10240x16xf32, #tpu.memory_space<vmem_shared>>
        %dma_wait3A_344 = tpu.memref_slice %arg9[%dma_wait3A_337] : memref<10x!tpu.dma_semaphore, #tpu.memory_space<semaphore_mem>> -> memref<1x!tpu.dma_semaphore, #tpu.memory_space<semaphore_mem>>
        %dma_wait3A_345 = tpu.memref_squeeze %dma_wait3A_344 : memref<1x!tpu.dma_semaphore, #tpu.memory_space<semaphore_mem>> -> memref<!tpu.dma_semaphore, #tpu.memory_space<semaphore_mem>>
        tpu.wait_indirect_dma semaphore(%dma_wait3A_345 : memref<!tpu.dma_semaphore, #tpu.memory_space<semaphore_mem>>) src(%arg7 : memref<128x16xf32, #tpu.memory_space<vmem>>) dst(%dma_wait3A_343 : memref<10240x16xf32, #tpu.memory_space<vmem_shared>>)
      } else {
      }
      %dma_start3A_327 = arith.constant 9 : i32
      %dma_start3A_328 = arith.constant 0 : i32
      %dma_start3A_329 = tpu.memref_slice %arg6[%add3A_321, %dma_start3A_328] : memref<80x128xi32, #tpu.memory_space<vmem>> -> memref<1x128xi32, #tpu.memory_space<vmem>>
      %dma_start3A_330 = tpu.memref_squeeze %dma_start3A_329 : memref<1x128xi32, #tpu.memory_space<vmem>> -> memref<128xi32, #tpu.memory_space<vmem>>
      %dma_start3A_331 = arith.constant 0 : i32
      %dma_start3A_332 = arith.constant 0 : i32
      %dma_start3A_333 = tpu.memref_slice %arg8[%dma_start3A_331, %dma_start3A_332] : memref<10240x16xf32, #tpu.memory_space<vmem_shared>> -> memref<10240x16xf32, #tpu.memory_space<vmem_shared>>
      %dma_start3A_334 = tpu.memref_slice %arg9[%dma_start3A_327] : memref<10x!tpu.dma_semaphore, #tpu.memory_space<semaphore_mem>> -> memref<1x!tpu.dma_semaphore, #tpu.memory_space<semaphore_mem>>
      %dma_start3A_335 = tpu.memref_squeeze %dma_start3A_334 : memref<1x!tpu.dma_semaphore, #tpu.memory_space<semaphore_mem>> -> memref<!tpu.dma_semaphore, #tpu.memory_space<semaphore_mem>>
      tpu.enqueue_indirect_dma source(%arg7 : memref<128x16xf32, #tpu.memory_space<vmem>>) target(%dma_start3A_333 : memref<10240x16xf32, #tpu.memory_space<vmem_shared>>) offsets(%dma_start3A_330 : memref<128xi32, #tpu.memory_space<vmem>>) semaphore(%dma_start3A_335 : memref<!tpu.dma_semaphore, #tpu.memory_space<semaphore_mem>>) {add = true}
    }
    %scan3A_49 = arith.constant 8 : i32
    %dma_wait3A_50 = arith.constant 0 : i32
    %dma_wait3A_51 = arith.constant 0 : i32
    %dma_wait3A_52 = arith.constant 0 : i32
    %dma_wait3A_53 = tpu.memref_slice %arg6[%dma_wait3A_50, %dma_wait3A_52] : memref<80x128xi32, #tpu.memory_space<vmem>> -> memref<1x128xi32, #tpu.memory_space<vmem>>
    %dma_wait3A_54 = tpu.memref_squeeze %dma_wait3A_53 : memref<1x128xi32, #tpu.memory_space<vmem>> -> memref<128xi32, #tpu.memory_space<vmem>>
    %dma_wait3A_55 = arith.constant 0 : i32
    %dma_wait3A_56 = arith.constant 0 : i32
    %dma_wait3A_57 = tpu.memref_slice %arg8[%dma_wait3A_55, %dma_wait3A_56] : memref<10240x16xf32, #tpu.memory_space<vmem_shared>> -> memref<10240x16xf32, #tpu.memory_space<vmem_shared>>
    %dma_wait3A_58 = tpu.memref_slice %arg9[%dma_wait3A_51] : memref<10x!tpu.dma_semaphore, #tpu.memory_space<semaphore_mem>> -> memref<1x!tpu.dma_semaphore, #tpu.memory_space<semaphore_mem>>
    %dma_wait3A_59 = tpu.memref_squeeze %dma_wait3A_58 : memref<1x!tpu.dma_semaphore, #tpu.memory_space<semaphore_mem>> -> memref<!tpu.dma_semaphore, #tpu.memory_space<semaphore_mem>>
    tpu.wait_indirect_dma semaphore(%dma_wait3A_59 : memref<!tpu.dma_semaphore, #tpu.memory_space<semaphore_mem>>) src(%arg7 : memref<128x16xf32, #tpu.memory_space<vmem>>) dst(%dma_wait3A_57 : memref<10240x16xf32, #tpu.memory_space<vmem_shared>>)
    %dma_wait3A_60 = arith.constant 0 : i32
    %dma_wait3A_61 = arith.constant 1 : i32
    %dma_wait3A_62 = arith.constant 0 : i32
    %dma_wait3A_63 = tpu.memref_slice %arg6[%dma_wait3A_60, %dma_wait3A_62] : memref<80x128xi32, #tpu.memory_space<vmem>> -> memref<1x128xi32, #tpu.memory_space<vmem>>
    %dma_wait3A_64 = tpu.memref_squeeze %dma_wait3A_63 : memref<1x128xi32, #tpu.memory_space<vmem>> -> memref<128xi32, #tpu.memory_space<vmem>>
    %dma_wait3A_65 = arith.constant 0 : i32
    %dma_wait3A_66 = arith.constant 0 : i32
    %dma_wait3A_67 = tpu.memref_slice %arg8[%dma_wait3A_65, %dma_wait3A_66] : memref<10240x16xf32, #tpu.memory_space<vmem_shared>> -> memref<10240x16xf32, #tpu.memory_space<vmem_shared>>
    %dma_wait3A_68 = tpu.memref_slice %arg9[%dma_wait3A_61] : memref<10x!tpu.dma_semaphore, #tpu.memory_space<semaphore_mem>> -> memref<1x!tpu.dma_semaphore, #tpu.memory_space<semaphore_mem>>
    %dma_wait3A_69 = tpu.memref_squeeze %dma_wait3A_68 : memref<1x!tpu.dma_semaphore, #tpu.memory_space<semaphore_mem>> -> memref<!tpu.dma_semaphore, #tpu.memory_space<semaphore_mem>>
    tpu.wait_indirect_dma semaphore(%dma_wait3A_69 : memref<!tpu.dma_semaphore, #tpu.memory_space<semaphore_mem>>) src(%arg7 : memref<128x16xf32, #tpu.memory_space<vmem>>) dst(%dma_wait3A_67 : memref<10240x16xf32, #tpu.memory_space<vmem_shared>>)
    %dma_wait3A_70 = arith.constant 0 : i32
    %dma_wait3A_71 = arith.constant 2 : i32
    %dma_wait3A_72 = arith.constant 0 : i32
    %dma_wait3A_73 = tpu.memref_slice %arg6[%dma_wait3A_70, %dma_wait3A_72] : memref<80x128xi32, #tpu.memory_space<vmem>> -> memref<1x128xi32, #tpu.memory_space<vmem>>
    %dma_wait3A_74 = tpu.memref_squeeze %dma_wait3A_73 : memref<1x128xi32, #tpu.memory_space<vmem>> -> memref<128xi32, #tpu.memory_space<vmem>>
    %dma_wait3A_75 = arith.constant 0 : i32
    %dma_wait3A_76 = arith.constant 0 : i32
    %dma_wait3A_77 = tpu.memref_slice %arg8[%dma_wait3A_75, %dma_wait3A_76] : memref<10240x16xf32, #tpu.memory_space<vmem_shared>> -> memref<10240x16xf32, #tpu.memory_space<vmem_shared>>
    %dma_wait3A_78 = tpu.memref_slice %arg9[%dma_wait3A_71] : memref<10x!tpu.dma_semaphore, #tpu.memory_space<semaphore_mem>> -> memref<1x!tpu.dma_semaphore, #tpu.memory_space<semaphore_mem>>
    %dma_wait3A_79 = tpu.memref_squeeze %dma_wait3A_78 : memref<1x!tpu.dma_semaphore, #tpu.memory_space<semaphore_mem>> -> memref<!tpu.dma_semaphore, #tpu.memory_space<semaphore_mem>>
    tpu.wait_indirect_dma semaphore(%dma_wait3A_79 : memref<!tpu.dma_semaphore, #tpu.memory_space<semaphore_mem>>) src(%arg7 : memref<128x16xf32, #tpu.memory_space<vmem>>) dst(%dma_wait3A_77 : memref<10240x16xf32, #tpu.memory_space<vmem_shared>>)
    %dma_wait3A_80 = arith.constant 0 : i32
    %dma_wait3A_81 = arith.constant 3 : i32
    %dma_wait3A_82 = arith.constant 0 : i32
    %dma_wait3A_83 = tpu.memref_slice %arg6[%dma_wait3A_80, %dma_wait3A_82] : memref<80x128xi32, #tpu.memory_space<vmem>> -> memref<1x128xi32, #tpu.memory_space<vmem>>
    %dma_wait3A_84 = tpu.memref_squeeze %dma_wait3A_83 : memref<1x128xi32, #tpu.memory_space<vmem>> -> memref<128xi32, #tpu.memory_space<vmem>>
    %dma_wait3A_85 = arith.constant 0 : i32
    %dma_wait3A_86 = arith.constant 0 : i32
    %dma_wait3A_87 = tpu.memref_slice %arg8[%dma_wait3A_85, %dma_wait3A_86] : memref<10240x16xf32, #tpu.memory_space<vmem_shared>> -> memref<10240x16xf32, #tpu.memory_space<vmem_shared>>
    %dma_wait3A_88 = tpu.memref_slice %arg9[%dma_wait3A_81] : memref<10x!tpu.dma_semaphore, #tpu.memory_space<semaphore_mem>> -> memref<1x!tpu.dma_semaphore, #tpu.memory_space<semaphore_mem>>
    %dma_wait3A_89 = tpu.memref_squeeze %dma_wait3A_88 : memref<1x!tpu.dma_semaphore, #tpu.memory_space<semaphore_mem>> -> memref<!tpu.dma_semaphore, #tpu.memory_space<semaphore_mem>>
    tpu.wait_indirect_dma semaphore(%dma_wait3A_89 : memref<!tpu.dma_semaphore, #tpu.memory_space<semaphore_mem>>) src(%arg7 : memref<128x16xf32, #tpu.memory_space<vmem>>) dst(%dma_wait3A_87 : memref<10240x16xf32, #tpu.memory_space<vmem_shared>>)
    %dma_wait3A_90 = arith.constant 0 : i32
    %dma_wait3A_91 = arith.constant 4 : i32
    %dma_wait3A_92 = arith.constant 0 : i32
    %dma_wait3A_93 = tpu.memref_slice %arg6[%dma_wait3A_90, %dma_wait3A_92] : memref<80x128xi32, #tpu.memory_space<vmem>> -> memref<1x128xi32, #tpu.memory_space<vmem>>
    %dma_wait3A_94 = tpu.memref_squeeze %dma_wait3A_93 : memref<1x128xi32, #tpu.memory_space<vmem>> -> memref<128xi32, #tpu.memory_space<vmem>>
    %dma_wait3A_95 = arith.constant 0 : i32
    %dma_wait3A_96 = arith.constant 0 : i32
    %dma_wait3A_97 = tpu.memref_slice %arg8[%dma_wait3A_95, %dma_wait3A_96] : memref<10240x16xf32, #tpu.memory_space<vmem_shared>> -> memref<10240x16xf32, #tpu.memory_space<vmem_shared>>
    %dma_wait3A_98 = tpu.memref_slice %arg9[%dma_wait3A_91] : memref<10x!tpu.dma_semaphore, #tpu.memory_space<semaphore_mem>> -> memref<1x!tpu.dma_semaphore, #tpu.memory_space<semaphore_mem>>
    %dma_wait3A_99 = tpu.memref_squeeze %dma_wait3A_98 : memref<1x!tpu.dma_semaphore, #tpu.memory_space<semaphore_mem>> -> memref<!tpu.dma_semaphore, #tpu.memory_space<semaphore_mem>>
    tpu.wait_indirect_dma semaphore(%dma_wait3A_99 : memref<!tpu.dma_semaphore, #tpu.memory_space<semaphore_mem>>) src(%arg7 : memref<128x16xf32, #tpu.memory_space<vmem>>) dst(%dma_wait3A_97 : memref<10240x16xf32, #tpu.memory_space<vmem_shared>>)
    %dma_wait3A_100 = arith.constant 0 : i32
    %dma_wait3A_101 = arith.constant 5 : i32
    %dma_wait3A_102 = arith.constant 0 : i32
    %dma_wait3A_103 = tpu.memref_slice %arg6[%dma_wait3A_100, %dma_wait3A_102] : memref<80x128xi32, #tpu.memory_space<vmem>> -> memref<1x128xi32, #tpu.memory_space<vmem>>
    %dma_wait3A_104 = tpu.memref_squeeze %dma_wait3A_103 : memref<1x128xi32, #tpu.memory_space<vmem>> -> memref<128xi32, #tpu.memory_space<vmem>>
    %dma_wait3A_105 = arith.constant 0 : i32
    %dma_wait3A_106 = arith.constant 0 : i32
    %dma_wait3A_107 = tpu.memref_slice %arg8[%dma_wait3A_105, %dma_wait3A_106] : memref<10240x16xf32, #tpu.memory_space<vmem_shared>> -> memref<10240x16xf32, #tpu.memory_space<vmem_shared>>
    %dma_wait3A_108 = tpu.memref_slice %arg9[%dma_wait3A_101] : memref<10x!tpu.dma_semaphore, #tpu.memory_space<semaphore_mem>> -> memref<1x!tpu.dma_semaphore, #tpu.memory_space<semaphore_mem>>
    %dma_wait3A_109 = tpu.memref_squeeze %dma_wait3A_108 : memref<1x!tpu.dma_semaphore, #tpu.memory_space<semaphore_mem>> -> memref<!tpu.dma_semaphore, #tpu.memory_space<semaphore_mem>>
    tpu.wait_indirect_dma semaphore(%dma_wait3A_109 : memref<!tpu.dma_semaphore, #tpu.memory_space<semaphore_mem>>) src(%arg7 : memref<128x16xf32, #tpu.memory_space<vmem>>) dst(%dma_wait3A_107 : memref<10240x16xf32, #tpu.memory_space<vmem_shared>>)
    %dma_wait3A_110 = arith.constant 0 : i32
    %dma_wait3A_111 = arith.constant 6 : i32
    %dma_wait3A_112 = arith.constant 0 : i32
    %dma_wait3A_113 = tpu.memref_slice %arg6[%dma_wait3A_110, %dma_wait3A_112] : memref<80x128xi32, #tpu.memory_space<vmem>> -> memref<1x128xi32, #tpu.memory_space<vmem>>
    %dma_wait3A_114 = tpu.memref_squeeze %dma_wait3A_113 : memref<1x128xi32, #tpu.memory_space<vmem>> -> memref<128xi32, #tpu.memory_space<vmem>>
    %dma_wait3A_115 = arith.constant 0 : i32
    %dma_wait3A_116 = arith.constant 0 : i32
    %dma_wait3A_117 = tpu.memref_slice %arg8[%dma_wait3A_115, %dma_wait3A_116] : memref<10240x16xf32, #tpu.memory_space<vmem_shared>> -> memref<10240x16xf32, #tpu.memory_space<vmem_shared>>
    %dma_wait3A_118 = tpu.memref_slice %arg9[%dma_wait3A_111] : memref<10x!tpu.dma_semaphore, #tpu.memory_space<semaphore_mem>> -> memref<1x!tpu.dma_semaphore, #tpu.memory_space<semaphore_mem>>
    %dma_wait3A_119 = tpu.memref_squeeze %dma_wait3A_118 : memref<1x!tpu.dma_semaphore, #tpu.memory_space<semaphore_mem>> -> memref<!tpu.dma_semaphore, #tpu.memory_space<semaphore_mem>>
    tpu.wait_indirect_dma semaphore(%dma_wait3A_119 : memref<!tpu.dma_semaphore, #tpu.memory_space<semaphore_mem>>) src(%arg7 : memref<128x16xf32, #tpu.memory_space<vmem>>) dst(%dma_wait3A_117 : memref<10240x16xf32, #tpu.memory_space<vmem_shared>>)
    %dma_wait3A_120 = arith.constant 0 : i32
    %dma_wait3A_121 = arith.constant 7 : i32
    %dma_wait3A_122 = arith.constant 0 : i32
    %dma_wait3A_123 = tpu.memref_slice %arg6[%dma_wait3A_120, %dma_wait3A_122] : memref<80x128xi32, #tpu.memory_space<vmem>> -> memref<1x128xi32, #tpu.memory_space<vmem>>
    %dma_wait3A_124 = tpu.memref_squeeze %dma_wait3A_123 : memref<1x128xi32, #tpu.memory_space<vmem>> -> memref<128xi32, #tpu.memory_space<vmem>>
    %dma_wait3A_125 = arith.constant 0 : i32
    %dma_wait3A_126 = arith.constant 0 : i32
    %dma_wait3A_127 = tpu.memref_slice %arg8[%dma_wait3A_125, %dma_wait3A_126] : memref<10240x16xf32, #tpu.memory_space<vmem_shared>> -> memref<10240x16xf32, #tpu.memory_space<vmem_shared>>
    %dma_wait3A_128 = tpu.memref_slice %arg9[%dma_wait3A_121] : memref<10x!tpu.dma_semaphore, #tpu.memory_space<semaphore_mem>> -> memref<1x!tpu.dma_semaphore, #tpu.memory_space<semaphore_mem>>
    %dma_wait3A_129 = tpu.memref_squeeze %dma_wait3A_128 : memref<1x!tpu.dma_semaphore, #tpu.memory_space<semaphore_mem>> -> memref<!tpu.dma_semaphore, #tpu.memory_space<semaphore_mem>>
    tpu.wait_indirect_dma semaphore(%dma_wait3A_129 : memref<!tpu.dma_semaphore, #tpu.memory_space<semaphore_mem>>) src(%arg7 : memref<128x16xf32, #tpu.memory_space<vmem>>) dst(%dma_wait3A_127 : memref<10240x16xf32, #tpu.memory_space<vmem_shared>>)
    %dma_wait3A_130 = arith.constant 0 : i32
    %dma_wait3A_131 = arith.constant 8 : i32
    %dma_wait3A_132 = arith.constant 0 : i32
    %dma_wait3A_133 = tpu.memref_slice %arg6[%dma_wait3A_130, %dma_wait3A_132] : memref<80x128xi32, #tpu.memory_space<vmem>> -> memref<1x128xi32, #tpu.memory_space<vmem>>
    %dma_wait3A_134 = tpu.memref_squeeze %dma_wait3A_133 : memref<1x128xi32, #tpu.memory_space<vmem>> -> memref<128xi32, #tpu.memory_space<vmem>>
    %dma_wait3A_135 = arith.constant 0 : i32
    %dma_wait3A_136 = arith.constant 0 : i32
    %dma_wait3A_137 = tpu.memref_slice %arg8[%dma_wait3A_135, %dma_wait3A_136] : memref<10240x16xf32, #tpu.memory_space<vmem_shared>> -> memref<10240x16xf32, #tpu.memory_space<vmem_shared>>
    %dma_wait3A_138 = tpu.memref_slice %arg9[%dma_wait3A_131] : memref<10x!tpu.dma_semaphore, #tpu.memory_space<semaphore_mem>> -> memref<1x!tpu.dma_semaphore, #tpu.memory_space<semaphore_mem>>
    %dma_wait3A_139 = tpu.memref_squeeze %dma_wait3A_138 : memref<1x!tpu.dma_semaphore, #tpu.memory_space<semaphore_mem>> -> memref<!tpu.dma_semaphore, #tpu.memory_space<semaphore_mem>>
    tpu.wait_indirect_dma semaphore(%dma_wait3A_139 : memref<!tpu.dma_semaphore, #tpu.memory_space<semaphore_mem>>) src(%arg7 : memref<128x16xf32, #tpu.memory_space<vmem>>) dst(%dma_wait3A_137 : memref<10240x16xf32, #tpu.memory_space<vmem_shared>>)
    %dma_wait3A_140 = arith.constant 0 : i32
    %dma_wait3A_141 = arith.constant 9 : i32
    %dma_wait3A_142 = arith.constant 0 : i32
    %dma_wait3A_143 = tpu.memref_slice %arg6[%dma_wait3A_140, %dma_wait3A_142] : memref<80x128xi32, #tpu.memory_space<vmem>> -> memref<1x128xi32, #tpu.memory_space<vmem>>
    %dma_wait3A_144 = tpu.memref_squeeze %dma_wait3A_143 : memref<1x128xi32, #tpu.memory_space<vmem>> -> memref<128xi32, #tpu.memory_space<vmem>>
    %dma_wait3A_145 = arith.constant 0 : i32
    %dma_wait3A_146 = arith.constant 0 : i32
    %dma_wait3A_147 = tpu.memref_slice %arg8[%dma_wait3A_145, %dma_wait3A_146] : memref<10240x16xf32, #tpu.memory_space<vmem_shared>> -> memref<10240x16xf32, #tpu.memory_space<vmem_shared>>
    %dma_wait3A_148 = tpu.memref_slice %arg9[%dma_wait3A_141] : memref<10x!tpu.dma_semaphore, #tpu.memory_space<semaphore_mem>> -> memref<1x!tpu.dma_semaphore, #tpu.memory_space<semaphore_mem>>
    %dma_wait3A_149 = tpu.memref_squeeze %dma_wait3A_148 : memref<1x!tpu.dma_semaphore, #tpu.memory_space<semaphore_mem>> -> memref<!tpu.dma_semaphore, #tpu.memory_space<semaphore_mem>>
    tpu.wait_indirect_dma semaphore(%dma_wait3A_149 : memref<!tpu.dma_semaphore, #tpu.memory_space<semaphore_mem>>) src(%arg7 : memref<128x16xf32, #tpu.memory_space<vmem>>) dst(%dma_wait3A_147 : memref<10240x16xf32, #tpu.memory_space<vmem_shared>>)
    %barrier3A_150 = arith.constant 0 : index
    tpu.barrier barrier_id(%barrier3A_150)
    %mul3A_151 = arith.constant 640 : i32
    %mul3A_152 = arith.muli %arg1, %mul3A_151 : i32
    %mul3A_153 = arith.constant 10240 : i32
    %mul3A_154 = arith.muli %arg0, %mul3A_153 : i32
    %mul3A_155 = arith.constant 640 : i32
    %mul3A_156 = arith.muli %arg1, %mul3A_155 : i32
    %add3A_157 = arith.addi %mul3A_154, %mul3A_156 : i32
    "tpu.region"() ({
      %run_scoped3A = tpu.sem_alloc : memref<!tpu.dma_semaphore, #tpu.memory_space<semaphore_mem>>
      %dma_start3A_158 = arith.constant 0 : i32
      %dma_start3A_159 = tpu.memref_slice %arg5[%add3A_157, %dma_start3A_158] : memref<20480x16xf32, #tpu.memory_space<hbm>> -> memref<640x16xf32, #tpu.memory_space<hbm>>
      %dma_start3A_160 = arith.constant 0 : i32
      %dma_start3A_161 = tpu.memref_slice %arg8[%mul3A_152, %dma_start3A_160] : memref<10240x16xf32, #tpu.memory_space<vmem_shared>> -> memref<640x16xf32, #tpu.memory_space<vmem_shared>>
      tpu.enqueue_dma source(%dma_start3A_161 : memref<640x16xf32, #tpu.memory_space<vmem_shared>>) target(%dma_start3A_159 : memref<640x16xf32, #tpu.memory_space<hbm>>) target_semaphore(%run_scoped3A : memref<!tpu.dma_semaphore, #tpu.memory_space<semaphore_mem>>)
      %dma_wait3A_162 = arith.constant 0 : i32
      %dma_wait3A_163 = tpu.memref_slice %arg5[%add3A_157, %dma_wait3A_162] : memref<20480x16xf32, #tpu.memory_space<hbm>> -> memref<640x16xf32, #tpu.memory_space<hbm>>
      %dma_wait3A_164 = arith.constant 0 : i32
      %dma_wait3A_165 = tpu.memref_slice %arg8[%mul3A_152, %dma_wait3A_164] : memref<10240x16xf32, #tpu.memory_space<vmem_shared>> -> memref<640x16xf32, #tpu.memory_space<vmem_shared>>
      tpu.wait_dma2 semaphore(%run_scoped3A : memref<!tpu.dma_semaphore, #tpu.memory_space<semaphore_mem>>) src(%dma_wait3A_165 : memref<640x16xf32, #tpu.memory_space<vmem_shared>>) dst(%dma_wait3A_163 : memref<640x16xf32, #tpu.memory_space<hbm>>)
      tpu.yield
    }) : () -> ()
    return
  }
}

#map = affine_map<(d0, d1) -> (0, 0)>
#map1 = affine_map<(d0, d1) -> (0, 0, 0)>
module attributes {stable_mosaic.version = 14 : i64} {
  func.func @body(%arg0: i32, %arg1: i32, %arg2: memref<10240x16xf32, #tpu.memory_space<hbm>>, %arg3: memref<80x32x128xi32, #tpu.memory_space<hbm>>, %arg4: memref<80x32x128xi32, #tpu.memory_space<hbm>>, %arg5: memref<10240x16xf32, #tpu.memory_space<hbm>>, %arg6: memref<20480x16xf32, #tpu.memory_space<hbm>>, %arg7: memref<80x128xi32, #tpu.memory_space<vmem>>, %arg8: memref<80x128xi32, #tpu.memory_space<vmem>>, %arg9: memref<10x128x16xf32, #tpu.memory_space<vmem>>, %arg10: memref<10240x16xf32, #tpu.memory_space<vmem_shared>>, %arg11: memref<10x!tpu.dma_semaphore, #tpu.memory_space<semaphore_mem>>, %arg12: memref<10x!tpu.dma_semaphore, #tpu.memory_space<semaphore_mem>>) attributes {dimension_semantics = [#tpu.dimension_semantics<core_parallel>, #tpu.dimension_semantics<subcore_parallel>], iteration_bounds = array<i64: 2, 16>, scalar_prefetch = 0 : i64, scratch_operands = 6 : i64, tpu.core_type = #tpu.core_type<sc_vector_subcore>, window_params = [{transform_indices = #map}, {transform_indices = #map1}, {transform_indices = #map1}, {transform_indices = #map}, {transform_indices = #map}]} {
    %mul3A = arith.constant 2 : i32
    %mul3A_0 = arith.muli %arg1, %mul3A : i32
    %add3A = arith.addi %mul3A_0, %arg0 : i32
    %mul3A_1 = arith.constant 640 : i32
    %mul3A_2 = arith.muli %arg1, %mul3A_1 : i32
    %mul3A_3 = arith.constant 640 : i32
    %mul3A_4 = arith.muli %arg1, %mul3A_3 : i32
    %dma_start3A = arith.constant 9 : i32
    %dma_start3A_5 = tpu.memref_slice %arg11[%dma_start3A] : memref<10x!tpu.dma_semaphore, #tpu.memory_space<semaphore_mem>> -> memref<1x!tpu.dma_semaphore, #tpu.memory_space<semaphore_mem>>
    %dma_start3A_6 = tpu.memref_squeeze %dma_start3A_5 : memref<1x!tpu.dma_semaphore, #tpu.memory_space<semaphore_mem>> -> memref<!tpu.dma_semaphore, #tpu.memory_space<semaphore_mem>>
    %dma_start3A_7 = arith.constant 0 : i32
    %dma_start3A_8 = tpu.memref_slice %arg10[%mul3A_4, %dma_start3A_7] : memref<10240x16xf32, #tpu.memory_space<vmem_shared>> -> memref<640x16xf32, #tpu.memory_space<vmem_shared>>
    %dma_start3A_9 = arith.constant 0 : i32
    %dma_start3A_10 = tpu.memref_slice %arg5[%mul3A_2, %dma_start3A_9] : memref<10240x16xf32, #tpu.memory_space<hbm>> -> memref<640x16xf32, #tpu.memory_space<hbm>>
    tpu.enqueue_dma source(%dma_start3A_10 : memref<640x16xf32, #tpu.memory_space<hbm>>) target(%dma_start3A_8 : memref<640x16xf32, #tpu.memory_space<vmem_shared>>) target_semaphore(%dma_start3A_6 : memref<!tpu.dma_semaphore, #tpu.memory_space<semaphore_mem>>)
    %dma_start3A_11 = arith.constant 9 : i32
    %dma_start3A_12 = arith.constant 0 : i32
    %dma_start3A_13 = arith.constant 0 : i32
    %dma_start3A_14 = tpu.memref_slice %arg3[%dma_start3A_12, %add3A, %dma_start3A_13] : memref<80x32x128xi32, #tpu.memory_space<hbm>> -> memref<80x1x128xi32, #tpu.memory_space<hbm>>
    %dma_start3A_15 = tpu.memref_squeeze %dma_start3A_14 : memref<80x1x128xi32, #tpu.memory_space<hbm>> -> memref<80x128xi32, #tpu.memory_space<hbm>>
    %dma_start3A_16 = tpu.memref_slice %arg12[%dma_start3A_11] : memref<10x!tpu.dma_semaphore, #tpu.memory_space<semaphore_mem>> -> memref<1x!tpu.dma_semaphore, #tpu.memory_space<semaphore_mem>>
    %dma_start3A_17 = tpu.memref_squeeze %dma_start3A_16 : memref<1x!tpu.dma_semaphore, #tpu.memory_space<semaphore_mem>> -> memref<!tpu.dma_semaphore, #tpu.memory_space<semaphore_mem>>
    %dma_start3A_18 = arith.constant 0 : i32
    %dma_start3A_19 = arith.constant 0 : i32
    %dma_start3A_20 = tpu.memref_slice %arg3[%dma_start3A_18, %add3A, %dma_start3A_19] : memref<80x32x128xi32, #tpu.memory_space<hbm>> -> memref<80x1x128xi32, #tpu.memory_space<hbm>>
    %dma_start3A_21 = tpu.memref_squeeze %dma_start3A_20 : memref<80x1x128xi32, #tpu.memory_space<hbm>> -> memref<80x128xi32, #tpu.memory_space<hbm>>
    tpu.enqueue_dma source(%dma_start3A_21 : memref<80x128xi32, #tpu.memory_space<hbm>>) target(%arg7 : memref<80x128xi32, #tpu.memory_space<vmem>>) target_semaphore(%dma_start3A_17 : memref<!tpu.dma_semaphore, #tpu.memory_space<semaphore_mem>>)
    %dma_start3A_22 = arith.constant 8 : i32
    %dma_start3A_23 = arith.constant 0 : i32
    %dma_start3A_24 = arith.constant 0 : i32
    %dma_start3A_25 = tpu.memref_slice %arg4[%dma_start3A_23, %add3A, %dma_start3A_24] : memref<80x32x128xi32, #tpu.memory_space<hbm>> -> memref<80x1x128xi32, #tpu.memory_space<hbm>>
    %dma_start3A_26 = tpu.memref_squeeze %dma_start3A_25 : memref<80x1x128xi32, #tpu.memory_space<hbm>> -> memref<80x128xi32, #tpu.memory_space<hbm>>
    %dma_start3A_27 = tpu.memref_slice %arg12[%dma_start3A_22] : memref<10x!tpu.dma_semaphore, #tpu.memory_space<semaphore_mem>> -> memref<1x!tpu.dma_semaphore, #tpu.memory_space<semaphore_mem>>
    %dma_start3A_28 = tpu.memref_squeeze %dma_start3A_27 : memref<1x!tpu.dma_semaphore, #tpu.memory_space<semaphore_mem>> -> memref<!tpu.dma_semaphore, #tpu.memory_space<semaphore_mem>>
    %dma_start3A_29 = arith.constant 0 : i32
    %dma_start3A_30 = arith.constant 0 : i32
    %dma_start3A_31 = tpu.memref_slice %arg4[%dma_start3A_29, %add3A, %dma_start3A_30] : memref<80x32x128xi32, #tpu.memory_space<hbm>> -> memref<80x1x128xi32, #tpu.memory_space<hbm>>
    %dma_start3A_32 = tpu.memref_squeeze %dma_start3A_31 : memref<80x1x128xi32, #tpu.memory_space<hbm>> -> memref<80x128xi32, #tpu.memory_space<hbm>>
    tpu.enqueue_dma source(%dma_start3A_32 : memref<80x128xi32, #tpu.memory_space<hbm>>) target(%arg8 : memref<80x128xi32, #tpu.memory_space<vmem>>) target_semaphore(%dma_start3A_28 : memref<!tpu.dma_semaphore, #tpu.memory_space<semaphore_mem>>)
    %dma_wait3A = arith.constant 9 : i32
    %dma_wait3A_33 = tpu.memref_slice %arg11[%dma_wait3A] : memref<10x!tpu.dma_semaphore, #tpu.memory_space<semaphore_mem>> -> memref<1x!tpu.dma_semaphore, #tpu.memory_space<semaphore_mem>>
    %dma_wait3A_34 = tpu.memref_squeeze %dma_wait3A_33 : memref<1x!tpu.dma_semaphore, #tpu.memory_space<semaphore_mem>> -> memref<!tpu.dma_semaphore, #tpu.memory_space<semaphore_mem>>
    %dma_wait3A_35 = arith.constant 0 : i32
    %dma_wait3A_36 = tpu.memref_slice %arg10[%mul3A_4, %dma_wait3A_35] : memref<10240x16xf32, #tpu.memory_space<vmem_shared>> -> memref<640x16xf32, #tpu.memory_space<vmem_shared>>
    %dma_wait3A_37 = arith.constant 0 : i32
    %dma_wait3A_38 = tpu.memref_slice %arg5[%mul3A_2, %dma_wait3A_37] : memref<10240x16xf32, #tpu.memory_space<hbm>> -> memref<640x16xf32, #tpu.memory_space<hbm>>
    tpu.wait_dma2 semaphore(%dma_wait3A_34 : memref<!tpu.dma_semaphore, #tpu.memory_space<semaphore_mem>>) src(%dma_wait3A_38 : memref<640x16xf32, #tpu.memory_space<hbm>>) dst(%dma_wait3A_36 : memref<640x16xf32, #tpu.memory_space<vmem_shared>>)
    %dma_wait3A_39 = arith.constant 9 : i32
    %dma_wait3A_40 = arith.constant 0 : i32
    %dma_wait3A_41 = arith.constant 0 : i32
    %dma_wait3A_42 = tpu.memref_slice %arg3[%dma_wait3A_40, %add3A, %dma_wait3A_41] : memref<80x32x128xi32, #tpu.memory_space<hbm>> -> memref<80x1x128xi32, #tpu.memory_space<hbm>>
    %dma_wait3A_43 = tpu.memref_squeeze %dma_wait3A_42 : memref<80x1x128xi32, #tpu.memory_space<hbm>> -> memref<80x128xi32, #tpu.memory_space<hbm>>
    %dma_wait3A_44 = tpu.memref_slice %arg12[%dma_wait3A_39] : memref<10x!tpu.dma_semaphore, #tpu.memory_space<semaphore_mem>> -> memref<1x!tpu.dma_semaphore, #tpu.memory_space<semaphore_mem>>
    %dma_wait3A_45 = tpu.memref_squeeze %dma_wait3A_44 : memref<1x!tpu.dma_semaphore, #tpu.memory_space<semaphore_mem>> -> memref<!tpu.dma_semaphore, #tpu.memory_space<semaphore_mem>>
    %dma_wait3A_46 = arith.constant 0 : i32
    %dma_wait3A_47 = arith.constant 0 : i32
    %dma_wait3A_48 = tpu.memref_slice %arg3[%dma_wait3A_46, %add3A, %dma_wait3A_47] : memref<80x32x128xi32, #tpu.memory_space<hbm>> -> memref<80x1x128xi32, #tpu.memory_space<hbm>>
    %dma_wait3A_49 = tpu.memref_squeeze %dma_wait3A_48 : memref<80x1x128xi32, #tpu.memory_space<hbm>> -> memref<80x128xi32, #tpu.memory_space<hbm>>
    tpu.wait_dma2 semaphore(%dma_wait3A_45 : memref<!tpu.dma_semaphore, #tpu.memory_space<semaphore_mem>>) src(%dma_wait3A_49 : memref<80x128xi32, #tpu.memory_space<hbm>>) dst(%arg7 : memref<80x128xi32, #tpu.memory_space<vmem>>)
    %dma_wait3A_50 = arith.constant 8 : i32
    %dma_wait3A_51 = arith.constant 0 : i32
    %dma_wait3A_52 = arith.constant 0 : i32
    %dma_wait3A_53 = tpu.memref_slice %arg4[%dma_wait3A_51, %add3A, %dma_wait3A_52] : memref<80x32x128xi32, #tpu.memory_space<hbm>> -> memref<80x1x128xi32, #tpu.memory_space<hbm>>
    %dma_wait3A_54 = tpu.memref_squeeze %dma_wait3A_53 : memref<80x1x128xi32, #tpu.memory_space<hbm>> -> memref<80x128xi32, #tpu.memory_space<hbm>>
    %dma_wait3A_55 = tpu.memref_slice %arg12[%dma_wait3A_50] : memref<10x!tpu.dma_semaphore, #tpu.memory_space<semaphore_mem>> -> memref<1x!tpu.dma_semaphore, #tpu.memory_space<semaphore_mem>>
    %dma_wait3A_56 = tpu.memref_squeeze %dma_wait3A_55 : memref<1x!tpu.dma_semaphore, #tpu.memory_space<semaphore_mem>> -> memref<!tpu.dma_semaphore, #tpu.memory_space<semaphore_mem>>
    %dma_wait3A_57 = arith.constant 0 : i32
    %dma_wait3A_58 = arith.constant 0 : i32
    %dma_wait3A_59 = tpu.memref_slice %arg4[%dma_wait3A_57, %add3A, %dma_wait3A_58] : memref<80x32x128xi32, #tpu.memory_space<hbm>> -> memref<80x1x128xi32, #tpu.memory_space<hbm>>
    %dma_wait3A_60 = tpu.memref_squeeze %dma_wait3A_59 : memref<80x1x128xi32, #tpu.memory_space<hbm>> -> memref<80x128xi32, #tpu.memory_space<hbm>>
    tpu.wait_dma2 semaphore(%dma_wait3A_56 : memref<!tpu.dma_semaphore, #tpu.memory_space<semaphore_mem>>) src(%dma_wait3A_60 : memref<80x128xi32, #tpu.memory_space<hbm>>) dst(%arg8 : memref<80x128xi32, #tpu.memory_space<vmem>>)
    %barrier3A = arith.constant 0 : index
    tpu.barrier barrier_id(%barrier3A)
    %dma_start3A_61 = arith.constant 0 : i32
    %dma_start3A_62 = arith.constant 0 : i32
    %dma_start3A_63 = arith.constant 0 : i32
    %dma_start3A_64 = arith.constant 0 : i32
    %dma_start3A_65 = arith.constant 0 : i32
    %dma_start3A_66 = tpu.memref_slice %arg9[%dma_start3A_62, %dma_start3A_64, %dma_start3A_65] : memref<10x128x16xf32, #tpu.memory_space<vmem>> -> memref<1x128x16xf32, #tpu.memory_space<vmem>>
    %dma_start3A_67 = tpu.memref_squeeze %dma_start3A_66 : memref<1x128x16xf32, #tpu.memory_space<vmem>> -> memref<128x16xf32, #tpu.memory_space<vmem>>
    %dma_start3A_68 = arith.constant 0 : i32
    %dma_start3A_69 = tpu.memref_slice %arg7[%dma_start3A_61, %dma_start3A_68] : memref<80x128xi32, #tpu.memory_space<vmem>> -> memref<1x128xi32, #tpu.memory_space<vmem>>
    %dma_start3A_70 = tpu.memref_squeeze %dma_start3A_69 : memref<1x128xi32, #tpu.memory_space<vmem>> -> memref<128xi32, #tpu.memory_space<vmem>>
    %dma_start3A_71 = arith.constant 0 : i32
    %dma_start3A_72 = arith.constant 0 : i32
    %dma_start3A_73 = tpu.memref_slice %arg2[%dma_start3A_71, %dma_start3A_72] : memref<10240x16xf32, #tpu.memory_space<hbm>> -> memref<10240x16xf32, #tpu.memory_space<hbm>>
    %dma_start3A_74 = tpu.memref_slice %arg11[%dma_start3A_63] : memref<10x!tpu.dma_semaphore, #tpu.memory_space<semaphore_mem>> -> memref<1x!tpu.dma_semaphore, #tpu.memory_space<semaphore_mem>>
    %dma_start3A_75 = tpu.memref_squeeze %dma_start3A_74 : memref<1x!tpu.dma_semaphore, #tpu.memory_space<semaphore_mem>> -> memref<!tpu.dma_semaphore, #tpu.memory_space<semaphore_mem>>
    tpu.enqueue_indirect_dma source(%dma_start3A_73 : memref<10240x16xf32, #tpu.memory_space<hbm>>) target(%dma_start3A_67 : memref<128x16xf32, #tpu.memory_space<vmem>>) offsets(%dma_start3A_70 : memref<128xi32, #tpu.memory_space<vmem>>) semaphore(%dma_start3A_75 : memref<!tpu.dma_semaphore, #tpu.memory_space<semaphore_mem>>)
    %dma_start3A_76 = arith.constant 1 : i32
    %dma_start3A_77 = arith.constant 1 : i32
    %dma_start3A_78 = arith.constant 1 : i32
    %dma_start3A_79 = arith.constant 0 : i32
    %dma_start3A_80 = arith.constant 0 : i32
    %dma_start3A_81 = tpu.memref_slice %arg9[%dma_start3A_77, %dma_start3A_79, %dma_start3A_80] : memref<10x128x16xf32, #tpu.memory_space<vmem>> -> memref<1x128x16xf32, #tpu.memory_space<vmem>>
    %dma_start3A_82 = tpu.memref_squeeze %dma_start3A_81 : memref<1x128x16xf32, #tpu.memory_space<vmem>> -> memref<128x16xf32, #tpu.memory_space<vmem>>
    %dma_start3A_83 = arith.constant 0 : i32
    %dma_start3A_84 = tpu.memref_slice %arg7[%dma_start3A_76, %dma_start3A_83] : memref<80x128xi32, #tpu.memory_space<vmem>> -> memref<1x128xi32, #tpu.memory_space<vmem>>
    %dma_start3A_85 = tpu.memref_squeeze %dma_start3A_84 : memref<1x128xi32, #tpu.memory_space<vmem>> -> memref<128xi32, #tpu.memory_space<vmem>>
    %dma_start3A_86 = arith.constant 0 : i32
    %dma_start3A_87 = arith.constant 0 : i32
    %dma_start3A_88 = tpu.memref_slice %arg2[%dma_start3A_86, %dma_start3A_87] : memref<10240x16xf32, #tpu.memory_space<hbm>> -> memref<10240x16xf32, #tpu.memory_space<hbm>>
    %dma_start3A_89 = tpu.memref_slice %arg11[%dma_start3A_78] : memref<10x!tpu.dma_semaphore, #tpu.memory_space<semaphore_mem>> -> memref<1x!tpu.dma_semaphore, #tpu.memory_space<semaphore_mem>>
    %dma_start3A_90 = tpu.memref_squeeze %dma_start3A_89 : memref<1x!tpu.dma_semaphore, #tpu.memory_space<semaphore_mem>> -> memref<!tpu.dma_semaphore, #tpu.memory_space<semaphore_mem>>
    tpu.enqueue_indirect_dma source(%dma_start3A_88 : memref<10240x16xf32, #tpu.memory_space<hbm>>) target(%dma_start3A_82 : memref<128x16xf32, #tpu.memory_space<vmem>>) offsets(%dma_start3A_85 : memref<128xi32, #tpu.memory_space<vmem>>) semaphore(%dma_start3A_90 : memref<!tpu.dma_semaphore, #tpu.memory_space<semaphore_mem>>)
    %dma_start3A_91 = arith.constant 2 : i32
    %dma_start3A_92 = arith.constant 2 : i32
    %dma_start3A_93 = arith.constant 2 : i32
    %dma_start3A_94 = arith.constant 0 : i32
    %dma_start3A_95 = arith.constant 0 : i32
    %dma_start3A_96 = tpu.memref_slice %arg9[%dma_start3A_92, %dma_start3A_94, %dma_start3A_95] : memref<10x128x16xf32, #tpu.memory_space<vmem>> -> memref<1x128x16xf32, #tpu.memory_space<vmem>>
    %dma_start3A_97 = tpu.memref_squeeze %dma_start3A_96 : memref<1x128x16xf32, #tpu.memory_space<vmem>> -> memref<128x16xf32, #tpu.memory_space<vmem>>
    %dma_start3A_98 = arith.constant 0 : i32
    %dma_start3A_99 = tpu.memref_slice %arg7[%dma_start3A_91, %dma_start3A_98] : memref<80x128xi32, #tpu.memory_space<vmem>> -> memref<1x128xi32, #tpu.memory_space<vmem>>
    %dma_start3A_100 = tpu.memref_squeeze %dma_start3A_99 : memref<1x128xi32, #tpu.memory_space<vmem>> -> memref<128xi32, #tpu.memory_space<vmem>>
    %dma_start3A_101 = arith.constant 0 : i32
    %dma_start3A_102 = arith.constant 0 : i32
    %dma_start3A_103 = tpu.memref_slice %arg2[%dma_start3A_101, %dma_start3A_102] : memref<10240x16xf32, #tpu.memory_space<hbm>> -> memref<10240x16xf32, #tpu.memory_space<hbm>>
    %dma_start3A_104 = tpu.memref_slice %arg11[%dma_start3A_93] : memref<10x!tpu.dma_semaphore, #tpu.memory_space<semaphore_mem>> -> memref<1x!tpu.dma_semaphore, #tpu.memory_space<semaphore_mem>>
    %dma_start3A_105 = tpu.memref_squeeze %dma_start3A_104 : memref<1x!tpu.dma_semaphore, #tpu.memory_space<semaphore_mem>> -> memref<!tpu.dma_semaphore, #tpu.memory_space<semaphore_mem>>
    tpu.enqueue_indirect_dma source(%dma_start3A_103 : memref<10240x16xf32, #tpu.memory_space<hbm>>) target(%dma_start3A_97 : memref<128x16xf32, #tpu.memory_space<vmem>>) offsets(%dma_start3A_100 : memref<128xi32, #tpu.memory_space<vmem>>) semaphore(%dma_start3A_105 : memref<!tpu.dma_semaphore, #tpu.memory_space<semaphore_mem>>)
    %dma_start3A_106 = arith.constant 3 : i32
    %dma_start3A_107 = arith.constant 3 : i32
    %dma_start3A_108 = arith.constant 3 : i32
    %dma_start3A_109 = arith.constant 0 : i32
    %dma_start3A_110 = arith.constant 0 : i32
    %dma_start3A_111 = tpu.memref_slice %arg9[%dma_start3A_107, %dma_start3A_109, %dma_start3A_110] : memref<10x128x16xf32, #tpu.memory_space<vmem>> -> memref<1x128x16xf32, #tpu.memory_space<vmem>>
    %dma_start3A_112 = tpu.memref_squeeze %dma_start3A_111 : memref<1x128x16xf32, #tpu.memory_space<vmem>> -> memref<128x16xf32, #tpu.memory_space<vmem>>
    %dma_start3A_113 = arith.constant 0 : i32
    %dma_start3A_114 = tpu.memref_slice %arg7[%dma_start3A_106, %dma_start3A_113] : memref<80x128xi32, #tpu.memory_space<vmem>> -> memref<1x128xi32, #tpu.memory_space<vmem>>
    %dma_start3A_115 = tpu.memref_squeeze %dma_start3A_114 : memref<1x128xi32, #tpu.memory_space<vmem>> -> memref<128xi32, #tpu.memory_space<vmem>>
    %dma_start3A_116 = arith.constant 0 : i32
    %dma_start3A_117 = arith.constant 0 : i32
    %dma_start3A_118 = tpu.memref_slice %arg2[%dma_start3A_116, %dma_start3A_117] : memref<10240x16xf32, #tpu.memory_space<hbm>> -> memref<10240x16xf32, #tpu.memory_space<hbm>>
    %dma_start3A_119 = tpu.memref_slice %arg11[%dma_start3A_108] : memref<10x!tpu.dma_semaphore, #tpu.memory_space<semaphore_mem>> -> memref<1x!tpu.dma_semaphore, #tpu.memory_space<semaphore_mem>>
    %dma_start3A_120 = tpu.memref_squeeze %dma_start3A_119 : memref<1x!tpu.dma_semaphore, #tpu.memory_space<semaphore_mem>> -> memref<!tpu.dma_semaphore, #tpu.memory_space<semaphore_mem>>
    tpu.enqueue_indirect_dma source(%dma_start3A_118 : memref<10240x16xf32, #tpu.memory_space<hbm>>) target(%dma_start3A_112 : memref<128x16xf32, #tpu.memory_space<vmem>>) offsets(%dma_start3A_115 : memref<128xi32, #tpu.memory_space<vmem>>) semaphore(%dma_start3A_120 : memref<!tpu.dma_semaphore, #tpu.memory_space<semaphore_mem>>)
    %dma_start3A_121 = arith.constant 4 : i32
    %dma_start3A_122 = arith.constant 4 : i32
    %dma_start3A_123 = arith.constant 4 : i32
    %dma_start3A_124 = arith.constant 0 : i32
    %dma_start3A_125 = arith.constant 0 : i32
    %dma_start3A_126 = tpu.memref_slice %arg9[%dma_start3A_122, %dma_start3A_124, %dma_start3A_125] : memref<10x128x16xf32, #tpu.memory_space<vmem>> -> memref<1x128x16xf32, #tpu.memory_space<vmem>>
    %dma_start3A_127 = tpu.memref_squeeze %dma_start3A_126 : memref<1x128x16xf32, #tpu.memory_space<vmem>> -> memref<128x16xf32, #tpu.memory_space<vmem>>
    %dma_start3A_128 = arith.constant 0 : i32
    %dma_start3A_129 = tpu.memref_slice %arg7[%dma_start3A_121, %dma_start3A_128] : memref<80x128xi32, #tpu.memory_space<vmem>> -> memref<1x128xi32, #tpu.memory_space<vmem>>
    %dma_start3A_130 = tpu.memref_squeeze %dma_start3A_129 : memref<1x128xi32, #tpu.memory_space<vmem>> -> memref<128xi32, #tpu.memory_space<vmem>>
    %dma_start3A_131 = arith.constant 0 : i32
    %dma_start3A_132 = arith.constant 0 : i32
    %dma_start3A_133 = tpu.memref_slice %arg2[%dma_start3A_131, %dma_start3A_132] : memref<10240x16xf32, #tpu.memory_space<hbm>> -> memref<10240x16xf32, #tpu.memory_space<hbm>>
    %dma_start3A_134 = tpu.memref_slice %arg11[%dma_start3A_123] : memref<10x!tpu.dma_semaphore, #tpu.memory_space<semaphore_mem>> -> memref<1x!tpu.dma_semaphore, #tpu.memory_space<semaphore_mem>>
    %dma_start3A_135 = tpu.memref_squeeze %dma_start3A_134 : memref<1x!tpu.dma_semaphore, #tpu.memory_space<semaphore_mem>> -> memref<!tpu.dma_semaphore, #tpu.memory_space<semaphore_mem>>
    tpu.enqueue_indirect_dma source(%dma_start3A_133 : memref<10240x16xf32, #tpu.memory_space<hbm>>) target(%dma_start3A_127 : memref<128x16xf32, #tpu.memory_space<vmem>>) offsets(%dma_start3A_130 : memref<128xi32, #tpu.memory_space<vmem>>) semaphore(%dma_start3A_135 : memref<!tpu.dma_semaphore, #tpu.memory_space<semaphore_mem>>)
    %scan3A = arith.constant 0 : i32
    %scan3A_136 = arith.constant 0 : i32
    %scan3A_137 = arith.constant 8 : i32
    %scan3A_138 = arith.addi %scan3A_136, %scan3A_137 : i32
    %scan3A_139 = arith.constant 1 : i32
    scf.for %scan3A_299 = %scan3A_136 to %scan3A_138 step %scan3A_139  : i32 {
      %mul3A_300 = arith.constant 10 : i32
      %mul3A_301 = arith.muli %scan3A_299, %mul3A_300 : i32
      %add3A_302 = arith.constant 0 : i32
      %add3A_303 = arith.addi %mul3A_301, %add3A_302 : i32
      %dma_wait3A_304 = arith.constant 0 : i32
      %dma_wait3A_305 = arith.constant 0 : i32
      %dma_wait3A_306 = arith.constant 0 : i32
      %dma_wait3A_307 = arith.constant 0 : i32
      %dma_wait3A_308 = arith.constant 0 : i32
      %dma_wait3A_309 = tpu.memref_slice %arg9[%dma_wait3A_305, %dma_wait3A_307, %dma_wait3A_308] : memref<10x128x16xf32, #tpu.memory_space<vmem>> -> memref<1x128x16xf32, #tpu.memory_space<vmem>>
      %dma_wait3A_310 = tpu.memref_squeeze %dma_wait3A_309 : memref<1x128x16xf32, #tpu.memory_space<vmem>> -> memref<128x16xf32, #tpu.memory_space<vmem>>
      %dma_wait3A_311 = arith.constant 0 : i32
      %dma_wait3A_312 = tpu.memref_slice %arg7[%dma_wait3A_304, %dma_wait3A_311] : memref<80x128xi32, #tpu.memory_space<vmem>> -> memref<1x128xi32, #tpu.memory_space<vmem>>
      %dma_wait3A_313 = tpu.memref_squeeze %dma_wait3A_312 : memref<1x128xi32, #tpu.memory_space<vmem>> -> memref<128xi32, #tpu.memory_space<vmem>>
      %dma_wait3A_314 = arith.constant 0 : i32
      %dma_wait3A_315 = arith.constant 0 : i32
      %dma_wait3A_316 = tpu.memref_slice %arg2[%dma_wait3A_314, %dma_wait3A_315] : memref<10240x16xf32, #tpu.memory_space<hbm>> -> memref<10240x16xf32, #tpu.memory_space<hbm>>
      %dma_wait3A_317 = tpu.memref_slice %arg11[%dma_wait3A_306] : memref<10x!tpu.dma_semaphore, #tpu.memory_space<semaphore_mem>> -> memref<1x!tpu.dma_semaphore, #tpu.memory_space<semaphore_mem>>
      %dma_wait3A_318 = tpu.memref_squeeze %dma_wait3A_317 : memref<1x!tpu.dma_semaphore, #tpu.memory_space<semaphore_mem>> -> memref<!tpu.dma_semaphore, #tpu.memory_space<semaphore_mem>>
      tpu.wait_indirect_dma semaphore(%dma_wait3A_318 : memref<!tpu.dma_semaphore, #tpu.memory_space<semaphore_mem>>) src(%dma_wait3A_316 : memref<10240x16xf32, #tpu.memory_space<hbm>>) dst(%dma_wait3A_310 : memref<128x16xf32, #tpu.memory_space<vmem>>)
      %dma_start3A_319 = arith.constant 0 : i32
      %dma_start3A_320 = arith.constant 0 : i32
      %dma_start3A_321 = arith.constant 0 : i32
      %dma_start3A_322 = arith.constant 0 : i32
      %dma_start3A_323 = tpu.memref_slice %arg9[%dma_start3A_319, %dma_start3A_321, %dma_start3A_322] : memref<10x128x16xf32, #tpu.memory_space<vmem>> -> memref<1x128x16xf32, #tpu.memory_space<vmem>>
      %dma_start3A_324 = tpu.memref_squeeze %dma_start3A_323 : memref<1x128x16xf32, #tpu.memory_space<vmem>> -> memref<128x16xf32, #tpu.memory_space<vmem>>
      %dma_start3A_325 = arith.constant 0 : i32
      %dma_start3A_326 = tpu.memref_slice %arg8[%add3A_303, %dma_start3A_325] : memref<80x128xi32, #tpu.memory_space<vmem>> -> memref<1x128xi32, #tpu.memory_space<vmem>>
      %dma_start3A_327 = tpu.memref_squeeze %dma_start3A_326 : memref<1x128xi32, #tpu.memory_space<vmem>> -> memref<128xi32, #tpu.memory_space<vmem>>
      %dma_start3A_328 = arith.constant 0 : i32
      %dma_start3A_329 = arith.constant 0 : i32
      %dma_start3A_330 = tpu.memref_slice %arg10[%dma_start3A_328, %dma_start3A_329] : memref<10240x16xf32, #tpu.memory_space<vmem_shared>> -> memref<10240x16xf32, #tpu.memory_space<vmem_shared>>
      %dma_start3A_331 = tpu.memref_slice %arg12[%dma_start3A_320] : memref<10x!tpu.dma_semaphore, #tpu.memory_space<semaphore_mem>> -> memref<1x!tpu.dma_semaphore, #tpu.memory_space<semaphore_mem>>
      %dma_start3A_332 = tpu.memref_squeeze %dma_start3A_331 : memref<1x!tpu.dma_semaphore, #tpu.memory_space<semaphore_mem>> -> memref<!tpu.dma_semaphore, #tpu.memory_space<semaphore_mem>>
      tpu.enqueue_indirect_dma source(%dma_start3A_324 : memref<128x16xf32, #tpu.memory_space<vmem>>) target(%dma_start3A_330 : memref<10240x16xf32, #tpu.memory_space<vmem_shared>>) offsets(%dma_start3A_327 : memref<128xi32, #tpu.memory_space<vmem>>) semaphore(%dma_start3A_332 : memref<!tpu.dma_semaphore, #tpu.memory_space<semaphore_mem>>) {add = true}
      %add3A_333 = arith.constant 5 : i32
      %add3A_334 = arith.addi %add3A_303, %add3A_333 : i32
      %ge3A = arith.constant 10 : i32
      %ge3A_335 = arith.cmpi sge, %add3A_334, %ge3A : i32
      %lt3A = arith.constant 80 : i32
      %lt3A_336 = arith.cmpi slt, %add3A_334, %lt3A : i32
      %and3A = arith.andi %ge3A_335, %lt3A_336 : i1
      %convert_element_type3A = arith.extui %and3A : i1 to i32
      %cond3A = arith.constant 0 : i32
      %cond3A_337 = arith.cmpi ne, %convert_element_type3A, %cond3A : i32
      scf.if %cond3A_337 {
        %dma_wait3A_775 = arith.constant 5 : i32
        %dma_wait3A_776 = arith.constant 0 : i32
        %dma_wait3A_777 = arith.constant 5 : i32
        %dma_wait3A_778 = arith.constant 0 : i32
        %dma_wait3A_779 = arith.constant 0 : i32
        %dma_wait3A_780 = tpu.memref_slice %arg9[%dma_wait3A_775, %dma_wait3A_778, %dma_wait3A_779] : memref<10x128x16xf32, #tpu.memory_space<vmem>> -> memref<1x128x16xf32, #tpu.memory_space<vmem>>
        %dma_wait3A_781 = tpu.memref_squeeze %dma_wait3A_780 : memref<1x128x16xf32, #tpu.memory_space<vmem>> -> memref<128x16xf32, #tpu.memory_space<vmem>>
        %dma_wait3A_782 = arith.constant 0 : i32
        %dma_wait3A_783 = tpu.memref_slice %arg8[%dma_wait3A_776, %dma_wait3A_782] : memref<80x128xi32, #tpu.memory_space<vmem>> -> memref<1x128xi32, #tpu.memory_space<vmem>>
        %dma_wait3A_784 = tpu.memref_squeeze %dma_wait3A_783 : memref<1x128xi32, #tpu.memory_space<vmem>> -> memref<128xi32, #tpu.memory_space<vmem>>
        %dma_wait3A_785 = arith.constant 0 : i32
        %dma_wait3A_786 = arith.constant 0 : i32
        %dma_wait3A_787 = tpu.memref_slice %arg10[%dma_wait3A_785, %dma_wait3A_786] : memref<10240x16xf32, #tpu.memory_space<vmem_shared>> -> memref<10240x16xf32, #tpu.memory_space<vmem_shared>>
        %dma_wait3A_788 = tpu.memref_slice %arg12[%dma_wait3A_777] : memref<10x!tpu.dma_semaphore, #tpu.memory_space<semaphore_mem>> -> memref<1x!tpu.dma_semaphore, #tpu.memory_space<semaphore_mem>>
        %dma_wait3A_789 = tpu.memref_squeeze %dma_wait3A_788 : memref<1x!tpu.dma_semaphore, #tpu.memory_space<semaphore_mem>> -> memref<!tpu.dma_semaphore, #tpu.memory_space<semaphore_mem>>
        tpu.wait_indirect_dma semaphore(%dma_wait3A_789 : memref<!tpu.dma_semaphore, #tpu.memory_space<semaphore_mem>>) src(%dma_wait3A_781 : memref<128x16xf32, #tpu.memory_space<vmem>>) dst(%dma_wait3A_787 : memref<10240x16xf32, #tpu.memory_space<vmem_shared>>)
      } else {
      }
      %lt3A_338 = arith.constant 80 : i32
      %lt3A_339 = arith.cmpi slt, %add3A_334, %lt3A_338 : i32
      %convert_element_type3A_340 = arith.extui %lt3A_339 : i1 to i32
      %cond3A_341 = arith.constant 0 : i32
      %cond3A_342 = arith.cmpi ne, %convert_element_type3A_340, %cond3A_341 : i32
      scf.if %cond3A_342 {
        %dma_start3A_775 = arith.constant 5 : i32
        %dma_start3A_776 = arith.constant 5 : i32
        %dma_start3A_777 = arith.constant 0 : i32
        %dma_start3A_778 = arith.constant 0 : i32
        %dma_start3A_779 = tpu.memref_slice %arg9[%dma_start3A_775, %dma_start3A_777, %dma_start3A_778] : memref<10x128x16xf32, #tpu.memory_space<vmem>> -> memref<1x128x16xf32, #tpu.memory_space<vmem>>
        %dma_start3A_780 = tpu.memref_squeeze %dma_start3A_779 : memref<1x128x16xf32, #tpu.memory_space<vmem>> -> memref<128x16xf32, #tpu.memory_space<vmem>>
        %dma_start3A_781 = arith.constant 0 : i32
        %dma_start3A_782 = tpu.memref_slice %arg7[%add3A_334, %dma_start3A_781] : memref<80x128xi32, #tpu.memory_space<vmem>> -> memref<1x128xi32, #tpu.memory_space<vmem>>
        %dma_start3A_783 = tpu.memref_squeeze %dma_start3A_782 : memref<1x128xi32, #tpu.memory_space<vmem>> -> memref<128xi32, #tpu.memory_space<vmem>>
        %dma_start3A_784 = arith.constant 0 : i32
        %dma_start3A_785 = arith.constant 0 : i32
        %dma_start3A_786 = tpu.memref_slice %arg2[%dma_start3A_784, %dma_start3A_785] : memref<10240x16xf32, #tpu.memory_space<hbm>> -> memref<10240x16xf32, #tpu.memory_space<hbm>>
        %dma_start3A_787 = tpu.memref_slice %arg11[%dma_start3A_776] : memref<10x!tpu.dma_semaphore, #tpu.memory_space<semaphore_mem>> -> memref<1x!tpu.dma_semaphore, #tpu.memory_space<semaphore_mem>>
        %dma_start3A_788 = tpu.memref_squeeze %dma_start3A_787 : memref<1x!tpu.dma_semaphore, #tpu.memory_space<semaphore_mem>> -> memref<!tpu.dma_semaphore, #tpu.memory_space<semaphore_mem>>
        tpu.enqueue_indirect_dma source(%dma_start3A_786 : memref<10240x16xf32, #tpu.memory_space<hbm>>) target(%dma_start3A_780 : memref<128x16xf32, #tpu.memory_space<vmem>>) offsets(%dma_start3A_783 : memref<128xi32, #tpu.memory_space<vmem>>) semaphore(%dma_start3A_788 : memref<!tpu.dma_semaphore, #tpu.memory_space<semaphore_mem>>)
      } else {
      }
      %mul3A_343 = arith.constant 10 : i32
      %mul3A_344 = arith.muli %scan3A_299, %mul3A_343 : i32
      %add3A_345 = arith.constant 1 : i32
      %add3A_346 = arith.addi %mul3A_344, %add3A_345 : i32
      %dma_wait3A_347 = arith.constant 0 : i32
      %dma_wait3A_348 = arith.constant 1 : i32
      %dma_wait3A_349 = arith.constant 1 : i32
      %dma_wait3A_350 = arith.constant 0 : i32
      %dma_wait3A_351 = arith.constant 0 : i32
      %dma_wait3A_352 = tpu.memref_slice %arg9[%dma_wait3A_348, %dma_wait3A_350, %dma_wait3A_351] : memref<10x128x16xf32, #tpu.memory_space<vmem>> -> memref<1x128x16xf32, #tpu.memory_space<vmem>>
      %dma_wait3A_353 = tpu.memref_squeeze %dma_wait3A_352 : memref<1x128x16xf32, #tpu.memory_space<vmem>> -> memref<128x16xf32, #tpu.memory_space<vmem>>
      %dma_wait3A_354 = arith.constant 0 : i32
      %dma_wait3A_355 = tpu.memref_slice %arg7[%dma_wait3A_347, %dma_wait3A_354] : memref<80x128xi32, #tpu.memory_space<vmem>> -> memref<1x128xi32, #tpu.memory_space<vmem>>
      %dma_wait3A_356 = tpu.memref_squeeze %dma_wait3A_355 : memref<1x128xi32, #tpu.memory_space<vmem>> -> memref<128xi32, #tpu.memory_space<vmem>>
      %dma_wait3A_357 = arith.constant 0 : i32
      %dma_wait3A_358 = arith.constant 0 : i32
      %dma_wait3A_359 = tpu.memref_slice %arg2[%dma_wait3A_357, %dma_wait3A_358] : memref<10240x16xf32, #tpu.memory_space<hbm>> -> memref<10240x16xf32, #tpu.memory_space<hbm>>
      %dma_wait3A_360 = tpu.memref_slice %arg11[%dma_wait3A_349] : memref<10x!tpu.dma_semaphore, #tpu.memory_space<semaphore_mem>> -> memref<1x!tpu.dma_semaphore, #tpu.memory_space<semaphore_mem>>
      %dma_wait3A_361 = tpu.memref_squeeze %dma_wait3A_360 : memref<1x!tpu.dma_semaphore, #tpu.memory_space<semaphore_mem>> -> memref<!tpu.dma_semaphore, #tpu.memory_space<semaphore_mem>>
      tpu.wait_indirect_dma semaphore(%dma_wait3A_361 : memref<!tpu.dma_semaphore, #tpu.memory_space<semaphore_mem>>) src(%dma_wait3A_359 : memref<10240x16xf32, #tpu.memory_space<hbm>>) dst(%dma_wait3A_353 : memref<128x16xf32, #tpu.memory_space<vmem>>)
      %dma_start3A_362 = arith.constant 1 : i32
      %dma_start3A_363 = arith.constant 1 : i32
      %dma_start3A_364 = arith.constant 0 : i32
      %dma_start3A_365 = arith.constant 0 : i32
      %dma_start3A_366 = tpu.memref_slice %arg9[%dma_start3A_362, %dma_start3A_364, %dma_start3A_365] : memref<10x128x16xf32, #tpu.memory_space<vmem>> -> memref<1x128x16xf32, #tpu.memory_space<vmem>>
      %dma_start3A_367 = tpu.memref_squeeze %dma_start3A_366 : memref<1x128x16xf32, #tpu.memory_space<vmem>> -> memref<128x16xf32, #tpu.memory_space<vmem>>
      %dma_start3A_368 = arith.constant 0 : i32
      %dma_start3A_369 = tpu.memref_slice %arg8[%add3A_346, %dma_start3A_368] : memref<80x128xi32, #tpu.memory_space<vmem>> -> memref<1x128xi32, #tpu.memory_space<vmem>>
      %dma_start3A_370 = tpu.memref_squeeze %dma_start3A_369 : memref<1x128xi32, #tpu.memory_space<vmem>> -> memref<128xi32, #tpu.memory_space<vmem>>
      %dma_start3A_371 = arith.constant 0 : i32
      %dma_start3A_372 = arith.constant 0 : i32
      %dma_start3A_373 = tpu.memref_slice %arg10[%dma_start3A_371, %dma_start3A_372] : memref<10240x16xf32, #tpu.memory_space<vmem_shared>> -> memref<10240x16xf32, #tpu.memory_space<vmem_shared>>
      %dma_start3A_374 = tpu.memref_slice %arg12[%dma_start3A_363] : memref<10x!tpu.dma_semaphore, #tpu.memory_space<semaphore_mem>> -> memref<1x!tpu.dma_semaphore, #tpu.memory_space<semaphore_mem>>
      %dma_start3A_375 = tpu.memref_squeeze %dma_start3A_374 : memref<1x!tpu.dma_semaphore, #tpu.memory_space<semaphore_mem>> -> memref<!tpu.dma_semaphore, #tpu.memory_space<semaphore_mem>>
      tpu.enqueue_indirect_dma source(%dma_start3A_367 : memref<128x16xf32, #tpu.memory_space<vmem>>) target(%dma_start3A_373 : memref<10240x16xf32, #tpu.memory_space<vmem_shared>>) offsets(%dma_start3A_370 : memref<128xi32, #tpu.memory_space<vmem>>) semaphore(%dma_start3A_375 : memref<!tpu.dma_semaphore, #tpu.memory_space<semaphore_mem>>) {add = true}
      %add3A_376 = arith.constant 5 : i32
      %add3A_377 = arith.addi %add3A_346, %add3A_376 : i32
      %ge3A_378 = arith.constant 10 : i32
      %ge3A_379 = arith.cmpi sge, %add3A_377, %ge3A_378 : i32
      %lt3A_380 = arith.constant 80 : i32
      %lt3A_381 = arith.cmpi slt, %add3A_377, %lt3A_380 : i32
      %and3A_382 = arith.andi %ge3A_379, %lt3A_381 : i1
      %convert_element_type3A_383 = arith.extui %and3A_382 : i1 to i32
      %cond3A_384 = arith.constant 0 : i32
      %cond3A_385 = arith.cmpi ne, %convert_element_type3A_383, %cond3A_384 : i32
      scf.if %cond3A_385 {
        %dma_wait3A_775 = arith.constant 6 : i32
        %dma_wait3A_776 = arith.constant 0 : i32
        %dma_wait3A_777 = arith.constant 6 : i32
        %dma_wait3A_778 = arith.constant 0 : i32
        %dma_wait3A_779 = arith.constant 0 : i32
        %dma_wait3A_780 = tpu.memref_slice %arg9[%dma_wait3A_775, %dma_wait3A_778, %dma_wait3A_779] : memref<10x128x16xf32, #tpu.memory_space<vmem>> -> memref<1x128x16xf32, #tpu.memory_space<vmem>>
        %dma_wait3A_781 = tpu.memref_squeeze %dma_wait3A_780 : memref<1x128x16xf32, #tpu.memory_space<vmem>> -> memref<128x16xf32, #tpu.memory_space<vmem>>
        %dma_wait3A_782 = arith.constant 0 : i32
        %dma_wait3A_783 = tpu.memref_slice %arg8[%dma_wait3A_776, %dma_wait3A_782] : memref<80x128xi32, #tpu.memory_space<vmem>> -> memref<1x128xi32, #tpu.memory_space<vmem>>
        %dma_wait3A_784 = tpu.memref_squeeze %dma_wait3A_783 : memref<1x128xi32, #tpu.memory_space<vmem>> -> memref<128xi32, #tpu.memory_space<vmem>>
        %dma_wait3A_785 = arith.constant 0 : i32
        %dma_wait3A_786 = arith.constant 0 : i32
        %dma_wait3A_787 = tpu.memref_slice %arg10[%dma_wait3A_785, %dma_wait3A_786] : memref<10240x16xf32, #tpu.memory_space<vmem_shared>> -> memref<10240x16xf32, #tpu.memory_space<vmem_shared>>
        %dma_wait3A_788 = tpu.memref_slice %arg12[%dma_wait3A_777] : memref<10x!tpu.dma_semaphore, #tpu.memory_space<semaphore_mem>> -> memref<1x!tpu.dma_semaphore, #tpu.memory_space<semaphore_mem>>
        %dma_wait3A_789 = tpu.memref_squeeze %dma_wait3A_788 : memref<1x!tpu.dma_semaphore, #tpu.memory_space<semaphore_mem>> -> memref<!tpu.dma_semaphore, #tpu.memory_space<semaphore_mem>>
        tpu.wait_indirect_dma semaphore(%dma_wait3A_789 : memref<!tpu.dma_semaphore, #tpu.memory_space<semaphore_mem>>) src(%dma_wait3A_781 : memref<128x16xf32, #tpu.memory_space<vmem>>) dst(%dma_wait3A_787 : memref<10240x16xf32, #tpu.memory_space<vmem_shared>>)
      } else {
      }
      %lt3A_386 = arith.constant 80 : i32
      %lt3A_387 = arith.cmpi slt, %add3A_377, %lt3A_386 : i32
      %convert_element_type3A_388 = arith.extui %lt3A_387 : i1 to i32
      %cond3A_389 = arith.constant 0 : i32
      %cond3A_390 = arith.cmpi ne, %convert_element_type3A_388, %cond3A_389 : i32
      scf.if %cond3A_390 {
        %dma_start3A_775 = arith.constant 6 : i32
        %dma_start3A_776 = arith.constant 6 : i32
        %dma_start3A_777 = arith.constant 0 : i32
        %dma_start3A_778 = arith.constant 0 : i32
        %dma_start3A_779 = tpu.memref_slice %arg9[%dma_start3A_775, %dma_start3A_777, %dma_start3A_778] : memref<10x128x16xf32, #tpu.memory_space<vmem>> -> memref<1x128x16xf32, #tpu.memory_space<vmem>>
        %dma_start3A_780 = tpu.memref_squeeze %dma_start3A_779 : memref<1x128x16xf32, #tpu.memory_space<vmem>> -> memref<128x16xf32, #tpu.memory_space<vmem>>
        %dma_start3A_781 = arith.constant 0 : i32
        %dma_start3A_782 = tpu.memref_slice %arg7[%add3A_377, %dma_start3A_781] : memref<80x128xi32, #tpu.memory_space<vmem>> -> memref<1x128xi32, #tpu.memory_space<vmem>>
        %dma_start3A_783 = tpu.memref_squeeze %dma_start3A_782 : memref<1x128xi32, #tpu.memory_space<vmem>> -> memref<128xi32, #tpu.memory_space<vmem>>
        %dma_start3A_784 = arith.constant 0 : i32
        %dma_start3A_785 = arith.constant 0 : i32
        %dma_start3A_786 = tpu.memref_slice %arg2[%dma_start3A_784, %dma_start3A_785] : memref<10240x16xf32, #tpu.memory_space<hbm>> -> memref<10240x16xf32, #tpu.memory_space<hbm>>
        %dma_start3A_787 = tpu.memref_slice %arg11[%dma_start3A_776] : memref<10x!tpu.dma_semaphore, #tpu.memory_space<semaphore_mem>> -> memref<1x!tpu.dma_semaphore, #tpu.memory_space<semaphore_mem>>
        %dma_start3A_788 = tpu.memref_squeeze %dma_start3A_787 : memref<1x!tpu.dma_semaphore, #tpu.memory_space<semaphore_mem>> -> memref<!tpu.dma_semaphore, #tpu.memory_space<semaphore_mem>>
        tpu.enqueue_indirect_dma source(%dma_start3A_786 : memref<10240x16xf32, #tpu.memory_space<hbm>>) target(%dma_start3A_780 : memref<128x16xf32, #tpu.memory_space<vmem>>) offsets(%dma_start3A_783 : memref<128xi32, #tpu.memory_space<vmem>>) semaphore(%dma_start3A_788 : memref<!tpu.dma_semaphore, #tpu.memory_space<semaphore_mem>>)
      } else {
      }
      %mul3A_391 = arith.constant 10 : i32
      %mul3A_392 = arith.muli %scan3A_299, %mul3A_391 : i32
      %add3A_393 = arith.constant 2 : i32
      %add3A_394 = arith.addi %mul3A_392, %add3A_393 : i32
      %dma_wait3A_395 = arith.constant 0 : i32
      %dma_wait3A_396 = arith.constant 2 : i32
      %dma_wait3A_397 = arith.constant 2 : i32
      %dma_wait3A_398 = arith.constant 0 : i32
      %dma_wait3A_399 = arith.constant 0 : i32
      %dma_wait3A_400 = tpu.memref_slice %arg9[%dma_wait3A_396, %dma_wait3A_398, %dma_wait3A_399] : memref<10x128x16xf32, #tpu.memory_space<vmem>> -> memref<1x128x16xf32, #tpu.memory_space<vmem>>
      %dma_wait3A_401 = tpu.memref_squeeze %dma_wait3A_400 : memref<1x128x16xf32, #tpu.memory_space<vmem>> -> memref<128x16xf32, #tpu.memory_space<vmem>>
      %dma_wait3A_402 = arith.constant 0 : i32
      %dma_wait3A_403 = tpu.memref_slice %arg7[%dma_wait3A_395, %dma_wait3A_402] : memref<80x128xi32, #tpu.memory_space<vmem>> -> memref<1x128xi32, #tpu.memory_space<vmem>>
      %dma_wait3A_404 = tpu.memref_squeeze %dma_wait3A_403 : memref<1x128xi32, #tpu.memory_space<vmem>> -> memref<128xi32, #tpu.memory_space<vmem>>
      %dma_wait3A_405 = arith.constant 0 : i32
      %dma_wait3A_406 = arith.constant 0 : i32
      %dma_wait3A_407 = tpu.memref_slice %arg2[%dma_wait3A_405, %dma_wait3A_406] : memref<10240x16xf32, #tpu.memory_space<hbm>> -> memref<10240x16xf32, #tpu.memory_space<hbm>>
      %dma_wait3A_408 = tpu.memref_slice %arg11[%dma_wait3A_397] : memref<10x!tpu.dma_semaphore, #tpu.memory_space<semaphore_mem>> -> memref<1x!tpu.dma_semaphore, #tpu.memory_space<semaphore_mem>>
      %dma_wait3A_409 = tpu.memref_squeeze %dma_wait3A_408 : memref<1x!tpu.dma_semaphore, #tpu.memory_space<semaphore_mem>> -> memref<!tpu.dma_semaphore, #tpu.memory_space<semaphore_mem>>
      tpu.wait_indirect_dma semaphore(%dma_wait3A_409 : memref<!tpu.dma_semaphore, #tpu.memory_space<semaphore_mem>>) src(%dma_wait3A_407 : memref<10240x16xf32, #tpu.memory_space<hbm>>) dst(%dma_wait3A_401 : memref<128x16xf32, #tpu.memory_space<vmem>>)
      %dma_start3A_410 = arith.constant 2 : i32
      %dma_start3A_411 = arith.constant 2 : i32
      %dma_start3A_412 = arith.constant 0 : i32
      %dma_start3A_413 = arith.constant 0 : i32
      %dma_start3A_414 = tpu.memref_slice %arg9[%dma_start3A_410, %dma_start3A_412, %dma_start3A_413] : memref<10x128x16xf32, #tpu.memory_space<vmem>> -> memref<1x128x16xf32, #tpu.memory_space<vmem>>
      %dma_start3A_415 = tpu.memref_squeeze %dma_start3A_414 : memref<1x128x16xf32, #tpu.memory_space<vmem>> -> memref<128x16xf32, #tpu.memory_space<vmem>>
      %dma_start3A_416 = arith.constant 0 : i32
      %dma_start3A_417 = tpu.memref_slice %arg8[%add3A_394, %dma_start3A_416] : memref<80x128xi32, #tpu.memory_space<vmem>> -> memref<1x128xi32, #tpu.memory_space<vmem>>
      %dma_start3A_418 = tpu.memref_squeeze %dma_start3A_417 : memref<1x128xi32, #tpu.memory_space<vmem>> -> memref<128xi32, #tpu.memory_space<vmem>>
      %dma_start3A_419 = arith.constant 0 : i32
      %dma_start3A_420 = arith.constant 0 : i32
      %dma_start3A_421 = tpu.memref_slice %arg10[%dma_start3A_419, %dma_start3A_420] : memref<10240x16xf32, #tpu.memory_space<vmem_shared>> -> memref<10240x16xf32, #tpu.memory_space<vmem_shared>>
      %dma_start3A_422 = tpu.memref_slice %arg12[%dma_start3A_411] : memref<10x!tpu.dma_semaphore, #tpu.memory_space<semaphore_mem>> -> memref<1x!tpu.dma_semaphore, #tpu.memory_space<semaphore_mem>>
      %dma_start3A_423 = tpu.memref_squeeze %dma_start3A_422 : memref<1x!tpu.dma_semaphore, #tpu.memory_space<semaphore_mem>> -> memref<!tpu.dma_semaphore, #tpu.memory_space<semaphore_mem>>
      tpu.enqueue_indirect_dma source(%dma_start3A_415 : memref<128x16xf32, #tpu.memory_space<vmem>>) target(%dma_start3A_421 : memref<10240x16xf32, #tpu.memory_space<vmem_shared>>) offsets(%dma_start3A_418 : memref<128xi32, #tpu.memory_space<vmem>>) semaphore(%dma_start3A_423 : memref<!tpu.dma_semaphore, #tpu.memory_space<semaphore_mem>>) {add = true}
      %add3A_424 = arith.constant 5 : i32
      %add3A_425 = arith.addi %add3A_394, %add3A_424 : i32
      %ge3A_426 = arith.constant 10 : i32
      %ge3A_427 = arith.cmpi sge, %add3A_425, %ge3A_426 : i32
      %lt3A_428 = arith.constant 80 : i32
      %lt3A_429 = arith.cmpi slt, %add3A_425, %lt3A_428 : i32
      %and3A_430 = arith.andi %ge3A_427, %lt3A_429 : i1
      %convert_element_type3A_431 = arith.extui %and3A_430 : i1 to i32
      %cond3A_432 = arith.constant 0 : i32
      %cond3A_433 = arith.cmpi ne, %convert_element_type3A_431, %cond3A_432 : i32
      scf.if %cond3A_433 {
        %dma_wait3A_775 = arith.constant 7 : i32
        %dma_wait3A_776 = arith.constant 0 : i32
        %dma_wait3A_777 = arith.constant 7 : i32
        %dma_wait3A_778 = arith.constant 0 : i32
        %dma_wait3A_779 = arith.constant 0 : i32
        %dma_wait3A_780 = tpu.memref_slice %arg9[%dma_wait3A_775, %dma_wait3A_778, %dma_wait3A_779] : memref<10x128x16xf32, #tpu.memory_space<vmem>> -> memref<1x128x16xf32, #tpu.memory_space<vmem>>
        %dma_wait3A_781 = tpu.memref_squeeze %dma_wait3A_780 : memref<1x128x16xf32, #tpu.memory_space<vmem>> -> memref<128x16xf32, #tpu.memory_space<vmem>>
        %dma_wait3A_782 = arith.constant 0 : i32
        %dma_wait3A_783 = tpu.memref_slice %arg8[%dma_wait3A_776, %dma_wait3A_782] : memref<80x128xi32, #tpu.memory_space<vmem>> -> memref<1x128xi32, #tpu.memory_space<vmem>>
        %dma_wait3A_784 = tpu.memref_squeeze %dma_wait3A_783 : memref<1x128xi32, #tpu.memory_space<vmem>> -> memref<128xi32, #tpu.memory_space<vmem>>
        %dma_wait3A_785 = arith.constant 0 : i32
        %dma_wait3A_786 = arith.constant 0 : i32
        %dma_wait3A_787 = tpu.memref_slice %arg10[%dma_wait3A_785, %dma_wait3A_786] : memref<10240x16xf32, #tpu.memory_space<vmem_shared>> -> memref<10240x16xf32, #tpu.memory_space<vmem_shared>>
        %dma_wait3A_788 = tpu.memref_slice %arg12[%dma_wait3A_777] : memref<10x!tpu.dma_semaphore, #tpu.memory_space<semaphore_mem>> -> memref<1x!tpu.dma_semaphore, #tpu.memory_space<semaphore_mem>>
        %dma_wait3A_789 = tpu.memref_squeeze %dma_wait3A_788 : memref<1x!tpu.dma_semaphore, #tpu.memory_space<semaphore_mem>> -> memref<!tpu.dma_semaphore, #tpu.memory_space<semaphore_mem>>
        tpu.wait_indirect_dma semaphore(%dma_wait3A_789 : memref<!tpu.dma_semaphore, #tpu.memory_space<semaphore_mem>>) src(%dma_wait3A_781 : memref<128x16xf32, #tpu.memory_space<vmem>>) dst(%dma_wait3A_787 : memref<10240x16xf32, #tpu.memory_space<vmem_shared>>)
      } else {
      }
      %lt3A_434 = arith.constant 80 : i32
      %lt3A_435 = arith.cmpi slt, %add3A_425, %lt3A_434 : i32
      %convert_element_type3A_436 = arith.extui %lt3A_435 : i1 to i32
      %cond3A_437 = arith.constant 0 : i32
      %cond3A_438 = arith.cmpi ne, %convert_element_type3A_436, %cond3A_437 : i32
      scf.if %cond3A_438 {
        %dma_start3A_775 = arith.constant 7 : i32
        %dma_start3A_776 = arith.constant 7 : i32
        %dma_start3A_777 = arith.constant 0 : i32
        %dma_start3A_778 = arith.constant 0 : i32
        %dma_start3A_779 = tpu.memref_slice %arg9[%dma_start3A_775, %dma_start3A_777, %dma_start3A_778] : memref<10x128x16xf32, #tpu.memory_space<vmem>> -> memref<1x128x16xf32, #tpu.memory_space<vmem>>
        %dma_start3A_780 = tpu.memref_squeeze %dma_start3A_779 : memref<1x128x16xf32, #tpu.memory_space<vmem>> -> memref<128x16xf32, #tpu.memory_space<vmem>>
        %dma_start3A_781 = arith.constant 0 : i32
        %dma_start3A_782 = tpu.memref_slice %arg7[%add3A_425, %dma_start3A_781] : memref<80x128xi32, #tpu.memory_space<vmem>> -> memref<1x128xi32, #tpu.memory_space<vmem>>
        %dma_start3A_783 = tpu.memref_squeeze %dma_start3A_782 : memref<1x128xi32, #tpu.memory_space<vmem>> -> memref<128xi32, #tpu.memory_space<vmem>>
        %dma_start3A_784 = arith.constant 0 : i32
        %dma_start3A_785 = arith.constant 0 : i32
        %dma_start3A_786 = tpu.memref_slice %arg2[%dma_start3A_784, %dma_start3A_785] : memref<10240x16xf32, #tpu.memory_space<hbm>> -> memref<10240x16xf32, #tpu.memory_space<hbm>>
        %dma_start3A_787 = tpu.memref_slice %arg11[%dma_start3A_776] : memref<10x!tpu.dma_semaphore, #tpu.memory_space<semaphore_mem>> -> memref<1x!tpu.dma_semaphore, #tpu.memory_space<semaphore_mem>>
        %dma_start3A_788 = tpu.memref_squeeze %dma_start3A_787 : memref<1x!tpu.dma_semaphore, #tpu.memory_space<semaphore_mem>> -> memref<!tpu.dma_semaphore, #tpu.memory_space<semaphore_mem>>
        tpu.enqueue_indirect_dma source(%dma_start3A_786 : memref<10240x16xf32, #tpu.memory_space<hbm>>) target(%dma_start3A_780 : memref<128x16xf32, #tpu.memory_space<vmem>>) offsets(%dma_start3A_783 : memref<128xi32, #tpu.memory_space<vmem>>) semaphore(%dma_start3A_788 : memref<!tpu.dma_semaphore, #tpu.memory_space<semaphore_mem>>)
      } else {
      }
      %mul3A_439 = arith.constant 10 : i32
      %mul3A_440 = arith.muli %scan3A_299, %mul3A_439 : i32
      %add3A_441 = arith.constant 3 : i32
      %add3A_442 = arith.addi %mul3A_440, %add3A_441 : i32
      %dma_wait3A_443 = arith.constant 0 : i32
      %dma_wait3A_444 = arith.constant 3 : i32
      %dma_wait3A_445 = arith.constant 3 : i32
      %dma_wait3A_446 = arith.constant 0 : i32
      %dma_wait3A_447 = arith.constant 0 : i32
      %dma_wait3A_448 = tpu.memref_slice %arg9[%dma_wait3A_444, %dma_wait3A_446, %dma_wait3A_447] : memref<10x128x16xf32, #tpu.memory_space<vmem>> -> memref<1x128x16xf32, #tpu.memory_space<vmem>>
      %dma_wait3A_449 = tpu.memref_squeeze %dma_wait3A_448 : memref<1x128x16xf32, #tpu.memory_space<vmem>> -> memref<128x16xf32, #tpu.memory_space<vmem>>
      %dma_wait3A_450 = arith.constant 0 : i32
      %dma_wait3A_451 = tpu.memref_slice %arg7[%dma_wait3A_443, %dma_wait3A_450] : memref<80x128xi32, #tpu.memory_space<vmem>> -> memref<1x128xi32, #tpu.memory_space<vmem>>
      %dma_wait3A_452 = tpu.memref_squeeze %dma_wait3A_451 : memref<1x128xi32, #tpu.memory_space<vmem>> -> memref<128xi32, #tpu.memory_space<vmem>>
      %dma_wait3A_453 = arith.constant 0 : i32
      %dma_wait3A_454 = arith.constant 0 : i32
      %dma_wait3A_455 = tpu.memref_slice %arg2[%dma_wait3A_453, %dma_wait3A_454] : memref<10240x16xf32, #tpu.memory_space<hbm>> -> memref<10240x16xf32, #tpu.memory_space<hbm>>
      %dma_wait3A_456 = tpu.memref_slice %arg11[%dma_wait3A_445] : memref<10x!tpu.dma_semaphore, #tpu.memory_space<semaphore_mem>> -> memref<1x!tpu.dma_semaphore, #tpu.memory_space<semaphore_mem>>
      %dma_wait3A_457 = tpu.memref_squeeze %dma_wait3A_456 : memref<1x!tpu.dma_semaphore, #tpu.memory_space<semaphore_mem>> -> memref<!tpu.dma_semaphore, #tpu.memory_space<semaphore_mem>>
      tpu.wait_indirect_dma semaphore(%dma_wait3A_457 : memref<!tpu.dma_semaphore, #tpu.memory_space<semaphore_mem>>) src(%dma_wait3A_455 : memref<10240x16xf32, #tpu.memory_space<hbm>>) dst(%dma_wait3A_449 : memref<128x16xf32, #tpu.memory_space<vmem>>)
      %dma_start3A_458 = arith.constant 3 : i32
      %dma_start3A_459 = arith.constant 3 : i32
      %dma_start3A_460 = arith.constant 0 : i32
      %dma_start3A_461 = arith.constant 0 : i32
      %dma_start3A_462 = tpu.memref_slice %arg9[%dma_start3A_458, %dma_start3A_460, %dma_start3A_461] : memref<10x128x16xf32, #tpu.memory_space<vmem>> -> memref<1x128x16xf32, #tpu.memory_space<vmem>>
      %dma_start3A_463 = tpu.memref_squeeze %dma_start3A_462 : memref<1x128x16xf32, #tpu.memory_space<vmem>> -> memref<128x16xf32, #tpu.memory_space<vmem>>
      %dma_start3A_464 = arith.constant 0 : i32
      %dma_start3A_465 = tpu.memref_slice %arg8[%add3A_442, %dma_start3A_464] : memref<80x128xi32, #tpu.memory_space<vmem>> -> memref<1x128xi32, #tpu.memory_space<vmem>>
      %dma_start3A_466 = tpu.memref_squeeze %dma_start3A_465 : memref<1x128xi32, #tpu.memory_space<vmem>> -> memref<128xi32, #tpu.memory_space<vmem>>
      %dma_start3A_467 = arith.constant 0 : i32
      %dma_start3A_468 = arith.constant 0 : i32
      %dma_start3A_469 = tpu.memref_slice %arg10[%dma_start3A_467, %dma_start3A_468] : memref<10240x16xf32, #tpu.memory_space<vmem_shared>> -> memref<10240x16xf32, #tpu.memory_space<vmem_shared>>
      %dma_start3A_470 = tpu.memref_slice %arg12[%dma_start3A_459] : memref<10x!tpu.dma_semaphore, #tpu.memory_space<semaphore_mem>> -> memref<1x!tpu.dma_semaphore, #tpu.memory_space<semaphore_mem>>
      %dma_start3A_471 = tpu.memref_squeeze %dma_start3A_470 : memref<1x!tpu.dma_semaphore, #tpu.memory_space<semaphore_mem>> -> memref<!tpu.dma_semaphore, #tpu.memory_space<semaphore_mem>>
      tpu.enqueue_indirect_dma source(%dma_start3A_463 : memref<128x16xf32, #tpu.memory_space<vmem>>) target(%dma_start3A_469 : memref<10240x16xf32, #tpu.memory_space<vmem_shared>>) offsets(%dma_start3A_466 : memref<128xi32, #tpu.memory_space<vmem>>) semaphore(%dma_start3A_471 : memref<!tpu.dma_semaphore, #tpu.memory_space<semaphore_mem>>) {add = true}
      %add3A_472 = arith.constant 5 : i32
      %add3A_473 = arith.addi %add3A_442, %add3A_472 : i32
      %ge3A_474 = arith.constant 10 : i32
      %ge3A_475 = arith.cmpi sge, %add3A_473, %ge3A_474 : i32
      %lt3A_476 = arith.constant 80 : i32
      %lt3A_477 = arith.cmpi slt, %add3A_473, %lt3A_476 : i32
      %and3A_478 = arith.andi %ge3A_475, %lt3A_477 : i1
      %convert_element_type3A_479 = arith.extui %and3A_478 : i1 to i32
      %cond3A_480 = arith.constant 0 : i32
      %cond3A_481 = arith.cmpi ne, %convert_element_type3A_479, %cond3A_480 : i32
      scf.if %cond3A_481 {
        %dma_wait3A_775 = arith.constant 8 : i32
        %dma_wait3A_776 = arith.constant 0 : i32
        %dma_wait3A_777 = arith.constant 8 : i32
        %dma_wait3A_778 = arith.constant 0 : i32
        %dma_wait3A_779 = arith.constant 0 : i32
        %dma_wait3A_780 = tpu.memref_slice %arg9[%dma_wait3A_775, %dma_wait3A_778, %dma_wait3A_779] : memref<10x128x16xf32, #tpu.memory_space<vmem>> -> memref<1x128x16xf32, #tpu.memory_space<vmem>>
        %dma_wait3A_781 = tpu.memref_squeeze %dma_wait3A_780 : memref<1x128x16xf32, #tpu.memory_space<vmem>> -> memref<128x16xf32, #tpu.memory_space<vmem>>
        %dma_wait3A_782 = arith.constant 0 : i32
        %dma_wait3A_783 = tpu.memref_slice %arg8[%dma_wait3A_776, %dma_wait3A_782] : memref<80x128xi32, #tpu.memory_space<vmem>> -> memref<1x128xi32, #tpu.memory_space<vmem>>
        %dma_wait3A_784 = tpu.memref_squeeze %dma_wait3A_783 : memref<1x128xi32, #tpu.memory_space<vmem>> -> memref<128xi32, #tpu.memory_space<vmem>>
        %dma_wait3A_785 = arith.constant 0 : i32
        %dma_wait3A_786 = arith.constant 0 : i32
        %dma_wait3A_787 = tpu.memref_slice %arg10[%dma_wait3A_785, %dma_wait3A_786] : memref<10240x16xf32, #tpu.memory_space<vmem_shared>> -> memref<10240x16xf32, #tpu.memory_space<vmem_shared>>
        %dma_wait3A_788 = tpu.memref_slice %arg12[%dma_wait3A_777] : memref<10x!tpu.dma_semaphore, #tpu.memory_space<semaphore_mem>> -> memref<1x!tpu.dma_semaphore, #tpu.memory_space<semaphore_mem>>
        %dma_wait3A_789 = tpu.memref_squeeze %dma_wait3A_788 : memref<1x!tpu.dma_semaphore, #tpu.memory_space<semaphore_mem>> -> memref<!tpu.dma_semaphore, #tpu.memory_space<semaphore_mem>>
        tpu.wait_indirect_dma semaphore(%dma_wait3A_789 : memref<!tpu.dma_semaphore, #tpu.memory_space<semaphore_mem>>) src(%dma_wait3A_781 : memref<128x16xf32, #tpu.memory_space<vmem>>) dst(%dma_wait3A_787 : memref<10240x16xf32, #tpu.memory_space<vmem_shared>>)
      } else {
      }
      %lt3A_482 = arith.constant 80 : i32
      %lt3A_483 = arith.cmpi slt, %add3A_473, %lt3A_482 : i32
      %convert_element_type3A_484 = arith.extui %lt3A_483 : i1 to i32
      %cond3A_485 = arith.constant 0 : i32
      %cond3A_486 = arith.cmpi ne, %convert_element_type3A_484, %cond3A_485 : i32
      scf.if %cond3A_486 {
        %dma_start3A_775 = arith.constant 8 : i32
        %dma_start3A_776 = arith.constant 8 : i32
        %dma_start3A_777 = arith.constant 0 : i32
        %dma_start3A_778 = arith.constant 0 : i32
        %dma_start3A_779 = tpu.memref_slice %arg9[%dma_start3A_775, %dma_start3A_777, %dma_start3A_778] : memref<10x128x16xf32, #tpu.memory_space<vmem>> -> memref<1x128x16xf32, #tpu.memory_space<vmem>>
        %dma_start3A_780 = tpu.memref_squeeze %dma_start3A_779 : memref<1x128x16xf32, #tpu.memory_space<vmem>> -> memref<128x16xf32, #tpu.memory_space<vmem>>
        %dma_start3A_781 = arith.constant 0 : i32
        %dma_start3A_782 = tpu.memref_slice %arg7[%add3A_473, %dma_start3A_781] : memref<80x128xi32, #tpu.memory_space<vmem>> -> memref<1x128xi32, #tpu.memory_space<vmem>>
        %dma_start3A_783 = tpu.memref_squeeze %dma_start3A_782 : memref<1x128xi32, #tpu.memory_space<vmem>> -> memref<128xi32, #tpu.memory_space<vmem>>
        %dma_start3A_784 = arith.constant 0 : i32
        %dma_start3A_785 = arith.constant 0 : i32
        %dma_start3A_786 = tpu.memref_slice %arg2[%dma_start3A_784, %dma_start3A_785] : memref<10240x16xf32, #tpu.memory_space<hbm>> -> memref<10240x16xf32, #tpu.memory_space<hbm>>
        %dma_start3A_787 = tpu.memref_slice %arg11[%dma_start3A_776] : memref<10x!tpu.dma_semaphore, #tpu.memory_space<semaphore_mem>> -> memref<1x!tpu.dma_semaphore, #tpu.memory_space<semaphore_mem>>
        %dma_start3A_788 = tpu.memref_squeeze %dma_start3A_787 : memref<1x!tpu.dma_semaphore, #tpu.memory_space<semaphore_mem>> -> memref<!tpu.dma_semaphore, #tpu.memory_space<semaphore_mem>>
        tpu.enqueue_indirect_dma source(%dma_start3A_786 : memref<10240x16xf32, #tpu.memory_space<hbm>>) target(%dma_start3A_780 : memref<128x16xf32, #tpu.memory_space<vmem>>) offsets(%dma_start3A_783 : memref<128xi32, #tpu.memory_space<vmem>>) semaphore(%dma_start3A_788 : memref<!tpu.dma_semaphore, #tpu.memory_space<semaphore_mem>>)
      } else {
      }
      %mul3A_487 = arith.constant 10 : i32
      %mul3A_488 = arith.muli %scan3A_299, %mul3A_487 : i32
      %add3A_489 = arith.constant 4 : i32
      %add3A_490 = arith.addi %mul3A_488, %add3A_489 : i32
      %dma_wait3A_491 = arith.constant 0 : i32
      %dma_wait3A_492 = arith.constant 4 : i32
      %dma_wait3A_493 = arith.constant 4 : i32
      %dma_wait3A_494 = arith.constant 0 : i32
      %dma_wait3A_495 = arith.constant 0 : i32
      %dma_wait3A_496 = tpu.memref_slice %arg9[%dma_wait3A_492, %dma_wait3A_494, %dma_wait3A_495] : memref<10x128x16xf32, #tpu.memory_space<vmem>> -> memref<1x128x16xf32, #tpu.memory_space<vmem>>
      %dma_wait3A_497 = tpu.memref_squeeze %dma_wait3A_496 : memref<1x128x16xf32, #tpu.memory_space<vmem>> -> memref<128x16xf32, #tpu.memory_space<vmem>>
      %dma_wait3A_498 = arith.constant 0 : i32
      %dma_wait3A_499 = tpu.memref_slice %arg7[%dma_wait3A_491, %dma_wait3A_498] : memref<80x128xi32, #tpu.memory_space<vmem>> -> memref<1x128xi32, #tpu.memory_space<vmem>>
      %dma_wait3A_500 = tpu.memref_squeeze %dma_wait3A_499 : memref<1x128xi32, #tpu.memory_space<vmem>> -> memref<128xi32, #tpu.memory_space<vmem>>
      %dma_wait3A_501 = arith.constant 0 : i32
      %dma_wait3A_502 = arith.constant 0 : i32
      %dma_wait3A_503 = tpu.memref_slice %arg2[%dma_wait3A_501, %dma_wait3A_502] : memref<10240x16xf32, #tpu.memory_space<hbm>> -> memref<10240x16xf32, #tpu.memory_space<hbm>>
      %dma_wait3A_504 = tpu.memref_slice %arg11[%dma_wait3A_493] : memref<10x!tpu.dma_semaphore, #tpu.memory_space<semaphore_mem>> -> memref<1x!tpu.dma_semaphore, #tpu.memory_space<semaphore_mem>>
      %dma_wait3A_505 = tpu.memref_squeeze %dma_wait3A_504 : memref<1x!tpu.dma_semaphore, #tpu.memory_space<semaphore_mem>> -> memref<!tpu.dma_semaphore, #tpu.memory_space<semaphore_mem>>
      tpu.wait_indirect_dma semaphore(%dma_wait3A_505 : memref<!tpu.dma_semaphore, #tpu.memory_space<semaphore_mem>>) src(%dma_wait3A_503 : memref<10240x16xf32, #tpu.memory_space<hbm>>) dst(%dma_wait3A_497 : memref<128x16xf32, #tpu.memory_space<vmem>>)
      %dma_start3A_506 = arith.constant 4 : i32
      %dma_start3A_507 = arith.constant 4 : i32
      %dma_start3A_508 = arith.constant 0 : i32
      %dma_start3A_509 = arith.constant 0 : i32
      %dma_start3A_510 = tpu.memref_slice %arg9[%dma_start3A_506, %dma_start3A_508, %dma_start3A_509] : memref<10x128x16xf32, #tpu.memory_space<vmem>> -> memref<1x128x16xf32, #tpu.memory_space<vmem>>
      %dma_start3A_511 = tpu.memref_squeeze %dma_start3A_510 : memref<1x128x16xf32, #tpu.memory_space<vmem>> -> memref<128x16xf32, #tpu.memory_space<vmem>>
      %dma_start3A_512 = arith.constant 0 : i32
      %dma_start3A_513 = tpu.memref_slice %arg8[%add3A_490, %dma_start3A_512] : memref<80x128xi32, #tpu.memory_space<vmem>> -> memref<1x128xi32, #tpu.memory_space<vmem>>
      %dma_start3A_514 = tpu.memref_squeeze %dma_start3A_513 : memref<1x128xi32, #tpu.memory_space<vmem>> -> memref<128xi32, #tpu.memory_space<vmem>>
      %dma_start3A_515 = arith.constant 0 : i32
      %dma_start3A_516 = arith.constant 0 : i32
      %dma_start3A_517 = tpu.memref_slice %arg10[%dma_start3A_515, %dma_start3A_516] : memref<10240x16xf32, #tpu.memory_space<vmem_shared>> -> memref<10240x16xf32, #tpu.memory_space<vmem_shared>>
      %dma_start3A_518 = tpu.memref_slice %arg12[%dma_start3A_507] : memref<10x!tpu.dma_semaphore, #tpu.memory_space<semaphore_mem>> -> memref<1x!tpu.dma_semaphore, #tpu.memory_space<semaphore_mem>>
      %dma_start3A_519 = tpu.memref_squeeze %dma_start3A_518 : memref<1x!tpu.dma_semaphore, #tpu.memory_space<semaphore_mem>> -> memref<!tpu.dma_semaphore, #tpu.memory_space<semaphore_mem>>
      tpu.enqueue_indirect_dma source(%dma_start3A_511 : memref<128x16xf32, #tpu.memory_space<vmem>>) target(%dma_start3A_517 : memref<10240x16xf32, #tpu.memory_space<vmem_shared>>) offsets(%dma_start3A_514 : memref<128xi32, #tpu.memory_space<vmem>>) semaphore(%dma_start3A_519 : memref<!tpu.dma_semaphore, #tpu.memory_space<semaphore_mem>>) {add = true}
      %add3A_520 = arith.constant 5 : i32
      %add3A_521 = arith.addi %add3A_490, %add3A_520 : i32
      %ge3A_522 = arith.constant 10 : i32
      %ge3A_523 = arith.cmpi sge, %add3A_521, %ge3A_522 : i32
      %lt3A_524 = arith.constant 80 : i32
      %lt3A_525 = arith.cmpi slt, %add3A_521, %lt3A_524 : i32
      %and3A_526 = arith.andi %ge3A_523, %lt3A_525 : i1
      %convert_element_type3A_527 = arith.extui %and3A_526 : i1 to i32
      %cond3A_528 = arith.constant 0 : i32
      %cond3A_529 = arith.cmpi ne, %convert_element_type3A_527, %cond3A_528 : i32
      scf.if %cond3A_529 {
        %dma_wait3A_775 = arith.constant 9 : i32
        %dma_wait3A_776 = arith.constant 0 : i32
        %dma_wait3A_777 = arith.constant 9 : i32
        %dma_wait3A_778 = arith.constant 0 : i32
        %dma_wait3A_779 = arith.constant 0 : i32
        %dma_wait3A_780 = tpu.memref_slice %arg9[%dma_wait3A_775, %dma_wait3A_778, %dma_wait3A_779] : memref<10x128x16xf32, #tpu.memory_space<vmem>> -> memref<1x128x16xf32, #tpu.memory_space<vmem>>
        %dma_wait3A_781 = tpu.memref_squeeze %dma_wait3A_780 : memref<1x128x16xf32, #tpu.memory_space<vmem>> -> memref<128x16xf32, #tpu.memory_space<vmem>>
        %dma_wait3A_782 = arith.constant 0 : i32
        %dma_wait3A_783 = tpu.memref_slice %arg8[%dma_wait3A_776, %dma_wait3A_782] : memref<80x128xi32, #tpu.memory_space<vmem>> -> memref<1x128xi32, #tpu.memory_space<vmem>>
        %dma_wait3A_784 = tpu.memref_squeeze %dma_wait3A_783 : memref<1x128xi32, #tpu.memory_space<vmem>> -> memref<128xi32, #tpu.memory_space<vmem>>
        %dma_wait3A_785 = arith.constant 0 : i32
        %dma_wait3A_786 = arith.constant 0 : i32
        %dma_wait3A_787 = tpu.memref_slice %arg10[%dma_wait3A_785, %dma_wait3A_786] : memref<10240x16xf32, #tpu.memory_space<vmem_shared>> -> memref<10240x16xf32, #tpu.memory_space<vmem_shared>>
        %dma_wait3A_788 = tpu.memref_slice %arg12[%dma_wait3A_777] : memref<10x!tpu.dma_semaphore, #tpu.memory_space<semaphore_mem>> -> memref<1x!tpu.dma_semaphore, #tpu.memory_space<semaphore_mem>>
        %dma_wait3A_789 = tpu.memref_squeeze %dma_wait3A_788 : memref<1x!tpu.dma_semaphore, #tpu.memory_space<semaphore_mem>> -> memref<!tpu.dma_semaphore, #tpu.memory_space<semaphore_mem>>
        tpu.wait_indirect_dma semaphore(%dma_wait3A_789 : memref<!tpu.dma_semaphore, #tpu.memory_space<semaphore_mem>>) src(%dma_wait3A_781 : memref<128x16xf32, #tpu.memory_space<vmem>>) dst(%dma_wait3A_787 : memref<10240x16xf32, #tpu.memory_space<vmem_shared>>)
      } else {
      }
      %lt3A_530 = arith.constant 80 : i32
      %lt3A_531 = arith.cmpi slt, %add3A_521, %lt3A_530 : i32
      %convert_element_type3A_532 = arith.extui %lt3A_531 : i1 to i32
      %cond3A_533 = arith.constant 0 : i32
      %cond3A_534 = arith.cmpi ne, %convert_element_type3A_532, %cond3A_533 : i32
      scf.if %cond3A_534 {
        %dma_start3A_775 = arith.constant 9 : i32
        %dma_start3A_776 = arith.constant 9 : i32
        %dma_start3A_777 = arith.constant 0 : i32
        %dma_start3A_778 = arith.constant 0 : i32
        %dma_start3A_779 = tpu.memref_slice %arg9[%dma_start3A_775, %dma_start3A_777, %dma_start3A_778] : memref<10x128x16xf32, #tpu.memory_space<vmem>> -> memref<1x128x16xf32, #tpu.memory_space<vmem>>
        %dma_start3A_780 = tpu.memref_squeeze %dma_start3A_779 : memref<1x128x16xf32, #tpu.memory_space<vmem>> -> memref<128x16xf32, #tpu.memory_space<vmem>>
        %dma_start3A_781 = arith.constant 0 : i32
        %dma_start3A_782 = tpu.memref_slice %arg7[%add3A_521, %dma_start3A_781] : memref<80x128xi32, #tpu.memory_space<vmem>> -> memref<1x128xi32, #tpu.memory_space<vmem>>
        %dma_start3A_783 = tpu.memref_squeeze %dma_start3A_782 : memref<1x128xi32, #tpu.memory_space<vmem>> -> memref<128xi32, #tpu.memory_space<vmem>>
        %dma_start3A_784 = arith.constant 0 : i32
        %dma_start3A_785 = arith.constant 0 : i32
        %dma_start3A_786 = tpu.memref_slice %arg2[%dma_start3A_784, %dma_start3A_785] : memref<10240x16xf32, #tpu.memory_space<hbm>> -> memref<10240x16xf32, #tpu.memory_space<hbm>>
        %dma_start3A_787 = tpu.memref_slice %arg11[%dma_start3A_776] : memref<10x!tpu.dma_semaphore, #tpu.memory_space<semaphore_mem>> -> memref<1x!tpu.dma_semaphore, #tpu.memory_space<semaphore_mem>>
        %dma_start3A_788 = tpu.memref_squeeze %dma_start3A_787 : memref<1x!tpu.dma_semaphore, #tpu.memory_space<semaphore_mem>> -> memref<!tpu.dma_semaphore, #tpu.memory_space<semaphore_mem>>
        tpu.enqueue_indirect_dma source(%dma_start3A_786 : memref<10240x16xf32, #tpu.memory_space<hbm>>) target(%dma_start3A_780 : memref<128x16xf32, #tpu.memory_space<vmem>>) offsets(%dma_start3A_783 : memref<128xi32, #tpu.memory_space<vmem>>) semaphore(%dma_start3A_788 : memref<!tpu.dma_semaphore, #tpu.memory_space<semaphore_mem>>)
      } else {
      }
      %mul3A_535 = arith.constant 10 : i32
      %mul3A_536 = arith.muli %scan3A_299, %mul3A_535 : i32
      %add3A_537 = arith.constant 5 : i32
      %add3A_538 = arith.addi %mul3A_536, %add3A_537 : i32
      %dma_wait3A_539 = arith.constant 0 : i32
      %dma_wait3A_540 = arith.constant 5 : i32
      %dma_wait3A_541 = arith.constant 5 : i32
      %dma_wait3A_542 = arith.constant 0 : i32
      %dma_wait3A_543 = arith.constant 0 : i32
      %dma_wait3A_544 = tpu.memref_slice %arg9[%dma_wait3A_540, %dma_wait3A_542, %dma_wait3A_543] : memref<10x128x16xf32, #tpu.memory_space<vmem>> -> memref<1x128x16xf32, #tpu.memory_space<vmem>>
      %dma_wait3A_545 = tpu.memref_squeeze %dma_wait3A_544 : memref<1x128x16xf32, #tpu.memory_space<vmem>> -> memref<128x16xf32, #tpu.memory_space<vmem>>
      %dma_wait3A_546 = arith.constant 0 : i32
      %dma_wait3A_547 = tpu.memref_slice %arg7[%dma_wait3A_539, %dma_wait3A_546] : memref<80x128xi32, #tpu.memory_space<vmem>> -> memref<1x128xi32, #tpu.memory_space<vmem>>
      %dma_wait3A_548 = tpu.memref_squeeze %dma_wait3A_547 : memref<1x128xi32, #tpu.memory_space<vmem>> -> memref<128xi32, #tpu.memory_space<vmem>>
      %dma_wait3A_549 = arith.constant 0 : i32
      %dma_wait3A_550 = arith.constant 0 : i32
      %dma_wait3A_551 = tpu.memref_slice %arg2[%dma_wait3A_549, %dma_wait3A_550] : memref<10240x16xf32, #tpu.memory_space<hbm>> -> memref<10240x16xf32, #tpu.memory_space<hbm>>
      %dma_wait3A_552 = tpu.memref_slice %arg11[%dma_wait3A_541] : memref<10x!tpu.dma_semaphore, #tpu.memory_space<semaphore_mem>> -> memref<1x!tpu.dma_semaphore, #tpu.memory_space<semaphore_mem>>
      %dma_wait3A_553 = tpu.memref_squeeze %dma_wait3A_552 : memref<1x!tpu.dma_semaphore, #tpu.memory_space<semaphore_mem>> -> memref<!tpu.dma_semaphore, #tpu.memory_space<semaphore_mem>>
      tpu.wait_indirect_dma semaphore(%dma_wait3A_553 : memref<!tpu.dma_semaphore, #tpu.memory_space<semaphore_mem>>) src(%dma_wait3A_551 : memref<10240x16xf32, #tpu.memory_space<hbm>>) dst(%dma_wait3A_545 : memref<128x16xf32, #tpu.memory_space<vmem>>)
      %dma_start3A_554 = arith.constant 5 : i32
      %dma_start3A_555 = arith.constant 5 : i32
      %dma_start3A_556 = arith.constant 0 : i32
      %dma_start3A_557 = arith.constant 0 : i32
      %dma_start3A_558 = tpu.memref_slice %arg9[%dma_start3A_554, %dma_start3A_556, %dma_start3A_557] : memref<10x128x16xf32, #tpu.memory_space<vmem>> -> memref<1x128x16xf32, #tpu.memory_space<vmem>>
      %dma_start3A_559 = tpu.memref_squeeze %dma_start3A_558 : memref<1x128x16xf32, #tpu.memory_space<vmem>> -> memref<128x16xf32, #tpu.memory_space<vmem>>
      %dma_start3A_560 = arith.constant 0 : i32
      %dma_start3A_561 = tpu.memref_slice %arg8[%add3A_538, %dma_start3A_560] : memref<80x128xi32, #tpu.memory_space<vmem>> -> memref<1x128xi32, #tpu.memory_space<vmem>>
      %dma_start3A_562 = tpu.memref_squeeze %dma_start3A_561 : memref<1x128xi32, #tpu.memory_space<vmem>> -> memref<128xi32, #tpu.memory_space<vmem>>
      %dma_start3A_563 = arith.constant 0 : i32
      %dma_start3A_564 = arith.constant 0 : i32
      %dma_start3A_565 = tpu.memref_slice %arg10[%dma_start3A_563, %dma_start3A_564] : memref<10240x16xf32, #tpu.memory_space<vmem_shared>> -> memref<10240x16xf32, #tpu.memory_space<vmem_shared>>
      %dma_start3A_566 = tpu.memref_slice %arg12[%dma_start3A_555] : memref<10x!tpu.dma_semaphore, #tpu.memory_space<semaphore_mem>> -> memref<1x!tpu.dma_semaphore, #tpu.memory_space<semaphore_mem>>
      %dma_start3A_567 = tpu.memref_squeeze %dma_start3A_566 : memref<1x!tpu.dma_semaphore, #tpu.memory_space<semaphore_mem>> -> memref<!tpu.dma_semaphore, #tpu.memory_space<semaphore_mem>>
      tpu.enqueue_indirect_dma source(%dma_start3A_559 : memref<128x16xf32, #tpu.memory_space<vmem>>) target(%dma_start3A_565 : memref<10240x16xf32, #tpu.memory_space<vmem_shared>>) offsets(%dma_start3A_562 : memref<128xi32, #tpu.memory_space<vmem>>) semaphore(%dma_start3A_567 : memref<!tpu.dma_semaphore, #tpu.memory_space<semaphore_mem>>) {add = true}
      %add3A_568 = arith.constant 5 : i32
      %add3A_569 = arith.addi %add3A_538, %add3A_568 : i32
      %ge3A_570 = arith.constant 10 : i32
      %ge3A_571 = arith.cmpi sge, %add3A_569, %ge3A_570 : i32
      %lt3A_572 = arith.constant 80 : i32
      %lt3A_573 = arith.cmpi slt, %add3A_569, %lt3A_572 : i32
      %and3A_574 = arith.andi %ge3A_571, %lt3A_573 : i1
      %convert_element_type3A_575 = arith.extui %and3A_574 : i1 to i32
      %cond3A_576 = arith.constant 0 : i32
      %cond3A_577 = arith.cmpi ne, %convert_element_type3A_575, %cond3A_576 : i32
      scf.if %cond3A_577 {
        %dma_wait3A_775 = arith.constant 0 : i32
        %dma_wait3A_776 = arith.constant 0 : i32
        %dma_wait3A_777 = arith.constant 0 : i32
        %dma_wait3A_778 = arith.constant 0 : i32
        %dma_wait3A_779 = arith.constant 0 : i32
        %dma_wait3A_780 = tpu.memref_slice %arg9[%dma_wait3A_775, %dma_wait3A_778, %dma_wait3A_779] : memref<10x128x16xf32, #tpu.memory_space<vmem>> -> memref<1x128x16xf32, #tpu.memory_space<vmem>>
        %dma_wait3A_781 = tpu.memref_squeeze %dma_wait3A_780 : memref<1x128x16xf32, #tpu.memory_space<vmem>> -> memref<128x16xf32, #tpu.memory_space<vmem>>
        %dma_wait3A_782 = arith.constant 0 : i32
        %dma_wait3A_783 = tpu.memref_slice %arg8[%dma_wait3A_776, %dma_wait3A_782] : memref<80x128xi32, #tpu.memory_space<vmem>> -> memref<1x128xi32, #tpu.memory_space<vmem>>
        %dma_wait3A_784 = tpu.memref_squeeze %dma_wait3A_783 : memref<1x128xi32, #tpu.memory_space<vmem>> -> memref<128xi32, #tpu.memory_space<vmem>>
        %dma_wait3A_785 = arith.constant 0 : i32
        %dma_wait3A_786 = arith.constant 0 : i32
        %dma_wait3A_787 = tpu.memref_slice %arg10[%dma_wait3A_785, %dma_wait3A_786] : memref<10240x16xf32, #tpu.memory_space<vmem_shared>> -> memref<10240x16xf32, #tpu.memory_space<vmem_shared>>
        %dma_wait3A_788 = tpu.memref_slice %arg12[%dma_wait3A_777] : memref<10x!tpu.dma_semaphore, #tpu.memory_space<semaphore_mem>> -> memref<1x!tpu.dma_semaphore, #tpu.memory_space<semaphore_mem>>
        %dma_wait3A_789 = tpu.memref_squeeze %dma_wait3A_788 : memref<1x!tpu.dma_semaphore, #tpu.memory_space<semaphore_mem>> -> memref<!tpu.dma_semaphore, #tpu.memory_space<semaphore_mem>>
        tpu.wait_indirect_dma semaphore(%dma_wait3A_789 : memref<!tpu.dma_semaphore, #tpu.memory_space<semaphore_mem>>) src(%dma_wait3A_781 : memref<128x16xf32, #tpu.memory_space<vmem>>) dst(%dma_wait3A_787 : memref<10240x16xf32, #tpu.memory_space<vmem_shared>>)
      } else {
      }
      %lt3A_578 = arith.constant 80 : i32
      %lt3A_579 = arith.cmpi slt, %add3A_569, %lt3A_578 : i32
      %convert_element_type3A_580 = arith.extui %lt3A_579 : i1 to i32
      %cond3A_581 = arith.constant 0 : i32
      %cond3A_582 = arith.cmpi ne, %convert_element_type3A_580, %cond3A_581 : i32
      scf.if %cond3A_582 {
        %dma_start3A_775 = arith.constant 0 : i32
        %dma_start3A_776 = arith.constant 0 : i32
        %dma_start3A_777 = arith.constant 0 : i32
        %dma_start3A_778 = arith.constant 0 : i32
        %dma_start3A_779 = tpu.memref_slice %arg9[%dma_start3A_775, %dma_start3A_777, %dma_start3A_778] : memref<10x128x16xf32, #tpu.memory_space<vmem>> -> memref<1x128x16xf32, #tpu.memory_space<vmem>>
        %dma_start3A_780 = tpu.memref_squeeze %dma_start3A_779 : memref<1x128x16xf32, #tpu.memory_space<vmem>> -> memref<128x16xf32, #tpu.memory_space<vmem>>
        %dma_start3A_781 = arith.constant 0 : i32
        %dma_start3A_782 = tpu.memref_slice %arg7[%add3A_569, %dma_start3A_781] : memref<80x128xi32, #tpu.memory_space<vmem>> -> memref<1x128xi32, #tpu.memory_space<vmem>>
        %dma_start3A_783 = tpu.memref_squeeze %dma_start3A_782 : memref<1x128xi32, #tpu.memory_space<vmem>> -> memref<128xi32, #tpu.memory_space<vmem>>
        %dma_start3A_784 = arith.constant 0 : i32
        %dma_start3A_785 = arith.constant 0 : i32
        %dma_start3A_786 = tpu.memref_slice %arg2[%dma_start3A_784, %dma_start3A_785] : memref<10240x16xf32, #tpu.memory_space<hbm>> -> memref<10240x16xf32, #tpu.memory_space<hbm>>
        %dma_start3A_787 = tpu.memref_slice %arg11[%dma_start3A_776] : memref<10x!tpu.dma_semaphore, #tpu.memory_space<semaphore_mem>> -> memref<1x!tpu.dma_semaphore, #tpu.memory_space<semaphore_mem>>
        %dma_start3A_788 = tpu.memref_squeeze %dma_start3A_787 : memref<1x!tpu.dma_semaphore, #tpu.memory_space<semaphore_mem>> -> memref<!tpu.dma_semaphore, #tpu.memory_space<semaphore_mem>>
        tpu.enqueue_indirect_dma source(%dma_start3A_786 : memref<10240x16xf32, #tpu.memory_space<hbm>>) target(%dma_start3A_780 : memref<128x16xf32, #tpu.memory_space<vmem>>) offsets(%dma_start3A_783 : memref<128xi32, #tpu.memory_space<vmem>>) semaphore(%dma_start3A_788 : memref<!tpu.dma_semaphore, #tpu.memory_space<semaphore_mem>>)
      } else {
      }
      %mul3A_583 = arith.constant 10 : i32
      %mul3A_584 = arith.muli %scan3A_299, %mul3A_583 : i32
      %add3A_585 = arith.constant 6 : i32
      %add3A_586 = arith.addi %mul3A_584, %add3A_585 : i32
      %dma_wait3A_587 = arith.constant 0 : i32
      %dma_wait3A_588 = arith.constant 6 : i32
      %dma_wait3A_589 = arith.constant 6 : i32
      %dma_wait3A_590 = arith.constant 0 : i32
      %dma_wait3A_591 = arith.constant 0 : i32
      %dma_wait3A_592 = tpu.memref_slice %arg9[%dma_wait3A_588, %dma_wait3A_590, %dma_wait3A_591] : memref<10x128x16xf32, #tpu.memory_space<vmem>> -> memref<1x128x16xf32, #tpu.memory_space<vmem>>
      %dma_wait3A_593 = tpu.memref_squeeze %dma_wait3A_592 : memref<1x128x16xf32, #tpu.memory_space<vmem>> -> memref<128x16xf32, #tpu.memory_space<vmem>>
      %dma_wait3A_594 = arith.constant 0 : i32
      %dma_wait3A_595 = tpu.memref_slice %arg7[%dma_wait3A_587, %dma_wait3A_594] : memref<80x128xi32, #tpu.memory_space<vmem>> -> memref<1x128xi32, #tpu.memory_space<vmem>>
      %dma_wait3A_596 = tpu.memref_squeeze %dma_wait3A_595 : memref<1x128xi32, #tpu.memory_space<vmem>> -> memref<128xi32, #tpu.memory_space<vmem>>
      %dma_wait3A_597 = arith.constant 0 : i32
      %dma_wait3A_598 = arith.constant 0 : i32
      %dma_wait3A_599 = tpu.memref_slice %arg2[%dma_wait3A_597, %dma_wait3A_598] : memref<10240x16xf32, #tpu.memory_space<hbm>> -> memref<10240x16xf32, #tpu.memory_space<hbm>>
      %dma_wait3A_600 = tpu.memref_slice %arg11[%dma_wait3A_589] : memref<10x!tpu.dma_semaphore, #tpu.memory_space<semaphore_mem>> -> memref<1x!tpu.dma_semaphore, #tpu.memory_space<semaphore_mem>>
      %dma_wait3A_601 = tpu.memref_squeeze %dma_wait3A_600 : memref<1x!tpu.dma_semaphore, #tpu.memory_space<semaphore_mem>> -> memref<!tpu.dma_semaphore, #tpu.memory_space<semaphore_mem>>
      tpu.wait_indirect_dma semaphore(%dma_wait3A_601 : memref<!tpu.dma_semaphore, #tpu.memory_space<semaphore_mem>>) src(%dma_wait3A_599 : memref<10240x16xf32, #tpu.memory_space<hbm>>) dst(%dma_wait3A_593 : memref<128x16xf32, #tpu.memory_space<vmem>>)
      %dma_start3A_602 = arith.constant 6 : i32
      %dma_start3A_603 = arith.constant 6 : i32
      %dma_start3A_604 = arith.constant 0 : i32
      %dma_start3A_605 = arith.constant 0 : i32
      %dma_start3A_606 = tpu.memref_slice %arg9[%dma_start3A_602, %dma_start3A_604, %dma_start3A_605] : memref<10x128x16xf32, #tpu.memory_space<vmem>> -> memref<1x128x16xf32, #tpu.memory_space<vmem>>
      %dma_start3A_607 = tpu.memref_squeeze %dma_start3A_606 : memref<1x128x16xf32, #tpu.memory_space<vmem>> -> memref<128x16xf32, #tpu.memory_space<vmem>>
      %dma_start3A_608 = arith.constant 0 : i32
      %dma_start3A_609 = tpu.memref_slice %arg8[%add3A_586, %dma_start3A_608] : memref<80x128xi32, #tpu.memory_space<vmem>> -> memref<1x128xi32, #tpu.memory_space<vmem>>
      %dma_start3A_610 = tpu.memref_squeeze %dma_start3A_609 : memref<1x128xi32, #tpu.memory_space<vmem>> -> memref<128xi32, #tpu.memory_space<vmem>>
      %dma_start3A_611 = arith.constant 0 : i32
      %dma_start3A_612 = arith.constant 0 : i32
      %dma_start3A_613 = tpu.memref_slice %arg10[%dma_start3A_611, %dma_start3A_612] : memref<10240x16xf32, #tpu.memory_space<vmem_shared>> -> memref<10240x16xf32, #tpu.memory_space<vmem_shared>>
      %dma_start3A_614 = tpu.memref_slice %arg12[%dma_start3A_603] : memref<10x!tpu.dma_semaphore, #tpu.memory_space<semaphore_mem>> -> memref<1x!tpu.dma_semaphore, #tpu.memory_space<semaphore_mem>>
      %dma_start3A_615 = tpu.memref_squeeze %dma_start3A_614 : memref<1x!tpu.dma_semaphore, #tpu.memory_space<semaphore_mem>> -> memref<!tpu.dma_semaphore, #tpu.memory_space<semaphore_mem>>
      tpu.enqueue_indirect_dma source(%dma_start3A_607 : memref<128x16xf32, #tpu.memory_space<vmem>>) target(%dma_start3A_613 : memref<10240x16xf32, #tpu.memory_space<vmem_shared>>) offsets(%dma_start3A_610 : memref<128xi32, #tpu.memory_space<vmem>>) semaphore(%dma_start3A_615 : memref<!tpu.dma_semaphore, #tpu.memory_space<semaphore_mem>>) {add = true}
      %add3A_616 = arith.constant 5 : i32
      %add3A_617 = arith.addi %add3A_586, %add3A_616 : i32
      %ge3A_618 = arith.constant 10 : i32
      %ge3A_619 = arith.cmpi sge, %add3A_617, %ge3A_618 : i32
      %lt3A_620 = arith.constant 80 : i32
      %lt3A_621 = arith.cmpi slt, %add3A_617, %lt3A_620 : i32
      %and3A_622 = arith.andi %ge3A_619, %lt3A_621 : i1
      %convert_element_type3A_623 = arith.extui %and3A_622 : i1 to i32
      %cond3A_624 = arith.constant 0 : i32
      %cond3A_625 = arith.cmpi ne, %convert_element_type3A_623, %cond3A_624 : i32
      scf.if %cond3A_625 {
        %dma_wait3A_775 = arith.constant 1 : i32
        %dma_wait3A_776 = arith.constant 0 : i32
        %dma_wait3A_777 = arith.constant 1 : i32
        %dma_wait3A_778 = arith.constant 0 : i32
        %dma_wait3A_779 = arith.constant 0 : i32
        %dma_wait3A_780 = tpu.memref_slice %arg9[%dma_wait3A_775, %dma_wait3A_778, %dma_wait3A_779] : memref<10x128x16xf32, #tpu.memory_space<vmem>> -> memref<1x128x16xf32, #tpu.memory_space<vmem>>
        %dma_wait3A_781 = tpu.memref_squeeze %dma_wait3A_780 : memref<1x128x16xf32, #tpu.memory_space<vmem>> -> memref<128x16xf32, #tpu.memory_space<vmem>>
        %dma_wait3A_782 = arith.constant 0 : i32
        %dma_wait3A_783 = tpu.memref_slice %arg8[%dma_wait3A_776, %dma_wait3A_782] : memref<80x128xi32, #tpu.memory_space<vmem>> -> memref<1x128xi32, #tpu.memory_space<vmem>>
        %dma_wait3A_784 = tpu.memref_squeeze %dma_wait3A_783 : memref<1x128xi32, #tpu.memory_space<vmem>> -> memref<128xi32, #tpu.memory_space<vmem>>
        %dma_wait3A_785 = arith.constant 0 : i32
        %dma_wait3A_786 = arith.constant 0 : i32
        %dma_wait3A_787 = tpu.memref_slice %arg10[%dma_wait3A_785, %dma_wait3A_786] : memref<10240x16xf32, #tpu.memory_space<vmem_shared>> -> memref<10240x16xf32, #tpu.memory_space<vmem_shared>>
        %dma_wait3A_788 = tpu.memref_slice %arg12[%dma_wait3A_777] : memref<10x!tpu.dma_semaphore, #tpu.memory_space<semaphore_mem>> -> memref<1x!tpu.dma_semaphore, #tpu.memory_space<semaphore_mem>>
        %dma_wait3A_789 = tpu.memref_squeeze %dma_wait3A_788 : memref<1x!tpu.dma_semaphore, #tpu.memory_space<semaphore_mem>> -> memref<!tpu.dma_semaphore, #tpu.memory_space<semaphore_mem>>
        tpu.wait_indirect_dma semaphore(%dma_wait3A_789 : memref<!tpu.dma_semaphore, #tpu.memory_space<semaphore_mem>>) src(%dma_wait3A_781 : memref<128x16xf32, #tpu.memory_space<vmem>>) dst(%dma_wait3A_787 : memref<10240x16xf32, #tpu.memory_space<vmem_shared>>)
      } else {
      }
      %lt3A_626 = arith.constant 80 : i32
      %lt3A_627 = arith.cmpi slt, %add3A_617, %lt3A_626 : i32
      %convert_element_type3A_628 = arith.extui %lt3A_627 : i1 to i32
      %cond3A_629 = arith.constant 0 : i32
      %cond3A_630 = arith.cmpi ne, %convert_element_type3A_628, %cond3A_629 : i32
      scf.if %cond3A_630 {
        %dma_start3A_775 = arith.constant 1 : i32
        %dma_start3A_776 = arith.constant 1 : i32
        %dma_start3A_777 = arith.constant 0 : i32
        %dma_start3A_778 = arith.constant 0 : i32
        %dma_start3A_779 = tpu.memref_slice %arg9[%dma_start3A_775, %dma_start3A_777, %dma_start3A_778] : memref<10x128x16xf32, #tpu.memory_space<vmem>> -> memref<1x128x16xf32, #tpu.memory_space<vmem>>
        %dma_start3A_780 = tpu.memref_squeeze %dma_start3A_779 : memref<1x128x16xf32, #tpu.memory_space<vmem>> -> memref<128x16xf32, #tpu.memory_space<vmem>>
        %dma_start3A_781 = arith.constant 0 : i32
        %dma_start3A_782 = tpu.memref_slice %arg7[%add3A_617, %dma_start3A_781] : memref<80x128xi32, #tpu.memory_space<vmem>> -> memref<1x128xi32, #tpu.memory_space<vmem>>
        %dma_start3A_783 = tpu.memref_squeeze %dma_start3A_782 : memref<1x128xi32, #tpu.memory_space<vmem>> -> memref<128xi32, #tpu.memory_space<vmem>>
        %dma_start3A_784 = arith.constant 0 : i32
        %dma_start3A_785 = arith.constant 0 : i32
        %dma_start3A_786 = tpu.memref_slice %arg2[%dma_start3A_784, %dma_start3A_785] : memref<10240x16xf32, #tpu.memory_space<hbm>> -> memref<10240x16xf32, #tpu.memory_space<hbm>>
        %dma_start3A_787 = tpu.memref_slice %arg11[%dma_start3A_776] : memref<10x!tpu.dma_semaphore, #tpu.memory_space<semaphore_mem>> -> memref<1x!tpu.dma_semaphore, #tpu.memory_space<semaphore_mem>>
        %dma_start3A_788 = tpu.memref_squeeze %dma_start3A_787 : memref<1x!tpu.dma_semaphore, #tpu.memory_space<semaphore_mem>> -> memref<!tpu.dma_semaphore, #tpu.memory_space<semaphore_mem>>
        tpu.enqueue_indirect_dma source(%dma_start3A_786 : memref<10240x16xf32, #tpu.memory_space<hbm>>) target(%dma_start3A_780 : memref<128x16xf32, #tpu.memory_space<vmem>>) offsets(%dma_start3A_783 : memref<128xi32, #tpu.memory_space<vmem>>) semaphore(%dma_start3A_788 : memref<!tpu.dma_semaphore, #tpu.memory_space<semaphore_mem>>)
      } else {
      }
      %mul3A_631 = arith.constant 10 : i32
      %mul3A_632 = arith.muli %scan3A_299, %mul3A_631 : i32
      %add3A_633 = arith.constant 7 : i32
      %add3A_634 = arith.addi %mul3A_632, %add3A_633 : i32
      %dma_wait3A_635 = arith.constant 0 : i32
      %dma_wait3A_636 = arith.constant 7 : i32
      %dma_wait3A_637 = arith.constant 7 : i32
      %dma_wait3A_638 = arith.constant 0 : i32
      %dma_wait3A_639 = arith.constant 0 : i32
      %dma_wait3A_640 = tpu.memref_slice %arg9[%dma_wait3A_636, %dma_wait3A_638, %dma_wait3A_639] : memref<10x128x16xf32, #tpu.memory_space<vmem>> -> memref<1x128x16xf32, #tpu.memory_space<vmem>>
      %dma_wait3A_641 = tpu.memref_squeeze %dma_wait3A_640 : memref<1x128x16xf32, #tpu.memory_space<vmem>> -> memref<128x16xf32, #tpu.memory_space<vmem>>
      %dma_wait3A_642 = arith.constant 0 : i32
      %dma_wait3A_643 = tpu.memref_slice %arg7[%dma_wait3A_635, %dma_wait3A_642] : memref<80x128xi32, #tpu.memory_space<vmem>> -> memref<1x128xi32, #tpu.memory_space<vmem>>
      %dma_wait3A_644 = tpu.memref_squeeze %dma_wait3A_643 : memref<1x128xi32, #tpu.memory_space<vmem>> -> memref<128xi32, #tpu.memory_space<vmem>>
      %dma_wait3A_645 = arith.constant 0 : i32
      %dma_wait3A_646 = arith.constant 0 : i32
      %dma_wait3A_647 = tpu.memref_slice %arg2[%dma_wait3A_645, %dma_wait3A_646] : memref<10240x16xf32, #tpu.memory_space<hbm>> -> memref<10240x16xf32, #tpu.memory_space<hbm>>
      %dma_wait3A_648 = tpu.memref_slice %arg11[%dma_wait3A_637] : memref<10x!tpu.dma_semaphore, #tpu.memory_space<semaphore_mem>> -> memref<1x!tpu.dma_semaphore, #tpu.memory_space<semaphore_mem>>
      %dma_wait3A_649 = tpu.memref_squeeze %dma_wait3A_648 : memref<1x!tpu.dma_semaphore, #tpu.memory_space<semaphore_mem>> -> memref<!tpu.dma_semaphore, #tpu.memory_space<semaphore_mem>>
      tpu.wait_indirect_dma semaphore(%dma_wait3A_649 : memref<!tpu.dma_semaphore, #tpu.memory_space<semaphore_mem>>) src(%dma_wait3A_647 : memref<10240x16xf32, #tpu.memory_space<hbm>>) dst(%dma_wait3A_641 : memref<128x16xf32, #tpu.memory_space<vmem>>)
      %dma_start3A_650 = arith.constant 7 : i32
      %dma_start3A_651 = arith.constant 7 : i32
      %dma_start3A_652 = arith.constant 0 : i32
      %dma_start3A_653 = arith.constant 0 : i32
      %dma_start3A_654 = tpu.memref_slice %arg9[%dma_start3A_650, %dma_start3A_652, %dma_start3A_653] : memref<10x128x16xf32, #tpu.memory_space<vmem>> -> memref<1x128x16xf32, #tpu.memory_space<vmem>>
      %dma_start3A_655 = tpu.memref_squeeze %dma_start3A_654 : memref<1x128x16xf32, #tpu.memory_space<vmem>> -> memref<128x16xf32, #tpu.memory_space<vmem>>
      %dma_start3A_656 = arith.constant 0 : i32
      %dma_start3A_657 = tpu.memref_slice %arg8[%add3A_634, %dma_start3A_656] : memref<80x128xi32, #tpu.memory_space<vmem>> -> memref<1x128xi32, #tpu.memory_space<vmem>>
      %dma_start3A_658 = tpu.memref_squeeze %dma_start3A_657 : memref<1x128xi32, #tpu.memory_space<vmem>> -> memref<128xi32, #tpu.memory_space<vmem>>
      %dma_start3A_659 = arith.constant 0 : i32
      %dma_start3A_660 = arith.constant 0 : i32
      %dma_start3A_661 = tpu.memref_slice %arg10[%dma_start3A_659, %dma_start3A_660] : memref<10240x16xf32, #tpu.memory_space<vmem_shared>> -> memref<10240x16xf32, #tpu.memory_space<vmem_shared>>
      %dma_start3A_662 = tpu.memref_slice %arg12[%dma_start3A_651] : memref<10x!tpu.dma_semaphore, #tpu.memory_space<semaphore_mem>> -> memref<1x!tpu.dma_semaphore, #tpu.memory_space<semaphore_mem>>
      %dma_start3A_663 = tpu.memref_squeeze %dma_start3A_662 : memref<1x!tpu.dma_semaphore, #tpu.memory_space<semaphore_mem>> -> memref<!tpu.dma_semaphore, #tpu.memory_space<semaphore_mem>>
      tpu.enqueue_indirect_dma source(%dma_start3A_655 : memref<128x16xf32, #tpu.memory_space<vmem>>) target(%dma_start3A_661 : memref<10240x16xf32, #tpu.memory_space<vmem_shared>>) offsets(%dma_start3A_658 : memref<128xi32, #tpu.memory_space<vmem>>) semaphore(%dma_start3A_663 : memref<!tpu.dma_semaphore, #tpu.memory_space<semaphore_mem>>) {add = true}
      %add3A_664 = arith.constant 5 : i32
      %add3A_665 = arith.addi %add3A_634, %add3A_664 : i32
      %ge3A_666 = arith.constant 10 : i32
      %ge3A_667 = arith.cmpi sge, %add3A_665, %ge3A_666 : i32
      %lt3A_668 = arith.constant 80 : i32
      %lt3A_669 = arith.cmpi slt, %add3A_665, %lt3A_668 : i32
      %and3A_670 = arith.andi %ge3A_667, %lt3A_669 : i1
      %convert_element_type3A_671 = arith.extui %and3A_670 : i1 to i32
      %cond3A_672 = arith.constant 0 : i32
      %cond3A_673 = arith.cmpi ne, %convert_element_type3A_671, %cond3A_672 : i32
      scf.if %cond3A_673 {
        %dma_wait3A_775 = arith.constant 2 : i32
        %dma_wait3A_776 = arith.constant 0 : i32
        %dma_wait3A_777 = arith.constant 2 : i32
        %dma_wait3A_778 = arith.constant 0 : i32
        %dma_wait3A_779 = arith.constant 0 : i32
        %dma_wait3A_780 = tpu.memref_slice %arg9[%dma_wait3A_775, %dma_wait3A_778, %dma_wait3A_779] : memref<10x128x16xf32, #tpu.memory_space<vmem>> -> memref<1x128x16xf32, #tpu.memory_space<vmem>>
        %dma_wait3A_781 = tpu.memref_squeeze %dma_wait3A_780 : memref<1x128x16xf32, #tpu.memory_space<vmem>> -> memref<128x16xf32, #tpu.memory_space<vmem>>
        %dma_wait3A_782 = arith.constant 0 : i32
        %dma_wait3A_783 = tpu.memref_slice %arg8[%dma_wait3A_776, %dma_wait3A_782] : memref<80x128xi32, #tpu.memory_space<vmem>> -> memref<1x128xi32, #tpu.memory_space<vmem>>
        %dma_wait3A_784 = tpu.memref_squeeze %dma_wait3A_783 : memref<1x128xi32, #tpu.memory_space<vmem>> -> memref<128xi32, #tpu.memory_space<vmem>>
        %dma_wait3A_785 = arith.constant 0 : i32
        %dma_wait3A_786 = arith.constant 0 : i32
        %dma_wait3A_787 = tpu.memref_slice %arg10[%dma_wait3A_785, %dma_wait3A_786] : memref<10240x16xf32, #tpu.memory_space<vmem_shared>> -> memref<10240x16xf32, #tpu.memory_space<vmem_shared>>
        %dma_wait3A_788 = tpu.memref_slice %arg12[%dma_wait3A_777] : memref<10x!tpu.dma_semaphore, #tpu.memory_space<semaphore_mem>> -> memref<1x!tpu.dma_semaphore, #tpu.memory_space<semaphore_mem>>
        %dma_wait3A_789 = tpu.memref_squeeze %dma_wait3A_788 : memref<1x!tpu.dma_semaphore, #tpu.memory_space<semaphore_mem>> -> memref<!tpu.dma_semaphore, #tpu.memory_space<semaphore_mem>>
        tpu.wait_indirect_dma semaphore(%dma_wait3A_789 : memref<!tpu.dma_semaphore, #tpu.memory_space<semaphore_mem>>) src(%dma_wait3A_781 : memref<128x16xf32, #tpu.memory_space<vmem>>) dst(%dma_wait3A_787 : memref<10240x16xf32, #tpu.memory_space<vmem_shared>>)
      } else {
      }
      %lt3A_674 = arith.constant 80 : i32
      %lt3A_675 = arith.cmpi slt, %add3A_665, %lt3A_674 : i32
      %convert_element_type3A_676 = arith.extui %lt3A_675 : i1 to i32
      %cond3A_677 = arith.constant 0 : i32
      %cond3A_678 = arith.cmpi ne, %convert_element_type3A_676, %cond3A_677 : i32
      scf.if %cond3A_678 {
        %dma_start3A_775 = arith.constant 2 : i32
        %dma_start3A_776 = arith.constant 2 : i32
        %dma_start3A_777 = arith.constant 0 : i32
        %dma_start3A_778 = arith.constant 0 : i32
        %dma_start3A_779 = tpu.memref_slice %arg9[%dma_start3A_775, %dma_start3A_777, %dma_start3A_778] : memref<10x128x16xf32, #tpu.memory_space<vmem>> -> memref<1x128x16xf32, #tpu.memory_space<vmem>>
        %dma_start3A_780 = tpu.memref_squeeze %dma_start3A_779 : memref<1x128x16xf32, #tpu.memory_space<vmem>> -> memref<128x16xf32, #tpu.memory_space<vmem>>
        %dma_start3A_781 = arith.constant 0 : i32
        %dma_start3A_782 = tpu.memref_slice %arg7[%add3A_665, %dma_start3A_781] : memref<80x128xi32, #tpu.memory_space<vmem>> -> memref<1x128xi32, #tpu.memory_space<vmem>>
        %dma_start3A_783 = tpu.memref_squeeze %dma_start3A_782 : memref<1x128xi32, #tpu.memory_space<vmem>> -> memref<128xi32, #tpu.memory_space<vmem>>
        %dma_start3A_784 = arith.constant 0 : i32
        %dma_start3A_785 = arith.constant 0 : i32
        %dma_start3A_786 = tpu.memref_slice %arg2[%dma_start3A_784, %dma_start3A_785] : memref<10240x16xf32, #tpu.memory_space<hbm>> -> memref<10240x16xf32, #tpu.memory_space<hbm>>
        %dma_start3A_787 = tpu.memref_slice %arg11[%dma_start3A_776] : memref<10x!tpu.dma_semaphore, #tpu.memory_space<semaphore_mem>> -> memref<1x!tpu.dma_semaphore, #tpu.memory_space<semaphore_mem>>
        %dma_start3A_788 = tpu.memref_squeeze %dma_start3A_787 : memref<1x!tpu.dma_semaphore, #tpu.memory_space<semaphore_mem>> -> memref<!tpu.dma_semaphore, #tpu.memory_space<semaphore_mem>>
        tpu.enqueue_indirect_dma source(%dma_start3A_786 : memref<10240x16xf32, #tpu.memory_space<hbm>>) target(%dma_start3A_780 : memref<128x16xf32, #tpu.memory_space<vmem>>) offsets(%dma_start3A_783 : memref<128xi32, #tpu.memory_space<vmem>>) semaphore(%dma_start3A_788 : memref<!tpu.dma_semaphore, #tpu.memory_space<semaphore_mem>>)
      } else {
      }
      %mul3A_679 = arith.constant 10 : i32
      %mul3A_680 = arith.muli %scan3A_299, %mul3A_679 : i32
      %add3A_681 = arith.constant 8 : i32
      %add3A_682 = arith.addi %mul3A_680, %add3A_681 : i32
      %dma_wait3A_683 = arith.constant 0 : i32
      %dma_wait3A_684 = arith.constant 8 : i32
      %dma_wait3A_685 = arith.constant 8 : i32
      %dma_wait3A_686 = arith.constant 0 : i32
      %dma_wait3A_687 = arith.constant 0 : i32
      %dma_wait3A_688 = tpu.memref_slice %arg9[%dma_wait3A_684, %dma_wait3A_686, %dma_wait3A_687] : memref<10x128x16xf32, #tpu.memory_space<vmem>> -> memref<1x128x16xf32, #tpu.memory_space<vmem>>
      %dma_wait3A_689 = tpu.memref_squeeze %dma_wait3A_688 : memref<1x128x16xf32, #tpu.memory_space<vmem>> -> memref<128x16xf32, #tpu.memory_space<vmem>>
      %dma_wait3A_690 = arith.constant 0 : i32
      %dma_wait3A_691 = tpu.memref_slice %arg7[%dma_wait3A_683, %dma_wait3A_690] : memref<80x128xi32, #tpu.memory_space<vmem>> -> memref<1x128xi32, #tpu.memory_space<vmem>>
      %dma_wait3A_692 = tpu.memref_squeeze %dma_wait3A_691 : memref<1x128xi32, #tpu.memory_space<vmem>> -> memref<128xi32, #tpu.memory_space<vmem>>
      %dma_wait3A_693 = arith.constant 0 : i32
      %dma_wait3A_694 = arith.constant 0 : i32
      %dma_wait3A_695 = tpu.memref_slice %arg2[%dma_wait3A_693, %dma_wait3A_694] : memref<10240x16xf32, #tpu.memory_space<hbm>> -> memref<10240x16xf32, #tpu.memory_space<hbm>>
      %dma_wait3A_696 = tpu.memref_slice %arg11[%dma_wait3A_685] : memref<10x!tpu.dma_semaphore, #tpu.memory_space<semaphore_mem>> -> memref<1x!tpu.dma_semaphore, #tpu.memory_space<semaphore_mem>>
      %dma_wait3A_697 = tpu.memref_squeeze %dma_wait3A_696 : memref<1x!tpu.dma_semaphore, #tpu.memory_space<semaphore_mem>> -> memref<!tpu.dma_semaphore, #tpu.memory_space<semaphore_mem>>
      tpu.wait_indirect_dma semaphore(%dma_wait3A_697 : memref<!tpu.dma_semaphore, #tpu.memory_space<semaphore_mem>>) src(%dma_wait3A_695 : memref<10240x16xf32, #tpu.memory_space<hbm>>) dst(%dma_wait3A_689 : memref<128x16xf32, #tpu.memory_space<vmem>>)
      %dma_start3A_698 = arith.constant 8 : i32
      %dma_start3A_699 = arith.constant 8 : i32
      %dma_start3A_700 = arith.constant 0 : i32
      %dma_start3A_701 = arith.constant 0 : i32
      %dma_start3A_702 = tpu.memref_slice %arg9[%dma_start3A_698, %dma_start3A_700, %dma_start3A_701] : memref<10x128x16xf32, #tpu.memory_space<vmem>> -> memref<1x128x16xf32, #tpu.memory_space<vmem>>
      %dma_start3A_703 = tpu.memref_squeeze %dma_start3A_702 : memref<1x128x16xf32, #tpu.memory_space<vmem>> -> memref<128x16xf32, #tpu.memory_space<vmem>>
      %dma_start3A_704 = arith.constant 0 : i32
      %dma_start3A_705 = tpu.memref_slice %arg8[%add3A_682, %dma_start3A_704] : memref<80x128xi32, #tpu.memory_space<vmem>> -> memref<1x128xi32, #tpu.memory_space<vmem>>
      %dma_start3A_706 = tpu.memref_squeeze %dma_start3A_705 : memref<1x128xi32, #tpu.memory_space<vmem>> -> memref<128xi32, #tpu.memory_space<vmem>>
      %dma_start3A_707 = arith.constant 0 : i32
      %dma_start3A_708 = arith.constant 0 : i32
      %dma_start3A_709 = tpu.memref_slice %arg10[%dma_start3A_707, %dma_start3A_708] : memref<10240x16xf32, #tpu.memory_space<vmem_shared>> -> memref<10240x16xf32, #tpu.memory_space<vmem_shared>>
      %dma_start3A_710 = tpu.memref_slice %arg12[%dma_start3A_699] : memref<10x!tpu.dma_semaphore, #tpu.memory_space<semaphore_mem>> -> memref<1x!tpu.dma_semaphore, #tpu.memory_space<semaphore_mem>>
      %dma_start3A_711 = tpu.memref_squeeze %dma_start3A_710 : memref<1x!tpu.dma_semaphore, #tpu.memory_space<semaphore_mem>> -> memref<!tpu.dma_semaphore, #tpu.memory_space<semaphore_mem>>
      tpu.enqueue_indirect_dma source(%dma_start3A_703 : memref<128x16xf32, #tpu.memory_space<vmem>>) target(%dma_start3A_709 : memref<10240x16xf32, #tpu.memory_space<vmem_shared>>) offsets(%dma_start3A_706 : memref<128xi32, #tpu.memory_space<vmem>>) semaphore(%dma_start3A_711 : memref<!tpu.dma_semaphore, #tpu.memory_space<semaphore_mem>>) {add = true}
      %add3A_712 = arith.constant 5 : i32
      %add3A_713 = arith.addi %add3A_682, %add3A_712 : i32
      %ge3A_714 = arith.constant 10 : i32
      %ge3A_715 = arith.cmpi sge, %add3A_713, %ge3A_714 : i32
      %lt3A_716 = arith.constant 80 : i32
      %lt3A_717 = arith.cmpi slt, %add3A_713, %lt3A_716 : i32
      %and3A_718 = arith.andi %ge3A_715, %lt3A_717 : i1
      %convert_element_type3A_719 = arith.extui %and3A_718 : i1 to i32
      %cond3A_720 = arith.constant 0 : i32
      %cond3A_721 = arith.cmpi ne, %convert_element_type3A_719, %cond3A_720 : i32
      scf.if %cond3A_721 {
        %dma_wait3A_775 = arith.constant 3 : i32
        %dma_wait3A_776 = arith.constant 0 : i32
        %dma_wait3A_777 = arith.constant 3 : i32
        %dma_wait3A_778 = arith.constant 0 : i32
        %dma_wait3A_779 = arith.constant 0 : i32
        %dma_wait3A_780 = tpu.memref_slice %arg9[%dma_wait3A_775, %dma_wait3A_778, %dma_wait3A_779] : memref<10x128x16xf32, #tpu.memory_space<vmem>> -> memref<1x128x16xf32, #tpu.memory_space<vmem>>
        %dma_wait3A_781 = tpu.memref_squeeze %dma_wait3A_780 : memref<1x128x16xf32, #tpu.memory_space<vmem>> -> memref<128x16xf32, #tpu.memory_space<vmem>>
        %dma_wait3A_782 = arith.constant 0 : i32
        %dma_wait3A_783 = tpu.memref_slice %arg8[%dma_wait3A_776, %dma_wait3A_782] : memref<80x128xi32, #tpu.memory_space<vmem>> -> memref<1x128xi32, #tpu.memory_space<vmem>>
        %dma_wait3A_784 = tpu.memref_squeeze %dma_wait3A_783 : memref<1x128xi32, #tpu.memory_space<vmem>> -> memref<128xi32, #tpu.memory_space<vmem>>
        %dma_wait3A_785 = arith.constant 0 : i32
        %dma_wait3A_786 = arith.constant 0 : i32
        %dma_wait3A_787 = tpu.memref_slice %arg10[%dma_wait3A_785, %dma_wait3A_786] : memref<10240x16xf32, #tpu.memory_space<vmem_shared>> -> memref<10240x16xf32, #tpu.memory_space<vmem_shared>>
        %dma_wait3A_788 = tpu.memref_slice %arg12[%dma_wait3A_777] : memref<10x!tpu.dma_semaphore, #tpu.memory_space<semaphore_mem>> -> memref<1x!tpu.dma_semaphore, #tpu.memory_space<semaphore_mem>>
        %dma_wait3A_789 = tpu.memref_squeeze %dma_wait3A_788 : memref<1x!tpu.dma_semaphore, #tpu.memory_space<semaphore_mem>> -> memref<!tpu.dma_semaphore, #tpu.memory_space<semaphore_mem>>
        tpu.wait_indirect_dma semaphore(%dma_wait3A_789 : memref<!tpu.dma_semaphore, #tpu.memory_space<semaphore_mem>>) src(%dma_wait3A_781 : memref<128x16xf32, #tpu.memory_space<vmem>>) dst(%dma_wait3A_787 : memref<10240x16xf32, #tpu.memory_space<vmem_shared>>)
      } else {
      }
      %lt3A_722 = arith.constant 80 : i32
      %lt3A_723 = arith.cmpi slt, %add3A_713, %lt3A_722 : i32
      %convert_element_type3A_724 = arith.extui %lt3A_723 : i1 to i32
      %cond3A_725 = arith.constant 0 : i32
      %cond3A_726 = arith.cmpi ne, %convert_element_type3A_724, %cond3A_725 : i32
      scf.if %cond3A_726 {
        %dma_start3A_775 = arith.constant 3 : i32
        %dma_start3A_776 = arith.constant 3 : i32
        %dma_start3A_777 = arith.constant 0 : i32
        %dma_start3A_778 = arith.constant 0 : i32
        %dma_start3A_779 = tpu.memref_slice %arg9[%dma_start3A_775, %dma_start3A_777, %dma_start3A_778] : memref<10x128x16xf32, #tpu.memory_space<vmem>> -> memref<1x128x16xf32, #tpu.memory_space<vmem>>
        %dma_start3A_780 = tpu.memref_squeeze %dma_start3A_779 : memref<1x128x16xf32, #tpu.memory_space<vmem>> -> memref<128x16xf32, #tpu.memory_space<vmem>>
        %dma_start3A_781 = arith.constant 0 : i32
        %dma_start3A_782 = tpu.memref_slice %arg7[%add3A_713, %dma_start3A_781] : memref<80x128xi32, #tpu.memory_space<vmem>> -> memref<1x128xi32, #tpu.memory_space<vmem>>
        %dma_start3A_783 = tpu.memref_squeeze %dma_start3A_782 : memref<1x128xi32, #tpu.memory_space<vmem>> -> memref<128xi32, #tpu.memory_space<vmem>>
        %dma_start3A_784 = arith.constant 0 : i32
        %dma_start3A_785 = arith.constant 0 : i32
        %dma_start3A_786 = tpu.memref_slice %arg2[%dma_start3A_784, %dma_start3A_785] : memref<10240x16xf32, #tpu.memory_space<hbm>> -> memref<10240x16xf32, #tpu.memory_space<hbm>>
        %dma_start3A_787 = tpu.memref_slice %arg11[%dma_start3A_776] : memref<10x!tpu.dma_semaphore, #tpu.memory_space<semaphore_mem>> -> memref<1x!tpu.dma_semaphore, #tpu.memory_space<semaphore_mem>>
        %dma_start3A_788 = tpu.memref_squeeze %dma_start3A_787 : memref<1x!tpu.dma_semaphore, #tpu.memory_space<semaphore_mem>> -> memref<!tpu.dma_semaphore, #tpu.memory_space<semaphore_mem>>
        tpu.enqueue_indirect_dma source(%dma_start3A_786 : memref<10240x16xf32, #tpu.memory_space<hbm>>) target(%dma_start3A_780 : memref<128x16xf32, #tpu.memory_space<vmem>>) offsets(%dma_start3A_783 : memref<128xi32, #tpu.memory_space<vmem>>) semaphore(%dma_start3A_788 : memref<!tpu.dma_semaphore, #tpu.memory_space<semaphore_mem>>)
      } else {
      }
      %mul3A_727 = arith.constant 10 : i32
      %mul3A_728 = arith.muli %scan3A_299, %mul3A_727 : i32
      %add3A_729 = arith.constant 9 : i32
      %add3A_730 = arith.addi %mul3A_728, %add3A_729 : i32
      %dma_wait3A_731 = arith.constant 0 : i32
      %dma_wait3A_732 = arith.constant 9 : i32
      %dma_wait3A_733 = arith.constant 9 : i32
      %dma_wait3A_734 = arith.constant 0 : i32
      %dma_wait3A_735 = arith.constant 0 : i32
      %dma_wait3A_736 = tpu.memref_slice %arg9[%dma_wait3A_732, %dma_wait3A_734, %dma_wait3A_735] : memref<10x128x16xf32, #tpu.memory_space<vmem>> -> memref<1x128x16xf32, #tpu.memory_space<vmem>>
      %dma_wait3A_737 = tpu.memref_squeeze %dma_wait3A_736 : memref<1x128x16xf32, #tpu.memory_space<vmem>> -> memref<128x16xf32, #tpu.memory_space<vmem>>
      %dma_wait3A_738 = arith.constant 0 : i32
      %dma_wait3A_739 = tpu.memref_slice %arg7[%dma_wait3A_731, %dma_wait3A_738] : memref<80x128xi32, #tpu.memory_space<vmem>> -> memref<1x128xi32, #tpu.memory_space<vmem>>
      %dma_wait3A_740 = tpu.memref_squeeze %dma_wait3A_739 : memref<1x128xi32, #tpu.memory_space<vmem>> -> memref<128xi32, #tpu.memory_space<vmem>>
      %dma_wait3A_741 = arith.constant 0 : i32
      %dma_wait3A_742 = arith.constant 0 : i32
      %dma_wait3A_743 = tpu.memref_slice %arg2[%dma_wait3A_741, %dma_wait3A_742] : memref<10240x16xf32, #tpu.memory_space<hbm>> -> memref<10240x16xf32, #tpu.memory_space<hbm>>
      %dma_wait3A_744 = tpu.memref_slice %arg11[%dma_wait3A_733] : memref<10x!tpu.dma_semaphore, #tpu.memory_space<semaphore_mem>> -> memref<1x!tpu.dma_semaphore, #tpu.memory_space<semaphore_mem>>
      %dma_wait3A_745 = tpu.memref_squeeze %dma_wait3A_744 : memref<1x!tpu.dma_semaphore, #tpu.memory_space<semaphore_mem>> -> memref<!tpu.dma_semaphore, #tpu.memory_space<semaphore_mem>>
      tpu.wait_indirect_dma semaphore(%dma_wait3A_745 : memref<!tpu.dma_semaphore, #tpu.memory_space<semaphore_mem>>) src(%dma_wait3A_743 : memref<10240x16xf32, #tpu.memory_space<hbm>>) dst(%dma_wait3A_737 : memref<128x16xf32, #tpu.memory_space<vmem>>)
      %dma_start3A_746 = arith.constant 9 : i32
      %dma_start3A_747 = arith.constant 9 : i32
      %dma_start3A_748 = arith.constant 0 : i32
      %dma_start3A_749 = arith.constant 0 : i32
      %dma_start3A_750 = tpu.memref_slice %arg9[%dma_start3A_746, %dma_start3A_748, %dma_start3A_749] : memref<10x128x16xf32, #tpu.memory_space<vmem>> -> memref<1x128x16xf32, #tpu.memory_space<vmem>>
      %dma_start3A_751 = tpu.memref_squeeze %dma_start3A_750 : memref<1x128x16xf32, #tpu.memory_space<vmem>> -> memref<128x16xf32, #tpu.memory_space<vmem>>
      %dma_start3A_752 = arith.constant 0 : i32
      %dma_start3A_753 = tpu.memref_slice %arg8[%add3A_730, %dma_start3A_752] : memref<80x128xi32, #tpu.memory_space<vmem>> -> memref<1x128xi32, #tpu.memory_space<vmem>>
      %dma_start3A_754 = tpu.memref_squeeze %dma_start3A_753 : memref<1x128xi32, #tpu.memory_space<vmem>> -> memref<128xi32, #tpu.memory_space<vmem>>
      %dma_start3A_755 = arith.constant 0 : i32
      %dma_start3A_756 = arith.constant 0 : i32
      %dma_start3A_757 = tpu.memref_slice %arg10[%dma_start3A_755, %dma_start3A_756] : memref<10240x16xf32, #tpu.memory_space<vmem_shared>> -> memref<10240x16xf32, #tpu.memory_space<vmem_shared>>
      %dma_start3A_758 = tpu.memref_slice %arg12[%dma_start3A_747] : memref<10x!tpu.dma_semaphore, #tpu.memory_space<semaphore_mem>> -> memref<1x!tpu.dma_semaphore, #tpu.memory_space<semaphore_mem>>
      %dma_start3A_759 = tpu.memref_squeeze %dma_start3A_758 : memref<1x!tpu.dma_semaphore, #tpu.memory_space<semaphore_mem>> -> memref<!tpu.dma_semaphore, #tpu.memory_space<semaphore_mem>>
      tpu.enqueue_indirect_dma source(%dma_start3A_751 : memref<128x16xf32, #tpu.memory_space<vmem>>) target(%dma_start3A_757 : memref<10240x16xf32, #tpu.memory_space<vmem_shared>>) offsets(%dma_start3A_754 : memref<128xi32, #tpu.memory_space<vmem>>) semaphore(%dma_start3A_759 : memref<!tpu.dma_semaphore, #tpu.memory_space<semaphore_mem>>) {add = true}
      %add3A_760 = arith.constant 5 : i32
      %add3A_761 = arith.addi %add3A_730, %add3A_760 : i32
      %ge3A_762 = arith.constant 10 : i32
      %ge3A_763 = arith.cmpi sge, %add3A_761, %ge3A_762 : i32
      %lt3A_764 = arith.constant 80 : i32
      %lt3A_765 = arith.cmpi slt, %add3A_761, %lt3A_764 : i32
      %and3A_766 = arith.andi %ge3A_763, %lt3A_765 : i1
      %convert_element_type3A_767 = arith.extui %and3A_766 : i1 to i32
      %cond3A_768 = arith.constant 0 : i32
      %cond3A_769 = arith.cmpi ne, %convert_element_type3A_767, %cond3A_768 : i32
      scf.if %cond3A_769 {
        %dma_wait3A_775 = arith.constant 4 : i32
        %dma_wait3A_776 = arith.constant 0 : i32
        %dma_wait3A_777 = arith.constant 4 : i32
        %dma_wait3A_778 = arith.constant 0 : i32
        %dma_wait3A_779 = arith.constant 0 : i32
        %dma_wait3A_780 = tpu.memref_slice %arg9[%dma_wait3A_775, %dma_wait3A_778, %dma_wait3A_779] : memref<10x128x16xf32, #tpu.memory_space<vmem>> -> memref<1x128x16xf32, #tpu.memory_space<vmem>>
        %dma_wait3A_781 = tpu.memref_squeeze %dma_wait3A_780 : memref<1x128x16xf32, #tpu.memory_space<vmem>> -> memref<128x16xf32, #tpu.memory_space<vmem>>
        %dma_wait3A_782 = arith.constant 0 : i32
        %dma_wait3A_783 = tpu.memref_slice %arg8[%dma_wait3A_776, %dma_wait3A_782] : memref<80x128xi32, #tpu.memory_space<vmem>> -> memref<1x128xi32, #tpu.memory_space<vmem>>
        %dma_wait3A_784 = tpu.memref_squeeze %dma_wait3A_783 : memref<1x128xi32, #tpu.memory_space<vmem>> -> memref<128xi32, #tpu.memory_space<vmem>>
        %dma_wait3A_785 = arith.constant 0 : i32
        %dma_wait3A_786 = arith.constant 0 : i32
        %dma_wait3A_787 = tpu.memref_slice %arg10[%dma_wait3A_785, %dma_wait3A_786] : memref<10240x16xf32, #tpu.memory_space<vmem_shared>> -> memref<10240x16xf32, #tpu.memory_space<vmem_shared>>
        %dma_wait3A_788 = tpu.memref_slice %arg12[%dma_wait3A_777] : memref<10x!tpu.dma_semaphore, #tpu.memory_space<semaphore_mem>> -> memref<1x!tpu.dma_semaphore, #tpu.memory_space<semaphore_mem>>
        %dma_wait3A_789 = tpu.memref_squeeze %dma_wait3A_788 : memref<1x!tpu.dma_semaphore, #tpu.memory_space<semaphore_mem>> -> memref<!tpu.dma_semaphore, #tpu.memory_space<semaphore_mem>>
        tpu.wait_indirect_dma semaphore(%dma_wait3A_789 : memref<!tpu.dma_semaphore, #tpu.memory_space<semaphore_mem>>) src(%dma_wait3A_781 : memref<128x16xf32, #tpu.memory_space<vmem>>) dst(%dma_wait3A_787 : memref<10240x16xf32, #tpu.memory_space<vmem_shared>>)
      } else {
      }
      %lt3A_770 = arith.constant 80 : i32
      %lt3A_771 = arith.cmpi slt, %add3A_761, %lt3A_770 : i32
      %convert_element_type3A_772 = arith.extui %lt3A_771 : i1 to i32
      %cond3A_773 = arith.constant 0 : i32
      %cond3A_774 = arith.cmpi ne, %convert_element_type3A_772, %cond3A_773 : i32
      scf.if %cond3A_774 {
        %dma_start3A_775 = arith.constant 4 : i32
        %dma_start3A_776 = arith.constant 4 : i32
        %dma_start3A_777 = arith.constant 0 : i32
        %dma_start3A_778 = arith.constant 0 : i32
        %dma_start3A_779 = tpu.memref_slice %arg9[%dma_start3A_775, %dma_start3A_777, %dma_start3A_778] : memref<10x128x16xf32, #tpu.memory_space<vmem>> -> memref<1x128x16xf32, #tpu.memory_space<vmem>>
        %dma_start3A_780 = tpu.memref_squeeze %dma_start3A_779 : memref<1x128x16xf32, #tpu.memory_space<vmem>> -> memref<128x16xf32, #tpu.memory_space<vmem>>
        %dma_start3A_781 = arith.constant 0 : i32
        %dma_start3A_782 = tpu.memref_slice %arg7[%add3A_761, %dma_start3A_781] : memref<80x128xi32, #tpu.memory_space<vmem>> -> memref<1x128xi32, #tpu.memory_space<vmem>>
        %dma_start3A_783 = tpu.memref_squeeze %dma_start3A_782 : memref<1x128xi32, #tpu.memory_space<vmem>> -> memref<128xi32, #tpu.memory_space<vmem>>
        %dma_start3A_784 = arith.constant 0 : i32
        %dma_start3A_785 = arith.constant 0 : i32
        %dma_start3A_786 = tpu.memref_slice %arg2[%dma_start3A_784, %dma_start3A_785] : memref<10240x16xf32, #tpu.memory_space<hbm>> -> memref<10240x16xf32, #tpu.memory_space<hbm>>
        %dma_start3A_787 = tpu.memref_slice %arg11[%dma_start3A_776] : memref<10x!tpu.dma_semaphore, #tpu.memory_space<semaphore_mem>> -> memref<1x!tpu.dma_semaphore, #tpu.memory_space<semaphore_mem>>
        %dma_start3A_788 = tpu.memref_squeeze %dma_start3A_787 : memref<1x!tpu.dma_semaphore, #tpu.memory_space<semaphore_mem>> -> memref<!tpu.dma_semaphore, #tpu.memory_space<semaphore_mem>>
        tpu.enqueue_indirect_dma source(%dma_start3A_786 : memref<10240x16xf32, #tpu.memory_space<hbm>>) target(%dma_start3A_780 : memref<128x16xf32, #tpu.memory_space<vmem>>) offsets(%dma_start3A_783 : memref<128xi32, #tpu.memory_space<vmem>>) semaphore(%dma_start3A_788 : memref<!tpu.dma_semaphore, #tpu.memory_space<semaphore_mem>>)
      } else {
      }
    }
    %scan3A_140 = arith.constant 8 : i32
    %dma_wait3A_141 = arith.constant 0 : i32
    %dma_wait3A_142 = arith.constant 0 : i32
    %dma_wait3A_143 = arith.constant 0 : i32
    %dma_wait3A_144 = arith.constant 0 : i32
    %dma_wait3A_145 = arith.constant 0 : i32
    %dma_wait3A_146 = tpu.memref_slice %arg9[%dma_wait3A_141, %dma_wait3A_144, %dma_wait3A_145] : memref<10x128x16xf32, #tpu.memory_space<vmem>> -> memref<1x128x16xf32, #tpu.memory_space<vmem>>
    %dma_wait3A_147 = tpu.memref_squeeze %dma_wait3A_146 : memref<1x128x16xf32, #tpu.memory_space<vmem>> -> memref<128x16xf32, #tpu.memory_space<vmem>>
    %dma_wait3A_148 = arith.constant 0 : i32
    %dma_wait3A_149 = tpu.memref_slice %arg8[%dma_wait3A_142, %dma_wait3A_148] : memref<80x128xi32, #tpu.memory_space<vmem>> -> memref<1x128xi32, #tpu.memory_space<vmem>>
    %dma_wait3A_150 = tpu.memref_squeeze %dma_wait3A_149 : memref<1x128xi32, #tpu.memory_space<vmem>> -> memref<128xi32, #tpu.memory_space<vmem>>
    %dma_wait3A_151 = arith.constant 0 : i32
    %dma_wait3A_152 = arith.constant 0 : i32
    %dma_wait3A_153 = tpu.memref_slice %arg10[%dma_wait3A_151, %dma_wait3A_152] : memref<10240x16xf32, #tpu.memory_space<vmem_shared>> -> memref<10240x16xf32, #tpu.memory_space<vmem_shared>>
    %dma_wait3A_154 = tpu.memref_slice %arg12[%dma_wait3A_143] : memref<10x!tpu.dma_semaphore, #tpu.memory_space<semaphore_mem>> -> memref<1x!tpu.dma_semaphore, #tpu.memory_space<semaphore_mem>>
    %dma_wait3A_155 = tpu.memref_squeeze %dma_wait3A_154 : memref<1x!tpu.dma_semaphore, #tpu.memory_space<semaphore_mem>> -> memref<!tpu.dma_semaphore, #tpu.memory_space<semaphore_mem>>
    tpu.wait_indirect_dma semaphore(%dma_wait3A_155 : memref<!tpu.dma_semaphore, #tpu.memory_space<semaphore_mem>>) src(%dma_wait3A_147 : memref<128x16xf32, #tpu.memory_space<vmem>>) dst(%dma_wait3A_153 : memref<10240x16xf32, #tpu.memory_space<vmem_shared>>)
    %dma_wait3A_156 = arith.constant 1 : i32
    %dma_wait3A_157 = arith.constant 0 : i32
    %dma_wait3A_158 = arith.constant 1 : i32
    %dma_wait3A_159 = arith.constant 0 : i32
    %dma_wait3A_160 = arith.constant 0 : i32
    %dma_wait3A_161 = tpu.memref_slice %arg9[%dma_wait3A_156, %dma_wait3A_159, %dma_wait3A_160] : memref<10x128x16xf32, #tpu.memory_space<vmem>> -> memref<1x128x16xf32, #tpu.memory_space<vmem>>
    %dma_wait3A_162 = tpu.memref_squeeze %dma_wait3A_161 : memref<1x128x16xf32, #tpu.memory_space<vmem>> -> memref<128x16xf32, #tpu.memory_space<vmem>>
    %dma_wait3A_163 = arith.constant 0 : i32
    %dma_wait3A_164 = tpu.memref_slice %arg8[%dma_wait3A_157, %dma_wait3A_163] : memref<80x128xi32, #tpu.memory_space<vmem>> -> memref<1x128xi32, #tpu.memory_space<vmem>>
    %dma_wait3A_165 = tpu.memref_squeeze %dma_wait3A_164 : memref<1x128xi32, #tpu.memory_space<vmem>> -> memref<128xi32, #tpu.memory_space<vmem>>
    %dma_wait3A_166 = arith.constant 0 : i32
    %dma_wait3A_167 = arith.constant 0 : i32
    %dma_wait3A_168 = tpu.memref_slice %arg10[%dma_wait3A_166, %dma_wait3A_167] : memref<10240x16xf32, #tpu.memory_space<vmem_shared>> -> memref<10240x16xf32, #tpu.memory_space<vmem_shared>>
    %dma_wait3A_169 = tpu.memref_slice %arg12[%dma_wait3A_158] : memref<10x!tpu.dma_semaphore, #tpu.memory_space<semaphore_mem>> -> memref<1x!tpu.dma_semaphore, #tpu.memory_space<semaphore_mem>>
    %dma_wait3A_170 = tpu.memref_squeeze %dma_wait3A_169 : memref<1x!tpu.dma_semaphore, #tpu.memory_space<semaphore_mem>> -> memref<!tpu.dma_semaphore, #tpu.memory_space<semaphore_mem>>
    tpu.wait_indirect_dma semaphore(%dma_wait3A_170 : memref<!tpu.dma_semaphore, #tpu.memory_space<semaphore_mem>>) src(%dma_wait3A_162 : memref<128x16xf32, #tpu.memory_space<vmem>>) dst(%dma_wait3A_168 : memref<10240x16xf32, #tpu.memory_space<vmem_shared>>)
    %dma_wait3A_171 = arith.constant 2 : i32
    %dma_wait3A_172 = arith.constant 0 : i32
    %dma_wait3A_173 = arith.constant 2 : i32
    %dma_wait3A_174 = arith.constant 0 : i32
    %dma_wait3A_175 = arith.constant 0 : i32
    %dma_wait3A_176 = tpu.memref_slice %arg9[%dma_wait3A_171, %dma_wait3A_174, %dma_wait3A_175] : memref<10x128x16xf32, #tpu.memory_space<vmem>> -> memref<1x128x16xf32, #tpu.memory_space<vmem>>
    %dma_wait3A_177 = tpu.memref_squeeze %dma_wait3A_176 : memref<1x128x16xf32, #tpu.memory_space<vmem>> -> memref<128x16xf32, #tpu.memory_space<vmem>>
    %dma_wait3A_178 = arith.constant 0 : i32
    %dma_wait3A_179 = tpu.memref_slice %arg8[%dma_wait3A_172, %dma_wait3A_178] : memref<80x128xi32, #tpu.memory_space<vmem>> -> memref<1x128xi32, #tpu.memory_space<vmem>>
    %dma_wait3A_180 = tpu.memref_squeeze %dma_wait3A_179 : memref<1x128xi32, #tpu.memory_space<vmem>> -> memref<128xi32, #tpu.memory_space<vmem>>
    %dma_wait3A_181 = arith.constant 0 : i32
    %dma_wait3A_182 = arith.constant 0 : i32
    %dma_wait3A_183 = tpu.memref_slice %arg10[%dma_wait3A_181, %dma_wait3A_182] : memref<10240x16xf32, #tpu.memory_space<vmem_shared>> -> memref<10240x16xf32, #tpu.memory_space<vmem_shared>>
    %dma_wait3A_184 = tpu.memref_slice %arg12[%dma_wait3A_173] : memref<10x!tpu.dma_semaphore, #tpu.memory_space<semaphore_mem>> -> memref<1x!tpu.dma_semaphore, #tpu.memory_space<semaphore_mem>>
    %dma_wait3A_185 = tpu.memref_squeeze %dma_wait3A_184 : memref<1x!tpu.dma_semaphore, #tpu.memory_space<semaphore_mem>> -> memref<!tpu.dma_semaphore, #tpu.memory_space<semaphore_mem>>
    tpu.wait_indirect_dma semaphore(%dma_wait3A_185 : memref<!tpu.dma_semaphore, #tpu.memory_space<semaphore_mem>>) src(%dma_wait3A_177 : memref<128x16xf32, #tpu.memory_space<vmem>>) dst(%dma_wait3A_183 : memref<10240x16xf32, #tpu.memory_space<vmem_shared>>)
    %dma_wait3A_186 = arith.constant 3 : i32
    %dma_wait3A_187 = arith.constant 0 : i32
    %dma_wait3A_188 = arith.constant 3 : i32
    %dma_wait3A_189 = arith.constant 0 : i32
    %dma_wait3A_190 = arith.constant 0 : i32
    %dma_wait3A_191 = tpu.memref_slice %arg9[%dma_wait3A_186, %dma_wait3A_189, %dma_wait3A_190] : memref<10x128x16xf32, #tpu.memory_space<vmem>> -> memref<1x128x16xf32, #tpu.memory_space<vmem>>
    %dma_wait3A_192 = tpu.memref_squeeze %dma_wait3A_191 : memref<1x128x16xf32, #tpu.memory_space<vmem>> -> memref<128x16xf32, #tpu.memory_space<vmem>>
    %dma_wait3A_193 = arith.constant 0 : i32
    %dma_wait3A_194 = tpu.memref_slice %arg8[%dma_wait3A_187, %dma_wait3A_193] : memref<80x128xi32, #tpu.memory_space<vmem>> -> memref<1x128xi32, #tpu.memory_space<vmem>>
    %dma_wait3A_195 = tpu.memref_squeeze %dma_wait3A_194 : memref<1x128xi32, #tpu.memory_space<vmem>> -> memref<128xi32, #tpu.memory_space<vmem>>
    %dma_wait3A_196 = arith.constant 0 : i32
    %dma_wait3A_197 = arith.constant 0 : i32
    %dma_wait3A_198 = tpu.memref_slice %arg10[%dma_wait3A_196, %dma_wait3A_197] : memref<10240x16xf32, #tpu.memory_space<vmem_shared>> -> memref<10240x16xf32, #tpu.memory_space<vmem_shared>>
    %dma_wait3A_199 = tpu.memref_slice %arg12[%dma_wait3A_188] : memref<10x!tpu.dma_semaphore, #tpu.memory_space<semaphore_mem>> -> memref<1x!tpu.dma_semaphore, #tpu.memory_space<semaphore_mem>>
    %dma_wait3A_200 = tpu.memref_squeeze %dma_wait3A_199 : memref<1x!tpu.dma_semaphore, #tpu.memory_space<semaphore_mem>> -> memref<!tpu.dma_semaphore, #tpu.memory_space<semaphore_mem>>
    tpu.wait_indirect_dma semaphore(%dma_wait3A_200 : memref<!tpu.dma_semaphore, #tpu.memory_space<semaphore_mem>>) src(%dma_wait3A_192 : memref<128x16xf32, #tpu.memory_space<vmem>>) dst(%dma_wait3A_198 : memref<10240x16xf32, #tpu.memory_space<vmem_shared>>)
    %dma_wait3A_201 = arith.constant 4 : i32
    %dma_wait3A_202 = arith.constant 0 : i32
    %dma_wait3A_203 = arith.constant 4 : i32
    %dma_wait3A_204 = arith.constant 0 : i32
    %dma_wait3A_205 = arith.constant 0 : i32
    %dma_wait3A_206 = tpu.memref_slice %arg9[%dma_wait3A_201, %dma_wait3A_204, %dma_wait3A_205] : memref<10x128x16xf32, #tpu.memory_space<vmem>> -> memref<1x128x16xf32, #tpu.memory_space<vmem>>
    %dma_wait3A_207 = tpu.memref_squeeze %dma_wait3A_206 : memref<1x128x16xf32, #tpu.memory_space<vmem>> -> memref<128x16xf32, #tpu.memory_space<vmem>>
    %dma_wait3A_208 = arith.constant 0 : i32
    %dma_wait3A_209 = tpu.memref_slice %arg8[%dma_wait3A_202, %dma_wait3A_208] : memref<80x128xi32, #tpu.memory_space<vmem>> -> memref<1x128xi32, #tpu.memory_space<vmem>>
    %dma_wait3A_210 = tpu.memref_squeeze %dma_wait3A_209 : memref<1x128xi32, #tpu.memory_space<vmem>> -> memref<128xi32, #tpu.memory_space<vmem>>
    %dma_wait3A_211 = arith.constant 0 : i32
    %dma_wait3A_212 = arith.constant 0 : i32
    %dma_wait3A_213 = tpu.memref_slice %arg10[%dma_wait3A_211, %dma_wait3A_212] : memref<10240x16xf32, #tpu.memory_space<vmem_shared>> -> memref<10240x16xf32, #tpu.memory_space<vmem_shared>>
    %dma_wait3A_214 = tpu.memref_slice %arg12[%dma_wait3A_203] : memref<10x!tpu.dma_semaphore, #tpu.memory_space<semaphore_mem>> -> memref<1x!tpu.dma_semaphore, #tpu.memory_space<semaphore_mem>>
    %dma_wait3A_215 = tpu.memref_squeeze %dma_wait3A_214 : memref<1x!tpu.dma_semaphore, #tpu.memory_space<semaphore_mem>> -> memref<!tpu.dma_semaphore, #tpu.memory_space<semaphore_mem>>
    tpu.wait_indirect_dma semaphore(%dma_wait3A_215 : memref<!tpu.dma_semaphore, #tpu.memory_space<semaphore_mem>>) src(%dma_wait3A_207 : memref<128x16xf32, #tpu.memory_space<vmem>>) dst(%dma_wait3A_213 : memref<10240x16xf32, #tpu.memory_space<vmem_shared>>)
    %dma_wait3A_216 = arith.constant 5 : i32
    %dma_wait3A_217 = arith.constant 0 : i32
    %dma_wait3A_218 = arith.constant 5 : i32
    %dma_wait3A_219 = arith.constant 0 : i32
    %dma_wait3A_220 = arith.constant 0 : i32
    %dma_wait3A_221 = tpu.memref_slice %arg9[%dma_wait3A_216, %dma_wait3A_219, %dma_wait3A_220] : memref<10x128x16xf32, #tpu.memory_space<vmem>> -> memref<1x128x16xf32, #tpu.memory_space<vmem>>
    %dma_wait3A_222 = tpu.memref_squeeze %dma_wait3A_221 : memref<1x128x16xf32, #tpu.memory_space<vmem>> -> memref<128x16xf32, #tpu.memory_space<vmem>>
    %dma_wait3A_223 = arith.constant 0 : i32
    %dma_wait3A_224 = tpu.memref_slice %arg8[%dma_wait3A_217, %dma_wait3A_223] : memref<80x128xi32, #tpu.memory_space<vmem>> -> memref<1x128xi32, #tpu.memory_space<vmem>>
    %dma_wait3A_225 = tpu.memref_squeeze %dma_wait3A_224 : memref<1x128xi32, #tpu.memory_space<vmem>> -> memref<128xi32, #tpu.memory_space<vmem>>
    %dma_wait3A_226 = arith.constant 0 : i32
    %dma_wait3A_227 = arith.constant 0 : i32
    %dma_wait3A_228 = tpu.memref_slice %arg10[%dma_wait3A_226, %dma_wait3A_227] : memref<10240x16xf32, #tpu.memory_space<vmem_shared>> -> memref<10240x16xf32, #tpu.memory_space<vmem_shared>>
    %dma_wait3A_229 = tpu.memref_slice %arg12[%dma_wait3A_218] : memref<10x!tpu.dma_semaphore, #tpu.memory_space<semaphore_mem>> -> memref<1x!tpu.dma_semaphore, #tpu.memory_space<semaphore_mem>>
    %dma_wait3A_230 = tpu.memref_squeeze %dma_wait3A_229 : memref<1x!tpu.dma_semaphore, #tpu.memory_space<semaphore_mem>> -> memref<!tpu.dma_semaphore, #tpu.memory_space<semaphore_mem>>
    tpu.wait_indirect_dma semaphore(%dma_wait3A_230 : memref<!tpu.dma_semaphore, #tpu.memory_space<semaphore_mem>>) src(%dma_wait3A_222 : memref<128x16xf32, #tpu.memory_space<vmem>>) dst(%dma_wait3A_228 : memref<10240x16xf32, #tpu.memory_space<vmem_shared>>)
    %dma_wait3A_231 = arith.constant 6 : i32
    %dma_wait3A_232 = arith.constant 0 : i32
    %dma_wait3A_233 = arith.constant 6 : i32
    %dma_wait3A_234 = arith.constant 0 : i32
    %dma_wait3A_235 = arith.constant 0 : i32
    %dma_wait3A_236 = tpu.memref_slice %arg9[%dma_wait3A_231, %dma_wait3A_234, %dma_wait3A_235] : memref<10x128x16xf32, #tpu.memory_space<vmem>> -> memref<1x128x16xf32, #tpu.memory_space<vmem>>
    %dma_wait3A_237 = tpu.memref_squeeze %dma_wait3A_236 : memref<1x128x16xf32, #tpu.memory_space<vmem>> -> memref<128x16xf32, #tpu.memory_space<vmem>>
    %dma_wait3A_238 = arith.constant 0 : i32
    %dma_wait3A_239 = tpu.memref_slice %arg8[%dma_wait3A_232, %dma_wait3A_238] : memref<80x128xi32, #tpu.memory_space<vmem>> -> memref<1x128xi32, #tpu.memory_space<vmem>>
    %dma_wait3A_240 = tpu.memref_squeeze %dma_wait3A_239 : memref<1x128xi32, #tpu.memory_space<vmem>> -> memref<128xi32, #tpu.memory_space<vmem>>
    %dma_wait3A_241 = arith.constant 0 : i32
    %dma_wait3A_242 = arith.constant 0 : i32
    %dma_wait3A_243 = tpu.memref_slice %arg10[%dma_wait3A_241, %dma_wait3A_242] : memref<10240x16xf32, #tpu.memory_space<vmem_shared>> -> memref<10240x16xf32, #tpu.memory_space<vmem_shared>>
    %dma_wait3A_244 = tpu.memref_slice %arg12[%dma_wait3A_233] : memref<10x!tpu.dma_semaphore, #tpu.memory_space<semaphore_mem>> -> memref<1x!tpu.dma_semaphore, #tpu.memory_space<semaphore_mem>>
    %dma_wait3A_245 = tpu.memref_squeeze %dma_wait3A_244 : memref<1x!tpu.dma_semaphore, #tpu.memory_space<semaphore_mem>> -> memref<!tpu.dma_semaphore, #tpu.memory_space<semaphore_mem>>
    tpu.wait_indirect_dma semaphore(%dma_wait3A_245 : memref<!tpu.dma_semaphore, #tpu.memory_space<semaphore_mem>>) src(%dma_wait3A_237 : memref<128x16xf32, #tpu.memory_space<vmem>>) dst(%dma_wait3A_243 : memref<10240x16xf32, #tpu.memory_space<vmem_shared>>)
    %dma_wait3A_246 = arith.constant 7 : i32
    %dma_wait3A_247 = arith.constant 0 : i32
    %dma_wait3A_248 = arith.constant 7 : i32
    %dma_wait3A_249 = arith.constant 0 : i32
    %dma_wait3A_250 = arith.constant 0 : i32
    %dma_wait3A_251 = tpu.memref_slice %arg9[%dma_wait3A_246, %dma_wait3A_249, %dma_wait3A_250] : memref<10x128x16xf32, #tpu.memory_space<vmem>> -> memref<1x128x16xf32, #tpu.memory_space<vmem>>
    %dma_wait3A_252 = tpu.memref_squeeze %dma_wait3A_251 : memref<1x128x16xf32, #tpu.memory_space<vmem>> -> memref<128x16xf32, #tpu.memory_space<vmem>>
    %dma_wait3A_253 = arith.constant 0 : i32
    %dma_wait3A_254 = tpu.memref_slice %arg8[%dma_wait3A_247, %dma_wait3A_253] : memref<80x128xi32, #tpu.memory_space<vmem>> -> memref<1x128xi32, #tpu.memory_space<vmem>>
    %dma_wait3A_255 = tpu.memref_squeeze %dma_wait3A_254 : memref<1x128xi32, #tpu.memory_space<vmem>> -> memref<128xi32, #tpu.memory_space<vmem>>
    %dma_wait3A_256 = arith.constant 0 : i32
    %dma_wait3A_257 = arith.constant 0 : i32
    %dma_wait3A_258 = tpu.memref_slice %arg10[%dma_wait3A_256, %dma_wait3A_257] : memref<10240x16xf32, #tpu.memory_space<vmem_shared>> -> memref<10240x16xf32, #tpu.memory_space<vmem_shared>>
    %dma_wait3A_259 = tpu.memref_slice %arg12[%dma_wait3A_248] : memref<10x!tpu.dma_semaphore, #tpu.memory_space<semaphore_mem>> -> memref<1x!tpu.dma_semaphore, #tpu.memory_space<semaphore_mem>>
    %dma_wait3A_260 = tpu.memref_squeeze %dma_wait3A_259 : memref<1x!tpu.dma_semaphore, #tpu.memory_space<semaphore_mem>> -> memref<!tpu.dma_semaphore, #tpu.memory_space<semaphore_mem>>
    tpu.wait_indirect_dma semaphore(%dma_wait3A_260 : memref<!tpu.dma_semaphore, #tpu.memory_space<semaphore_mem>>) src(%dma_wait3A_252 : memref<128x16xf32, #tpu.memory_space<vmem>>) dst(%dma_wait3A_258 : memref<10240x16xf32, #tpu.memory_space<vmem_shared>>)
    %dma_wait3A_261 = arith.constant 8 : i32
    %dma_wait3A_262 = arith.constant 0 : i32
    %dma_wait3A_263 = arith.constant 8 : i32
    %dma_wait3A_264 = arith.constant 0 : i32
    %dma_wait3A_265 = arith.constant 0 : i32
    %dma_wait3A_266 = tpu.memref_slice %arg9[%dma_wait3A_261, %dma_wait3A_264, %dma_wait3A_265] : memref<10x128x16xf32, #tpu.memory_space<vmem>> -> memref<1x128x16xf32, #tpu.memory_space<vmem>>
    %dma_wait3A_267 = tpu.memref_squeeze %dma_wait3A_266 : memref<1x128x16xf32, #tpu.memory_space<vmem>> -> memref<128x16xf32, #tpu.memory_space<vmem>>
    %dma_wait3A_268 = arith.constant 0 : i32
    %dma_wait3A_269 = tpu.memref_slice %arg8[%dma_wait3A_262, %dma_wait3A_268] : memref<80x128xi32, #tpu.memory_space<vmem>> -> memref<1x128xi32, #tpu.memory_space<vmem>>
    %dma_wait3A_270 = tpu.memref_squeeze %dma_wait3A_269 : memref<1x128xi32, #tpu.memory_space<vmem>> -> memref<128xi32, #tpu.memory_space<vmem>>
    %dma_wait3A_271 = arith.constant 0 : i32
    %dma_wait3A_272 = arith.constant 0 : i32
    %dma_wait3A_273 = tpu.memref_slice %arg10[%dma_wait3A_271, %dma_wait3A_272] : memref<10240x16xf32, #tpu.memory_space<vmem_shared>> -> memref<10240x16xf32, #tpu.memory_space<vmem_shared>>
    %dma_wait3A_274 = tpu.memref_slice %arg12[%dma_wait3A_263] : memref<10x!tpu.dma_semaphore, #tpu.memory_space<semaphore_mem>> -> memref<1x!tpu.dma_semaphore, #tpu.memory_space<semaphore_mem>>
    %dma_wait3A_275 = tpu.memref_squeeze %dma_wait3A_274 : memref<1x!tpu.dma_semaphore, #tpu.memory_space<semaphore_mem>> -> memref<!tpu.dma_semaphore, #tpu.memory_space<semaphore_mem>>
    tpu.wait_indirect_dma semaphore(%dma_wait3A_275 : memref<!tpu.dma_semaphore, #tpu.memory_space<semaphore_mem>>) src(%dma_wait3A_267 : memref<128x16xf32, #tpu.memory_space<vmem>>) dst(%dma_wait3A_273 : memref<10240x16xf32, #tpu.memory_space<vmem_shared>>)
    %dma_wait3A_276 = arith.constant 9 : i32
    %dma_wait3A_277 = arith.constant 0 : i32
    %dma_wait3A_278 = arith.constant 9 : i32
    %dma_wait3A_279 = arith.constant 0 : i32
    %dma_wait3A_280 = arith.constant 0 : i32
    %dma_wait3A_281 = tpu.memref_slice %arg9[%dma_wait3A_276, %dma_wait3A_279, %dma_wait3A_280] : memref<10x128x16xf32, #tpu.memory_space<vmem>> -> memref<1x128x16xf32, #tpu.memory_space<vmem>>
    %dma_wait3A_282 = tpu.memref_squeeze %dma_wait3A_281 : memref<1x128x16xf32, #tpu.memory_space<vmem>> -> memref<128x16xf32, #tpu.memory_space<vmem>>
    %dma_wait3A_283 = arith.constant 0 : i32
    %dma_wait3A_284 = tpu.memref_slice %arg8[%dma_wait3A_277, %dma_wait3A_283] : memref<80x128xi32, #tpu.memory_space<vmem>> -> memref<1x128xi32, #tpu.memory_space<vmem>>
    %dma_wait3A_285 = tpu.memref_squeeze %dma_wait3A_284 : memref<1x128xi32, #tpu.memory_space<vmem>> -> memref<128xi32, #tpu.memory_space<vmem>>
    %dma_wait3A_286 = arith.constant 0 : i32
    %dma_wait3A_287 = arith.constant 0 : i32
    %dma_wait3A_288 = tpu.memref_slice %arg10[%dma_wait3A_286, %dma_wait3A_287] : memref<10240x16xf32, #tpu.memory_space<vmem_shared>> -> memref<10240x16xf32, #tpu.memory_space<vmem_shared>>
    %dma_wait3A_289 = tpu.memref_slice %arg12[%dma_wait3A_278] : memref<10x!tpu.dma_semaphore, #tpu.memory_space<semaphore_mem>> -> memref<1x!tpu.dma_semaphore, #tpu.memory_space<semaphore_mem>>
    %dma_wait3A_290 = tpu.memref_squeeze %dma_wait3A_289 : memref<1x!tpu.dma_semaphore, #tpu.memory_space<semaphore_mem>> -> memref<!tpu.dma_semaphore, #tpu.memory_space<semaphore_mem>>
    tpu.wait_indirect_dma semaphore(%dma_wait3A_290 : memref<!tpu.dma_semaphore, #tpu.memory_space<semaphore_mem>>) src(%dma_wait3A_282 : memref<128x16xf32, #tpu.memory_space<vmem>>) dst(%dma_wait3A_288 : memref<10240x16xf32, #tpu.memory_space<vmem_shared>>)
    %barrier3A_291 = arith.constant 0 : index
    tpu.barrier barrier_id(%barrier3A_291)
    %mul3A_292 = arith.constant 640 : i32
    %mul3A_293 = arith.muli %arg1, %mul3A_292 : i32
    %mul3A_294 = arith.constant 10240 : i32
    %mul3A_295 = arith.muli %arg0, %mul3A_294 : i32
    %mul3A_296 = arith.constant 640 : i32
    %mul3A_297 = arith.muli %arg1, %mul3A_296 : i32
    %add3A_298 = arith.addi %mul3A_295, %mul3A_297 : i32
    "tpu.region"() ({
      %run_scoped3A = tpu.sem_alloc : memref<!tpu.dma_semaphore, #tpu.memory_space<semaphore_mem>>
      %dma_start3A_299 = arith.constant 0 : i32
      %dma_start3A_300 = tpu.memref_slice %arg6[%add3A_298, %dma_start3A_299] : memref<20480x16xf32, #tpu.memory_space<hbm>> -> memref<640x16xf32, #tpu.memory_space<hbm>>
      %dma_start3A_301 = arith.constant 0 : i32
      %dma_start3A_302 = tpu.memref_slice %arg10[%mul3A_293, %dma_start3A_301] : memref<10240x16xf32, #tpu.memory_space<vmem_shared>> -> memref<640x16xf32, #tpu.memory_space<vmem_shared>>
      tpu.enqueue_dma source(%dma_start3A_302 : memref<640x16xf32, #tpu.memory_space<vmem_shared>>) target(%dma_start3A_300 : memref<640x16xf32, #tpu.memory_space<hbm>>) target_semaphore(%run_scoped3A : memref<!tpu.dma_semaphore, #tpu.memory_space<semaphore_mem>>)
      %dma_wait3A_303 = arith.constant 0 : i32
      %dma_wait3A_304 = tpu.memref_slice %arg6[%add3A_298, %dma_wait3A_303] : memref<20480x16xf32, #tpu.memory_space<hbm>> -> memref<640x16xf32, #tpu.memory_space<hbm>>
      %dma_wait3A_305 = arith.constant 0 : i32
      %dma_wait3A_306 = tpu.memref_slice %arg10[%mul3A_293, %dma_wait3A_305] : memref<10240x16xf32, #tpu.memory_space<vmem_shared>> -> memref<640x16xf32, #tpu.memory_space<vmem_shared>>
      tpu.wait_dma2 semaphore(%run_scoped3A : memref<!tpu.dma_semaphore, #tpu.memory_space<semaphore_mem>>) src(%dma_wait3A_306 : memref<640x16xf32, #tpu.memory_space<vmem_shared>>) dst(%dma_wait3A_304 : memref<640x16xf32, #tpu.memory_space<hbm>>)
      tpu.yield
    }) : () -> ()
    return
  }
}

#map = affine_map<(d0, d1) -> (0, 0)>
#map1 = affine_map<(d0, d1) -> (0, 0, 0)>
module attributes {stable_mosaic.version = 14 : i64} {
  func.func @body(%arg0: i32, %arg1: i32, %arg2: memref<10240x16xf32, #tpu.memory_space<hbm>>, %arg3: memref<80x32x128xi32, #tpu.memory_space<hbm>>, %arg4: memref<80x32x128xi32, #tpu.memory_space<hbm>>, %arg5: memref<10240x16xf32, #tpu.memory_space<hbm>>, %arg6: memref<20480x16xf32, #tpu.memory_space<hbm>>, %arg7: memref<80x128xi32, #tpu.memory_space<vmem>>, %arg8: memref<80x128xi32, #tpu.memory_space<vmem>>, %arg9: memref<10x128x16xf32, #tpu.memory_space<vmem>>, %arg10: memref<10240x16xf32, #tpu.memory_space<vmem_shared>>, %arg11: memref<10x!tpu.dma_semaphore, #tpu.memory_space<semaphore_mem>>, %arg12: memref<10x!tpu.dma_semaphore, #tpu.memory_space<semaphore_mem>>) attributes {dimension_semantics = [#tpu.dimension_semantics<core_parallel>, #tpu.dimension_semantics<subcore_parallel>], iteration_bounds = array<i64: 2, 16>, scalar_prefetch = 0 : i64, scratch_operands = 6 : i64, tpu.core_type = #tpu.core_type<sc_vector_subcore>, window_params = [{transform_indices = #map}, {transform_indices = #map1}, {transform_indices = #map1}, {transform_indices = #map}, {transform_indices = #map}]} {
    %mul3A = arith.constant 2 : i32
    %mul3A_0 = arith.muli %arg1, %mul3A : i32
    %add3A = arith.addi %mul3A_0, %arg0 : i32
    %mul3A_1 = arith.constant 640 : i32
    %mul3A_2 = arith.muli %arg1, %mul3A_1 : i32
    %mul3A_3 = arith.constant 640 : i32
    %mul3A_4 = arith.muli %arg1, %mul3A_3 : i32
    %dma_start3A = arith.constant 9 : i32
    %dma_start3A_5 = tpu.memref_slice %arg11[%dma_start3A] : memref<10x!tpu.dma_semaphore, #tpu.memory_space<semaphore_mem>> -> memref<1x!tpu.dma_semaphore, #tpu.memory_space<semaphore_mem>>
    %dma_start3A_6 = tpu.memref_squeeze %dma_start3A_5 : memref<1x!tpu.dma_semaphore, #tpu.memory_space<semaphore_mem>> -> memref<!tpu.dma_semaphore, #tpu.memory_space<semaphore_mem>>
    %dma_start3A_7 = arith.constant 0 : i32
    %dma_start3A_8 = tpu.memref_slice %arg10[%mul3A_4, %dma_start3A_7] : memref<10240x16xf32, #tpu.memory_space<vmem_shared>> -> memref<640x16xf32, #tpu.memory_space<vmem_shared>>
    %dma_start3A_9 = arith.constant 0 : i32
    %dma_start3A_10 = tpu.memref_slice %arg5[%mul3A_2, %dma_start3A_9] : memref<10240x16xf32, #tpu.memory_space<hbm>> -> memref<640x16xf32, #tpu.memory_space<hbm>>
    tpu.enqueue_dma source(%dma_start3A_10 : memref<640x16xf32, #tpu.memory_space<hbm>>) target(%dma_start3A_8 : memref<640x16xf32, #tpu.memory_space<vmem_shared>>) target_semaphore(%dma_start3A_6 : memref<!tpu.dma_semaphore, #tpu.memory_space<semaphore_mem>>)
    %dma_start3A_11 = arith.constant 9 : i32
    %dma_start3A_12 = arith.constant 0 : i32
    %dma_start3A_13 = arith.constant 0 : i32
    %dma_start3A_14 = tpu.memref_slice %arg3[%dma_start3A_12, %add3A, %dma_start3A_13] : memref<80x32x128xi32, #tpu.memory_space<hbm>> -> memref<80x1x128xi32, #tpu.memory_space<hbm>>
    %dma_start3A_15 = tpu.memref_squeeze %dma_start3A_14 : memref<80x1x128xi32, #tpu.memory_space<hbm>> -> memref<80x128xi32, #tpu.memory_space<hbm>>
    %dma_start3A_16 = tpu.memref_slice %arg12[%dma_start3A_11] : memref<10x!tpu.dma_semaphore, #tpu.memory_space<semaphore_mem>> -> memref<1x!tpu.dma_semaphore, #tpu.memory_space<semaphore_mem>>
    %dma_start3A_17 = tpu.memref_squeeze %dma_start3A_16 : memref<1x!tpu.dma_semaphore, #tpu.memory_space<semaphore_mem>> -> memref<!tpu.dma_semaphore, #tpu.memory_space<semaphore_mem>>
    %dma_start3A_18 = arith.constant 0 : i32
    %dma_start3A_19 = arith.constant 0 : i32
    %dma_start3A_20 = tpu.memref_slice %arg3[%dma_start3A_18, %add3A, %dma_start3A_19] : memref<80x32x128xi32, #tpu.memory_space<hbm>> -> memref<80x1x128xi32, #tpu.memory_space<hbm>>
    %dma_start3A_21 = tpu.memref_squeeze %dma_start3A_20 : memref<80x1x128xi32, #tpu.memory_space<hbm>> -> memref<80x128xi32, #tpu.memory_space<hbm>>
    tpu.enqueue_dma source(%dma_start3A_21 : memref<80x128xi32, #tpu.memory_space<hbm>>) target(%arg7 : memref<80x128xi32, #tpu.memory_space<vmem>>) target_semaphore(%dma_start3A_17 : memref<!tpu.dma_semaphore, #tpu.memory_space<semaphore_mem>>)
    %dma_start3A_22 = arith.constant 8 : i32
    %dma_start3A_23 = arith.constant 0 : i32
    %dma_start3A_24 = arith.constant 0 : i32
    %dma_start3A_25 = tpu.memref_slice %arg4[%dma_start3A_23, %add3A, %dma_start3A_24] : memref<80x32x128xi32, #tpu.memory_space<hbm>> -> memref<80x1x128xi32, #tpu.memory_space<hbm>>
    %dma_start3A_26 = tpu.memref_squeeze %dma_start3A_25 : memref<80x1x128xi32, #tpu.memory_space<hbm>> -> memref<80x128xi32, #tpu.memory_space<hbm>>
    %dma_start3A_27 = tpu.memref_slice %arg12[%dma_start3A_22] : memref<10x!tpu.dma_semaphore, #tpu.memory_space<semaphore_mem>> -> memref<1x!tpu.dma_semaphore, #tpu.memory_space<semaphore_mem>>
    %dma_start3A_28 = tpu.memref_squeeze %dma_start3A_27 : memref<1x!tpu.dma_semaphore, #tpu.memory_space<semaphore_mem>> -> memref<!tpu.dma_semaphore, #tpu.memory_space<semaphore_mem>>
    %dma_start3A_29 = arith.constant 0 : i32
    %dma_start3A_30 = arith.constant 0 : i32
    %dma_start3A_31 = tpu.memref_slice %arg4[%dma_start3A_29, %add3A, %dma_start3A_30] : memref<80x32x128xi32, #tpu.memory_space<hbm>> -> memref<80x1x128xi32, #tpu.memory_space<hbm>>
    %dma_start3A_32 = tpu.memref_squeeze %dma_start3A_31 : memref<80x1x128xi32, #tpu.memory_space<hbm>> -> memref<80x128xi32, #tpu.memory_space<hbm>>
    tpu.enqueue_dma source(%dma_start3A_32 : memref<80x128xi32, #tpu.memory_space<hbm>>) target(%arg8 : memref<80x128xi32, #tpu.memory_space<vmem>>) target_semaphore(%dma_start3A_28 : memref<!tpu.dma_semaphore, #tpu.memory_space<semaphore_mem>>)
    %dma_wait3A = arith.constant 9 : i32
    %dma_wait3A_33 = tpu.memref_slice %arg11[%dma_wait3A] : memref<10x!tpu.dma_semaphore, #tpu.memory_space<semaphore_mem>> -> memref<1x!tpu.dma_semaphore, #tpu.memory_space<semaphore_mem>>
    %dma_wait3A_34 = tpu.memref_squeeze %dma_wait3A_33 : memref<1x!tpu.dma_semaphore, #tpu.memory_space<semaphore_mem>> -> memref<!tpu.dma_semaphore, #tpu.memory_space<semaphore_mem>>
    %dma_wait3A_35 = arith.constant 0 : i32
    %dma_wait3A_36 = tpu.memref_slice %arg10[%mul3A_4, %dma_wait3A_35] : memref<10240x16xf32, #tpu.memory_space<vmem_shared>> -> memref<640x16xf32, #tpu.memory_space<vmem_shared>>
    %dma_wait3A_37 = arith.constant 0 : i32
    %dma_wait3A_38 = tpu.memref_slice %arg5[%mul3A_2, %dma_wait3A_37] : memref<10240x16xf32, #tpu.memory_space<hbm>> -> memref<640x16xf32, #tpu.memory_space<hbm>>
    tpu.wait_dma2 semaphore(%dma_wait3A_34 : memref<!tpu.dma_semaphore, #tpu.memory_space<semaphore_mem>>) src(%dma_wait3A_38 : memref<640x16xf32, #tpu.memory_space<hbm>>) dst(%dma_wait3A_36 : memref<640x16xf32, #tpu.memory_space<vmem_shared>>)
    %dma_wait3A_39 = arith.constant 9 : i32
    %dma_wait3A_40 = arith.constant 0 : i32
    %dma_wait3A_41 = arith.constant 0 : i32
    %dma_wait3A_42 = tpu.memref_slice %arg3[%dma_wait3A_40, %add3A, %dma_wait3A_41] : memref<80x32x128xi32, #tpu.memory_space<hbm>> -> memref<80x1x128xi32, #tpu.memory_space<hbm>>
    %dma_wait3A_43 = tpu.memref_squeeze %dma_wait3A_42 : memref<80x1x128xi32, #tpu.memory_space<hbm>> -> memref<80x128xi32, #tpu.memory_space<hbm>>
    %dma_wait3A_44 = tpu.memref_slice %arg12[%dma_wait3A_39] : memref<10x!tpu.dma_semaphore, #tpu.memory_space<semaphore_mem>> -> memref<1x!tpu.dma_semaphore, #tpu.memory_space<semaphore_mem>>
    %dma_wait3A_45 = tpu.memref_squeeze %dma_wait3A_44 : memref<1x!tpu.dma_semaphore, #tpu.memory_space<semaphore_mem>> -> memref<!tpu.dma_semaphore, #tpu.memory_space<semaphore_mem>>
    %dma_wait3A_46 = arith.constant 0 : i32
    %dma_wait3A_47 = arith.constant 0 : i32
    %dma_wait3A_48 = tpu.memref_slice %arg3[%dma_wait3A_46, %add3A, %dma_wait3A_47] : memref<80x32x128xi32, #tpu.memory_space<hbm>> -> memref<80x1x128xi32, #tpu.memory_space<hbm>>
    %dma_wait3A_49 = tpu.memref_squeeze %dma_wait3A_48 : memref<80x1x128xi32, #tpu.memory_space<hbm>> -> memref<80x128xi32, #tpu.memory_space<hbm>>
    tpu.wait_dma2 semaphore(%dma_wait3A_45 : memref<!tpu.dma_semaphore, #tpu.memory_space<semaphore_mem>>) src(%dma_wait3A_49 : memref<80x128xi32, #tpu.memory_space<hbm>>) dst(%arg7 : memref<80x128xi32, #tpu.memory_space<vmem>>)
    %dma_wait3A_50 = arith.constant 8 : i32
    %dma_wait3A_51 = arith.constant 0 : i32
    %dma_wait3A_52 = arith.constant 0 : i32
    %dma_wait3A_53 = tpu.memref_slice %arg4[%dma_wait3A_51, %add3A, %dma_wait3A_52] : memref<80x32x128xi32, #tpu.memory_space<hbm>> -> memref<80x1x128xi32, #tpu.memory_space<hbm>>
    %dma_wait3A_54 = tpu.memref_squeeze %dma_wait3A_53 : memref<80x1x128xi32, #tpu.memory_space<hbm>> -> memref<80x128xi32, #tpu.memory_space<hbm>>
    %dma_wait3A_55 = tpu.memref_slice %arg12[%dma_wait3A_50] : memref<10x!tpu.dma_semaphore, #tpu.memory_space<semaphore_mem>> -> memref<1x!tpu.dma_semaphore, #tpu.memory_space<semaphore_mem>>
    %dma_wait3A_56 = tpu.memref_squeeze %dma_wait3A_55 : memref<1x!tpu.dma_semaphore, #tpu.memory_space<semaphore_mem>> -> memref<!tpu.dma_semaphore, #tpu.memory_space<semaphore_mem>>
    %dma_wait3A_57 = arith.constant 0 : i32
    %dma_wait3A_58 = arith.constant 0 : i32
    %dma_wait3A_59 = tpu.memref_slice %arg4[%dma_wait3A_57, %add3A, %dma_wait3A_58] : memref<80x32x128xi32, #tpu.memory_space<hbm>> -> memref<80x1x128xi32, #tpu.memory_space<hbm>>
    %dma_wait3A_60 = tpu.memref_squeeze %dma_wait3A_59 : memref<80x1x128xi32, #tpu.memory_space<hbm>> -> memref<80x128xi32, #tpu.memory_space<hbm>>
    tpu.wait_dma2 semaphore(%dma_wait3A_56 : memref<!tpu.dma_semaphore, #tpu.memory_space<semaphore_mem>>) src(%dma_wait3A_60 : memref<80x128xi32, #tpu.memory_space<hbm>>) dst(%arg8 : memref<80x128xi32, #tpu.memory_space<vmem>>)
    %barrier3A = arith.constant 0 : index
    tpu.barrier barrier_id(%barrier3A)
    %dma_start3A_61 = arith.constant 0 : i32
    %dma_start3A_62 = arith.constant 0 : i32
    %dma_start3A_63 = arith.constant 0 : i32
    %dma_start3A_64 = arith.constant 0 : i32
    %dma_start3A_65 = arith.constant 0 : i32
    %dma_start3A_66 = tpu.memref_slice %arg9[%dma_start3A_62, %dma_start3A_64, %dma_start3A_65] : memref<10x128x16xf32, #tpu.memory_space<vmem>> -> memref<1x128x16xf32, #tpu.memory_space<vmem>>
    %dma_start3A_67 = tpu.memref_squeeze %dma_start3A_66 : memref<1x128x16xf32, #tpu.memory_space<vmem>> -> memref<128x16xf32, #tpu.memory_space<vmem>>
    %dma_start3A_68 = arith.constant 0 : i32
    %dma_start3A_69 = tpu.memref_slice %arg7[%dma_start3A_61, %dma_start3A_68] : memref<80x128xi32, #tpu.memory_space<vmem>> -> memref<1x128xi32, #tpu.memory_space<vmem>>
    %dma_start3A_70 = tpu.memref_squeeze %dma_start3A_69 : memref<1x128xi32, #tpu.memory_space<vmem>> -> memref<128xi32, #tpu.memory_space<vmem>>
    %dma_start3A_71 = arith.constant 0 : i32
    %dma_start3A_72 = arith.constant 0 : i32
    %dma_start3A_73 = tpu.memref_slice %arg2[%dma_start3A_71, %dma_start3A_72] : memref<10240x16xf32, #tpu.memory_space<hbm>> -> memref<10240x16xf32, #tpu.memory_space<hbm>>
    %dma_start3A_74 = tpu.memref_slice %arg11[%dma_start3A_63] : memref<10x!tpu.dma_semaphore, #tpu.memory_space<semaphore_mem>> -> memref<1x!tpu.dma_semaphore, #tpu.memory_space<semaphore_mem>>
    %dma_start3A_75 = tpu.memref_squeeze %dma_start3A_74 : memref<1x!tpu.dma_semaphore, #tpu.memory_space<semaphore_mem>> -> memref<!tpu.dma_semaphore, #tpu.memory_space<semaphore_mem>>
    tpu.enqueue_indirect_dma source(%dma_start3A_73 : memref<10240x16xf32, #tpu.memory_space<hbm>>) target(%dma_start3A_67 : memref<128x16xf32, #tpu.memory_space<vmem>>) offsets(%dma_start3A_70 : memref<128xi32, #tpu.memory_space<vmem>>) semaphore(%dma_start3A_75 : memref<!tpu.dma_semaphore, #tpu.memory_space<semaphore_mem>>)
    %dma_start3A_76 = arith.constant 1 : i32
    %dma_start3A_77 = arith.constant 1 : i32
    %dma_start3A_78 = arith.constant 1 : i32
    %dma_start3A_79 = arith.constant 0 : i32
    %dma_start3A_80 = arith.constant 0 : i32
    %dma_start3A_81 = tpu.memref_slice %arg9[%dma_start3A_77, %dma_start3A_79, %dma_start3A_80] : memref<10x128x16xf32, #tpu.memory_space<vmem>> -> memref<1x128x16xf32, #tpu.memory_space<vmem>>
    %dma_start3A_82 = tpu.memref_squeeze %dma_start3A_81 : memref<1x128x16xf32, #tpu.memory_space<vmem>> -> memref<128x16xf32, #tpu.memory_space<vmem>>
    %dma_start3A_83 = arith.constant 0 : i32
    %dma_start3A_84 = tpu.memref_slice %arg7[%dma_start3A_76, %dma_start3A_83] : memref<80x128xi32, #tpu.memory_space<vmem>> -> memref<1x128xi32, #tpu.memory_space<vmem>>
    %dma_start3A_85 = tpu.memref_squeeze %dma_start3A_84 : memref<1x128xi32, #tpu.memory_space<vmem>> -> memref<128xi32, #tpu.memory_space<vmem>>
    %dma_start3A_86 = arith.constant 0 : i32
    %dma_start3A_87 = arith.constant 0 : i32
    %dma_start3A_88 = tpu.memref_slice %arg2[%dma_start3A_86, %dma_start3A_87] : memref<10240x16xf32, #tpu.memory_space<hbm>> -> memref<10240x16xf32, #tpu.memory_space<hbm>>
    %dma_start3A_89 = tpu.memref_slice %arg11[%dma_start3A_78] : memref<10x!tpu.dma_semaphore, #tpu.memory_space<semaphore_mem>> -> memref<1x!tpu.dma_semaphore, #tpu.memory_space<semaphore_mem>>
    %dma_start3A_90 = tpu.memref_squeeze %dma_start3A_89 : memref<1x!tpu.dma_semaphore, #tpu.memory_space<semaphore_mem>> -> memref<!tpu.dma_semaphore, #tpu.memory_space<semaphore_mem>>
    tpu.enqueue_indirect_dma source(%dma_start3A_88 : memref<10240x16xf32, #tpu.memory_space<hbm>>) target(%dma_start3A_82 : memref<128x16xf32, #tpu.memory_space<vmem>>) offsets(%dma_start3A_85 : memref<128xi32, #tpu.memory_space<vmem>>) semaphore(%dma_start3A_90 : memref<!tpu.dma_semaphore, #tpu.memory_space<semaphore_mem>>)
    %dma_start3A_91 = arith.constant 2 : i32
    %dma_start3A_92 = arith.constant 2 : i32
    %dma_start3A_93 = arith.constant 2 : i32
    %dma_start3A_94 = arith.constant 0 : i32
    %dma_start3A_95 = arith.constant 0 : i32
    %dma_start3A_96 = tpu.memref_slice %arg9[%dma_start3A_92, %dma_start3A_94, %dma_start3A_95] : memref<10x128x16xf32, #tpu.memory_space<vmem>> -> memref<1x128x16xf32, #tpu.memory_space<vmem>>
    %dma_start3A_97 = tpu.memref_squeeze %dma_start3A_96 : memref<1x128x16xf32, #tpu.memory_space<vmem>> -> memref<128x16xf32, #tpu.memory_space<vmem>>
    %dma_start3A_98 = arith.constant 0 : i32
    %dma_start3A_99 = tpu.memref_slice %arg7[%dma_start3A_91, %dma_start3A_98] : memref<80x128xi32, #tpu.memory_space<vmem>> -> memref<1x128xi32, #tpu.memory_space<vmem>>
    %dma_start3A_100 = tpu.memref_squeeze %dma_start3A_99 : memref<1x128xi32, #tpu.memory_space<vmem>> -> memref<128xi32, #tpu.memory_space<vmem>>
    %dma_start3A_101 = arith.constant 0 : i32
    %dma_start3A_102 = arith.constant 0 : i32
    %dma_start3A_103 = tpu.memref_slice %arg2[%dma_start3A_101, %dma_start3A_102] : memref<10240x16xf32, #tpu.memory_space<hbm>> -> memref<10240x16xf32, #tpu.memory_space<hbm>>
    %dma_start3A_104 = tpu.memref_slice %arg11[%dma_start3A_93] : memref<10x!tpu.dma_semaphore, #tpu.memory_space<semaphore_mem>> -> memref<1x!tpu.dma_semaphore, #tpu.memory_space<semaphore_mem>>
    %dma_start3A_105 = tpu.memref_squeeze %dma_start3A_104 : memref<1x!tpu.dma_semaphore, #tpu.memory_space<semaphore_mem>> -> memref<!tpu.dma_semaphore, #tpu.memory_space<semaphore_mem>>
    tpu.enqueue_indirect_dma source(%dma_start3A_103 : memref<10240x16xf32, #tpu.memory_space<hbm>>) target(%dma_start3A_97 : memref<128x16xf32, #tpu.memory_space<vmem>>) offsets(%dma_start3A_100 : memref<128xi32, #tpu.memory_space<vmem>>) semaphore(%dma_start3A_105 : memref<!tpu.dma_semaphore, #tpu.memory_space<semaphore_mem>>)
    %dma_start3A_106 = arith.constant 3 : i32
    %dma_start3A_107 = arith.constant 3 : i32
    %dma_start3A_108 = arith.constant 3 : i32
    %dma_start3A_109 = arith.constant 0 : i32
    %dma_start3A_110 = arith.constant 0 : i32
    %dma_start3A_111 = tpu.memref_slice %arg9[%dma_start3A_107, %dma_start3A_109, %dma_start3A_110] : memref<10x128x16xf32, #tpu.memory_space<vmem>> -> memref<1x128x16xf32, #tpu.memory_space<vmem>>
    %dma_start3A_112 = tpu.memref_squeeze %dma_start3A_111 : memref<1x128x16xf32, #tpu.memory_space<vmem>> -> memref<128x16xf32, #tpu.memory_space<vmem>>
    %dma_start3A_113 = arith.constant 0 : i32
    %dma_start3A_114 = tpu.memref_slice %arg7[%dma_start3A_106, %dma_start3A_113] : memref<80x128xi32, #tpu.memory_space<vmem>> -> memref<1x128xi32, #tpu.memory_space<vmem>>
    %dma_start3A_115 = tpu.memref_squeeze %dma_start3A_114 : memref<1x128xi32, #tpu.memory_space<vmem>> -> memref<128xi32, #tpu.memory_space<vmem>>
    %dma_start3A_116 = arith.constant 0 : i32
    %dma_start3A_117 = arith.constant 0 : i32
    %dma_start3A_118 = tpu.memref_slice %arg2[%dma_start3A_116, %dma_start3A_117] : memref<10240x16xf32, #tpu.memory_space<hbm>> -> memref<10240x16xf32, #tpu.memory_space<hbm>>
    %dma_start3A_119 = tpu.memref_slice %arg11[%dma_start3A_108] : memref<10x!tpu.dma_semaphore, #tpu.memory_space<semaphore_mem>> -> memref<1x!tpu.dma_semaphore, #tpu.memory_space<semaphore_mem>>
    %dma_start3A_120 = tpu.memref_squeeze %dma_start3A_119 : memref<1x!tpu.dma_semaphore, #tpu.memory_space<semaphore_mem>> -> memref<!tpu.dma_semaphore, #tpu.memory_space<semaphore_mem>>
    tpu.enqueue_indirect_dma source(%dma_start3A_118 : memref<10240x16xf32, #tpu.memory_space<hbm>>) target(%dma_start3A_112 : memref<128x16xf32, #tpu.memory_space<vmem>>) offsets(%dma_start3A_115 : memref<128xi32, #tpu.memory_space<vmem>>) semaphore(%dma_start3A_120 : memref<!tpu.dma_semaphore, #tpu.memory_space<semaphore_mem>>)
    %dma_start3A_121 = arith.constant 4 : i32
    %dma_start3A_122 = arith.constant 4 : i32
    %dma_start3A_123 = arith.constant 4 : i32
    %dma_start3A_124 = arith.constant 0 : i32
    %dma_start3A_125 = arith.constant 0 : i32
    %dma_start3A_126 = tpu.memref_slice %arg9[%dma_start3A_122, %dma_start3A_124, %dma_start3A_125] : memref<10x128x16xf32, #tpu.memory_space<vmem>> -> memref<1x128x16xf32, #tpu.memory_space<vmem>>
    %dma_start3A_127 = tpu.memref_squeeze %dma_start3A_126 : memref<1x128x16xf32, #tpu.memory_space<vmem>> -> memref<128x16xf32, #tpu.memory_space<vmem>>
    %dma_start3A_128 = arith.constant 0 : i32
    %dma_start3A_129 = tpu.memref_slice %arg7[%dma_start3A_121, %dma_start3A_128] : memref<80x128xi32, #tpu.memory_space<vmem>> -> memref<1x128xi32, #tpu.memory_space<vmem>>
    %dma_start3A_130 = tpu.memref_squeeze %dma_start3A_129 : memref<1x128xi32, #tpu.memory_space<vmem>> -> memref<128xi32, #tpu.memory_space<vmem>>
    %dma_start3A_131 = arith.constant 0 : i32
    %dma_start3A_132 = arith.constant 0 : i32
    %dma_start3A_133 = tpu.memref_slice %arg2[%dma_start3A_131, %dma_start3A_132] : memref<10240x16xf32, #tpu.memory_space<hbm>> -> memref<10240x16xf32, #tpu.memory_space<hbm>>
    %dma_start3A_134 = tpu.memref_slice %arg11[%dma_start3A_123] : memref<10x!tpu.dma_semaphore, #tpu.memory_space<semaphore_mem>> -> memref<1x!tpu.dma_semaphore, #tpu.memory_space<semaphore_mem>>
    %dma_start3A_135 = tpu.memref_squeeze %dma_start3A_134 : memref<1x!tpu.dma_semaphore, #tpu.memory_space<semaphore_mem>> -> memref<!tpu.dma_semaphore, #tpu.memory_space<semaphore_mem>>
    tpu.enqueue_indirect_dma source(%dma_start3A_133 : memref<10240x16xf32, #tpu.memory_space<hbm>>) target(%dma_start3A_127 : memref<128x16xf32, #tpu.memory_space<vmem>>) offsets(%dma_start3A_130 : memref<128xi32, #tpu.memory_space<vmem>>) semaphore(%dma_start3A_135 : memref<!tpu.dma_semaphore, #tpu.memory_space<semaphore_mem>>)
    %scan3A = arith.constant 0 : i32
    %scan3A_136 = arith.constant 0 : i32
    %scan3A_137 = arith.constant 8 : i32
    %scan3A_138 = arith.addi %scan3A_136, %scan3A_137 : i32
    %scan3A_139 = arith.constant 1 : i32
    scf.for %scan3A_299 = %scan3A_136 to %scan3A_138 step %scan3A_139  : i32 {
      %mul3A_300 = arith.constant 10 : i32
      %mul3A_301 = arith.muli %scan3A_299, %mul3A_300 : i32
      %add3A_302 = arith.constant 0 : i32
      %add3A_303 = arith.addi %mul3A_301, %add3A_302 : i32
      %dma_wait3A_304 = arith.constant 0 : i32
      %dma_wait3A_305 = arith.constant 0 : i32
      %dma_wait3A_306 = arith.constant 0 : i32
      %dma_wait3A_307 = arith.constant 0 : i32
      %dma_wait3A_308 = arith.constant 0 : i32
      %dma_wait3A_309 = tpu.memref_slice %arg9[%dma_wait3A_305, %dma_wait3A_307, %dma_wait3A_308] : memref<10x128x16xf32, #tpu.memory_space<vmem>> -> memref<1x128x16xf32, #tpu.memory_space<vmem>>
      %dma_wait3A_310 = tpu.memref_squeeze %dma_wait3A_309 : memref<1x128x16xf32, #tpu.memory_space<vmem>> -> memref<128x16xf32, #tpu.memory_space<vmem>>
      %dma_wait3A_311 = arith.constant 0 : i32
      %dma_wait3A_312 = tpu.memref_slice %arg7[%dma_wait3A_304, %dma_wait3A_311] : memref<80x128xi32, #tpu.memory_space<vmem>> -> memref<1x128xi32, #tpu.memory_space<vmem>>
      %dma_wait3A_313 = tpu.memref_squeeze %dma_wait3A_312 : memref<1x128xi32, #tpu.memory_space<vmem>> -> memref<128xi32, #tpu.memory_space<vmem>>
      %dma_wait3A_314 = arith.constant 0 : i32
      %dma_wait3A_315 = arith.constant 0 : i32
      %dma_wait3A_316 = tpu.memref_slice %arg2[%dma_wait3A_314, %dma_wait3A_315] : memref<10240x16xf32, #tpu.memory_space<hbm>> -> memref<10240x16xf32, #tpu.memory_space<hbm>>
      %dma_wait3A_317 = tpu.memref_slice %arg11[%dma_wait3A_306] : memref<10x!tpu.dma_semaphore, #tpu.memory_space<semaphore_mem>> -> memref<1x!tpu.dma_semaphore, #tpu.memory_space<semaphore_mem>>
      %dma_wait3A_318 = tpu.memref_squeeze %dma_wait3A_317 : memref<1x!tpu.dma_semaphore, #tpu.memory_space<semaphore_mem>> -> memref<!tpu.dma_semaphore, #tpu.memory_space<semaphore_mem>>
      tpu.wait_indirect_dma semaphore(%dma_wait3A_318 : memref<!tpu.dma_semaphore, #tpu.memory_space<semaphore_mem>>) src(%dma_wait3A_316 : memref<10240x16xf32, #tpu.memory_space<hbm>>) dst(%dma_wait3A_310 : memref<128x16xf32, #tpu.memory_space<vmem>>)
      %dma_start3A_319 = arith.constant 0 : i32
      %dma_start3A_320 = arith.constant 0 : i32
      %dma_start3A_321 = arith.constant 0 : i32
      %dma_start3A_322 = arith.constant 0 : i32
      %dma_start3A_323 = tpu.memref_slice %arg9[%dma_start3A_319, %dma_start3A_321, %dma_start3A_322] : memref<10x128x16xf32, #tpu.memory_space<vmem>> -> memref<1x128x16xf32, #tpu.memory_space<vmem>>
      %dma_start3A_324 = tpu.memref_squeeze %dma_start3A_323 : memref<1x128x16xf32, #tpu.memory_space<vmem>> -> memref<128x16xf32, #tpu.memory_space<vmem>>
      %dma_start3A_325 = arith.constant 0 : i32
      %dma_start3A_326 = tpu.memref_slice %arg8[%add3A_303, %dma_start3A_325] : memref<80x128xi32, #tpu.memory_space<vmem>> -> memref<1x128xi32, #tpu.memory_space<vmem>>
      %dma_start3A_327 = tpu.memref_squeeze %dma_start3A_326 : memref<1x128xi32, #tpu.memory_space<vmem>> -> memref<128xi32, #tpu.memory_space<vmem>>
      %dma_start3A_328 = arith.constant 0 : i32
      %dma_start3A_329 = arith.constant 0 : i32
      %dma_start3A_330 = tpu.memref_slice %arg10[%dma_start3A_328, %dma_start3A_329] : memref<10240x16xf32, #tpu.memory_space<vmem_shared>> -> memref<10240x16xf32, #tpu.memory_space<vmem_shared>>
      %dma_start3A_331 = tpu.memref_slice %arg12[%dma_start3A_320] : memref<10x!tpu.dma_semaphore, #tpu.memory_space<semaphore_mem>> -> memref<1x!tpu.dma_semaphore, #tpu.memory_space<semaphore_mem>>
      %dma_start3A_332 = tpu.memref_squeeze %dma_start3A_331 : memref<1x!tpu.dma_semaphore, #tpu.memory_space<semaphore_mem>> -> memref<!tpu.dma_semaphore, #tpu.memory_space<semaphore_mem>>
      tpu.enqueue_indirect_dma source(%dma_start3A_324 : memref<128x16xf32, #tpu.memory_space<vmem>>) target(%dma_start3A_330 : memref<10240x16xf32, #tpu.memory_space<vmem_shared>>) offsets(%dma_start3A_327 : memref<128xi32, #tpu.memory_space<vmem>>) semaphore(%dma_start3A_332 : memref<!tpu.dma_semaphore, #tpu.memory_space<semaphore_mem>>) {add = true}
      %add3A_333 = arith.constant 5 : i32
      %add3A_334 = arith.addi %add3A_303, %add3A_333 : i32
      %ge3A = arith.constant 10 : i32
      %ge3A_335 = arith.cmpi sge, %add3A_334, %ge3A : i32
      %lt3A = arith.constant 80 : i32
      %lt3A_336 = arith.cmpi slt, %add3A_334, %lt3A : i32
      %and3A = arith.andi %ge3A_335, %lt3A_336 : i1
      %convert_element_type3A = arith.extui %and3A : i1 to i32
      %cond3A = arith.constant 0 : i32
      %cond3A_337 = arith.cmpi ne, %convert_element_type3A, %cond3A : i32
      scf.if %cond3A_337 {
        %dma_wait3A_775 = arith.constant 5 : i32
        %dma_wait3A_776 = arith.constant 0 : i32
        %dma_wait3A_777 = arith.constant 5 : i32
        %dma_wait3A_778 = arith.constant 0 : i32
        %dma_wait3A_779 = arith.constant 0 : i32
        %dma_wait3A_780 = tpu.memref_slice %arg9[%dma_wait3A_775, %dma_wait3A_778, %dma_wait3A_779] : memref<10x128x16xf32, #tpu.memory_space<vmem>> -> memref<1x128x16xf32, #tpu.memory_space<vmem>>
        %dma_wait3A_781 = tpu.memref_squeeze %dma_wait3A_780 : memref<1x128x16xf32, #tpu.memory_space<vmem>> -> memref<128x16xf32, #tpu.memory_space<vmem>>
        %dma_wait3A_782 = arith.constant 0 : i32
        %dma_wait3A_783 = tpu.memref_slice %arg8[%dma_wait3A_776, %dma_wait3A_782] : memref<80x128xi32, #tpu.memory_space<vmem>> -> memref<1x128xi32, #tpu.memory_space<vmem>>
        %dma_wait3A_784 = tpu.memref_squeeze %dma_wait3A_783 : memref<1x128xi32, #tpu.memory_space<vmem>> -> memref<128xi32, #tpu.memory_space<vmem>>
        %dma_wait3A_785 = arith.constant 0 : i32
        %dma_wait3A_786 = arith.constant 0 : i32
        %dma_wait3A_787 = tpu.memref_slice %arg10[%dma_wait3A_785, %dma_wait3A_786] : memref<10240x16xf32, #tpu.memory_space<vmem_shared>> -> memref<10240x16xf32, #tpu.memory_space<vmem_shared>>
        %dma_wait3A_788 = tpu.memref_slice %arg12[%dma_wait3A_777] : memref<10x!tpu.dma_semaphore, #tpu.memory_space<semaphore_mem>> -> memref<1x!tpu.dma_semaphore, #tpu.memory_space<semaphore_mem>>
        %dma_wait3A_789 = tpu.memref_squeeze %dma_wait3A_788 : memref<1x!tpu.dma_semaphore, #tpu.memory_space<semaphore_mem>> -> memref<!tpu.dma_semaphore, #tpu.memory_space<semaphore_mem>>
        tpu.wait_indirect_dma semaphore(%dma_wait3A_789 : memref<!tpu.dma_semaphore, #tpu.memory_space<semaphore_mem>>) src(%dma_wait3A_781 : memref<128x16xf32, #tpu.memory_space<vmem>>) dst(%dma_wait3A_787 : memref<10240x16xf32, #tpu.memory_space<vmem_shared>>)
      } else {
      }
      %lt3A_338 = arith.constant 80 : i32
      %lt3A_339 = arith.cmpi slt, %add3A_334, %lt3A_338 : i32
      %convert_element_type3A_340 = arith.extui %lt3A_339 : i1 to i32
      %cond3A_341 = arith.constant 0 : i32
      %cond3A_342 = arith.cmpi ne, %convert_element_type3A_340, %cond3A_341 : i32
      scf.if %cond3A_342 {
        %dma_start3A_775 = arith.constant 5 : i32
        %dma_start3A_776 = arith.constant 5 : i32
        %dma_start3A_777 = arith.constant 0 : i32
        %dma_start3A_778 = arith.constant 0 : i32
        %dma_start3A_779 = tpu.memref_slice %arg9[%dma_start3A_775, %dma_start3A_777, %dma_start3A_778] : memref<10x128x16xf32, #tpu.memory_space<vmem>> -> memref<1x128x16xf32, #tpu.memory_space<vmem>>
        %dma_start3A_780 = tpu.memref_squeeze %dma_start3A_779 : memref<1x128x16xf32, #tpu.memory_space<vmem>> -> memref<128x16xf32, #tpu.memory_space<vmem>>
        %dma_start3A_781 = arith.constant 0 : i32
        %dma_start3A_782 = tpu.memref_slice %arg7[%add3A_334, %dma_start3A_781] : memref<80x128xi32, #tpu.memory_space<vmem>> -> memref<1x128xi32, #tpu.memory_space<vmem>>
        %dma_start3A_783 = tpu.memref_squeeze %dma_start3A_782 : memref<1x128xi32, #tpu.memory_space<vmem>> -> memref<128xi32, #tpu.memory_space<vmem>>
        %dma_start3A_784 = arith.constant 0 : i32
        %dma_start3A_785 = arith.constant 0 : i32
        %dma_start3A_786 = tpu.memref_slice %arg2[%dma_start3A_784, %dma_start3A_785] : memref<10240x16xf32, #tpu.memory_space<hbm>> -> memref<10240x16xf32, #tpu.memory_space<hbm>>
        %dma_start3A_787 = tpu.memref_slice %arg11[%dma_start3A_776] : memref<10x!tpu.dma_semaphore, #tpu.memory_space<semaphore_mem>> -> memref<1x!tpu.dma_semaphore, #tpu.memory_space<semaphore_mem>>
        %dma_start3A_788 = tpu.memref_squeeze %dma_start3A_787 : memref<1x!tpu.dma_semaphore, #tpu.memory_space<semaphore_mem>> -> memref<!tpu.dma_semaphore, #tpu.memory_space<semaphore_mem>>
        tpu.enqueue_indirect_dma source(%dma_start3A_786 : memref<10240x16xf32, #tpu.memory_space<hbm>>) target(%dma_start3A_780 : memref<128x16xf32, #tpu.memory_space<vmem>>) offsets(%dma_start3A_783 : memref<128xi32, #tpu.memory_space<vmem>>) semaphore(%dma_start3A_788 : memref<!tpu.dma_semaphore, #tpu.memory_space<semaphore_mem>>)
      } else {
      }
      %mul3A_343 = arith.constant 10 : i32
      %mul3A_344 = arith.muli %scan3A_299, %mul3A_343 : i32
      %add3A_345 = arith.constant 1 : i32
      %add3A_346 = arith.addi %mul3A_344, %add3A_345 : i32
      %dma_wait3A_347 = arith.constant 0 : i32
      %dma_wait3A_348 = arith.constant 1 : i32
      %dma_wait3A_349 = arith.constant 1 : i32
      %dma_wait3A_350 = arith.constant 0 : i32
      %dma_wait3A_351 = arith.constant 0 : i32
      %dma_wait3A_352 = tpu.memref_slice %arg9[%dma_wait3A_348, %dma_wait3A_350, %dma_wait3A_351] : memref<10x128x16xf32, #tpu.memory_space<vmem>> -> memref<1x128x16xf32, #tpu.memory_space<vmem>>
      %dma_wait3A_353 = tpu.memref_squeeze %dma_wait3A_352 : memref<1x128x16xf32, #tpu.memory_space<vmem>> -> memref<128x16xf32, #tpu.memory_space<vmem>>
      %dma_wait3A_354 = arith.constant 0 : i32
      %dma_wait3A_355 = tpu.memref_slice %arg7[%dma_wait3A_347, %dma_wait3A_354] : memref<80x128xi32, #tpu.memory_space<vmem>> -> memref<1x128xi32, #tpu.memory_space<vmem>>
      %dma_wait3A_356 = tpu.memref_squeeze %dma_wait3A_355 : memref<1x128xi32, #tpu.memory_space<vmem>> -> memref<128xi32, #tpu.memory_space<vmem>>
      %dma_wait3A_357 = arith.constant 0 : i32
      %dma_wait3A_358 = arith.constant 0 : i32
      %dma_wait3A_359 = tpu.memref_slice %arg2[%dma_wait3A_357, %dma_wait3A_358] : memref<10240x16xf32, #tpu.memory_space<hbm>> -> memref<10240x16xf32, #tpu.memory_space<hbm>>
      %dma_wait3A_360 = tpu.memref_slice %arg11[%dma_wait3A_349] : memref<10x!tpu.dma_semaphore, #tpu.memory_space<semaphore_mem>> -> memref<1x!tpu.dma_semaphore, #tpu.memory_space<semaphore_mem>>
      %dma_wait3A_361 = tpu.memref_squeeze %dma_wait3A_360 : memref<1x!tpu.dma_semaphore, #tpu.memory_space<semaphore_mem>> -> memref<!tpu.dma_semaphore, #tpu.memory_space<semaphore_mem>>
      tpu.wait_indirect_dma semaphore(%dma_wait3A_361 : memref<!tpu.dma_semaphore, #tpu.memory_space<semaphore_mem>>) src(%dma_wait3A_359 : memref<10240x16xf32, #tpu.memory_space<hbm>>) dst(%dma_wait3A_353 : memref<128x16xf32, #tpu.memory_space<vmem>>)
      %dma_start3A_362 = arith.constant 1 : i32
      %dma_start3A_363 = arith.constant 1 : i32
      %dma_start3A_364 = arith.constant 0 : i32
      %dma_start3A_365 = arith.constant 0 : i32
      %dma_start3A_366 = tpu.memref_slice %arg9[%dma_start3A_362, %dma_start3A_364, %dma_start3A_365] : memref<10x128x16xf32, #tpu.memory_space<vmem>> -> memref<1x128x16xf32, #tpu.memory_space<vmem>>
      %dma_start3A_367 = tpu.memref_squeeze %dma_start3A_366 : memref<1x128x16xf32, #tpu.memory_space<vmem>> -> memref<128x16xf32, #tpu.memory_space<vmem>>
      %dma_start3A_368 = arith.constant 0 : i32
      %dma_start3A_369 = tpu.memref_slice %arg8[%add3A_346, %dma_start3A_368] : memref<80x128xi32, #tpu.memory_space<vmem>> -> memref<1x128xi32, #tpu.memory_space<vmem>>
      %dma_start3A_370 = tpu.memref_squeeze %dma_start3A_369 : memref<1x128xi32, #tpu.memory_space<vmem>> -> memref<128xi32, #tpu.memory_space<vmem>>
      %dma_start3A_371 = arith.constant 0 : i32
      %dma_start3A_372 = arith.constant 0 : i32
      %dma_start3A_373 = tpu.memref_slice %arg10[%dma_start3A_371, %dma_start3A_372] : memref<10240x16xf32, #tpu.memory_space<vmem_shared>> -> memref<10240x16xf32, #tpu.memory_space<vmem_shared>>
      %dma_start3A_374 = tpu.memref_slice %arg12[%dma_start3A_363] : memref<10x!tpu.dma_semaphore, #tpu.memory_space<semaphore_mem>> -> memref<1x!tpu.dma_semaphore, #tpu.memory_space<semaphore_mem>>
      %dma_start3A_375 = tpu.memref_squeeze %dma_start3A_374 : memref<1x!tpu.dma_semaphore, #tpu.memory_space<semaphore_mem>> -> memref<!tpu.dma_semaphore, #tpu.memory_space<semaphore_mem>>
      tpu.enqueue_indirect_dma source(%dma_start3A_367 : memref<128x16xf32, #tpu.memory_space<vmem>>) target(%dma_start3A_373 : memref<10240x16xf32, #tpu.memory_space<vmem_shared>>) offsets(%dma_start3A_370 : memref<128xi32, #tpu.memory_space<vmem>>) semaphore(%dma_start3A_375 : memref<!tpu.dma_semaphore, #tpu.memory_space<semaphore_mem>>) {add = true}
      %add3A_376 = arith.constant 5 : i32
      %add3A_377 = arith.addi %add3A_346, %add3A_376 : i32
      %ge3A_378 = arith.constant 10 : i32
      %ge3A_379 = arith.cmpi sge, %add3A_377, %ge3A_378 : i32
      %lt3A_380 = arith.constant 80 : i32
      %lt3A_381 = arith.cmpi slt, %add3A_377, %lt3A_380 : i32
      %and3A_382 = arith.andi %ge3A_379, %lt3A_381 : i1
      %convert_element_type3A_383 = arith.extui %and3A_382 : i1 to i32
      %cond3A_384 = arith.constant 0 : i32
      %cond3A_385 = arith.cmpi ne, %convert_element_type3A_383, %cond3A_384 : i32
      scf.if %cond3A_385 {
        %dma_wait3A_775 = arith.constant 6 : i32
        %dma_wait3A_776 = arith.constant 0 : i32
        %dma_wait3A_777 = arith.constant 6 : i32
        %dma_wait3A_778 = arith.constant 0 : i32
        %dma_wait3A_779 = arith.constant 0 : i32
        %dma_wait3A_780 = tpu.memref_slice %arg9[%dma_wait3A_775, %dma_wait3A_778, %dma_wait3A_779] : memref<10x128x16xf32, #tpu.memory_space<vmem>> -> memref<1x128x16xf32, #tpu.memory_space<vmem>>
        %dma_wait3A_781 = tpu.memref_squeeze %dma_wait3A_780 : memref<1x128x16xf32, #tpu.memory_space<vmem>> -> memref<128x16xf32, #tpu.memory_space<vmem>>
        %dma_wait3A_782 = arith.constant 0 : i32
        %dma_wait3A_783 = tpu.memref_slice %arg8[%dma_wait3A_776, %dma_wait3A_782] : memref<80x128xi32, #tpu.memory_space<vmem>> -> memref<1x128xi32, #tpu.memory_space<vmem>>
        %dma_wait3A_784 = tpu.memref_squeeze %dma_wait3A_783 : memref<1x128xi32, #tpu.memory_space<vmem>> -> memref<128xi32, #tpu.memory_space<vmem>>
        %dma_wait3A_785 = arith.constant 0 : i32
        %dma_wait3A_786 = arith.constant 0 : i32
        %dma_wait3A_787 = tpu.memref_slice %arg10[%dma_wait3A_785, %dma_wait3A_786] : memref<10240x16xf32, #tpu.memory_space<vmem_shared>> -> memref<10240x16xf32, #tpu.memory_space<vmem_shared>>
        %dma_wait3A_788 = tpu.memref_slice %arg12[%dma_wait3A_777] : memref<10x!tpu.dma_semaphore, #tpu.memory_space<semaphore_mem>> -> memref<1x!tpu.dma_semaphore, #tpu.memory_space<semaphore_mem>>
        %dma_wait3A_789 = tpu.memref_squeeze %dma_wait3A_788 : memref<1x!tpu.dma_semaphore, #tpu.memory_space<semaphore_mem>> -> memref<!tpu.dma_semaphore, #tpu.memory_space<semaphore_mem>>
        tpu.wait_indirect_dma semaphore(%dma_wait3A_789 : memref<!tpu.dma_semaphore, #tpu.memory_space<semaphore_mem>>) src(%dma_wait3A_781 : memref<128x16xf32, #tpu.memory_space<vmem>>) dst(%dma_wait3A_787 : memref<10240x16xf32, #tpu.memory_space<vmem_shared>>)
      } else {
      }
      %lt3A_386 = arith.constant 80 : i32
      %lt3A_387 = arith.cmpi slt, %add3A_377, %lt3A_386 : i32
      %convert_element_type3A_388 = arith.extui %lt3A_387 : i1 to i32
      %cond3A_389 = arith.constant 0 : i32
      %cond3A_390 = arith.cmpi ne, %convert_element_type3A_388, %cond3A_389 : i32
      scf.if %cond3A_390 {
        %dma_start3A_775 = arith.constant 6 : i32
        %dma_start3A_776 = arith.constant 6 : i32
        %dma_start3A_777 = arith.constant 0 : i32
        %dma_start3A_778 = arith.constant 0 : i32
        %dma_start3A_779 = tpu.memref_slice %arg9[%dma_start3A_775, %dma_start3A_777, %dma_start3A_778] : memref<10x128x16xf32, #tpu.memory_space<vmem>> -> memref<1x128x16xf32, #tpu.memory_space<vmem>>
        %dma_start3A_780 = tpu.memref_squeeze %dma_start3A_779 : memref<1x128x16xf32, #tpu.memory_space<vmem>> -> memref<128x16xf32, #tpu.memory_space<vmem>>
        %dma_start3A_781 = arith.constant 0 : i32
        %dma_start3A_782 = tpu.memref_slice %arg7[%add3A_377, %dma_start3A_781] : memref<80x128xi32, #tpu.memory_space<vmem>> -> memref<1x128xi32, #tpu.memory_space<vmem>>
        %dma_start3A_783 = tpu.memref_squeeze %dma_start3A_782 : memref<1x128xi32, #tpu.memory_space<vmem>> -> memref<128xi32, #tpu.memory_space<vmem>>
        %dma_start3A_784 = arith.constant 0 : i32
        %dma_start3A_785 = arith.constant 0 : i32
        %dma_start3A_786 = tpu.memref_slice %arg2[%dma_start3A_784, %dma_start3A_785] : memref<10240x16xf32, #tpu.memory_space<hbm>> -> memref<10240x16xf32, #tpu.memory_space<hbm>>
        %dma_start3A_787 = tpu.memref_slice %arg11[%dma_start3A_776] : memref<10x!tpu.dma_semaphore, #tpu.memory_space<semaphore_mem>> -> memref<1x!tpu.dma_semaphore, #tpu.memory_space<semaphore_mem>>
        %dma_start3A_788 = tpu.memref_squeeze %dma_start3A_787 : memref<1x!tpu.dma_semaphore, #tpu.memory_space<semaphore_mem>> -> memref<!tpu.dma_semaphore, #tpu.memory_space<semaphore_mem>>
        tpu.enqueue_indirect_dma source(%dma_start3A_786 : memref<10240x16xf32, #tpu.memory_space<hbm>>) target(%dma_start3A_780 : memref<128x16xf32, #tpu.memory_space<vmem>>) offsets(%dma_start3A_783 : memref<128xi32, #tpu.memory_space<vmem>>) semaphore(%dma_start3A_788 : memref<!tpu.dma_semaphore, #tpu.memory_space<semaphore_mem>>)
      } else {
      }
      %mul3A_391 = arith.constant 10 : i32
      %mul3A_392 = arith.muli %scan3A_299, %mul3A_391 : i32
      %add3A_393 = arith.constant 2 : i32
      %add3A_394 = arith.addi %mul3A_392, %add3A_393 : i32
      %dma_wait3A_395 = arith.constant 0 : i32
      %dma_wait3A_396 = arith.constant 2 : i32
      %dma_wait3A_397 = arith.constant 2 : i32
      %dma_wait3A_398 = arith.constant 0 : i32
      %dma_wait3A_399 = arith.constant 0 : i32
      %dma_wait3A_400 = tpu.memref_slice %arg9[%dma_wait3A_396, %dma_wait3A_398, %dma_wait3A_399] : memref<10x128x16xf32, #tpu.memory_space<vmem>> -> memref<1x128x16xf32, #tpu.memory_space<vmem>>
      %dma_wait3A_401 = tpu.memref_squeeze %dma_wait3A_400 : memref<1x128x16xf32, #tpu.memory_space<vmem>> -> memref<128x16xf32, #tpu.memory_space<vmem>>
      %dma_wait3A_402 = arith.constant 0 : i32
      %dma_wait3A_403 = tpu.memref_slice %arg7[%dma_wait3A_395, %dma_wait3A_402] : memref<80x128xi32, #tpu.memory_space<vmem>> -> memref<1x128xi32, #tpu.memory_space<vmem>>
      %dma_wait3A_404 = tpu.memref_squeeze %dma_wait3A_403 : memref<1x128xi32, #tpu.memory_space<vmem>> -> memref<128xi32, #tpu.memory_space<vmem>>
      %dma_wait3A_405 = arith.constant 0 : i32
      %dma_wait3A_406 = arith.constant 0 : i32
      %dma_wait3A_407 = tpu.memref_slice %arg2[%dma_wait3A_405, %dma_wait3A_406] : memref<10240x16xf32, #tpu.memory_space<hbm>> -> memref<10240x16xf32, #tpu.memory_space<hbm>>
      %dma_wait3A_408 = tpu.memref_slice %arg11[%dma_wait3A_397] : memref<10x!tpu.dma_semaphore, #tpu.memory_space<semaphore_mem>> -> memref<1x!tpu.dma_semaphore, #tpu.memory_space<semaphore_mem>>
      %dma_wait3A_409 = tpu.memref_squeeze %dma_wait3A_408 : memref<1x!tpu.dma_semaphore, #tpu.memory_space<semaphore_mem>> -> memref<!tpu.dma_semaphore, #tpu.memory_space<semaphore_mem>>
      tpu.wait_indirect_dma semaphore(%dma_wait3A_409 : memref<!tpu.dma_semaphore, #tpu.memory_space<semaphore_mem>>) src(%dma_wait3A_407 : memref<10240x16xf32, #tpu.memory_space<hbm>>) dst(%dma_wait3A_401 : memref<128x16xf32, #tpu.memory_space<vmem>>)
      %dma_start3A_410 = arith.constant 2 : i32
      %dma_start3A_411 = arith.constant 2 : i32
      %dma_start3A_412 = arith.constant 0 : i32
      %dma_start3A_413 = arith.constant 0 : i32
      %dma_start3A_414 = tpu.memref_slice %arg9[%dma_start3A_410, %dma_start3A_412, %dma_start3A_413] : memref<10x128x16xf32, #tpu.memory_space<vmem>> -> memref<1x128x16xf32, #tpu.memory_space<vmem>>
      %dma_start3A_415 = tpu.memref_squeeze %dma_start3A_414 : memref<1x128x16xf32, #tpu.memory_space<vmem>> -> memref<128x16xf32, #tpu.memory_space<vmem>>
      %dma_start3A_416 = arith.constant 0 : i32
      %dma_start3A_417 = tpu.memref_slice %arg8[%add3A_394, %dma_start3A_416] : memref<80x128xi32, #tpu.memory_space<vmem>> -> memref<1x128xi32, #tpu.memory_space<vmem>>
      %dma_start3A_418 = tpu.memref_squeeze %dma_start3A_417 : memref<1x128xi32, #tpu.memory_space<vmem>> -> memref<128xi32, #tpu.memory_space<vmem>>
      %dma_start3A_419 = arith.constant 0 : i32
      %dma_start3A_420 = arith.constant 0 : i32
      %dma_start3A_421 = tpu.memref_slice %arg10[%dma_start3A_419, %dma_start3A_420] : memref<10240x16xf32, #tpu.memory_space<vmem_shared>> -> memref<10240x16xf32, #tpu.memory_space<vmem_shared>>
      %dma_start3A_422 = tpu.memref_slice %arg12[%dma_start3A_411] : memref<10x!tpu.dma_semaphore, #tpu.memory_space<semaphore_mem>> -> memref<1x!tpu.dma_semaphore, #tpu.memory_space<semaphore_mem>>
      %dma_start3A_423 = tpu.memref_squeeze %dma_start3A_422 : memref<1x!tpu.dma_semaphore, #tpu.memory_space<semaphore_mem>> -> memref<!tpu.dma_semaphore, #tpu.memory_space<semaphore_mem>>
      tpu.enqueue_indirect_dma source(%dma_start3A_415 : memref<128x16xf32, #tpu.memory_space<vmem>>) target(%dma_start3A_421 : memref<10240x16xf32, #tpu.memory_space<vmem_shared>>) offsets(%dma_start3A_418 : memref<128xi32, #tpu.memory_space<vmem>>) semaphore(%dma_start3A_423 : memref<!tpu.dma_semaphore, #tpu.memory_space<semaphore_mem>>) {add = true}
      %add3A_424 = arith.constant 5 : i32
      %add3A_425 = arith.addi %add3A_394, %add3A_424 : i32
      %ge3A_426 = arith.constant 10 : i32
      %ge3A_427 = arith.cmpi sge, %add3A_425, %ge3A_426 : i32
      %lt3A_428 = arith.constant 80 : i32
      %lt3A_429 = arith.cmpi slt, %add3A_425, %lt3A_428 : i32
      %and3A_430 = arith.andi %ge3A_427, %lt3A_429 : i1
      %convert_element_type3A_431 = arith.extui %and3A_430 : i1 to i32
      %cond3A_432 = arith.constant 0 : i32
      %cond3A_433 = arith.cmpi ne, %convert_element_type3A_431, %cond3A_432 : i32
      scf.if %cond3A_433 {
        %dma_wait3A_775 = arith.constant 7 : i32
        %dma_wait3A_776 = arith.constant 0 : i32
        %dma_wait3A_777 = arith.constant 7 : i32
        %dma_wait3A_778 = arith.constant 0 : i32
        %dma_wait3A_779 = arith.constant 0 : i32
        %dma_wait3A_780 = tpu.memref_slice %arg9[%dma_wait3A_775, %dma_wait3A_778, %dma_wait3A_779] : memref<10x128x16xf32, #tpu.memory_space<vmem>> -> memref<1x128x16xf32, #tpu.memory_space<vmem>>
        %dma_wait3A_781 = tpu.memref_squeeze %dma_wait3A_780 : memref<1x128x16xf32, #tpu.memory_space<vmem>> -> memref<128x16xf32, #tpu.memory_space<vmem>>
        %dma_wait3A_782 = arith.constant 0 : i32
        %dma_wait3A_783 = tpu.memref_slice %arg8[%dma_wait3A_776, %dma_wait3A_782] : memref<80x128xi32, #tpu.memory_space<vmem>> -> memref<1x128xi32, #tpu.memory_space<vmem>>
        %dma_wait3A_784 = tpu.memref_squeeze %dma_wait3A_783 : memref<1x128xi32, #tpu.memory_space<vmem>> -> memref<128xi32, #tpu.memory_space<vmem>>
        %dma_wait3A_785 = arith.constant 0 : i32
        %dma_wait3A_786 = arith.constant 0 : i32
        %dma_wait3A_787 = tpu.memref_slice %arg10[%dma_wait3A_785, %dma_wait3A_786] : memref<10240x16xf32, #tpu.memory_space<vmem_shared>> -> memref<10240x16xf32, #tpu.memory_space<vmem_shared>>
        %dma_wait3A_788 = tpu.memref_slice %arg12[%dma_wait3A_777] : memref<10x!tpu.dma_semaphore, #tpu.memory_space<semaphore_mem>> -> memref<1x!tpu.dma_semaphore, #tpu.memory_space<semaphore_mem>>
        %dma_wait3A_789 = tpu.memref_squeeze %dma_wait3A_788 : memref<1x!tpu.dma_semaphore, #tpu.memory_space<semaphore_mem>> -> memref<!tpu.dma_semaphore, #tpu.memory_space<semaphore_mem>>
        tpu.wait_indirect_dma semaphore(%dma_wait3A_789 : memref<!tpu.dma_semaphore, #tpu.memory_space<semaphore_mem>>) src(%dma_wait3A_781 : memref<128x16xf32, #tpu.memory_space<vmem>>) dst(%dma_wait3A_787 : memref<10240x16xf32, #tpu.memory_space<vmem_shared>>)
      } else {
      }
      %lt3A_434 = arith.constant 80 : i32
      %lt3A_435 = arith.cmpi slt, %add3A_425, %lt3A_434 : i32
      %convert_element_type3A_436 = arith.extui %lt3A_435 : i1 to i32
      %cond3A_437 = arith.constant 0 : i32
      %cond3A_438 = arith.cmpi ne, %convert_element_type3A_436, %cond3A_437 : i32
      scf.if %cond3A_438 {
        %dma_start3A_775 = arith.constant 7 : i32
        %dma_start3A_776 = arith.constant 7 : i32
        %dma_start3A_777 = arith.constant 0 : i32
        %dma_start3A_778 = arith.constant 0 : i32
        %dma_start3A_779 = tpu.memref_slice %arg9[%dma_start3A_775, %dma_start3A_777, %dma_start3A_778] : memref<10x128x16xf32, #tpu.memory_space<vmem>> -> memref<1x128x16xf32, #tpu.memory_space<vmem>>
        %dma_start3A_780 = tpu.memref_squeeze %dma_start3A_779 : memref<1x128x16xf32, #tpu.memory_space<vmem>> -> memref<128x16xf32, #tpu.memory_space<vmem>>
        %dma_start3A_781 = arith.constant 0 : i32
        %dma_start3A_782 = tpu.memref_slice %arg7[%add3A_425, %dma_start3A_781] : memref<80x128xi32, #tpu.memory_space<vmem>> -> memref<1x128xi32, #tpu.memory_space<vmem>>
        %dma_start3A_783 = tpu.memref_squeeze %dma_start3A_782 : memref<1x128xi32, #tpu.memory_space<vmem>> -> memref<128xi32, #tpu.memory_space<vmem>>
        %dma_start3A_784 = arith.constant 0 : i32
        %dma_start3A_785 = arith.constant 0 : i32
        %dma_start3A_786 = tpu.memref_slice %arg2[%dma_start3A_784, %dma_start3A_785] : memref<10240x16xf32, #tpu.memory_space<hbm>> -> memref<10240x16xf32, #tpu.memory_space<hbm>>
        %dma_start3A_787 = tpu.memref_slice %arg11[%dma_start3A_776] : memref<10x!tpu.dma_semaphore, #tpu.memory_space<semaphore_mem>> -> memref<1x!tpu.dma_semaphore, #tpu.memory_space<semaphore_mem>>
        %dma_start3A_788 = tpu.memref_squeeze %dma_start3A_787 : memref<1x!tpu.dma_semaphore, #tpu.memory_space<semaphore_mem>> -> memref<!tpu.dma_semaphore, #tpu.memory_space<semaphore_mem>>
        tpu.enqueue_indirect_dma source(%dma_start3A_786 : memref<10240x16xf32, #tpu.memory_space<hbm>>) target(%dma_start3A_780 : memref<128x16xf32, #tpu.memory_space<vmem>>) offsets(%dma_start3A_783 : memref<128xi32, #tpu.memory_space<vmem>>) semaphore(%dma_start3A_788 : memref<!tpu.dma_semaphore, #tpu.memory_space<semaphore_mem>>)
      } else {
      }
      %mul3A_439 = arith.constant 10 : i32
      %mul3A_440 = arith.muli %scan3A_299, %mul3A_439 : i32
      %add3A_441 = arith.constant 3 : i32
      %add3A_442 = arith.addi %mul3A_440, %add3A_441 : i32
      %dma_wait3A_443 = arith.constant 0 : i32
      %dma_wait3A_444 = arith.constant 3 : i32
      %dma_wait3A_445 = arith.constant 3 : i32
      %dma_wait3A_446 = arith.constant 0 : i32
      %dma_wait3A_447 = arith.constant 0 : i32
      %dma_wait3A_448 = tpu.memref_slice %arg9[%dma_wait3A_444, %dma_wait3A_446, %dma_wait3A_447] : memref<10x128x16xf32, #tpu.memory_space<vmem>> -> memref<1x128x16xf32, #tpu.memory_space<vmem>>
      %dma_wait3A_449 = tpu.memref_squeeze %dma_wait3A_448 : memref<1x128x16xf32, #tpu.memory_space<vmem>> -> memref<128x16xf32, #tpu.memory_space<vmem>>
      %dma_wait3A_450 = arith.constant 0 : i32
      %dma_wait3A_451 = tpu.memref_slice %arg7[%dma_wait3A_443, %dma_wait3A_450] : memref<80x128xi32, #tpu.memory_space<vmem>> -> memref<1x128xi32, #tpu.memory_space<vmem>>
      %dma_wait3A_452 = tpu.memref_squeeze %dma_wait3A_451 : memref<1x128xi32, #tpu.memory_space<vmem>> -> memref<128xi32, #tpu.memory_space<vmem>>
      %dma_wait3A_453 = arith.constant 0 : i32
      %dma_wait3A_454 = arith.constant 0 : i32
      %dma_wait3A_455 = tpu.memref_slice %arg2[%dma_wait3A_453, %dma_wait3A_454] : memref<10240x16xf32, #tpu.memory_space<hbm>> -> memref<10240x16xf32, #tpu.memory_space<hbm>>
      %dma_wait3A_456 = tpu.memref_slice %arg11[%dma_wait3A_445] : memref<10x!tpu.dma_semaphore, #tpu.memory_space<semaphore_mem>> -> memref<1x!tpu.dma_semaphore, #tpu.memory_space<semaphore_mem>>
      %dma_wait3A_457 = tpu.memref_squeeze %dma_wait3A_456 : memref<1x!tpu.dma_semaphore, #tpu.memory_space<semaphore_mem>> -> memref<!tpu.dma_semaphore, #tpu.memory_space<semaphore_mem>>
      tpu.wait_indirect_dma semaphore(%dma_wait3A_457 : memref<!tpu.dma_semaphore, #tpu.memory_space<semaphore_mem>>) src(%dma_wait3A_455 : memref<10240x16xf32, #tpu.memory_space<hbm>>) dst(%dma_wait3A_449 : memref<128x16xf32, #tpu.memory_space<vmem>>)
      %dma_start3A_458 = arith.constant 3 : i32
      %dma_start3A_459 = arith.constant 3 : i32
      %dma_start3A_460 = arith.constant 0 : i32
      %dma_start3A_461 = arith.constant 0 : i32
      %dma_start3A_462 = tpu.memref_slice %arg9[%dma_start3A_458, %dma_start3A_460, %dma_start3A_461] : memref<10x128x16xf32, #tpu.memory_space<vmem>> -> memref<1x128x16xf32, #tpu.memory_space<vmem>>
      %dma_start3A_463 = tpu.memref_squeeze %dma_start3A_462 : memref<1x128x16xf32, #tpu.memory_space<vmem>> -> memref<128x16xf32, #tpu.memory_space<vmem>>
      %dma_start3A_464 = arith.constant 0 : i32
      %dma_start3A_465 = tpu.memref_slice %arg8[%add3A_442, %dma_start3A_464] : memref<80x128xi32, #tpu.memory_space<vmem>> -> memref<1x128xi32, #tpu.memory_space<vmem>>
      %dma_start3A_466 = tpu.memref_squeeze %dma_start3A_465 : memref<1x128xi32, #tpu.memory_space<vmem>> -> memref<128xi32, #tpu.memory_space<vmem>>
      %dma_start3A_467 = arith.constant 0 : i32
      %dma_start3A_468 = arith.constant 0 : i32
      %dma_start3A_469 = tpu.memref_slice %arg10[%dma_start3A_467, %dma_start3A_468] : memref<10240x16xf32, #tpu.memory_space<vmem_shared>> -> memref<10240x16xf32, #tpu.memory_space<vmem_shared>>
      %dma_start3A_470 = tpu.memref_slice %arg12[%dma_start3A_459] : memref<10x!tpu.dma_semaphore, #tpu.memory_space<semaphore_mem>> -> memref<1x!tpu.dma_semaphore, #tpu.memory_space<semaphore_mem>>
      %dma_start3A_471 = tpu.memref_squeeze %dma_start3A_470 : memref<1x!tpu.dma_semaphore, #tpu.memory_space<semaphore_mem>> -> memref<!tpu.dma_semaphore, #tpu.memory_space<semaphore_mem>>
      tpu.enqueue_indirect_dma source(%dma_start3A_463 : memref<128x16xf32, #tpu.memory_space<vmem>>) target(%dma_start3A_469 : memref<10240x16xf32, #tpu.memory_space<vmem_shared>>) offsets(%dma_start3A_466 : memref<128xi32, #tpu.memory_space<vmem>>) semaphore(%dma_start3A_471 : memref<!tpu.dma_semaphore, #tpu.memory_space<semaphore_mem>>) {add = true}
      %add3A_472 = arith.constant 5 : i32
      %add3A_473 = arith.addi %add3A_442, %add3A_472 : i32
      %ge3A_474 = arith.constant 10 : i32
      %ge3A_475 = arith.cmpi sge, %add3A_473, %ge3A_474 : i32
      %lt3A_476 = arith.constant 80 : i32
      %lt3A_477 = arith.cmpi slt, %add3A_473, %lt3A_476 : i32
      %and3A_478 = arith.andi %ge3A_475, %lt3A_477 : i1
      %convert_element_type3A_479 = arith.extui %and3A_478 : i1 to i32
      %cond3A_480 = arith.constant 0 : i32
      %cond3A_481 = arith.cmpi ne, %convert_element_type3A_479, %cond3A_480 : i32
      scf.if %cond3A_481 {
        %dma_wait3A_775 = arith.constant 8 : i32
        %dma_wait3A_776 = arith.constant 0 : i32
        %dma_wait3A_777 = arith.constant 8 : i32
        %dma_wait3A_778 = arith.constant 0 : i32
        %dma_wait3A_779 = arith.constant 0 : i32
        %dma_wait3A_780 = tpu.memref_slice %arg9[%dma_wait3A_775, %dma_wait3A_778, %dma_wait3A_779] : memref<10x128x16xf32, #tpu.memory_space<vmem>> -> memref<1x128x16xf32, #tpu.memory_space<vmem>>
        %dma_wait3A_781 = tpu.memref_squeeze %dma_wait3A_780 : memref<1x128x16xf32, #tpu.memory_space<vmem>> -> memref<128x16xf32, #tpu.memory_space<vmem>>
        %dma_wait3A_782 = arith.constant 0 : i32
        %dma_wait3A_783 = tpu.memref_slice %arg8[%dma_wait3A_776, %dma_wait3A_782] : memref<80x128xi32, #tpu.memory_space<vmem>> -> memref<1x128xi32, #tpu.memory_space<vmem>>
        %dma_wait3A_784 = tpu.memref_squeeze %dma_wait3A_783 : memref<1x128xi32, #tpu.memory_space<vmem>> -> memref<128xi32, #tpu.memory_space<vmem>>
        %dma_wait3A_785 = arith.constant 0 : i32
        %dma_wait3A_786 = arith.constant 0 : i32
        %dma_wait3A_787 = tpu.memref_slice %arg10[%dma_wait3A_785, %dma_wait3A_786] : memref<10240x16xf32, #tpu.memory_space<vmem_shared>> -> memref<10240x16xf32, #tpu.memory_space<vmem_shared>>
        %dma_wait3A_788 = tpu.memref_slice %arg12[%dma_wait3A_777] : memref<10x!tpu.dma_semaphore, #tpu.memory_space<semaphore_mem>> -> memref<1x!tpu.dma_semaphore, #tpu.memory_space<semaphore_mem>>
        %dma_wait3A_789 = tpu.memref_squeeze %dma_wait3A_788 : memref<1x!tpu.dma_semaphore, #tpu.memory_space<semaphore_mem>> -> memref<!tpu.dma_semaphore, #tpu.memory_space<semaphore_mem>>
        tpu.wait_indirect_dma semaphore(%dma_wait3A_789 : memref<!tpu.dma_semaphore, #tpu.memory_space<semaphore_mem>>) src(%dma_wait3A_781 : memref<128x16xf32, #tpu.memory_space<vmem>>) dst(%dma_wait3A_787 : memref<10240x16xf32, #tpu.memory_space<vmem_shared>>)
      } else {
      }
      %lt3A_482 = arith.constant 80 : i32
      %lt3A_483 = arith.cmpi slt, %add3A_473, %lt3A_482 : i32
      %convert_element_type3A_484 = arith.extui %lt3A_483 : i1 to i32
      %cond3A_485 = arith.constant 0 : i32
      %cond3A_486 = arith.cmpi ne, %convert_element_type3A_484, %cond3A_485 : i32
      scf.if %cond3A_486 {
        %dma_start3A_775 = arith.constant 8 : i32
        %dma_start3A_776 = arith.constant 8 : i32
        %dma_start3A_777 = arith.constant 0 : i32
        %dma_start3A_778 = arith.constant 0 : i32
        %dma_start3A_779 = tpu.memref_slice %arg9[%dma_start3A_775, %dma_start3A_777, %dma_start3A_778] : memref<10x128x16xf32, #tpu.memory_space<vmem>> -> memref<1x128x16xf32, #tpu.memory_space<vmem>>
        %dma_start3A_780 = tpu.memref_squeeze %dma_start3A_779 : memref<1x128x16xf32, #tpu.memory_space<vmem>> -> memref<128x16xf32, #tpu.memory_space<vmem>>
        %dma_start3A_781 = arith.constant 0 : i32
        %dma_start3A_782 = tpu.memref_slice %arg7[%add3A_473, %dma_start3A_781] : memref<80x128xi32, #tpu.memory_space<vmem>> -> memref<1x128xi32, #tpu.memory_space<vmem>>
        %dma_start3A_783 = tpu.memref_squeeze %dma_start3A_782 : memref<1x128xi32, #tpu.memory_space<vmem>> -> memref<128xi32, #tpu.memory_space<vmem>>
        %dma_start3A_784 = arith.constant 0 : i32
        %dma_start3A_785 = arith.constant 0 : i32
        %dma_start3A_786 = tpu.memref_slice %arg2[%dma_start3A_784, %dma_start3A_785] : memref<10240x16xf32, #tpu.memory_space<hbm>> -> memref<10240x16xf32, #tpu.memory_space<hbm>>
        %dma_start3A_787 = tpu.memref_slice %arg11[%dma_start3A_776] : memref<10x!tpu.dma_semaphore, #tpu.memory_space<semaphore_mem>> -> memref<1x!tpu.dma_semaphore, #tpu.memory_space<semaphore_mem>>
        %dma_start3A_788 = tpu.memref_squeeze %dma_start3A_787 : memref<1x!tpu.dma_semaphore, #tpu.memory_space<semaphore_mem>> -> memref<!tpu.dma_semaphore, #tpu.memory_space<semaphore_mem>>
        tpu.enqueue_indirect_dma source(%dma_start3A_786 : memref<10240x16xf32, #tpu.memory_space<hbm>>) target(%dma_start3A_780 : memref<128x16xf32, #tpu.memory_space<vmem>>) offsets(%dma_start3A_783 : memref<128xi32, #tpu.memory_space<vmem>>) semaphore(%dma_start3A_788 : memref<!tpu.dma_semaphore, #tpu.memory_space<semaphore_mem>>)
      } else {
      }
      %mul3A_487 = arith.constant 10 : i32
      %mul3A_488 = arith.muli %scan3A_299, %mul3A_487 : i32
      %add3A_489 = arith.constant 4 : i32
      %add3A_490 = arith.addi %mul3A_488, %add3A_489 : i32
      %dma_wait3A_491 = arith.constant 0 : i32
      %dma_wait3A_492 = arith.constant 4 : i32
      %dma_wait3A_493 = arith.constant 4 : i32
      %dma_wait3A_494 = arith.constant 0 : i32
      %dma_wait3A_495 = arith.constant 0 : i32
      %dma_wait3A_496 = tpu.memref_slice %arg9[%dma_wait3A_492, %dma_wait3A_494, %dma_wait3A_495] : memref<10x128x16xf32, #tpu.memory_space<vmem>> -> memref<1x128x16xf32, #tpu.memory_space<vmem>>
      %dma_wait3A_497 = tpu.memref_squeeze %dma_wait3A_496 : memref<1x128x16xf32, #tpu.memory_space<vmem>> -> memref<128x16xf32, #tpu.memory_space<vmem>>
      %dma_wait3A_498 = arith.constant 0 : i32
      %dma_wait3A_499 = tpu.memref_slice %arg7[%dma_wait3A_491, %dma_wait3A_498] : memref<80x128xi32, #tpu.memory_space<vmem>> -> memref<1x128xi32, #tpu.memory_space<vmem>>
      %dma_wait3A_500 = tpu.memref_squeeze %dma_wait3A_499 : memref<1x128xi32, #tpu.memory_space<vmem>> -> memref<128xi32, #tpu.memory_space<vmem>>
      %dma_wait3A_501 = arith.constant 0 : i32
      %dma_wait3A_502 = arith.constant 0 : i32
      %dma_wait3A_503 = tpu.memref_slice %arg2[%dma_wait3A_501, %dma_wait3A_502] : memref<10240x16xf32, #tpu.memory_space<hbm>> -> memref<10240x16xf32, #tpu.memory_space<hbm>>
      %dma_wait3A_504 = tpu.memref_slice %arg11[%dma_wait3A_493] : memref<10x!tpu.dma_semaphore, #tpu.memory_space<semaphore_mem>> -> memref<1x!tpu.dma_semaphore, #tpu.memory_space<semaphore_mem>>
      %dma_wait3A_505 = tpu.memref_squeeze %dma_wait3A_504 : memref<1x!tpu.dma_semaphore, #tpu.memory_space<semaphore_mem>> -> memref<!tpu.dma_semaphore, #tpu.memory_space<semaphore_mem>>
      tpu.wait_indirect_dma semaphore(%dma_wait3A_505 : memref<!tpu.dma_semaphore, #tpu.memory_space<semaphore_mem>>) src(%dma_wait3A_503 : memref<10240x16xf32, #tpu.memory_space<hbm>>) dst(%dma_wait3A_497 : memref<128x16xf32, #tpu.memory_space<vmem>>)
      %dma_start3A_506 = arith.constant 4 : i32
      %dma_start3A_507 = arith.constant 4 : i32
      %dma_start3A_508 = arith.constant 0 : i32
      %dma_start3A_509 = arith.constant 0 : i32
      %dma_start3A_510 = tpu.memref_slice %arg9[%dma_start3A_506, %dma_start3A_508, %dma_start3A_509] : memref<10x128x16xf32, #tpu.memory_space<vmem>> -> memref<1x128x16xf32, #tpu.memory_space<vmem>>
      %dma_start3A_511 = tpu.memref_squeeze %dma_start3A_510 : memref<1x128x16xf32, #tpu.memory_space<vmem>> -> memref<128x16xf32, #tpu.memory_space<vmem>>
      %dma_start3A_512 = arith.constant 0 : i32
      %dma_start3A_513 = tpu.memref_slice %arg8[%add3A_490, %dma_start3A_512] : memref<80x128xi32, #tpu.memory_space<vmem>> -> memref<1x128xi32, #tpu.memory_space<vmem>>
      %dma_start3A_514 = tpu.memref_squeeze %dma_start3A_513 : memref<1x128xi32, #tpu.memory_space<vmem>> -> memref<128xi32, #tpu.memory_space<vmem>>
      %dma_start3A_515 = arith.constant 0 : i32
      %dma_start3A_516 = arith.constant 0 : i32
      %dma_start3A_517 = tpu.memref_slice %arg10[%dma_start3A_515, %dma_start3A_516] : memref<10240x16xf32, #tpu.memory_space<vmem_shared>> -> memref<10240x16xf32, #tpu.memory_space<vmem_shared>>
      %dma_start3A_518 = tpu.memref_slice %arg12[%dma_start3A_507] : memref<10x!tpu.dma_semaphore, #tpu.memory_space<semaphore_mem>> -> memref<1x!tpu.dma_semaphore, #tpu.memory_space<semaphore_mem>>
      %dma_start3A_519 = tpu.memref_squeeze %dma_start3A_518 : memref<1x!tpu.dma_semaphore, #tpu.memory_space<semaphore_mem>> -> memref<!tpu.dma_semaphore, #tpu.memory_space<semaphore_mem>>
      tpu.enqueue_indirect_dma source(%dma_start3A_511 : memref<128x16xf32, #tpu.memory_space<vmem>>) target(%dma_start3A_517 : memref<10240x16xf32, #tpu.memory_space<vmem_shared>>) offsets(%dma_start3A_514 : memref<128xi32, #tpu.memory_space<vmem>>) semaphore(%dma_start3A_519 : memref<!tpu.dma_semaphore, #tpu.memory_space<semaphore_mem>>) {add = true}
      %add3A_520 = arith.constant 5 : i32
      %add3A_521 = arith.addi %add3A_490, %add3A_520 : i32
      %ge3A_522 = arith.constant 10 : i32
      %ge3A_523 = arith.cmpi sge, %add3A_521, %ge3A_522 : i32
      %lt3A_524 = arith.constant 80 : i32
      %lt3A_525 = arith.cmpi slt, %add3A_521, %lt3A_524 : i32
      %and3A_526 = arith.andi %ge3A_523, %lt3A_525 : i1
      %convert_element_type3A_527 = arith.extui %and3A_526 : i1 to i32
      %cond3A_528 = arith.constant 0 : i32
      %cond3A_529 = arith.cmpi ne, %convert_element_type3A_527, %cond3A_528 : i32
      scf.if %cond3A_529 {
        %dma_wait3A_775 = arith.constant 9 : i32
        %dma_wait3A_776 = arith.constant 0 : i32
        %dma_wait3A_777 = arith.constant 9 : i32
        %dma_wait3A_778 = arith.constant 0 : i32
        %dma_wait3A_779 = arith.constant 0 : i32
        %dma_wait3A_780 = tpu.memref_slice %arg9[%dma_wait3A_775, %dma_wait3A_778, %dma_wait3A_779] : memref<10x128x16xf32, #tpu.memory_space<vmem>> -> memref<1x128x16xf32, #tpu.memory_space<vmem>>
        %dma_wait3A_781 = tpu.memref_squeeze %dma_wait3A_780 : memref<1x128x16xf32, #tpu.memory_space<vmem>> -> memref<128x16xf32, #tpu.memory_space<vmem>>
        %dma_wait3A_782 = arith.constant 0 : i32
        %dma_wait3A_783 = tpu.memref_slice %arg8[%dma_wait3A_776, %dma_wait3A_782] : memref<80x128xi32, #tpu.memory_space<vmem>> -> memref<1x128xi32, #tpu.memory_space<vmem>>
        %dma_wait3A_784 = tpu.memref_squeeze %dma_wait3A_783 : memref<1x128xi32, #tpu.memory_space<vmem>> -> memref<128xi32, #tpu.memory_space<vmem>>
        %dma_wait3A_785 = arith.constant 0 : i32
        %dma_wait3A_786 = arith.constant 0 : i32
        %dma_wait3A_787 = tpu.memref_slice %arg10[%dma_wait3A_785, %dma_wait3A_786] : memref<10240x16xf32, #tpu.memory_space<vmem_shared>> -> memref<10240x16xf32, #tpu.memory_space<vmem_shared>>
        %dma_wait3A_788 = tpu.memref_slice %arg12[%dma_wait3A_777] : memref<10x!tpu.dma_semaphore, #tpu.memory_space<semaphore_mem>> -> memref<1x!tpu.dma_semaphore, #tpu.memory_space<semaphore_mem>>
        %dma_wait3A_789 = tpu.memref_squeeze %dma_wait3A_788 : memref<1x!tpu.dma_semaphore, #tpu.memory_space<semaphore_mem>> -> memref<!tpu.dma_semaphore, #tpu.memory_space<semaphore_mem>>
        tpu.wait_indirect_dma semaphore(%dma_wait3A_789 : memref<!tpu.dma_semaphore, #tpu.memory_space<semaphore_mem>>) src(%dma_wait3A_781 : memref<128x16xf32, #tpu.memory_space<vmem>>) dst(%dma_wait3A_787 : memref<10240x16xf32, #tpu.memory_space<vmem_shared>>)
      } else {
      }
      %lt3A_530 = arith.constant 80 : i32
      %lt3A_531 = arith.cmpi slt, %add3A_521, %lt3A_530 : i32
      %convert_element_type3A_532 = arith.extui %lt3A_531 : i1 to i32
      %cond3A_533 = arith.constant 0 : i32
      %cond3A_534 = arith.cmpi ne, %convert_element_type3A_532, %cond3A_533 : i32
      scf.if %cond3A_534 {
        %dma_start3A_775 = arith.constant 9 : i32
        %dma_start3A_776 = arith.constant 9 : i32
        %dma_start3A_777 = arith.constant 0 : i32
        %dma_start3A_778 = arith.constant 0 : i32
        %dma_start3A_779 = tpu.memref_slice %arg9[%dma_start3A_775, %dma_start3A_777, %dma_start3A_778] : memref<10x128x16xf32, #tpu.memory_space<vmem>> -> memref<1x128x16xf32, #tpu.memory_space<vmem>>
        %dma_start3A_780 = tpu.memref_squeeze %dma_start3A_779 : memref<1x128x16xf32, #tpu.memory_space<vmem>> -> memref<128x16xf32, #tpu.memory_space<vmem>>
        %dma_start3A_781 = arith.constant 0 : i32
        %dma_start3A_782 = tpu.memref_slice %arg7[%add3A_521, %dma_start3A_781] : memref<80x128xi32, #tpu.memory_space<vmem>> -> memref<1x128xi32, #tpu.memory_space<vmem>>
        %dma_start3A_783 = tpu.memref_squeeze %dma_start3A_782 : memref<1x128xi32, #tpu.memory_space<vmem>> -> memref<128xi32, #tpu.memory_space<vmem>>
        %dma_start3A_784 = arith.constant 0 : i32
        %dma_start3A_785 = arith.constant 0 : i32
        %dma_start3A_786 = tpu.memref_slice %arg2[%dma_start3A_784, %dma_start3A_785] : memref<10240x16xf32, #tpu.memory_space<hbm>> -> memref<10240x16xf32, #tpu.memory_space<hbm>>
        %dma_start3A_787 = tpu.memref_slice %arg11[%dma_start3A_776] : memref<10x!tpu.dma_semaphore, #tpu.memory_space<semaphore_mem>> -> memref<1x!tpu.dma_semaphore, #tpu.memory_space<semaphore_mem>>
        %dma_start3A_788 = tpu.memref_squeeze %dma_start3A_787 : memref<1x!tpu.dma_semaphore, #tpu.memory_space<semaphore_mem>> -> memref<!tpu.dma_semaphore, #tpu.memory_space<semaphore_mem>>
        tpu.enqueue_indirect_dma source(%dma_start3A_786 : memref<10240x16xf32, #tpu.memory_space<hbm>>) target(%dma_start3A_780 : memref<128x16xf32, #tpu.memory_space<vmem>>) offsets(%dma_start3A_783 : memref<128xi32, #tpu.memory_space<vmem>>) semaphore(%dma_start3A_788 : memref<!tpu.dma_semaphore, #tpu.memory_space<semaphore_mem>>)
      } else {
      }
      %mul3A_535 = arith.constant 10 : i32
      %mul3A_536 = arith.muli %scan3A_299, %mul3A_535 : i32
      %add3A_537 = arith.constant 5 : i32
      %add3A_538 = arith.addi %mul3A_536, %add3A_537 : i32
      %dma_wait3A_539 = arith.constant 0 : i32
      %dma_wait3A_540 = arith.constant 5 : i32
      %dma_wait3A_541 = arith.constant 5 : i32
      %dma_wait3A_542 = arith.constant 0 : i32
      %dma_wait3A_543 = arith.constant 0 : i32
      %dma_wait3A_544 = tpu.memref_slice %arg9[%dma_wait3A_540, %dma_wait3A_542, %dma_wait3A_543] : memref<10x128x16xf32, #tpu.memory_space<vmem>> -> memref<1x128x16xf32, #tpu.memory_space<vmem>>
      %dma_wait3A_545 = tpu.memref_squeeze %dma_wait3A_544 : memref<1x128x16xf32, #tpu.memory_space<vmem>> -> memref<128x16xf32, #tpu.memory_space<vmem>>
      %dma_wait3A_546 = arith.constant 0 : i32
      %dma_wait3A_547 = tpu.memref_slice %arg7[%dma_wait3A_539, %dma_wait3A_546] : memref<80x128xi32, #tpu.memory_space<vmem>> -> memref<1x128xi32, #tpu.memory_space<vmem>>
      %dma_wait3A_548 = tpu.memref_squeeze %dma_wait3A_547 : memref<1x128xi32, #tpu.memory_space<vmem>> -> memref<128xi32, #tpu.memory_space<vmem>>
      %dma_wait3A_549 = arith.constant 0 : i32
      %dma_wait3A_550 = arith.constant 0 : i32
      %dma_wait3A_551 = tpu.memref_slice %arg2[%dma_wait3A_549, %dma_wait3A_550] : memref<10240x16xf32, #tpu.memory_space<hbm>> -> memref<10240x16xf32, #tpu.memory_space<hbm>>
      %dma_wait3A_552 = tpu.memref_slice %arg11[%dma_wait3A_541] : memref<10x!tpu.dma_semaphore, #tpu.memory_space<semaphore_mem>> -> memref<1x!tpu.dma_semaphore, #tpu.memory_space<semaphore_mem>>
      %dma_wait3A_553 = tpu.memref_squeeze %dma_wait3A_552 : memref<1x!tpu.dma_semaphore, #tpu.memory_space<semaphore_mem>> -> memref<!tpu.dma_semaphore, #tpu.memory_space<semaphore_mem>>
      tpu.wait_indirect_dma semaphore(%dma_wait3A_553 : memref<!tpu.dma_semaphore, #tpu.memory_space<semaphore_mem>>) src(%dma_wait3A_551 : memref<10240x16xf32, #tpu.memory_space<hbm>>) dst(%dma_wait3A_545 : memref<128x16xf32, #tpu.memory_space<vmem>>)
      %dma_start3A_554 = arith.constant 5 : i32
      %dma_start3A_555 = arith.constant 5 : i32
      %dma_start3A_556 = arith.constant 0 : i32
      %dma_start3A_557 = arith.constant 0 : i32
      %dma_start3A_558 = tpu.memref_slice %arg9[%dma_start3A_554, %dma_start3A_556, %dma_start3A_557] : memref<10x128x16xf32, #tpu.memory_space<vmem>> -> memref<1x128x16xf32, #tpu.memory_space<vmem>>
      %dma_start3A_559 = tpu.memref_squeeze %dma_start3A_558 : memref<1x128x16xf32, #tpu.memory_space<vmem>> -> memref<128x16xf32, #tpu.memory_space<vmem>>
      %dma_start3A_560 = arith.constant 0 : i32
      %dma_start3A_561 = tpu.memref_slice %arg8[%add3A_538, %dma_start3A_560] : memref<80x128xi32, #tpu.memory_space<vmem>> -> memref<1x128xi32, #tpu.memory_space<vmem>>
      %dma_start3A_562 = tpu.memref_squeeze %dma_start3A_561 : memref<1x128xi32, #tpu.memory_space<vmem>> -> memref<128xi32, #tpu.memory_space<vmem>>
      %dma_start3A_563 = arith.constant 0 : i32
      %dma_start3A_564 = arith.constant 0 : i32
      %dma_start3A_565 = tpu.memref_slice %arg10[%dma_start3A_563, %dma_start3A_564] : memref<10240x16xf32, #tpu.memory_space<vmem_shared>> -> memref<10240x16xf32, #tpu.memory_space<vmem_shared>>
      %dma_start3A_566 = tpu.memref_slice %arg12[%dma_start3A_555] : memref<10x!tpu.dma_semaphore, #tpu.memory_space<semaphore_mem>> -> memref<1x!tpu.dma_semaphore, #tpu.memory_space<semaphore_mem>>
      %dma_start3A_567 = tpu.memref_squeeze %dma_start3A_566 : memref<1x!tpu.dma_semaphore, #tpu.memory_space<semaphore_mem>> -> memref<!tpu.dma_semaphore, #tpu.memory_space<semaphore_mem>>
      tpu.enqueue_indirect_dma source(%dma_start3A_559 : memref<128x16xf32, #tpu.memory_space<vmem>>) target(%dma_start3A_565 : memref<10240x16xf32, #tpu.memory_space<vmem_shared>>) offsets(%dma_start3A_562 : memref<128xi32, #tpu.memory_space<vmem>>) semaphore(%dma_start3A_567 : memref<!tpu.dma_semaphore, #tpu.memory_space<semaphore_mem>>) {add = true}
      %add3A_568 = arith.constant 5 : i32
      %add3A_569 = arith.addi %add3A_538, %add3A_568 : i32
      %ge3A_570 = arith.constant 10 : i32
      %ge3A_571 = arith.cmpi sge, %add3A_569, %ge3A_570 : i32
      %lt3A_572 = arith.constant 80 : i32
      %lt3A_573 = arith.cmpi slt, %add3A_569, %lt3A_572 : i32
      %and3A_574 = arith.andi %ge3A_571, %lt3A_573 : i1
      %convert_element_type3A_575 = arith.extui %and3A_574 : i1 to i32
      %cond3A_576 = arith.constant 0 : i32
      %cond3A_577 = arith.cmpi ne, %convert_element_type3A_575, %cond3A_576 : i32
      scf.if %cond3A_577 {
        %dma_wait3A_775 = arith.constant 0 : i32
        %dma_wait3A_776 = arith.constant 0 : i32
        %dma_wait3A_777 = arith.constant 0 : i32
        %dma_wait3A_778 = arith.constant 0 : i32
        %dma_wait3A_779 = arith.constant 0 : i32
        %dma_wait3A_780 = tpu.memref_slice %arg9[%dma_wait3A_775, %dma_wait3A_778, %dma_wait3A_779] : memref<10x128x16xf32, #tpu.memory_space<vmem>> -> memref<1x128x16xf32, #tpu.memory_space<vmem>>
        %dma_wait3A_781 = tpu.memref_squeeze %dma_wait3A_780 : memref<1x128x16xf32, #tpu.memory_space<vmem>> -> memref<128x16xf32, #tpu.memory_space<vmem>>
        %dma_wait3A_782 = arith.constant 0 : i32
        %dma_wait3A_783 = tpu.memref_slice %arg8[%dma_wait3A_776, %dma_wait3A_782] : memref<80x128xi32, #tpu.memory_space<vmem>> -> memref<1x128xi32, #tpu.memory_space<vmem>>
        %dma_wait3A_784 = tpu.memref_squeeze %dma_wait3A_783 : memref<1x128xi32, #tpu.memory_space<vmem>> -> memref<128xi32, #tpu.memory_space<vmem>>
        %dma_wait3A_785 = arith.constant 0 : i32
        %dma_wait3A_786 = arith.constant 0 : i32
        %dma_wait3A_787 = tpu.memref_slice %arg10[%dma_wait3A_785, %dma_wait3A_786] : memref<10240x16xf32, #tpu.memory_space<vmem_shared>> -> memref<10240x16xf32, #tpu.memory_space<vmem_shared>>
        %dma_wait3A_788 = tpu.memref_slice %arg12[%dma_wait3A_777] : memref<10x!tpu.dma_semaphore, #tpu.memory_space<semaphore_mem>> -> memref<1x!tpu.dma_semaphore, #tpu.memory_space<semaphore_mem>>
        %dma_wait3A_789 = tpu.memref_squeeze %dma_wait3A_788 : memref<1x!tpu.dma_semaphore, #tpu.memory_space<semaphore_mem>> -> memref<!tpu.dma_semaphore, #tpu.memory_space<semaphore_mem>>
        tpu.wait_indirect_dma semaphore(%dma_wait3A_789 : memref<!tpu.dma_semaphore, #tpu.memory_space<semaphore_mem>>) src(%dma_wait3A_781 : memref<128x16xf32, #tpu.memory_space<vmem>>) dst(%dma_wait3A_787 : memref<10240x16xf32, #tpu.memory_space<vmem_shared>>)
      } else {
      }
      %lt3A_578 = arith.constant 80 : i32
      %lt3A_579 = arith.cmpi slt, %add3A_569, %lt3A_578 : i32
      %convert_element_type3A_580 = arith.extui %lt3A_579 : i1 to i32
      %cond3A_581 = arith.constant 0 : i32
      %cond3A_582 = arith.cmpi ne, %convert_element_type3A_580, %cond3A_581 : i32
      scf.if %cond3A_582 {
        %dma_start3A_775 = arith.constant 0 : i32
        %dma_start3A_776 = arith.constant 0 : i32
        %dma_start3A_777 = arith.constant 0 : i32
        %dma_start3A_778 = arith.constant 0 : i32
        %dma_start3A_779 = tpu.memref_slice %arg9[%dma_start3A_775, %dma_start3A_777, %dma_start3A_778] : memref<10x128x16xf32, #tpu.memory_space<vmem>> -> memref<1x128x16xf32, #tpu.memory_space<vmem>>
        %dma_start3A_780 = tpu.memref_squeeze %dma_start3A_779 : memref<1x128x16xf32, #tpu.memory_space<vmem>> -> memref<128x16xf32, #tpu.memory_space<vmem>>
        %dma_start3A_781 = arith.constant 0 : i32
        %dma_start3A_782 = tpu.memref_slice %arg7[%add3A_569, %dma_start3A_781] : memref<80x128xi32, #tpu.memory_space<vmem>> -> memref<1x128xi32, #tpu.memory_space<vmem>>
        %dma_start3A_783 = tpu.memref_squeeze %dma_start3A_782 : memref<1x128xi32, #tpu.memory_space<vmem>> -> memref<128xi32, #tpu.memory_space<vmem>>
        %dma_start3A_784 = arith.constant 0 : i32
        %dma_start3A_785 = arith.constant 0 : i32
        %dma_start3A_786 = tpu.memref_slice %arg2[%dma_start3A_784, %dma_start3A_785] : memref<10240x16xf32, #tpu.memory_space<hbm>> -> memref<10240x16xf32, #tpu.memory_space<hbm>>
        %dma_start3A_787 = tpu.memref_slice %arg11[%dma_start3A_776] : memref<10x!tpu.dma_semaphore, #tpu.memory_space<semaphore_mem>> -> memref<1x!tpu.dma_semaphore, #tpu.memory_space<semaphore_mem>>
        %dma_start3A_788 = tpu.memref_squeeze %dma_start3A_787 : memref<1x!tpu.dma_semaphore, #tpu.memory_space<semaphore_mem>> -> memref<!tpu.dma_semaphore, #tpu.memory_space<semaphore_mem>>
        tpu.enqueue_indirect_dma source(%dma_start3A_786 : memref<10240x16xf32, #tpu.memory_space<hbm>>) target(%dma_start3A_780 : memref<128x16xf32, #tpu.memory_space<vmem>>) offsets(%dma_start3A_783 : memref<128xi32, #tpu.memory_space<vmem>>) semaphore(%dma_start3A_788 : memref<!tpu.dma_semaphore, #tpu.memory_space<semaphore_mem>>)
      } else {
      }
      %mul3A_583 = arith.constant 10 : i32
      %mul3A_584 = arith.muli %scan3A_299, %mul3A_583 : i32
      %add3A_585 = arith.constant 6 : i32
      %add3A_586 = arith.addi %mul3A_584, %add3A_585 : i32
      %dma_wait3A_587 = arith.constant 0 : i32
      %dma_wait3A_588 = arith.constant 6 : i32
      %dma_wait3A_589 = arith.constant 6 : i32
      %dma_wait3A_590 = arith.constant 0 : i32
      %dma_wait3A_591 = arith.constant 0 : i32
      %dma_wait3A_592 = tpu.memref_slice %arg9[%dma_wait3A_588, %dma_wait3A_590, %dma_wait3A_591] : memref<10x128x16xf32, #tpu.memory_space<vmem>> -> memref<1x128x16xf32, #tpu.memory_space<vmem>>
      %dma_wait3A_593 = tpu.memref_squeeze %dma_wait3A_592 : memref<1x128x16xf32, #tpu.memory_space<vmem>> -> memref<128x16xf32, #tpu.memory_space<vmem>>
      %dma_wait3A_594 = arith.constant 0 : i32
      %dma_wait3A_595 = tpu.memref_slice %arg7[%dma_wait3A_587, %dma_wait3A_594] : memref<80x128xi32, #tpu.memory_space<vmem>> -> memref<1x128xi32, #tpu.memory_space<vmem>>
      %dma_wait3A_596 = tpu.memref_squeeze %dma_wait3A_595 : memref<1x128xi32, #tpu.memory_space<vmem>> -> memref<128xi32, #tpu.memory_space<vmem>>
      %dma_wait3A_597 = arith.constant 0 : i32
      %dma_wait3A_598 = arith.constant 0 : i32
      %dma_wait3A_599 = tpu.memref_slice %arg2[%dma_wait3A_597, %dma_wait3A_598] : memref<10240x16xf32, #tpu.memory_space<hbm>> -> memref<10240x16xf32, #tpu.memory_space<hbm>>
      %dma_wait3A_600 = tpu.memref_slice %arg11[%dma_wait3A_589] : memref<10x!tpu.dma_semaphore, #tpu.memory_space<semaphore_mem>> -> memref<1x!tpu.dma_semaphore, #tpu.memory_space<semaphore_mem>>
      %dma_wait3A_601 = tpu.memref_squeeze %dma_wait3A_600 : memref<1x!tpu.dma_semaphore, #tpu.memory_space<semaphore_mem>> -> memref<!tpu.dma_semaphore, #tpu.memory_space<semaphore_mem>>
      tpu.wait_indirect_dma semaphore(%dma_wait3A_601 : memref<!tpu.dma_semaphore, #tpu.memory_space<semaphore_mem>>) src(%dma_wait3A_599 : memref<10240x16xf32, #tpu.memory_space<hbm>>) dst(%dma_wait3A_593 : memref<128x16xf32, #tpu.memory_space<vmem>>)
      %dma_start3A_602 = arith.constant 6 : i32
      %dma_start3A_603 = arith.constant 6 : i32
      %dma_start3A_604 = arith.constant 0 : i32
      %dma_start3A_605 = arith.constant 0 : i32
      %dma_start3A_606 = tpu.memref_slice %arg9[%dma_start3A_602, %dma_start3A_604, %dma_start3A_605] : memref<10x128x16xf32, #tpu.memory_space<vmem>> -> memref<1x128x16xf32, #tpu.memory_space<vmem>>
      %dma_start3A_607 = tpu.memref_squeeze %dma_start3A_606 : memref<1x128x16xf32, #tpu.memory_space<vmem>> -> memref<128x16xf32, #tpu.memory_space<vmem>>
      %dma_start3A_608 = arith.constant 0 : i32
      %dma_start3A_609 = tpu.memref_slice %arg8[%add3A_586, %dma_start3A_608] : memref<80x128xi32, #tpu.memory_space<vmem>> -> memref<1x128xi32, #tpu.memory_space<vmem>>
      %dma_start3A_610 = tpu.memref_squeeze %dma_start3A_609 : memref<1x128xi32, #tpu.memory_space<vmem>> -> memref<128xi32, #tpu.memory_space<vmem>>
      %dma_start3A_611 = arith.constant 0 : i32
      %dma_start3A_612 = arith.constant 0 : i32
      %dma_start3A_613 = tpu.memref_slice %arg10[%dma_start3A_611, %dma_start3A_612] : memref<10240x16xf32, #tpu.memory_space<vmem_shared>> -> memref<10240x16xf32, #tpu.memory_space<vmem_shared>>
      %dma_start3A_614 = tpu.memref_slice %arg12[%dma_start3A_603] : memref<10x!tpu.dma_semaphore, #tpu.memory_space<semaphore_mem>> -> memref<1x!tpu.dma_semaphore, #tpu.memory_space<semaphore_mem>>
      %dma_start3A_615 = tpu.memref_squeeze %dma_start3A_614 : memref<1x!tpu.dma_semaphore, #tpu.memory_space<semaphore_mem>> -> memref<!tpu.dma_semaphore, #tpu.memory_space<semaphore_mem>>
      tpu.enqueue_indirect_dma source(%dma_start3A_607 : memref<128x16xf32, #tpu.memory_space<vmem>>) target(%dma_start3A_613 : memref<10240x16xf32, #tpu.memory_space<vmem_shared>>) offsets(%dma_start3A_610 : memref<128xi32, #tpu.memory_space<vmem>>) semaphore(%dma_start3A_615 : memref<!tpu.dma_semaphore, #tpu.memory_space<semaphore_mem>>) {add = true}
      %add3A_616 = arith.constant 5 : i32
      %add3A_617 = arith.addi %add3A_586, %add3A_616 : i32
      %ge3A_618 = arith.constant 10 : i32
      %ge3A_619 = arith.cmpi sge, %add3A_617, %ge3A_618 : i32
      %lt3A_620 = arith.constant 80 : i32
      %lt3A_621 = arith.cmpi slt, %add3A_617, %lt3A_620 : i32
      %and3A_622 = arith.andi %ge3A_619, %lt3A_621 : i1
      %convert_element_type3A_623 = arith.extui %and3A_622 : i1 to i32
      %cond3A_624 = arith.constant 0 : i32
      %cond3A_625 = arith.cmpi ne, %convert_element_type3A_623, %cond3A_624 : i32
      scf.if %cond3A_625 {
        %dma_wait3A_775 = arith.constant 1 : i32
        %dma_wait3A_776 = arith.constant 0 : i32
        %dma_wait3A_777 = arith.constant 1 : i32
        %dma_wait3A_778 = arith.constant 0 : i32
        %dma_wait3A_779 = arith.constant 0 : i32
        %dma_wait3A_780 = tpu.memref_slice %arg9[%dma_wait3A_775, %dma_wait3A_778, %dma_wait3A_779] : memref<10x128x16xf32, #tpu.memory_space<vmem>> -> memref<1x128x16xf32, #tpu.memory_space<vmem>>
        %dma_wait3A_781 = tpu.memref_squeeze %dma_wait3A_780 : memref<1x128x16xf32, #tpu.memory_space<vmem>> -> memref<128x16xf32, #tpu.memory_space<vmem>>
        %dma_wait3A_782 = arith.constant 0 : i32
        %dma_wait3A_783 = tpu.memref_slice %arg8[%dma_wait3A_776, %dma_wait3A_782] : memref<80x128xi32, #tpu.memory_space<vmem>> -> memref<1x128xi32, #tpu.memory_space<vmem>>
        %dma_wait3A_784 = tpu.memref_squeeze %dma_wait3A_783 : memref<1x128xi32, #tpu.memory_space<vmem>> -> memref<128xi32, #tpu.memory_space<vmem>>
        %dma_wait3A_785 = arith.constant 0 : i32
        %dma_wait3A_786 = arith.constant 0 : i32
        %dma_wait3A_787 = tpu.memref_slice %arg10[%dma_wait3A_785, %dma_wait3A_786] : memref<10240x16xf32, #tpu.memory_space<vmem_shared>> -> memref<10240x16xf32, #tpu.memory_space<vmem_shared>>
        %dma_wait3A_788 = tpu.memref_slice %arg12[%dma_wait3A_777] : memref<10x!tpu.dma_semaphore, #tpu.memory_space<semaphore_mem>> -> memref<1x!tpu.dma_semaphore, #tpu.memory_space<semaphore_mem>>
        %dma_wait3A_789 = tpu.memref_squeeze %dma_wait3A_788 : memref<1x!tpu.dma_semaphore, #tpu.memory_space<semaphore_mem>> -> memref<!tpu.dma_semaphore, #tpu.memory_space<semaphore_mem>>
        tpu.wait_indirect_dma semaphore(%dma_wait3A_789 : memref<!tpu.dma_semaphore, #tpu.memory_space<semaphore_mem>>) src(%dma_wait3A_781 : memref<128x16xf32, #tpu.memory_space<vmem>>) dst(%dma_wait3A_787 : memref<10240x16xf32, #tpu.memory_space<vmem_shared>>)
      } else {
      }
      %lt3A_626 = arith.constant 80 : i32
      %lt3A_627 = arith.cmpi slt, %add3A_617, %lt3A_626 : i32
      %convert_element_type3A_628 = arith.extui %lt3A_627 : i1 to i32
      %cond3A_629 = arith.constant 0 : i32
      %cond3A_630 = arith.cmpi ne, %convert_element_type3A_628, %cond3A_629 : i32
      scf.if %cond3A_630 {
        %dma_start3A_775 = arith.constant 1 : i32
        %dma_start3A_776 = arith.constant 1 : i32
        %dma_start3A_777 = arith.constant 0 : i32
        %dma_start3A_778 = arith.constant 0 : i32
        %dma_start3A_779 = tpu.memref_slice %arg9[%dma_start3A_775, %dma_start3A_777, %dma_start3A_778] : memref<10x128x16xf32, #tpu.memory_space<vmem>> -> memref<1x128x16xf32, #tpu.memory_space<vmem>>
        %dma_start3A_780 = tpu.memref_squeeze %dma_start3A_779 : memref<1x128x16xf32, #tpu.memory_space<vmem>> -> memref<128x16xf32, #tpu.memory_space<vmem>>
        %dma_start3A_781 = arith.constant 0 : i32
        %dma_start3A_782 = tpu.memref_slice %arg7[%add3A_617, %dma_start3A_781] : memref<80x128xi32, #tpu.memory_space<vmem>> -> memref<1x128xi32, #tpu.memory_space<vmem>>
        %dma_start3A_783 = tpu.memref_squeeze %dma_start3A_782 : memref<1x128xi32, #tpu.memory_space<vmem>> -> memref<128xi32, #tpu.memory_space<vmem>>
        %dma_start3A_784 = arith.constant 0 : i32
        %dma_start3A_785 = arith.constant 0 : i32
        %dma_start3A_786 = tpu.memref_slice %arg2[%dma_start3A_784, %dma_start3A_785] : memref<10240x16xf32, #tpu.memory_space<hbm>> -> memref<10240x16xf32, #tpu.memory_space<hbm>>
        %dma_start3A_787 = tpu.memref_slice %arg11[%dma_start3A_776] : memref<10x!tpu.dma_semaphore, #tpu.memory_space<semaphore_mem>> -> memref<1x!tpu.dma_semaphore, #tpu.memory_space<semaphore_mem>>
        %dma_start3A_788 = tpu.memref_squeeze %dma_start3A_787 : memref<1x!tpu.dma_semaphore, #tpu.memory_space<semaphore_mem>> -> memref<!tpu.dma_semaphore, #tpu.memory_space<semaphore_mem>>
        tpu.enqueue_indirect_dma source(%dma_start3A_786 : memref<10240x16xf32, #tpu.memory_space<hbm>>) target(%dma_start3A_780 : memref<128x16xf32, #tpu.memory_space<vmem>>) offsets(%dma_start3A_783 : memref<128xi32, #tpu.memory_space<vmem>>) semaphore(%dma_start3A_788 : memref<!tpu.dma_semaphore, #tpu.memory_space<semaphore_mem>>)
      } else {
      }
      %mul3A_631 = arith.constant 10 : i32
      %mul3A_632 = arith.muli %scan3A_299, %mul3A_631 : i32
      %add3A_633 = arith.constant 7 : i32
      %add3A_634 = arith.addi %mul3A_632, %add3A_633 : i32
      %dma_wait3A_635 = arith.constant 0 : i32
      %dma_wait3A_636 = arith.constant 7 : i32
      %dma_wait3A_637 = arith.constant 7 : i32
      %dma_wait3A_638 = arith.constant 0 : i32
      %dma_wait3A_639 = arith.constant 0 : i32
      %dma_wait3A_640 = tpu.memref_slice %arg9[%dma_wait3A_636, %dma_wait3A_638, %dma_wait3A_639] : memref<10x128x16xf32, #tpu.memory_space<vmem>> -> memref<1x128x16xf32, #tpu.memory_space<vmem>>
      %dma_wait3A_641 = tpu.memref_squeeze %dma_wait3A_640 : memref<1x128x16xf32, #tpu.memory_space<vmem>> -> memref<128x16xf32, #tpu.memory_space<vmem>>
      %dma_wait3A_642 = arith.constant 0 : i32
      %dma_wait3A_643 = tpu.memref_slice %arg7[%dma_wait3A_635, %dma_wait3A_642] : memref<80x128xi32, #tpu.memory_space<vmem>> -> memref<1x128xi32, #tpu.memory_space<vmem>>
      %dma_wait3A_644 = tpu.memref_squeeze %dma_wait3A_643 : memref<1x128xi32, #tpu.memory_space<vmem>> -> memref<128xi32, #tpu.memory_space<vmem>>
      %dma_wait3A_645 = arith.constant 0 : i32
      %dma_wait3A_646 = arith.constant 0 : i32
      %dma_wait3A_647 = tpu.memref_slice %arg2[%dma_wait3A_645, %dma_wait3A_646] : memref<10240x16xf32, #tpu.memory_space<hbm>> -> memref<10240x16xf32, #tpu.memory_space<hbm>>
      %dma_wait3A_648 = tpu.memref_slice %arg11[%dma_wait3A_637] : memref<10x!tpu.dma_semaphore, #tpu.memory_space<semaphore_mem>> -> memref<1x!tpu.dma_semaphore, #tpu.memory_space<semaphore_mem>>
      %dma_wait3A_649 = tpu.memref_squeeze %dma_wait3A_648 : memref<1x!tpu.dma_semaphore, #tpu.memory_space<semaphore_mem>> -> memref<!tpu.dma_semaphore, #tpu.memory_space<semaphore_mem>>
      tpu.wait_indirect_dma semaphore(%dma_wait3A_649 : memref<!tpu.dma_semaphore, #tpu.memory_space<semaphore_mem>>) src(%dma_wait3A_647 : memref<10240x16xf32, #tpu.memory_space<hbm>>) dst(%dma_wait3A_641 : memref<128x16xf32, #tpu.memory_space<vmem>>)
      %dma_start3A_650 = arith.constant 7 : i32
      %dma_start3A_651 = arith.constant 7 : i32
      %dma_start3A_652 = arith.constant 0 : i32
      %dma_start3A_653 = arith.constant 0 : i32
      %dma_start3A_654 = tpu.memref_slice %arg9[%dma_start3A_650, %dma_start3A_652, %dma_start3A_653] : memref<10x128x16xf32, #tpu.memory_space<vmem>> -> memref<1x128x16xf32, #tpu.memory_space<vmem>>
      %dma_start3A_655 = tpu.memref_squeeze %dma_start3A_654 : memref<1x128x16xf32, #tpu.memory_space<vmem>> -> memref<128x16xf32, #tpu.memory_space<vmem>>
      %dma_start3A_656 = arith.constant 0 : i32
      %dma_start3A_657 = tpu.memref_slice %arg8[%add3A_634, %dma_start3A_656] : memref<80x128xi32, #tpu.memory_space<vmem>> -> memref<1x128xi32, #tpu.memory_space<vmem>>
      %dma_start3A_658 = tpu.memref_squeeze %dma_start3A_657 : memref<1x128xi32, #tpu.memory_space<vmem>> -> memref<128xi32, #tpu.memory_space<vmem>>
      %dma_start3A_659 = arith.constant 0 : i32
      %dma_start3A_660 = arith.constant 0 : i32
      %dma_start3A_661 = tpu.memref_slice %arg10[%dma_start3A_659, %dma_start3A_660] : memref<10240x16xf32, #tpu.memory_space<vmem_shared>> -> memref<10240x16xf32, #tpu.memory_space<vmem_shared>>
      %dma_start3A_662 = tpu.memref_slice %arg12[%dma_start3A_651] : memref<10x!tpu.dma_semaphore, #tpu.memory_space<semaphore_mem>> -> memref<1x!tpu.dma_semaphore, #tpu.memory_space<semaphore_mem>>
      %dma_start3A_663 = tpu.memref_squeeze %dma_start3A_662 : memref<1x!tpu.dma_semaphore, #tpu.memory_space<semaphore_mem>> -> memref<!tpu.dma_semaphore, #tpu.memory_space<semaphore_mem>>
      tpu.enqueue_indirect_dma source(%dma_start3A_655 : memref<128x16xf32, #tpu.memory_space<vmem>>) target(%dma_start3A_661 : memref<10240x16xf32, #tpu.memory_space<vmem_shared>>) offsets(%dma_start3A_658 : memref<128xi32, #tpu.memory_space<vmem>>) semaphore(%dma_start3A_663 : memref<!tpu.dma_semaphore, #tpu.memory_space<semaphore_mem>>) {add = true}
      %add3A_664 = arith.constant 5 : i32
      %add3A_665 = arith.addi %add3A_634, %add3A_664 : i32
      %ge3A_666 = arith.constant 10 : i32
      %ge3A_667 = arith.cmpi sge, %add3A_665, %ge3A_666 : i32
      %lt3A_668 = arith.constant 80 : i32
      %lt3A_669 = arith.cmpi slt, %add3A_665, %lt3A_668 : i32
      %and3A_670 = arith.andi %ge3A_667, %lt3A_669 : i1
      %convert_element_type3A_671 = arith.extui %and3A_670 : i1 to i32
      %cond3A_672 = arith.constant 0 : i32
      %cond3A_673 = arith.cmpi ne, %convert_element_type3A_671, %cond3A_672 : i32
      scf.if %cond3A_673 {
        %dma_wait3A_775 = arith.constant 2 : i32
        %dma_wait3A_776 = arith.constant 0 : i32
        %dma_wait3A_777 = arith.constant 2 : i32
        %dma_wait3A_778 = arith.constant 0 : i32
        %dma_wait3A_779 = arith.constant 0 : i32
        %dma_wait3A_780 = tpu.memref_slice %arg9[%dma_wait3A_775, %dma_wait3A_778, %dma_wait3A_779] : memref<10x128x16xf32, #tpu.memory_space<vmem>> -> memref<1x128x16xf32, #tpu.memory_space<vmem>>
        %dma_wait3A_781 = tpu.memref_squeeze %dma_wait3A_780 : memref<1x128x16xf32, #tpu.memory_space<vmem>> -> memref<128x16xf32, #tpu.memory_space<vmem>>
        %dma_wait3A_782 = arith.constant 0 : i32
        %dma_wait3A_783 = tpu.memref_slice %arg8[%dma_wait3A_776, %dma_wait3A_782] : memref<80x128xi32, #tpu.memory_space<vmem>> -> memref<1x128xi32, #tpu.memory_space<vmem>>
        %dma_wait3A_784 = tpu.memref_squeeze %dma_wait3A_783 : memref<1x128xi32, #tpu.memory_space<vmem>> -> memref<128xi32, #tpu.memory_space<vmem>>
        %dma_wait3A_785 = arith.constant 0 : i32
        %dma_wait3A_786 = arith.constant 0 : i32
        %dma_wait3A_787 = tpu.memref_slice %arg10[%dma_wait3A_785, %dma_wait3A_786] : memref<10240x16xf32, #tpu.memory_space<vmem_shared>> -> memref<10240x16xf32, #tpu.memory_space<vmem_shared>>
        %dma_wait3A_788 = tpu.memref_slice %arg12[%dma_wait3A_777] : memref<10x!tpu.dma_semaphore, #tpu.memory_space<semaphore_mem>> -> memref<1x!tpu.dma_semaphore, #tpu.memory_space<semaphore_mem>>
        %dma_wait3A_789 = tpu.memref_squeeze %dma_wait3A_788 : memref<1x!tpu.dma_semaphore, #tpu.memory_space<semaphore_mem>> -> memref<!tpu.dma_semaphore, #tpu.memory_space<semaphore_mem>>
        tpu.wait_indirect_dma semaphore(%dma_wait3A_789 : memref<!tpu.dma_semaphore, #tpu.memory_space<semaphore_mem>>) src(%dma_wait3A_781 : memref<128x16xf32, #tpu.memory_space<vmem>>) dst(%dma_wait3A_787 : memref<10240x16xf32, #tpu.memory_space<vmem_shared>>)
      } else {
      }
      %lt3A_674 = arith.constant 80 : i32
      %lt3A_675 = arith.cmpi slt, %add3A_665, %lt3A_674 : i32
      %convert_element_type3A_676 = arith.extui %lt3A_675 : i1 to i32
      %cond3A_677 = arith.constant 0 : i32
      %cond3A_678 = arith.cmpi ne, %convert_element_type3A_676, %cond3A_677 : i32
      scf.if %cond3A_678 {
        %dma_start3A_775 = arith.constant 2 : i32
        %dma_start3A_776 = arith.constant 2 : i32
        %dma_start3A_777 = arith.constant 0 : i32
        %dma_start3A_778 = arith.constant 0 : i32
        %dma_start3A_779 = tpu.memref_slice %arg9[%dma_start3A_775, %dma_start3A_777, %dma_start3A_778] : memref<10x128x16xf32, #tpu.memory_space<vmem>> -> memref<1x128x16xf32, #tpu.memory_space<vmem>>
        %dma_start3A_780 = tpu.memref_squeeze %dma_start3A_779 : memref<1x128x16xf32, #tpu.memory_space<vmem>> -> memref<128x16xf32, #tpu.memory_space<vmem>>
        %dma_start3A_781 = arith.constant 0 : i32
        %dma_start3A_782 = tpu.memref_slice %arg7[%add3A_665, %dma_start3A_781] : memref<80x128xi32, #tpu.memory_space<vmem>> -> memref<1x128xi32, #tpu.memory_space<vmem>>
        %dma_start3A_783 = tpu.memref_squeeze %dma_start3A_782 : memref<1x128xi32, #tpu.memory_space<vmem>> -> memref<128xi32, #tpu.memory_space<vmem>>
        %dma_start3A_784 = arith.constant 0 : i32
        %dma_start3A_785 = arith.constant 0 : i32
        %dma_start3A_786 = tpu.memref_slice %arg2[%dma_start3A_784, %dma_start3A_785] : memref<10240x16xf32, #tpu.memory_space<hbm>> -> memref<10240x16xf32, #tpu.memory_space<hbm>>
        %dma_start3A_787 = tpu.memref_slice %arg11[%dma_start3A_776] : memref<10x!tpu.dma_semaphore, #tpu.memory_space<semaphore_mem>> -> memref<1x!tpu.dma_semaphore, #tpu.memory_space<semaphore_mem>>
        %dma_start3A_788 = tpu.memref_squeeze %dma_start3A_787 : memref<1x!tpu.dma_semaphore, #tpu.memory_space<semaphore_mem>> -> memref<!tpu.dma_semaphore, #tpu.memory_space<semaphore_mem>>
        tpu.enqueue_indirect_dma source(%dma_start3A_786 : memref<10240x16xf32, #tpu.memory_space<hbm>>) target(%dma_start3A_780 : memref<128x16xf32, #tpu.memory_space<vmem>>) offsets(%dma_start3A_783 : memref<128xi32, #tpu.memory_space<vmem>>) semaphore(%dma_start3A_788 : memref<!tpu.dma_semaphore, #tpu.memory_space<semaphore_mem>>)
      } else {
      }
      %mul3A_679 = arith.constant 10 : i32
      %mul3A_680 = arith.muli %scan3A_299, %mul3A_679 : i32
      %add3A_681 = arith.constant 8 : i32
      %add3A_682 = arith.addi %mul3A_680, %add3A_681 : i32
      %dma_wait3A_683 = arith.constant 0 : i32
      %dma_wait3A_684 = arith.constant 8 : i32
      %dma_wait3A_685 = arith.constant 8 : i32
      %dma_wait3A_686 = arith.constant 0 : i32
      %dma_wait3A_687 = arith.constant 0 : i32
      %dma_wait3A_688 = tpu.memref_slice %arg9[%dma_wait3A_684, %dma_wait3A_686, %dma_wait3A_687] : memref<10x128x16xf32, #tpu.memory_space<vmem>> -> memref<1x128x16xf32, #tpu.memory_space<vmem>>
      %dma_wait3A_689 = tpu.memref_squeeze %dma_wait3A_688 : memref<1x128x16xf32, #tpu.memory_space<vmem>> -> memref<128x16xf32, #tpu.memory_space<vmem>>
      %dma_wait3A_690 = arith.constant 0 : i32
      %dma_wait3A_691 = tpu.memref_slice %arg7[%dma_wait3A_683, %dma_wait3A_690] : memref<80x128xi32, #tpu.memory_space<vmem>> -> memref<1x128xi32, #tpu.memory_space<vmem>>
      %dma_wait3A_692 = tpu.memref_squeeze %dma_wait3A_691 : memref<1x128xi32, #tpu.memory_space<vmem>> -> memref<128xi32, #tpu.memory_space<vmem>>
      %dma_wait3A_693 = arith.constant 0 : i32
      %dma_wait3A_694 = arith.constant 0 : i32
      %dma_wait3A_695 = tpu.memref_slice %arg2[%dma_wait3A_693, %dma_wait3A_694] : memref<10240x16xf32, #tpu.memory_space<hbm>> -> memref<10240x16xf32, #tpu.memory_space<hbm>>
      %dma_wait3A_696 = tpu.memref_slice %arg11[%dma_wait3A_685] : memref<10x!tpu.dma_semaphore, #tpu.memory_space<semaphore_mem>> -> memref<1x!tpu.dma_semaphore, #tpu.memory_space<semaphore_mem>>
      %dma_wait3A_697 = tpu.memref_squeeze %dma_wait3A_696 : memref<1x!tpu.dma_semaphore, #tpu.memory_space<semaphore_mem>> -> memref<!tpu.dma_semaphore, #tpu.memory_space<semaphore_mem>>
      tpu.wait_indirect_dma semaphore(%dma_wait3A_697 : memref<!tpu.dma_semaphore, #tpu.memory_space<semaphore_mem>>) src(%dma_wait3A_695 : memref<10240x16xf32, #tpu.memory_space<hbm>>) dst(%dma_wait3A_689 : memref<128x16xf32, #tpu.memory_space<vmem>>)
      %dma_start3A_698 = arith.constant 8 : i32
      %dma_start3A_699 = arith.constant 8 : i32
      %dma_start3A_700 = arith.constant 0 : i32
      %dma_start3A_701 = arith.constant 0 : i32
      %dma_start3A_702 = tpu.memref_slice %arg9[%dma_start3A_698, %dma_start3A_700, %dma_start3A_701] : memref<10x128x16xf32, #tpu.memory_space<vmem>> -> memref<1x128x16xf32, #tpu.memory_space<vmem>>
      %dma_start3A_703 = tpu.memref_squeeze %dma_start3A_702 : memref<1x128x16xf32, #tpu.memory_space<vmem>> -> memref<128x16xf32, #tpu.memory_space<vmem>>
      %dma_start3A_704 = arith.constant 0 : i32
      %dma_start3A_705 = tpu.memref_slice %arg8[%add3A_682, %dma_start3A_704] : memref<80x128xi32, #tpu.memory_space<vmem>> -> memref<1x128xi32, #tpu.memory_space<vmem>>
      %dma_start3A_706 = tpu.memref_squeeze %dma_start3A_705 : memref<1x128xi32, #tpu.memory_space<vmem>> -> memref<128xi32, #tpu.memory_space<vmem>>
      %dma_start3A_707 = arith.constant 0 : i32
      %dma_start3A_708 = arith.constant 0 : i32
      %dma_start3A_709 = tpu.memref_slice %arg10[%dma_start3A_707, %dma_start3A_708] : memref<10240x16xf32, #tpu.memory_space<vmem_shared>> -> memref<10240x16xf32, #tpu.memory_space<vmem_shared>>
      %dma_start3A_710 = tpu.memref_slice %arg12[%dma_start3A_699] : memref<10x!tpu.dma_semaphore, #tpu.memory_space<semaphore_mem>> -> memref<1x!tpu.dma_semaphore, #tpu.memory_space<semaphore_mem>>
      %dma_start3A_711 = tpu.memref_squeeze %dma_start3A_710 : memref<1x!tpu.dma_semaphore, #tpu.memory_space<semaphore_mem>> -> memref<!tpu.dma_semaphore, #tpu.memory_space<semaphore_mem>>
      tpu.enqueue_indirect_dma source(%dma_start3A_703 : memref<128x16xf32, #tpu.memory_space<vmem>>) target(%dma_start3A_709 : memref<10240x16xf32, #tpu.memory_space<vmem_shared>>) offsets(%dma_start3A_706 : memref<128xi32, #tpu.memory_space<vmem>>) semaphore(%dma_start3A_711 : memref<!tpu.dma_semaphore, #tpu.memory_space<semaphore_mem>>) {add = true}
      %add3A_712 = arith.constant 5 : i32
      %add3A_713 = arith.addi %add3A_682, %add3A_712 : i32
      %ge3A_714 = arith.constant 10 : i32
      %ge3A_715 = arith.cmpi sge, %add3A_713, %ge3A_714 : i32
      %lt3A_716 = arith.constant 80 : i32
      %lt3A_717 = arith.cmpi slt, %add3A_713, %lt3A_716 : i32
      %and3A_718 = arith.andi %ge3A_715, %lt3A_717 : i1
      %convert_element_type3A_719 = arith.extui %and3A_718 : i1 to i32
      %cond3A_720 = arith.constant 0 : i32
      %cond3A_721 = arith.cmpi ne, %convert_element_type3A_719, %cond3A_720 : i32
      scf.if %cond3A_721 {
        %dma_wait3A_775 = arith.constant 3 : i32
        %dma_wait3A_776 = arith.constant 0 : i32
        %dma_wait3A_777 = arith.constant 3 : i32
        %dma_wait3A_778 = arith.constant 0 : i32
        %dma_wait3A_779 = arith.constant 0 : i32
        %dma_wait3A_780 = tpu.memref_slice %arg9[%dma_wait3A_775, %dma_wait3A_778, %dma_wait3A_779] : memref<10x128x16xf32, #tpu.memory_space<vmem>> -> memref<1x128x16xf32, #tpu.memory_space<vmem>>
        %dma_wait3A_781 = tpu.memref_squeeze %dma_wait3A_780 : memref<1x128x16xf32, #tpu.memory_space<vmem>> -> memref<128x16xf32, #tpu.memory_space<vmem>>
        %dma_wait3A_782 = arith.constant 0 : i32
        %dma_wait3A_783 = tpu.memref_slice %arg8[%dma_wait3A_776, %dma_wait3A_782] : memref<80x128xi32, #tpu.memory_space<vmem>> -> memref<1x128xi32, #tpu.memory_space<vmem>>
        %dma_wait3A_784 = tpu.memref_squeeze %dma_wait3A_783 : memref<1x128xi32, #tpu.memory_space<vmem>> -> memref<128xi32, #tpu.memory_space<vmem>>
        %dma_wait3A_785 = arith.constant 0 : i32
        %dma_wait3A_786 = arith.constant 0 : i32
        %dma_wait3A_787 = tpu.memref_slice %arg10[%dma_wait3A_785, %dma_wait3A_786] : memref<10240x16xf32, #tpu.memory_space<vmem_shared>> -> memref<10240x16xf32, #tpu.memory_space<vmem_shared>>
        %dma_wait3A_788 = tpu.memref_slice %arg12[%dma_wait3A_777] : memref<10x!tpu.dma_semaphore, #tpu.memory_space<semaphore_mem>> -> memref<1x!tpu.dma_semaphore, #tpu.memory_space<semaphore_mem>>
        %dma_wait3A_789 = tpu.memref_squeeze %dma_wait3A_788 : memref<1x!tpu.dma_semaphore, #tpu.memory_space<semaphore_mem>> -> memref<!tpu.dma_semaphore, #tpu.memory_space<semaphore_mem>>
        tpu.wait_indirect_dma semaphore(%dma_wait3A_789 : memref<!tpu.dma_semaphore, #tpu.memory_space<semaphore_mem>>) src(%dma_wait3A_781 : memref<128x16xf32, #tpu.memory_space<vmem>>) dst(%dma_wait3A_787 : memref<10240x16xf32, #tpu.memory_space<vmem_shared>>)
      } else {
      }
      %lt3A_722 = arith.constant 80 : i32
      %lt3A_723 = arith.cmpi slt, %add3A_713, %lt3A_722 : i32
      %convert_element_type3A_724 = arith.extui %lt3A_723 : i1 to i32
      %cond3A_725 = arith.constant 0 : i32
      %cond3A_726 = arith.cmpi ne, %convert_element_type3A_724, %cond3A_725 : i32
      scf.if %cond3A_726 {
        %dma_start3A_775 = arith.constant 3 : i32
        %dma_start3A_776 = arith.constant 3 : i32
        %dma_start3A_777 = arith.constant 0 : i32
        %dma_start3A_778 = arith.constant 0 : i32
        %dma_start3A_779 = tpu.memref_slice %arg9[%dma_start3A_775, %dma_start3A_777, %dma_start3A_778] : memref<10x128x16xf32, #tpu.memory_space<vmem>> -> memref<1x128x16xf32, #tpu.memory_space<vmem>>
        %dma_start3A_780 = tpu.memref_squeeze %dma_start3A_779 : memref<1x128x16xf32, #tpu.memory_space<vmem>> -> memref<128x16xf32, #tpu.memory_space<vmem>>
        %dma_start3A_781 = arith.constant 0 : i32
        %dma_start3A_782 = tpu.memref_slice %arg7[%add3A_713, %dma_start3A_781] : memref<80x128xi32, #tpu.memory_space<vmem>> -> memref<1x128xi32, #tpu.memory_space<vmem>>
        %dma_start3A_783 = tpu.memref_squeeze %dma_start3A_782 : memref<1x128xi32, #tpu.memory_space<vmem>> -> memref<128xi32, #tpu.memory_space<vmem>>
        %dma_start3A_784 = arith.constant 0 : i32
        %dma_start3A_785 = arith.constant 0 : i32
        %dma_start3A_786 = tpu.memref_slice %arg2[%dma_start3A_784, %dma_start3A_785] : memref<10240x16xf32, #tpu.memory_space<hbm>> -> memref<10240x16xf32, #tpu.memory_space<hbm>>
        %dma_start3A_787 = tpu.memref_slice %arg11[%dma_start3A_776] : memref<10x!tpu.dma_semaphore, #tpu.memory_space<semaphore_mem>> -> memref<1x!tpu.dma_semaphore, #tpu.memory_space<semaphore_mem>>
        %dma_start3A_788 = tpu.memref_squeeze %dma_start3A_787 : memref<1x!tpu.dma_semaphore, #tpu.memory_space<semaphore_mem>> -> memref<!tpu.dma_semaphore, #tpu.memory_space<semaphore_mem>>
        tpu.enqueue_indirect_dma source(%dma_start3A_786 : memref<10240x16xf32, #tpu.memory_space<hbm>>) target(%dma_start3A_780 : memref<128x16xf32, #tpu.memory_space<vmem>>) offsets(%dma_start3A_783 : memref<128xi32, #tpu.memory_space<vmem>>) semaphore(%dma_start3A_788 : memref<!tpu.dma_semaphore, #tpu.memory_space<semaphore_mem>>)
      } else {
      }
      %mul3A_727 = arith.constant 10 : i32
      %mul3A_728 = arith.muli %scan3A_299, %mul3A_727 : i32
      %add3A_729 = arith.constant 9 : i32
      %add3A_730 = arith.addi %mul3A_728, %add3A_729 : i32
      %dma_wait3A_731 = arith.constant 0 : i32
      %dma_wait3A_732 = arith.constant 9 : i32
      %dma_wait3A_733 = arith.constant 9 : i32
      %dma_wait3A_734 = arith.constant 0 : i32
      %dma_wait3A_735 = arith.constant 0 : i32
      %dma_wait3A_736 = tpu.memref_slice %arg9[%dma_wait3A_732, %dma_wait3A_734, %dma_wait3A_735] : memref<10x128x16xf32, #tpu.memory_space<vmem>> -> memref<1x128x16xf32, #tpu.memory_space<vmem>>
      %dma_wait3A_737 = tpu.memref_squeeze %dma_wait3A_736 : memref<1x128x16xf32, #tpu.memory_space<vmem>> -> memref<128x16xf32, #tpu.memory_space<vmem>>
      %dma_wait3A_738 = arith.constant 0 : i32
      %dma_wait3A_739 = tpu.memref_slice %arg7[%dma_wait3A_731, %dma_wait3A_738] : memref<80x128xi32, #tpu.memory_space<vmem>> -> memref<1x128xi32, #tpu.memory_space<vmem>>
      %dma_wait3A_740 = tpu.memref_squeeze %dma_wait3A_739 : memref<1x128xi32, #tpu.memory_space<vmem>> -> memref<128xi32, #tpu.memory_space<vmem>>
      %dma_wait3A_741 = arith.constant 0 : i32
      %dma_wait3A_742 = arith.constant 0 : i32
      %dma_wait3A_743 = tpu.memref_slice %arg2[%dma_wait3A_741, %dma_wait3A_742] : memref<10240x16xf32, #tpu.memory_space<hbm>> -> memref<10240x16xf32, #tpu.memory_space<hbm>>
      %dma_wait3A_744 = tpu.memref_slice %arg11[%dma_wait3A_733] : memref<10x!tpu.dma_semaphore, #tpu.memory_space<semaphore_mem>> -> memref<1x!tpu.dma_semaphore, #tpu.memory_space<semaphore_mem>>
      %dma_wait3A_745 = tpu.memref_squeeze %dma_wait3A_744 : memref<1x!tpu.dma_semaphore, #tpu.memory_space<semaphore_mem>> -> memref<!tpu.dma_semaphore, #tpu.memory_space<semaphore_mem>>
      tpu.wait_indirect_dma semaphore(%dma_wait3A_745 : memref<!tpu.dma_semaphore, #tpu.memory_space<semaphore_mem>>) src(%dma_wait3A_743 : memref<10240x16xf32, #tpu.memory_space<hbm>>) dst(%dma_wait3A_737 : memref<128x16xf32, #tpu.memory_space<vmem>>)
      %dma_start3A_746 = arith.constant 9 : i32
      %dma_start3A_747 = arith.constant 9 : i32
      %dma_start3A_748 = arith.constant 0 : i32
      %dma_start3A_749 = arith.constant 0 : i32
      %dma_start3A_750 = tpu.memref_slice %arg9[%dma_start3A_746, %dma_start3A_748, %dma_start3A_749] : memref<10x128x16xf32, #tpu.memory_space<vmem>> -> memref<1x128x16xf32, #tpu.memory_space<vmem>>
      %dma_start3A_751 = tpu.memref_squeeze %dma_start3A_750 : memref<1x128x16xf32, #tpu.memory_space<vmem>> -> memref<128x16xf32, #tpu.memory_space<vmem>>
      %dma_start3A_752 = arith.constant 0 : i32
      %dma_start3A_753 = tpu.memref_slice %arg8[%add3A_730, %dma_start3A_752] : memref<80x128xi32, #tpu.memory_space<vmem>> -> memref<1x128xi32, #tpu.memory_space<vmem>>
      %dma_start3A_754 = tpu.memref_squeeze %dma_start3A_753 : memref<1x128xi32, #tpu.memory_space<vmem>> -> memref<128xi32, #tpu.memory_space<vmem>>
      %dma_start3A_755 = arith.constant 0 : i32
      %dma_start3A_756 = arith.constant 0 : i32
      %dma_start3A_757 = tpu.memref_slice %arg10[%dma_start3A_755, %dma_start3A_756] : memref<10240x16xf32, #tpu.memory_space<vmem_shared>> -> memref<10240x16xf32, #tpu.memory_space<vmem_shared>>
      %dma_start3A_758 = tpu.memref_slice %arg12[%dma_start3A_747] : memref<10x!tpu.dma_semaphore, #tpu.memory_space<semaphore_mem>> -> memref<1x!tpu.dma_semaphore, #tpu.memory_space<semaphore_mem>>
      %dma_start3A_759 = tpu.memref_squeeze %dma_start3A_758 : memref<1x!tpu.dma_semaphore, #tpu.memory_space<semaphore_mem>> -> memref<!tpu.dma_semaphore, #tpu.memory_space<semaphore_mem>>
      tpu.enqueue_indirect_dma source(%dma_start3A_751 : memref<128x16xf32, #tpu.memory_space<vmem>>) target(%dma_start3A_757 : memref<10240x16xf32, #tpu.memory_space<vmem_shared>>) offsets(%dma_start3A_754 : memref<128xi32, #tpu.memory_space<vmem>>) semaphore(%dma_start3A_759 : memref<!tpu.dma_semaphore, #tpu.memory_space<semaphore_mem>>) {add = true}
      %add3A_760 = arith.constant 5 : i32
      %add3A_761 = arith.addi %add3A_730, %add3A_760 : i32
      %ge3A_762 = arith.constant 10 : i32
      %ge3A_763 = arith.cmpi sge, %add3A_761, %ge3A_762 : i32
      %lt3A_764 = arith.constant 80 : i32
      %lt3A_765 = arith.cmpi slt, %add3A_761, %lt3A_764 : i32
      %and3A_766 = arith.andi %ge3A_763, %lt3A_765 : i1
      %convert_element_type3A_767 = arith.extui %and3A_766 : i1 to i32
      %cond3A_768 = arith.constant 0 : i32
      %cond3A_769 = arith.cmpi ne, %convert_element_type3A_767, %cond3A_768 : i32
      scf.if %cond3A_769 {
        %dma_wait3A_775 = arith.constant 4 : i32
        %dma_wait3A_776 = arith.constant 0 : i32
        %dma_wait3A_777 = arith.constant 4 : i32
        %dma_wait3A_778 = arith.constant 0 : i32
        %dma_wait3A_779 = arith.constant 0 : i32
        %dma_wait3A_780 = tpu.memref_slice %arg9[%dma_wait3A_775, %dma_wait3A_778, %dma_wait3A_779] : memref<10x128x16xf32, #tpu.memory_space<vmem>> -> memref<1x128x16xf32, #tpu.memory_space<vmem>>
        %dma_wait3A_781 = tpu.memref_squeeze %dma_wait3A_780 : memref<1x128x16xf32, #tpu.memory_space<vmem>> -> memref<128x16xf32, #tpu.memory_space<vmem>>
        %dma_wait3A_782 = arith.constant 0 : i32
        %dma_wait3A_783 = tpu.memref_slice %arg8[%dma_wait3A_776, %dma_wait3A_782] : memref<80x128xi32, #tpu.memory_space<vmem>> -> memref<1x128xi32, #tpu.memory_space<vmem>>
        %dma_wait3A_784 = tpu.memref_squeeze %dma_wait3A_783 : memref<1x128xi32, #tpu.memory_space<vmem>> -> memref<128xi32, #tpu.memory_space<vmem>>
        %dma_wait3A_785 = arith.constant 0 : i32
        %dma_wait3A_786 = arith.constant 0 : i32
        %dma_wait3A_787 = tpu.memref_slice %arg10[%dma_wait3A_785, %dma_wait3A_786] : memref<10240x16xf32, #tpu.memory_space<vmem_shared>> -> memref<10240x16xf32, #tpu.memory_space<vmem_shared>>
        %dma_wait3A_788 = tpu.memref_slice %arg12[%dma_wait3A_777] : memref<10x!tpu.dma_semaphore, #tpu.memory_space<semaphore_mem>> -> memref<1x!tpu.dma_semaphore, #tpu.memory_space<semaphore_mem>>
        %dma_wait3A_789 = tpu.memref_squeeze %dma_wait3A_788 : memref<1x!tpu.dma_semaphore, #tpu.memory_space<semaphore_mem>> -> memref<!tpu.dma_semaphore, #tpu.memory_space<semaphore_mem>>
        tpu.wait_indirect_dma semaphore(%dma_wait3A_789 : memref<!tpu.dma_semaphore, #tpu.memory_space<semaphore_mem>>) src(%dma_wait3A_781 : memref<128x16xf32, #tpu.memory_space<vmem>>) dst(%dma_wait3A_787 : memref<10240x16xf32, #tpu.memory_space<vmem_shared>>)
      } else {
      }
      %lt3A_770 = arith.constant 80 : i32
      %lt3A_771 = arith.cmpi slt, %add3A_761, %lt3A_770 : i32
      %convert_element_type3A_772 = arith.extui %lt3A_771 : i1 to i32
      %cond3A_773 = arith.constant 0 : i32
      %cond3A_774 = arith.cmpi ne, %convert_element_type3A_772, %cond3A_773 : i32
      scf.if %cond3A_774 {
        %dma_start3A_775 = arith.constant 4 : i32
        %dma_start3A_776 = arith.constant 4 : i32
        %dma_start3A_777 = arith.constant 0 : i32
        %dma_start3A_778 = arith.constant 0 : i32
        %dma_start3A_779 = tpu.memref_slice %arg9[%dma_start3A_775, %dma_start3A_777, %dma_start3A_778] : memref<10x128x16xf32, #tpu.memory_space<vmem>> -> memref<1x128x16xf32, #tpu.memory_space<vmem>>
        %dma_start3A_780 = tpu.memref_squeeze %dma_start3A_779 : memref<1x128x16xf32, #tpu.memory_space<vmem>> -> memref<128x16xf32, #tpu.memory_space<vmem>>
        %dma_start3A_781 = arith.constant 0 : i32
        %dma_start3A_782 = tpu.memref_slice %arg7[%add3A_761, %dma_start3A_781] : memref<80x128xi32, #tpu.memory_space<vmem>> -> memref<1x128xi32, #tpu.memory_space<vmem>>
        %dma_start3A_783 = tpu.memref_squeeze %dma_start3A_782 : memref<1x128xi32, #tpu.memory_space<vmem>> -> memref<128xi32, #tpu.memory_space<vmem>>
        %dma_start3A_784 = arith.constant 0 : i32
        %dma_start3A_785 = arith.constant 0 : i32
        %dma_start3A_786 = tpu.memref_slice %arg2[%dma_start3A_784, %dma_start3A_785] : memref<10240x16xf32, #tpu.memory_space<hbm>> -> memref<10240x16xf32, #tpu.memory_space<hbm>>
        %dma_start3A_787 = tpu.memref_slice %arg11[%dma_start3A_776] : memref<10x!tpu.dma_semaphore, #tpu.memory_space<semaphore_mem>> -> memref<1x!tpu.dma_semaphore, #tpu.memory_space<semaphore_mem>>
        %dma_start3A_788 = tpu.memref_squeeze %dma_start3A_787 : memref<1x!tpu.dma_semaphore, #tpu.memory_space<semaphore_mem>> -> memref<!tpu.dma_semaphore, #tpu.memory_space<semaphore_mem>>
        tpu.enqueue_indirect_dma source(%dma_start3A_786 : memref<10240x16xf32, #tpu.memory_space<hbm>>) target(%dma_start3A_780 : memref<128x16xf32, #tpu.memory_space<vmem>>) offsets(%dma_start3A_783 : memref<128xi32, #tpu.memory_space<vmem>>) semaphore(%dma_start3A_788 : memref<!tpu.dma_semaphore, #tpu.memory_space<semaphore_mem>>)
      } else {
      }
    }
    %scan3A_140 = arith.constant 8 : i32
    %dma_wait3A_141 = arith.constant 0 : i32
    %dma_wait3A_142 = arith.constant 0 : i32
    %dma_wait3A_143 = arith.constant 0 : i32
    %dma_wait3A_144 = arith.constant 0 : i32
    %dma_wait3A_145 = arith.constant 0 : i32
    %dma_wait3A_146 = tpu.memref_slice %arg9[%dma_wait3A_141, %dma_wait3A_144, %dma_wait3A_145] : memref<10x128x16xf32, #tpu.memory_space<vmem>> -> memref<1x128x16xf32, #tpu.memory_space<vmem>>
    %dma_wait3A_147 = tpu.memref_squeeze %dma_wait3A_146 : memref<1x128x16xf32, #tpu.memory_space<vmem>> -> memref<128x16xf32, #tpu.memory_space<vmem>>
    %dma_wait3A_148 = arith.constant 0 : i32
    %dma_wait3A_149 = tpu.memref_slice %arg8[%dma_wait3A_142, %dma_wait3A_148] : memref<80x128xi32, #tpu.memory_space<vmem>> -> memref<1x128xi32, #tpu.memory_space<vmem>>
    %dma_wait3A_150 = tpu.memref_squeeze %dma_wait3A_149 : memref<1x128xi32, #tpu.memory_space<vmem>> -> memref<128xi32, #tpu.memory_space<vmem>>
    %dma_wait3A_151 = arith.constant 0 : i32
    %dma_wait3A_152 = arith.constant 0 : i32
    %dma_wait3A_153 = tpu.memref_slice %arg10[%dma_wait3A_151, %dma_wait3A_152] : memref<10240x16xf32, #tpu.memory_space<vmem_shared>> -> memref<10240x16xf32, #tpu.memory_space<vmem_shared>>
    %dma_wait3A_154 = tpu.memref_slice %arg12[%dma_wait3A_143] : memref<10x!tpu.dma_semaphore, #tpu.memory_space<semaphore_mem>> -> memref<1x!tpu.dma_semaphore, #tpu.memory_space<semaphore_mem>>
    %dma_wait3A_155 = tpu.memref_squeeze %dma_wait3A_154 : memref<1x!tpu.dma_semaphore, #tpu.memory_space<semaphore_mem>> -> memref<!tpu.dma_semaphore, #tpu.memory_space<semaphore_mem>>
    tpu.wait_indirect_dma semaphore(%dma_wait3A_155 : memref<!tpu.dma_semaphore, #tpu.memory_space<semaphore_mem>>) src(%dma_wait3A_147 : memref<128x16xf32, #tpu.memory_space<vmem>>) dst(%dma_wait3A_153 : memref<10240x16xf32, #tpu.memory_space<vmem_shared>>)
    %dma_wait3A_156 = arith.constant 1 : i32
    %dma_wait3A_157 = arith.constant 0 : i32
    %dma_wait3A_158 = arith.constant 1 : i32
    %dma_wait3A_159 = arith.constant 0 : i32
    %dma_wait3A_160 = arith.constant 0 : i32
    %dma_wait3A_161 = tpu.memref_slice %arg9[%dma_wait3A_156, %dma_wait3A_159, %dma_wait3A_160] : memref<10x128x16xf32, #tpu.memory_space<vmem>> -> memref<1x128x16xf32, #tpu.memory_space<vmem>>
    %dma_wait3A_162 = tpu.memref_squeeze %dma_wait3A_161 : memref<1x128x16xf32, #tpu.memory_space<vmem>> -> memref<128x16xf32, #tpu.memory_space<vmem>>
    %dma_wait3A_163 = arith.constant 0 : i32
    %dma_wait3A_164 = tpu.memref_slice %arg8[%dma_wait3A_157, %dma_wait3A_163] : memref<80x128xi32, #tpu.memory_space<vmem>> -> memref<1x128xi32, #tpu.memory_space<vmem>>
    %dma_wait3A_165 = tpu.memref_squeeze %dma_wait3A_164 : memref<1x128xi32, #tpu.memory_space<vmem>> -> memref<128xi32, #tpu.memory_space<vmem>>
    %dma_wait3A_166 = arith.constant 0 : i32
    %dma_wait3A_167 = arith.constant 0 : i32
    %dma_wait3A_168 = tpu.memref_slice %arg10[%dma_wait3A_166, %dma_wait3A_167] : memref<10240x16xf32, #tpu.memory_space<vmem_shared>> -> memref<10240x16xf32, #tpu.memory_space<vmem_shared>>
    %dma_wait3A_169 = tpu.memref_slice %arg12[%dma_wait3A_158] : memref<10x!tpu.dma_semaphore, #tpu.memory_space<semaphore_mem>> -> memref<1x!tpu.dma_semaphore, #tpu.memory_space<semaphore_mem>>
    %dma_wait3A_170 = tpu.memref_squeeze %dma_wait3A_169 : memref<1x!tpu.dma_semaphore, #tpu.memory_space<semaphore_mem>> -> memref<!tpu.dma_semaphore, #tpu.memory_space<semaphore_mem>>
    tpu.wait_indirect_dma semaphore(%dma_wait3A_170 : memref<!tpu.dma_semaphore, #tpu.memory_space<semaphore_mem>>) src(%dma_wait3A_162 : memref<128x16xf32, #tpu.memory_space<vmem>>) dst(%dma_wait3A_168 : memref<10240x16xf32, #tpu.memory_space<vmem_shared>>)
    %dma_wait3A_171 = arith.constant 2 : i32
    %dma_wait3A_172 = arith.constant 0 : i32
    %dma_wait3A_173 = arith.constant 2 : i32
    %dma_wait3A_174 = arith.constant 0 : i32
    %dma_wait3A_175 = arith.constant 0 : i32
    %dma_wait3A_176 = tpu.memref_slice %arg9[%dma_wait3A_171, %dma_wait3A_174, %dma_wait3A_175] : memref<10x128x16xf32, #tpu.memory_space<vmem>> -> memref<1x128x16xf32, #tpu.memory_space<vmem>>
    %dma_wait3A_177 = tpu.memref_squeeze %dma_wait3A_176 : memref<1x128x16xf32, #tpu.memory_space<vmem>> -> memref<128x16xf32, #tpu.memory_space<vmem>>
    %dma_wait3A_178 = arith.constant 0 : i32
    %dma_wait3A_179 = tpu.memref_slice %arg8[%dma_wait3A_172, %dma_wait3A_178] : memref<80x128xi32, #tpu.memory_space<vmem>> -> memref<1x128xi32, #tpu.memory_space<vmem>>
    %dma_wait3A_180 = tpu.memref_squeeze %dma_wait3A_179 : memref<1x128xi32, #tpu.memory_space<vmem>> -> memref<128xi32, #tpu.memory_space<vmem>>
    %dma_wait3A_181 = arith.constant 0 : i32
    %dma_wait3A_182 = arith.constant 0 : i32
    %dma_wait3A_183 = tpu.memref_slice %arg10[%dma_wait3A_181, %dma_wait3A_182] : memref<10240x16xf32, #tpu.memory_space<vmem_shared>> -> memref<10240x16xf32, #tpu.memory_space<vmem_shared>>
    %dma_wait3A_184 = tpu.memref_slice %arg12[%dma_wait3A_173] : memref<10x!tpu.dma_semaphore, #tpu.memory_space<semaphore_mem>> -> memref<1x!tpu.dma_semaphore, #tpu.memory_space<semaphore_mem>>
    %dma_wait3A_185 = tpu.memref_squeeze %dma_wait3A_184 : memref<1x!tpu.dma_semaphore, #tpu.memory_space<semaphore_mem>> -> memref<!tpu.dma_semaphore, #tpu.memory_space<semaphore_mem>>
    tpu.wait_indirect_dma semaphore(%dma_wait3A_185 : memref<!tpu.dma_semaphore, #tpu.memory_space<semaphore_mem>>) src(%dma_wait3A_177 : memref<128x16xf32, #tpu.memory_space<vmem>>) dst(%dma_wait3A_183 : memref<10240x16xf32, #tpu.memory_space<vmem_shared>>)
    %dma_wait3A_186 = arith.constant 3 : i32
    %dma_wait3A_187 = arith.constant 0 : i32
    %dma_wait3A_188 = arith.constant 3 : i32
    %dma_wait3A_189 = arith.constant 0 : i32
    %dma_wait3A_190 = arith.constant 0 : i32
    %dma_wait3A_191 = tpu.memref_slice %arg9[%dma_wait3A_186, %dma_wait3A_189, %dma_wait3A_190] : memref<10x128x16xf32, #tpu.memory_space<vmem>> -> memref<1x128x16xf32, #tpu.memory_space<vmem>>
    %dma_wait3A_192 = tpu.memref_squeeze %dma_wait3A_191 : memref<1x128x16xf32, #tpu.memory_space<vmem>> -> memref<128x16xf32, #tpu.memory_space<vmem>>
    %dma_wait3A_193 = arith.constant 0 : i32
    %dma_wait3A_194 = tpu.memref_slice %arg8[%dma_wait3A_187, %dma_wait3A_193] : memref<80x128xi32, #tpu.memory_space<vmem>> -> memref<1x128xi32, #tpu.memory_space<vmem>>
    %dma_wait3A_195 = tpu.memref_squeeze %dma_wait3A_194 : memref<1x128xi32, #tpu.memory_space<vmem>> -> memref<128xi32, #tpu.memory_space<vmem>>
    %dma_wait3A_196 = arith.constant 0 : i32
    %dma_wait3A_197 = arith.constant 0 : i32
    %dma_wait3A_198 = tpu.memref_slice %arg10[%dma_wait3A_196, %dma_wait3A_197] : memref<10240x16xf32, #tpu.memory_space<vmem_shared>> -> memref<10240x16xf32, #tpu.memory_space<vmem_shared>>
    %dma_wait3A_199 = tpu.memref_slice %arg12[%dma_wait3A_188] : memref<10x!tpu.dma_semaphore, #tpu.memory_space<semaphore_mem>> -> memref<1x!tpu.dma_semaphore, #tpu.memory_space<semaphore_mem>>
    %dma_wait3A_200 = tpu.memref_squeeze %dma_wait3A_199 : memref<1x!tpu.dma_semaphore, #tpu.memory_space<semaphore_mem>> -> memref<!tpu.dma_semaphore, #tpu.memory_space<semaphore_mem>>
    tpu.wait_indirect_dma semaphore(%dma_wait3A_200 : memref<!tpu.dma_semaphore, #tpu.memory_space<semaphore_mem>>) src(%dma_wait3A_192 : memref<128x16xf32, #tpu.memory_space<vmem>>) dst(%dma_wait3A_198 : memref<10240x16xf32, #tpu.memory_space<vmem_shared>>)
    %dma_wait3A_201 = arith.constant 4 : i32
    %dma_wait3A_202 = arith.constant 0 : i32
    %dma_wait3A_203 = arith.constant 4 : i32
    %dma_wait3A_204 = arith.constant 0 : i32
    %dma_wait3A_205 = arith.constant 0 : i32
    %dma_wait3A_206 = tpu.memref_slice %arg9[%dma_wait3A_201, %dma_wait3A_204, %dma_wait3A_205] : memref<10x128x16xf32, #tpu.memory_space<vmem>> -> memref<1x128x16xf32, #tpu.memory_space<vmem>>
    %dma_wait3A_207 = tpu.memref_squeeze %dma_wait3A_206 : memref<1x128x16xf32, #tpu.memory_space<vmem>> -> memref<128x16xf32, #tpu.memory_space<vmem>>
    %dma_wait3A_208 = arith.constant 0 : i32
    %dma_wait3A_209 = tpu.memref_slice %arg8[%dma_wait3A_202, %dma_wait3A_208] : memref<80x128xi32, #tpu.memory_space<vmem>> -> memref<1x128xi32, #tpu.memory_space<vmem>>
    %dma_wait3A_210 = tpu.memref_squeeze %dma_wait3A_209 : memref<1x128xi32, #tpu.memory_space<vmem>> -> memref<128xi32, #tpu.memory_space<vmem>>
    %dma_wait3A_211 = arith.constant 0 : i32
    %dma_wait3A_212 = arith.constant 0 : i32
    %dma_wait3A_213 = tpu.memref_slice %arg10[%dma_wait3A_211, %dma_wait3A_212] : memref<10240x16xf32, #tpu.memory_space<vmem_shared>> -> memref<10240x16xf32, #tpu.memory_space<vmem_shared>>
    %dma_wait3A_214 = tpu.memref_slice %arg12[%dma_wait3A_203] : memref<10x!tpu.dma_semaphore, #tpu.memory_space<semaphore_mem>> -> memref<1x!tpu.dma_semaphore, #tpu.memory_space<semaphore_mem>>
    %dma_wait3A_215 = tpu.memref_squeeze %dma_wait3A_214 : memref<1x!tpu.dma_semaphore, #tpu.memory_space<semaphore_mem>> -> memref<!tpu.dma_semaphore, #tpu.memory_space<semaphore_mem>>
    tpu.wait_indirect_dma semaphore(%dma_wait3A_215 : memref<!tpu.dma_semaphore, #tpu.memory_space<semaphore_mem>>) src(%dma_wait3A_207 : memref<128x16xf32, #tpu.memory_space<vmem>>) dst(%dma_wait3A_213 : memref<10240x16xf32, #tpu.memory_space<vmem_shared>>)
    %dma_wait3A_216 = arith.constant 5 : i32
    %dma_wait3A_217 = arith.constant 0 : i32
    %dma_wait3A_218 = arith.constant 5 : i32
    %dma_wait3A_219 = arith.constant 0 : i32
    %dma_wait3A_220 = arith.constant 0 : i32
    %dma_wait3A_221 = tpu.memref_slice %arg9[%dma_wait3A_216, %dma_wait3A_219, %dma_wait3A_220] : memref<10x128x16xf32, #tpu.memory_space<vmem>> -> memref<1x128x16xf32, #tpu.memory_space<vmem>>
    %dma_wait3A_222 = tpu.memref_squeeze %dma_wait3A_221 : memref<1x128x16xf32, #tpu.memory_space<vmem>> -> memref<128x16xf32, #tpu.memory_space<vmem>>
    %dma_wait3A_223 = arith.constant 0 : i32
    %dma_wait3A_224 = tpu.memref_slice %arg8[%dma_wait3A_217, %dma_wait3A_223] : memref<80x128xi32, #tpu.memory_space<vmem>> -> memref<1x128xi32, #tpu.memory_space<vmem>>
    %dma_wait3A_225 = tpu.memref_squeeze %dma_wait3A_224 : memref<1x128xi32, #tpu.memory_space<vmem>> -> memref<128xi32, #tpu.memory_space<vmem>>
    %dma_wait3A_226 = arith.constant 0 : i32
    %dma_wait3A_227 = arith.constant 0 : i32
    %dma_wait3A_228 = tpu.memref_slice %arg10[%dma_wait3A_226, %dma_wait3A_227] : memref<10240x16xf32, #tpu.memory_space<vmem_shared>> -> memref<10240x16xf32, #tpu.memory_space<vmem_shared>>
    %dma_wait3A_229 = tpu.memref_slice %arg12[%dma_wait3A_218] : memref<10x!tpu.dma_semaphore, #tpu.memory_space<semaphore_mem>> -> memref<1x!tpu.dma_semaphore, #tpu.memory_space<semaphore_mem>>
    %dma_wait3A_230 = tpu.memref_squeeze %dma_wait3A_229 : memref<1x!tpu.dma_semaphore, #tpu.memory_space<semaphore_mem>> -> memref<!tpu.dma_semaphore, #tpu.memory_space<semaphore_mem>>
    tpu.wait_indirect_dma semaphore(%dma_wait3A_230 : memref<!tpu.dma_semaphore, #tpu.memory_space<semaphore_mem>>) src(%dma_wait3A_222 : memref<128x16xf32, #tpu.memory_space<vmem>>) dst(%dma_wait3A_228 : memref<10240x16xf32, #tpu.memory_space<vmem_shared>>)
    %dma_wait3A_231 = arith.constant 6 : i32
    %dma_wait3A_232 = arith.constant 0 : i32
    %dma_wait3A_233 = arith.constant 6 : i32
    %dma_wait3A_234 = arith.constant 0 : i32
    %dma_wait3A_235 = arith.constant 0 : i32
    %dma_wait3A_236 = tpu.memref_slice %arg9[%dma_wait3A_231, %dma_wait3A_234, %dma_wait3A_235] : memref<10x128x16xf32, #tpu.memory_space<vmem>> -> memref<1x128x16xf32, #tpu.memory_space<vmem>>
    %dma_wait3A_237 = tpu.memref_squeeze %dma_wait3A_236 : memref<1x128x16xf32, #tpu.memory_space<vmem>> -> memref<128x16xf32, #tpu.memory_space<vmem>>
    %dma_wait3A_238 = arith.constant 0 : i32
    %dma_wait3A_239 = tpu.memref_slice %arg8[%dma_wait3A_232, %dma_wait3A_238] : memref<80x128xi32, #tpu.memory_space<vmem>> -> memref<1x128xi32, #tpu.memory_space<vmem>>
    %dma_wait3A_240 = tpu.memref_squeeze %dma_wait3A_239 : memref<1x128xi32, #tpu.memory_space<vmem>> -> memref<128xi32, #tpu.memory_space<vmem>>
    %dma_wait3A_241 = arith.constant 0 : i32
    %dma_wait3A_242 = arith.constant 0 : i32
    %dma_wait3A_243 = tpu.memref_slice %arg10[%dma_wait3A_241, %dma_wait3A_242] : memref<10240x16xf32, #tpu.memory_space<vmem_shared>> -> memref<10240x16xf32, #tpu.memory_space<vmem_shared>>
    %dma_wait3A_244 = tpu.memref_slice %arg12[%dma_wait3A_233] : memref<10x!tpu.dma_semaphore, #tpu.memory_space<semaphore_mem>> -> memref<1x!tpu.dma_semaphore, #tpu.memory_space<semaphore_mem>>
    %dma_wait3A_245 = tpu.memref_squeeze %dma_wait3A_244 : memref<1x!tpu.dma_semaphore, #tpu.memory_space<semaphore_mem>> -> memref<!tpu.dma_semaphore, #tpu.memory_space<semaphore_mem>>
    tpu.wait_indirect_dma semaphore(%dma_wait3A_245 : memref<!tpu.dma_semaphore, #tpu.memory_space<semaphore_mem>>) src(%dma_wait3A_237 : memref<128x16xf32, #tpu.memory_space<vmem>>) dst(%dma_wait3A_243 : memref<10240x16xf32, #tpu.memory_space<vmem_shared>>)
    %dma_wait3A_246 = arith.constant 7 : i32
    %dma_wait3A_247 = arith.constant 0 : i32
    %dma_wait3A_248 = arith.constant 7 : i32
    %dma_wait3A_249 = arith.constant 0 : i32
    %dma_wait3A_250 = arith.constant 0 : i32
    %dma_wait3A_251 = tpu.memref_slice %arg9[%dma_wait3A_246, %dma_wait3A_249, %dma_wait3A_250] : memref<10x128x16xf32, #tpu.memory_space<vmem>> -> memref<1x128x16xf32, #tpu.memory_space<vmem>>
    %dma_wait3A_252 = tpu.memref_squeeze %dma_wait3A_251 : memref<1x128x16xf32, #tpu.memory_space<vmem>> -> memref<128x16xf32, #tpu.memory_space<vmem>>
    %dma_wait3A_253 = arith.constant 0 : i32
    %dma_wait3A_254 = tpu.memref_slice %arg8[%dma_wait3A_247, %dma_wait3A_253] : memref<80x128xi32, #tpu.memory_space<vmem>> -> memref<1x128xi32, #tpu.memory_space<vmem>>
    %dma_wait3A_255 = tpu.memref_squeeze %dma_wait3A_254 : memref<1x128xi32, #tpu.memory_space<vmem>> -> memref<128xi32, #tpu.memory_space<vmem>>
    %dma_wait3A_256 = arith.constant 0 : i32
    %dma_wait3A_257 = arith.constant 0 : i32
    %dma_wait3A_258 = tpu.memref_slice %arg10[%dma_wait3A_256, %dma_wait3A_257] : memref<10240x16xf32, #tpu.memory_space<vmem_shared>> -> memref<10240x16xf32, #tpu.memory_space<vmem_shared>>
    %dma_wait3A_259 = tpu.memref_slice %arg12[%dma_wait3A_248] : memref<10x!tpu.dma_semaphore, #tpu.memory_space<semaphore_mem>> -> memref<1x!tpu.dma_semaphore, #tpu.memory_space<semaphore_mem>>
    %dma_wait3A_260 = tpu.memref_squeeze %dma_wait3A_259 : memref<1x!tpu.dma_semaphore, #tpu.memory_space<semaphore_mem>> -> memref<!tpu.dma_semaphore, #tpu.memory_space<semaphore_mem>>
    tpu.wait_indirect_dma semaphore(%dma_wait3A_260 : memref<!tpu.dma_semaphore, #tpu.memory_space<semaphore_mem>>) src(%dma_wait3A_252 : memref<128x16xf32, #tpu.memory_space<vmem>>) dst(%dma_wait3A_258 : memref<10240x16xf32, #tpu.memory_space<vmem_shared>>)
    %dma_wait3A_261 = arith.constant 8 : i32
    %dma_wait3A_262 = arith.constant 0 : i32
    %dma_wait3A_263 = arith.constant 8 : i32
    %dma_wait3A_264 = arith.constant 0 : i32
    %dma_wait3A_265 = arith.constant 0 : i32
    %dma_wait3A_266 = tpu.memref_slice %arg9[%dma_wait3A_261, %dma_wait3A_264, %dma_wait3A_265] : memref<10x128x16xf32, #tpu.memory_space<vmem>> -> memref<1x128x16xf32, #tpu.memory_space<vmem>>
    %dma_wait3A_267 = tpu.memref_squeeze %dma_wait3A_266 : memref<1x128x16xf32, #tpu.memory_space<vmem>> -> memref<128x16xf32, #tpu.memory_space<vmem>>
    %dma_wait3A_268 = arith.constant 0 : i32
    %dma_wait3A_269 = tpu.memref_slice %arg8[%dma_wait3A_262, %dma_wait3A_268] : memref<80x128xi32, #tpu.memory_space<vmem>> -> memref<1x128xi32, #tpu.memory_space<vmem>>
    %dma_wait3A_270 = tpu.memref_squeeze %dma_wait3A_269 : memref<1x128xi32, #tpu.memory_space<vmem>> -> memref<128xi32, #tpu.memory_space<vmem>>
    %dma_wait3A_271 = arith.constant 0 : i32
    %dma_wait3A_272 = arith.constant 0 : i32
    %dma_wait3A_273 = tpu.memref_slice %arg10[%dma_wait3A_271, %dma_wait3A_272] : memref<10240x16xf32, #tpu.memory_space<vmem_shared>> -> memref<10240x16xf32, #tpu.memory_space<vmem_shared>>
    %dma_wait3A_274 = tpu.memref_slice %arg12[%dma_wait3A_263] : memref<10x!tpu.dma_semaphore, #tpu.memory_space<semaphore_mem>> -> memref<1x!tpu.dma_semaphore, #tpu.memory_space<semaphore_mem>>
    %dma_wait3A_275 = tpu.memref_squeeze %dma_wait3A_274 : memref<1x!tpu.dma_semaphore, #tpu.memory_space<semaphore_mem>> -> memref<!tpu.dma_semaphore, #tpu.memory_space<semaphore_mem>>
    tpu.wait_indirect_dma semaphore(%dma_wait3A_275 : memref<!tpu.dma_semaphore, #tpu.memory_space<semaphore_mem>>) src(%dma_wait3A_267 : memref<128x16xf32, #tpu.memory_space<vmem>>) dst(%dma_wait3A_273 : memref<10240x16xf32, #tpu.memory_space<vmem_shared>>)
    %dma_wait3A_276 = arith.constant 9 : i32
    %dma_wait3A_277 = arith.constant 0 : i32
    %dma_wait3A_278 = arith.constant 9 : i32
    %dma_wait3A_279 = arith.constant 0 : i32
    %dma_wait3A_280 = arith.constant 0 : i32
    %dma_wait3A_281 = tpu.memref_slice %arg9[%dma_wait3A_276, %dma_wait3A_279, %dma_wait3A_280] : memref<10x128x16xf32, #tpu.memory_space<vmem>> -> memref<1x128x16xf32, #tpu.memory_space<vmem>>
    %dma_wait3A_282 = tpu.memref_squeeze %dma_wait3A_281 : memref<1x128x16xf32, #tpu.memory_space<vmem>> -> memref<128x16xf32, #tpu.memory_space<vmem>>
    %dma_wait3A_283 = arith.constant 0 : i32
    %dma_wait3A_284 = tpu.memref_slice %arg8[%dma_wait3A_277, %dma_wait3A_283] : memref<80x128xi32, #tpu.memory_space<vmem>> -> memref<1x128xi32, #tpu.memory_space<vmem>>
    %dma_wait3A_285 = tpu.memref_squeeze %dma_wait3A_284 : memref<1x128xi32, #tpu.memory_space<vmem>> -> memref<128xi32, #tpu.memory_space<vmem>>
    %dma_wait3A_286 = arith.constant 0 : i32
    %dma_wait3A_287 = arith.constant 0 : i32
    %dma_wait3A_288 = tpu.memref_slice %arg10[%dma_wait3A_286, %dma_wait3A_287] : memref<10240x16xf32, #tpu.memory_space<vmem_shared>> -> memref<10240x16xf32, #tpu.memory_space<vmem_shared>>
    %dma_wait3A_289 = tpu.memref_slice %arg12[%dma_wait3A_278] : memref<10x!tpu.dma_semaphore, #tpu.memory_space<semaphore_mem>> -> memref<1x!tpu.dma_semaphore, #tpu.memory_space<semaphore_mem>>
    %dma_wait3A_290 = tpu.memref_squeeze %dma_wait3A_289 : memref<1x!tpu.dma_semaphore, #tpu.memory_space<semaphore_mem>> -> memref<!tpu.dma_semaphore, #tpu.memory_space<semaphore_mem>>
    tpu.wait_indirect_dma semaphore(%dma_wait3A_290 : memref<!tpu.dma_semaphore, #tpu.memory_space<semaphore_mem>>) src(%dma_wait3A_282 : memref<128x16xf32, #tpu.memory_space<vmem>>) dst(%dma_wait3A_288 : memref<10240x16xf32, #tpu.memory_space<vmem_shared>>)
    %barrier3A_291 = arith.constant 0 : index
    tpu.barrier barrier_id(%barrier3A_291)
    %mul3A_292 = arith.constant 640 : i32
    %mul3A_293 = arith.muli %arg1, %mul3A_292 : i32
    %mul3A_294 = arith.constant 10240 : i32
    %mul3A_295 = arith.muli %arg0, %mul3A_294 : i32
    %mul3A_296 = arith.constant 640 : i32
    %mul3A_297 = arith.muli %arg1, %mul3A_296 : i32
    %add3A_298 = arith.addi %mul3A_295, %mul3A_297 : i32
    "tpu.region"() ({
      %run_scoped3A = tpu.sem_alloc : memref<!tpu.dma_semaphore, #tpu.memory_space<semaphore_mem>>
      %dma_start3A_299 = arith.constant 0 : i32
      %dma_start3A_300 = tpu.memref_slice %arg6[%add3A_298, %dma_start3A_299] : memref<20480x16xf32, #tpu.memory_space<hbm>> -> memref<640x16xf32, #tpu.memory_space<hbm>>
      %dma_start3A_301 = arith.constant 0 : i32
      %dma_start3A_302 = tpu.memref_slice %arg10[%mul3A_293, %dma_start3A_301] : memref<10240x16xf32, #tpu.memory_space<vmem_shared>> -> memref<640x16xf32, #tpu.memory_space<vmem_shared>>
      tpu.enqueue_dma source(%dma_start3A_302 : memref<640x16xf32, #tpu.memory_space<vmem_shared>>) target(%dma_start3A_300 : memref<640x16xf32, #tpu.memory_space<hbm>>) target_semaphore(%run_scoped3A : memref<!tpu.dma_semaphore, #tpu.memory_space<semaphore_mem>>)
      %dma_wait3A_303 = arith.constant 0 : i32
      %dma_wait3A_304 = tpu.memref_slice %arg6[%add3A_298, %dma_wait3A_303] : memref<20480x16xf32, #tpu.memory_space<hbm>> -> memref<640x16xf32, #tpu.memory_space<hbm>>
      %dma_wait3A_305 = arith.constant 0 : i32
      %dma_wait3A_306 = tpu.memref_slice %arg10[%mul3A_293, %dma_wait3A_305] : memref<10240x16xf32, #tpu.memory_space<vmem_shared>> -> memref<640x16xf32, #tpu.memory_space<vmem_shared>>
      tpu.wait_dma2 semaphore(%run_scoped3A : memref<!tpu.dma_semaphore, #tpu.memory_space<semaphore_mem>>) src(%dma_wait3A_306 : memref<640x16xf32, #tpu.memory_space<vmem_shared>>) dst(%dma_wait3A_304 : memref<640x16xf32, #tpu.memory_space<hbm>>)
      tpu.yield
    }) : () -> ()
    return
  }
}

module attributes {stable_mosaic.version = 14 : i64} {
  func.func @tc_x0(%arg0: memref<1250x8x128xf32, #tpu.memory_space<vmem>>, %arg1: memref<128x16xf32, #tpu.memory_space<vmem>>, %arg2: memref<1280x128xf32, #tpu.memory_space<vmem>>) attributes {dimension_semantics = [], scalar_prefetch = 0 : i64, scratch_operands = 0 : i64, tpu.core_type = #tpu.core_type<tc>} {
    %get3A = arith.constant 0 : index
    %get3A_0 = arith.constant 0 : index
    %get3A_1 = arith.constant 0 : index
    %get3A_2 = vector.load %arg0[%get3A, %get3A_0, %get3A_1] : memref<1250x8x128xf32, #tpu.memory_space<vmem>>, vector<1250x1x128xf32>
    %get3A_3 = vector.shape_cast %get3A_2 : vector<1250x1x128xf32> to vector<1250x128xf32>
    %get3A_4 = arith.constant 0 : index
    %get3A_5 = arith.constant 0 : index
    %get3A_6 = vector.load %arg1[%get3A_4, %get3A_5] : memref<128x16xf32, #tpu.memory_space<vmem>>, vector<128x16xf32>
    %dot_general3A = arith.constant dense<0.000000e+00> : vector<1250x16xf32>
    %dot_general3A_7 = tpu.matmul %get3A_3, %get3A_6, %dot_general3A {dimension_numbers = #tpu.dot_dimension_numbers<[1], [0], [0], [1], [0, 0, 1, 1], [], []>, transpose_lhs_hint = false} : vector<1250x128xf32>, vector<128x16xf32>, vector<1250x16xf32> -> vector<1250x16xf32>
    %get3A_8 = arith.constant 0 : index
    %get3A_9 = arith.constant 1 : index
    %get3A_10 = arith.constant 0 : index
    %get3A_11 = vector.load %arg0[%get3A_8, %get3A_9, %get3A_10] : memref<1250x8x128xf32, #tpu.memory_space<vmem>>, vector<1250x1x128xf32>
    %get3A_12 = vector.shape_cast %get3A_11 : vector<1250x1x128xf32> to vector<1250x128xf32>
    %get3A_13 = arith.constant 0 : index
    %get3A_14 = arith.constant 0 : index
    %get3A_15 = vector.load %arg1[%get3A_13, %get3A_14] : memref<128x16xf32, #tpu.memory_space<vmem>>, vector<128x16xf32>
    %dot_general3A_16 = arith.constant dense<0.000000e+00> : vector<1250x16xf32>
    %dot_general3A_17 = tpu.matmul %get3A_12, %get3A_15, %dot_general3A_16 {dimension_numbers = #tpu.dot_dimension_numbers<[1], [0], [0], [1], [0, 0, 1, 1], [], []>, transpose_lhs_hint = false} : vector<1250x128xf32>, vector<128x16xf32>, vector<1250x16xf32> -> vector<1250x16xf32>
    %get3A_18 = arith.constant 0 : index
    %get3A_19 = arith.constant 2 : index
    %get3A_20 = arith.constant 0 : index
    %get3A_21 = vector.load %arg0[%get3A_18, %get3A_19, %get3A_20] : memref<1250x8x128xf32, #tpu.memory_space<vmem>>, vector<1250x1x128xf32>
    %get3A_22 = vector.shape_cast %get3A_21 : vector<1250x1x128xf32> to vector<1250x128xf32>
    %get3A_23 = arith.constant 0 : index
    %get3A_24 = arith.constant 0 : index
    %get3A_25 = vector.load %arg1[%get3A_23, %get3A_24] : memref<128x16xf32, #tpu.memory_space<vmem>>, vector<128x16xf32>
    %dot_general3A_26 = arith.constant dense<0.000000e+00> : vector<1250x16xf32>
    %dot_general3A_27 = tpu.matmul %get3A_22, %get3A_25, %dot_general3A_26 {dimension_numbers = #tpu.dot_dimension_numbers<[1], [0], [0], [1], [0, 0, 1, 1], [], []>, transpose_lhs_hint = false} : vector<1250x128xf32>, vector<128x16xf32>, vector<1250x16xf32> -> vector<1250x16xf32>
    %get3A_28 = arith.constant 0 : index
    %get3A_29 = arith.constant 3 : index
    %get3A_30 = arith.constant 0 : index
    %get3A_31 = vector.load %arg0[%get3A_28, %get3A_29, %get3A_30] : memref<1250x8x128xf32, #tpu.memory_space<vmem>>, vector<1250x1x128xf32>
    %get3A_32 = vector.shape_cast %get3A_31 : vector<1250x1x128xf32> to vector<1250x128xf32>
    %get3A_33 = arith.constant 0 : index
    %get3A_34 = arith.constant 0 : index
    %get3A_35 = vector.load %arg1[%get3A_33, %get3A_34] : memref<128x16xf32, #tpu.memory_space<vmem>>, vector<128x16xf32>
    %dot_general3A_36 = arith.constant dense<0.000000e+00> : vector<1250x16xf32>
    %dot_general3A_37 = tpu.matmul %get3A_32, %get3A_35, %dot_general3A_36 {dimension_numbers = #tpu.dot_dimension_numbers<[1], [0], [0], [1], [0, 0, 1, 1], [], []>, transpose_lhs_hint = false} : vector<1250x128xf32>, vector<128x16xf32>, vector<1250x16xf32> -> vector<1250x16xf32>
    %get3A_38 = arith.constant 0 : index
    %get3A_39 = arith.constant 4 : index
    %get3A_40 = arith.constant 0 : index
    %get3A_41 = vector.load %arg0[%get3A_38, %get3A_39, %get3A_40] : memref<1250x8x128xf32, #tpu.memory_space<vmem>>, vector<1250x1x128xf32>
    %get3A_42 = vector.shape_cast %get3A_41 : vector<1250x1x128xf32> to vector<1250x128xf32>
    %get3A_43 = arith.constant 0 : index
    %get3A_44 = arith.constant 0 : index
    %get3A_45 = vector.load %arg1[%get3A_43, %get3A_44] : memref<128x16xf32, #tpu.memory_space<vmem>>, vector<128x16xf32>
    %dot_general3A_46 = arith.constant dense<0.000000e+00> : vector<1250x16xf32>
    %dot_general3A_47 = tpu.matmul %get3A_42, %get3A_45, %dot_general3A_46 {dimension_numbers = #tpu.dot_dimension_numbers<[1], [0], [0], [1], [0, 0, 1, 1], [], []>, transpose_lhs_hint = false} : vector<1250x128xf32>, vector<128x16xf32>, vector<1250x16xf32> -> vector<1250x16xf32>
    %get3A_48 = arith.constant 0 : index
    %get3A_49 = arith.constant 5 : index
    %get3A_50 = arith.constant 0 : index
    %get3A_51 = vector.load %arg0[%get3A_48, %get3A_49, %get3A_50] : memref<1250x8x128xf32, #tpu.memory_space<vmem>>, vector<1250x1x128xf32>
    %get3A_52 = vector.shape_cast %get3A_51 : vector<1250x1x128xf32> to vector<1250x128xf32>
    %get3A_53 = arith.constant 0 : index
    %get3A_54 = arith.constant 0 : index
    %get3A_55 = vector.load %arg1[%get3A_53, %get3A_54] : memref<128x16xf32, #tpu.memory_space<vmem>>, vector<128x16xf32>
    %dot_general3A_56 = arith.constant dense<0.000000e+00> : vector<1250x16xf32>
    %dot_general3A_57 = tpu.matmul %get3A_52, %get3A_55, %dot_general3A_56 {dimension_numbers = #tpu.dot_dimension_numbers<[1], [0], [0], [1], [0, 0, 1, 1], [], []>, transpose_lhs_hint = false} : vector<1250x128xf32>, vector<128x16xf32>, vector<1250x16xf32> -> vector<1250x16xf32>
    %get3A_58 = arith.constant 0 : index
    %get3A_59 = arith.constant 6 : index
    %get3A_60 = arith.constant 0 : index
    %get3A_61 = vector.load %arg0[%get3A_58, %get3A_59, %get3A_60] : memref<1250x8x128xf32, #tpu.memory_space<vmem>>, vector<1250x1x128xf32>
    %get3A_62 = vector.shape_cast %get3A_61 : vector<1250x1x128xf32> to vector<1250x128xf32>
    %get3A_63 = arith.constant 0 : index
    %get3A_64 = arith.constant 0 : index
    %get3A_65 = vector.load %arg1[%get3A_63, %get3A_64] : memref<128x16xf32, #tpu.memory_space<vmem>>, vector<128x16xf32>
    %dot_general3A_66 = arith.constant dense<0.000000e+00> : vector<1250x16xf32>
    %dot_general3A_67 = tpu.matmul %get3A_62, %get3A_65, %dot_general3A_66 {dimension_numbers = #tpu.dot_dimension_numbers<[1], [0], [0], [1], [0, 0, 1, 1], [], []>, transpose_lhs_hint = false} : vector<1250x128xf32>, vector<128x16xf32>, vector<1250x16xf32> -> vector<1250x16xf32>
    %get3A_68 = arith.constant 0 : index
    %get3A_69 = arith.constant 7 : index
    %get3A_70 = arith.constant 0 : index
    %get3A_71 = vector.load %arg0[%get3A_68, %get3A_69, %get3A_70] : memref<1250x8x128xf32, #tpu.memory_space<vmem>>, vector<1250x1x128xf32>
    %get3A_72 = vector.shape_cast %get3A_71 : vector<1250x1x128xf32> to vector<1250x128xf32>
    %get3A_73 = arith.constant 0 : index
    %get3A_74 = arith.constant 0 : index
    %get3A_75 = vector.load %arg1[%get3A_73, %get3A_74] : memref<128x16xf32, #tpu.memory_space<vmem>>, vector<128x16xf32>
    %dot_general3A_76 = arith.constant dense<0.000000e+00> : vector<1250x16xf32>
    %dot_general3A_77 = tpu.matmul %get3A_72, %get3A_75, %dot_general3A_76 {dimension_numbers = #tpu.dot_dimension_numbers<[1], [0], [0], [1], [0, 0, 1, 1], [], []>, transpose_lhs_hint = false} : vector<1250x128xf32>, vector<128x16xf32>, vector<1250x16xf32> -> vector<1250x16xf32>
    %concatenate3A = tpu.concatenate %dot_general3A_7, %dot_general3A_17, %dot_general3A_27, %dot_general3A_37, %dot_general3A_47, %dot_general3A_57, %dot_general3A_67, %dot_general3A_77 in 1 : vector<1250x16xf32>, vector<1250x16xf32>, vector<1250x16xf32>, vector<1250x16xf32>, vector<1250x16xf32>, vector<1250x16xf32>, vector<1250x16xf32>, vector<1250x16xf32> -> vector<1250x128xf32>
    %broadcast_in_dim3A = arith.constant 0.000000e+00 : f32
    %broadcast_in_dim3A_78 = vector.broadcast %broadcast_in_dim3A : f32 to vector<30x128xf32>
    %concatenate3A_79 = tpu.concatenate %concatenate3A, %broadcast_in_dim3A_78 in 0 : vector<1250x128xf32>, vector<30x128xf32> -> vector<1280x128xf32>
    %swap3A = arith.constant 0 : index
    %swap3A_80 = arith.constant 0 : index
    %swap3A_81 = vector.load %arg2[%swap3A, %swap3A_80] : memref<1280x128xf32, #tpu.memory_space<vmem>>, vector<1280x128xf32>
    tpu.vector_store %arg2[%swap3A, %swap3A_80], %concatenate3A_79 {strides = array<i32>} : memref<1280x128xf32, #tpu.memory_space<vmem>>, vector<1280x128xf32>,
    return
  }
}

module attributes {stable_mosaic.version = 14 : i64} {
  func.func @tc1(%arg0: memref<1280x128xf32, #tpu.memory_space<vmem>>, %arg1: memref<2560x128xf32, #tpu.memory_space<vmem>>, %arg2: memref<1280x128xf32, #tpu.memory_space<vmem>>, %arg3: memref<1280x128xf32, #tpu.memory_space<vmem>>) attributes {dimension_semantics = [], scalar_prefetch = 0 : i64, scratch_operands = 0 : i64, tpu.core_type = #tpu.core_type<tc>} {
    %get3A = arith.constant 0 : index
    %get3A_0 = arith.constant 0 : index
    %get3A_1 = vector.load %arg1[%get3A, %get3A_0] : memref<2560x128xf32, #tpu.memory_space<vmem>>, vector<2560x128xf32>
    %slice3A = vector.extract_strided_slice %get3A_1 {offsets = [0, 0], sizes = [1280, 128], strides = [1, 1]} : vector<2560x128xf32> to vector<1280x128xf32>
    %slice3A_2 = vector.extract_strided_slice %get3A_1 {offsets = [1280, 0], sizes = [1280, 128], strides = [1, 1]} : vector<2560x128xf32> to vector<1280x128xf32>
    %add3A = arith.addf %slice3A, %slice3A_2 : vector<1280x128xf32>
    %max3A = arith.constant 1.000000e+00 : f32
    %max3A_3 = vector.broadcast %max3A : f32 to vector<1280x128xf32>
    %max3A_4 = arith.maximumf %add3A, %max3A_3 : vector<1280x128xf32>
    %rsqrt3A = math.rsqrt %max3A_4 : vector<1280x128xf32>
    %swap3A = arith.constant 0 : index
    %swap3A_5 = arith.constant 0 : index
    %swap3A_6 = vector.load %arg3[%swap3A, %swap3A_5] : memref<1280x128xf32, #tpu.memory_space<vmem>>, vector<1280x128xf32>
    tpu.vector_store %arg3[%swap3A, %swap3A_5], %rsqrt3A {strides = array<i32>} : memref<1280x128xf32, #tpu.memory_space<vmem>>, vector<1280x128xf32>,
    %get3A_7 = arith.constant 0 : index
    %get3A_8 = arith.constant 0 : index
    %get3A_9 = vector.load %arg0[%get3A_7, %get3A_8] : memref<1280x128xf32, #tpu.memory_space<vmem>>, vector<1280x128xf32>
    %mul3A = arith.mulf %get3A_9, %rsqrt3A : vector<1280x128xf32>
    %swap3A_10 = arith.constant 0 : index
    %swap3A_11 = arith.constant 0 : index
    %swap3A_12 = vector.load %arg2[%swap3A_10, %swap3A_11] : memref<1280x128xf32, #tpu.memory_space<vmem>>, vector<1280x128xf32>
    tpu.vector_store %arg2[%swap3A_10, %swap3A_11], %mul3A {strides = array<i32>} : memref<1280x128xf32, #tpu.memory_space<vmem>>, vector<1280x128xf32>,
    return
  }
}

module attributes {stable_mosaic.version = 14 : i64} {
  func.func @tc2(%arg0: memref<2560x128xf32, #tpu.memory_space<vmem>>, %arg1: memref<1280x128xf32, #tpu.memory_space<vmem>>, %arg2: memref<128x128xf32, #tpu.memory_space<vmem>>, %arg3: memref<1x128xf32, #tpu.memory_space<vmem>>, %arg4: memref<1280x128xf32, #tpu.memory_space<vmem>>) attributes {dimension_semantics = [], scalar_prefetch = 0 : i64, scratch_operands = 0 : i64, tpu.core_type = #tpu.core_type<tc>} {
    %get3A = arith.constant 0 : index
    %get3A_0 = arith.constant 0 : index
    %get3A_1 = vector.load %arg0[%get3A, %get3A_0] : memref<2560x128xf32, #tpu.memory_space<vmem>>, vector<2560x128xf32>
    %get3A_2 = arith.constant 0 : index
    %get3A_3 = arith.constant 0 : index
    %get3A_4 = vector.load %arg1[%get3A_2, %get3A_3] : memref<1280x128xf32, #tpu.memory_space<vmem>>, vector<1280x128xf32>
    %slice3A = vector.extract_strided_slice %get3A_1 {offsets = [0, 0], sizes = [1280, 128], strides = [1, 1]} : vector<2560x128xf32> to vector<1280x128xf32>
    %slice3A_5 = vector.extract_strided_slice %get3A_1 {offsets = [1280, 0], sizes = [1280, 128], strides = [1, 1]} : vector<2560x128xf32> to vector<1280x128xf32>
    %add3A = arith.addf %slice3A, %slice3A_5 : vector<1280x128xf32>
    %mul3A = arith.mulf %add3A, %get3A_4 : vector<1280x128xf32>
    %get3A_6 = arith.constant 0 : index
    %get3A_7 = arith.constant 0 : index
    %get3A_8 = vector.load %arg3[%get3A_6, %get3A_7] : memref<1x128xf32, #tpu.memory_space<vmem>>, vector<1x128xf32>
    %add3A_9 = vector.broadcast %get3A_8 : vector<1x128xf32> to vector<1280x128xf32>
    %add3A_10 = arith.addf %mul3A, %add3A_9 : vector<1280x128xf32>
    %max3A = arith.constant 0.000000e+00 : f32
    %max3A_11 = vector.broadcast %max3A : f32 to vector<1280x128xf32>
    %max3A_12 = arith.maximumf %add3A_10, %max3A_11 : vector<1280x128xf32>
    %get3A_13 = arith.constant 0 : index
    %get3A_14 = arith.constant 0 : index
    %get3A_15 = vector.load %arg2[%get3A_13, %get3A_14] : memref<128x128xf32, #tpu.memory_space<vmem>>, vector<128x128xf32>
    %dot_general3A = arith.constant dense<0.000000e+00> : vector<1280x128xf32>
    %dot_general3A_16 = tpu.matmul %max3A_12, %get3A_15, %dot_general3A {dimension_numbers = #tpu.dot_dimension_numbers<[1], [0], [0], [1], [0, 0, 1, 1], [], []>, transpose_lhs_hint = false} : vector<1280x128xf32>, vector<128x128xf32>, vector<1280x128xf32> -> vector<1280x128xf32>
    %mul3A_17 = arith.mulf %dot_general3A_16, %get3A_4 : vector<1280x128xf32>
    %swap3A = arith.constant 0 : index
    %swap3A_18 = arith.constant 0 : index
    %swap3A_19 = vector.load %arg4[%swap3A, %swap3A_18] : memref<1280x128xf32, #tpu.memory_space<vmem>>, vector<1280x128xf32>
    tpu.vector_store %arg4[%swap3A, %swap3A_18], %mul3A_17 {strides = array<i32>} : memref<1280x128xf32, #tpu.memory_space<vmem>>, vector<1280x128xf32>,
    return
  }
}

module attributes {stable_mosaic.version = 14 : i64} {
  func.func @tc3(%arg0: memref<2560x128xf32, #tpu.memory_space<vmem>>, %arg1: memref<1280x128xf32, #tpu.memory_space<vmem>>, %arg2: memref<1x128xf32, #tpu.memory_space<vmem>>, %arg3: memref<1250x8x16xf32, #tpu.memory_space<vmem>>) attributes {dimension_semantics = [], scalar_prefetch = 0 : i64, scratch_operands = 0 : i64, tpu.core_type = #tpu.core_type<tc>} {
    %get3A = arith.constant 0 : index
    %get3A_0 = arith.constant 0 : index
    %get3A_1 = vector.load %arg0[%get3A, %get3A_0] : memref<2560x128xf32, #tpu.memory_space<vmem>>, vector<2560x128xf32>
    %slice3A = vector.extract_strided_slice %get3A_1 {offsets = [0, 0], sizes = [1280, 128], strides = [1, 1]} : vector<2560x128xf32> to vector<1280x128xf32>
    %slice3A_2 = vector.extract_strided_slice %get3A_1 {offsets = [1280, 0], sizes = [1280, 128], strides = [1, 1]} : vector<2560x128xf32> to vector<1280x128xf32>
    %add3A = arith.addf %slice3A, %slice3A_2 : vector<1280x128xf32>
    %get3A_3 = arith.constant 0 : index
    %get3A_4 = arith.constant 0 : index
    %get3A_5 = vector.load %arg1[%get3A_3, %get3A_4] : memref<1280x128xf32, #tpu.memory_space<vmem>>, vector<1280x128xf32>
    %mul3A = arith.mulf %add3A, %get3A_5 : vector<1280x128xf32>
    %get3A_6 = arith.constant 0 : index
    %get3A_7 = arith.constant 0 : index
    %get3A_8 = vector.load %arg2[%get3A_6, %get3A_7] : memref<1x128xf32, #tpu.memory_space<vmem>>, vector<1x128xf32>
    %add3A_9 = vector.broadcast %get3A_8 : vector<1x128xf32> to vector<1280x128xf32>
    %add3A_10 = arith.addf %mul3A, %add3A_9 : vector<1280x128xf32>
    %slice3A_11 = vector.extract_strided_slice %add3A_10 {offsets = [0, 0], sizes = [1250, 128], strides = [1, 1]} : vector<1280x128xf32> to vector<1250x128xf32>
    %reshape3A = vector.shape_cast %slice3A_11 : vector<1250x128xf32> to vector<1250x8x16xf32>
    %swap3A = arith.constant 0 : index
    %swap3A_12 = arith.constant 0 : index
    %swap3A_13 = arith.constant 0 : index
    %swap3A_14 = vector.load %arg3[%swap3A, %swap3A_12, %swap3A_13] : memref<1250x8x16xf32, #tpu.memory_space<vmem>>, vector<1250x8x16xf32>
    tpu.vector_store %arg3[%swap3A, %swap3A_12, %swap3A_13], %reshape3A {strides = array<i32>} : memref<1250x8x16xf32, #tpu.memory_space<vmem>>, vector<1250x8x16xf32>,
    return
  }
}

</mosaic_0001>

<sc_bundles>
// kernel: kernel.12.cloned.1.call-start
scs
__scs_entry_jumppad:
0x0: {  	(pc) =	sbr.rel $0x88, $3  }
0x1: {  	(tag) =	ssettag $0x0;
	lr =	simm.s32 $0x1  }
0x2: {  	[smem:$0x3F9B] =	sst lr;
	_ =	strace $0xD0000000  }
0x3: {  	_ = 	snop  }
0x4: {  	_ = 	snop  }
0x5: {  	_ = 	snop  }
0x6: {  	_ = 	snop  }
0x7: {  	_ = 	snop  }
__scs_overlays_trampoline_lowered:
0x8: {  	[smem:$0x3FAA] =	sst s0  }
0x9: {  	[smem:$0x3FAB] =	sst s1  }
0xa: {  	[smem:$0x3FAC] =	sst s2  }
0xb: {  	[smem:$0x3FAD] =	sst s3  }
0xc: {  	[smem:$0x3FAE] =	sst s4  }
0xd: {  	[smem:$0x3FAF] =	sst s5  }
0xe: {  	[smem:$0x3FB0] =	sst s6  }
0xf: {  	[smem:$0x3FB1] =	sst s7  }
0x10: {  	[smem:$0x3FB2] =	sst s8  }
0x11: {  	[smem:$0x3FB3] =	sst s9;
	s0 =	simm.s32 @!p0 $0x0  }
0x12: {  	s1 =	sld [smem:$0x3F99];
	s0 =	simm.s32 @p0 $0x1  }
0x13: {  	[smem:$0x3FB4] =	sst s0;
	s0 =	simm.s32 @!p1 $0x0  }
0x14: {  	s2 =	sld [smem:$0x3F98];
	s0 =	simm.s32 @p1 $0x1  }
0x15: {  	[smem:$0x3FB5] =	sst s0;
	s0 =	simm.s32 @!p2 $0x0  }
0x16: {  	s3 =	sld [smem:$0x3FDB];
	s0 =	simm.s32 @p2 $0x1  }
0x17: {  	s4 =	simm.s32 $0x1BF5;
	[smem:$0x3FB7] =	sst s0  }
0x18: {  	s0 =	sld [smem:$0x3F9A];
	_ =	swait.ge [sflag:s4], $0x0  }
0x19: {  	s7 =	sld [smem:$0x3F9B]  }
0x1a: {  	s8 =	sadd.s32 $0xFFFFE003, lr  }
0x1b: {  	s9 =	sadd.s32 $0xFFFFFEF7, lr;
	s5 =	simm.s32 $0xFFFFFFFF;
	p2 =	slt.u32 s8, $0xFFFFF086  }
0x1c: {  	p1 =	slt.u32 s9, $0xF7A;
	s5 =	simm.s32 @!p2 $0x0  }
0x1d: {  	s5 =	simm.s32 @p1 $0x1;
	p0 =	seq.s32 s7, s2  }
0x1e: {  	s7 =	smul.u32 @!p0 $0xF7A, s2;
	p2 =	seq.s32 @!p0 s5, $0x0  }
0x1f: {  	s9 =	smul.u32 $0xF7A, s1;
	s8 =	simm.s32 @!p0 $0x1BF5;
	p2 =	por !p2, p0  }
0x20: {  	[sflag:s8] =	ssyncset.s32 @!p0 $0xFFFFF086;
	s6 =	sadd.s32 @!p0 s3, s7;
	s7 =	simm.s32 @!p0 $0x108  }
0x21: {  	s3 =	sadd.s32 s3, s9;
	s6 =	sadd.s32 @!p0 $0x88, s6;
	s7 =	simm.s32 @p2 $0x1082  }
0x22: {  	[simem:s7], [sflag:s8] =	dma.local @!p0 [hbm:s6], $0xF7A  }
0x23: {  	s9 =	sor.u32 $0xD0000000, s2;
	s6 =	simm.s32 $0x108;
	_ =	swait.ge @!p0 [sflag:s8], $0x0  }
0x24: {  	s3 =	sadd.s32 $0x88, s3;
	s6 =	simm.s32 @!p1 $0x1082;
	[sflag:s4] =	ssyncset.s32 $0xFFFFF086  }
0x25: {  	[simem:s6], [sflag:s4] =	dma.local [hbm:s3], $0xF7A  }
0x26: {  	[smem:$0x3F9B] =	sst s1;
	(tag) =	ssettag s2;
	_ =	strace s9  }
0x27: {  	s1 =	sld [smem:$0x3FAB]  }
0x28: {  	s2 =	sld [smem:$0x3FAC]  }
0x29: {  	s4 =	sld [smem:$0x3FAE]  }
0x2a: {  	p0 =	seq.s32 s5, $0x0;
	s5 =	sld [smem:$0x3FAF]  }
0x2b: {  	s6 =	sld [smem:$0x3FB0]  }
0x2c: {  	s7 =	sld [smem:$0x3FB1]  }
0x2d: {  	s3 =	simm.s32 $0x108;
	s8 =	sld [smem:$0x3FB2]  }
0x2e: {  	s3 =	simm.s32 @!p0 $0x1082;
	s9 =	sld [smem:$0x3FB3]  }
0x2f: {  	lr =	sadd.s32 s0, s3;
	s0 =	sld [smem:$0x3FAA]  }
0x30: {  	s3 =	sld [smem:$0x3FAD]  }
0x31: {  	[smem:$0x3FB6] =	sst s10  }
0x32: {  	s10 =	sld [smem:$0x3FB4];
	_ =	sdelay $0x3  }
0x33: {  	p0 =	seq.s32 s10, $0x1;
	s10 =	sld [smem:$0x3FB6];
	_ =	sdelay $0x3  }
0x34: {  	[smem:$0x3FB6] =	sst s10  }
0x35: {  	s10 =	sld [smem:$0x3FB5];
	_ =	sdelay $0x3  }
0x36: {  	p1 =	seq.s32 s10, $0x1;
	s10 =	sld [smem:$0x3FB6];
	_ =	sdelay $0x3  }
0x37: {  	[smem:$0x3FB6] =	sst s10  }
0x38: {  	s10 =	sld [smem:$0x3FB7]  }
0x39: {  	_ = 	snop;
	(pc) =	sbr.ind lr, $3  }
0x3a: {  	_ = 	snop  }
0x3b: {  	_ = 	snop  }
0x3c: {  	p2 =	seq.s32 s10, $0x1;
	s10 =	sld [smem:$0x3FB6]  }
0x3d: {  	_ =	shalt  }
0x3e: {  	_ =	shalt  }
0x3f: {  	_ =	shalt  }
0x40: {  	_ =	shalt  }
0x41: {  	_ =	shalt  }
0x42: {  	_ =	shalt  }
0x43: {  	_ =	shalt  }
0x44: {  	_ =	shalt  }
0x45: {  	_ =	shalt  }
0x46: {  	_ =	shalt  }
0x47: {  	_ =	shalt  }
0x48: {  	_ =	shalt  }
0x49: {  	_ =	shalt  }
0x4a: {  	_ =	shalt  }
0x4b: {  	_ =	shalt  }
0x4c: {  	_ =	shalt  }
0x4d: {  	_ =	shalt  }
0x4e: {  	_ =	shalt  }
0x4f: {  	_ =	shalt  }
0x50: {  	_ =	shalt  }
0x51: {  	_ =	shalt  }
0x52: {  	_ =	shalt  }
0x53: {  	_ =	shalt  }
0x54: {  	_ =	shalt  }
0x55: {  	_ =	shalt  }
0x56: {  	_ =	shalt  }
0x57: {  	_ =	shalt  }
0x58: {  	_ =	shalt  }
0x59: {  	_ =	shalt  }
0x5a: {  	_ =	shalt  }
0x5b: {  	_ =	shalt  }
0x5c: {  	_ =	shalt  }
0x5d: {  	_ =	shalt  }
0x5e: {  	_ =	shalt  }
0x5f: {  	_ =	shalt  }
0x60: {  	_ =	shalt  }
0x61: {  	_ =	shalt  }
0x62: {  	_ =	shalt  }
0x63: {  	_ =	shalt  }
0x64: {  	_ =	shalt  }
0x65: {  	_ =	shalt  }
0x66: {  	_ =	shalt  }
0x67: {  	_ =	shalt  }
0x68: {  	_ =	shalt  }
0x69: {  	_ =	shalt  }
0x6a: {  	_ =	shalt  }
0x6b: {  	_ =	shalt  }
0x6c: {  	_ =	shalt  }
0x6d: {  	_ =	shalt  }
0x6e: {  	_ =	shalt  }
0x6f: {  	_ =	shalt  }
0x70: {  	_ =	shalt  }
0x71: {  	_ =	shalt  }
0x72: {  	_ =	shalt  }
0x73: {  	_ =	shalt  }
0x74: {  	_ =	shalt  }
0x75: {  	_ =	shalt  }
0x76: {  	_ =	shalt  }
0x77: {  	_ =	shalt  }
0x78: {  	_ =	shalt  }
0x79: {  	_ =	shalt  }
0x7a: {  	_ =	shalt  }
0x7b: {  	_ =	shalt  }
0x7c: {  	_ =	shalt  }
0x7d: {  	_ =	shalt  }
0x7e: {  	_ =	shalt  }
0x7f: {  	_ =	shalt  }
0x80: {  	_ =	shalt  }
0x81: {  	_ =	shalt  }
0x82: {  	_ =	shalt  }
0x83: {  	_ =	shalt  }
0x84: {  	_ =	shalt  }
0x85: {  	_ =	shalt  }
0x86: {  	_ =	shalt  }
0x87: {  	_ =	shalt  }
.Lfunc_end0:
.L_simem_size_0:
called_computation.1_lowered:
.L_overlay_start_0:
0x88: {  	s2 =	sld [smem:$0x3FD9]  }
0x89: {  	s3 =	sld [smem:$0x3FFE];
	_ =	sdelay $0x1  }
0x8a: {  	s1 =	srdreg.scid  }
0x8b: {  	s0 =	sand.u32 $0x1, s1  }
0x8c: {  	s16 =	sshll.u32 s0, $0xA;
	s2 =	sadd.s32 s3, s2  }
0x8d: {  	s2 =	sadd.s32 s2, s16  }
0x8e: {  	[smem:$0x3FC2] =	sst s2  }
0x8f: {  	_ = 	snop  }
0x90: {  	(tm) =	ssettm $0x1  }
0x91: {  	s17 =	sld [smem:$0x3FFB];
	_ =	sdelay $0x3  }
0x92: {  	_ =	strace s17  }
0x93: {  	s2 =	sld [smem:$0x3FFC];
	_ =	sdelay $0x3  }
0x94: {  	_ =	strace s2  }
0x95: {  	s2 =	sld [smem:$0x3FFD];
	_ =	sdelay $0x3  }
0x96: {  	_ =	strace s2  }
0x97: {  	_ =	strace $0x8FFFFFFF  }
0x98: {  	s18 =	sld [smem:$0x3FDB];
	_ =	sdelay $0x1  }
0x99: {  	s19 =	simm.s32 $_scs_section_size  }
0x9a: {  	s4 =	simm.s32 $_size__tile_overlayer_lowered;
	s5 =	simm.s32 $_tile_overlayer_lowered  }
0x9b: {  	s22 =	simm.s32 $0x1BFF;
	s21 =	sshll.u32 s5, $0x1;
	s2 =	sadd.s32 s19, s18  }
0x9c: {  	s6 =	simm.s32 $0x0;
	s20 =	sshll.u32 s4, $0x1;
	s4 =	sadd.s32 s21, s2  }
0x9d: {  	[timem:s6], [sflag:s22] =	dma.local [hbm:s4], s20  }
0x9e: {  	_ =	swait.ge [sflag:s22], s20  }
0x9f: {  	s3 =	ssub.s32 $0x0, s20;
	[sflag:s22] =	ssyncset.done $0x0  }
0xa0: {  	[sflag:s22] =	ssyncadd.s32 s3;
	_ =	sdelay $0x1  }
0xa1: {  	s23 =	simm.s32 $0x1B8B  }
0xa2: {  	_ =	swait.ge [sflag:s23], $0x1  }
0xa3: {  	[sflag:s23] =	ssyncset.done $0x0  }
0xa4: {  	s25 =	simm.s32 $0x1B8E;
	s24 =	sld [smem:$0x3FFE];
	[sflag:s23] =	ssyncadd.s32 $0xFFFFFFFF  }
0xa5: {  	s26 =	simm.s32 $execute0_lowered;
	[smem:$0x3FD2] =	sst s25  }
0xa6: {  	s4 =	sshll.u32 s26, $0x1;
	_ =	strace $0x80000049;
	[dreg:$0x1] =	wrdreg $0xFFFFFFFF  }
0xa7: {  	s28 =	simm.s32 $_size_execute0_lowered;
	s2 =	sadd.s32 s2, s4;
	[dreg:$0x0] =	wrdreg $0x0  }
0xa8: {  	s4 =	sshll.u32 s28, $0x1;
	[dreg:$0x2] =	wrdreg s2  }
0xa9: {  	[dreg:$0x3] =	wrdreg s4  }
0xaa: {  	[dreg:$0x4] =	wrdreg $0xC0  }
0xab: {  	_ =	task [dreg:s6], $0x5FFFF  }
0xac: {  	[dreg:$0x1] =	wrdreg $0xFFFFFFFF  }
0xad: {  	[dreg:$0x0] =	wrdreg $0x60  }
0xae: {  	[dreg:$0x2] =	wrdreg s24  }
0xaf: {  	[dreg:$0x3] =	wrdreg $0xA0000  }
0xb0: {  	[dreg:$0x4] =	wrdreg $0x9  }
0xb1: {  	_ =	task.clear_ibuf [dreg:s6], $0x5FFFF;
	_ =	strace $0x90000049  }
0xb2: {  	s29 =	simm.s32 $0x9;
	_ =	strace $0x8000004B  }
0xb3: {  	_ =	swait.ge [sflag:s29], $0x1  }
0xb4: {  	[sflag:s29] =	ssyncadd.s32 $0xFFFFFFFF  }
0xb5: {  	_ =	strace $0x9000004B  }
0xb6: {  	_ =	sfence  }
0xb7: {  	s30 =	sld [smem:$0x0];
	_ =	sdelay $0x2  }
0xb8: {  	s31 =	sshll.u32 s1, $0xD;
	s1 =	sshrl.u32 s1, $0x2  }
0xb9: {  	s3 =	sand.u32 $0x4000, s31;
	s1 =	sadd.s32 s1, s30  }
0xba: {  	s0 =	sor.u32 s3, s0;
	s1 =	sshll.u32 s1, $0x11  }
0xbb: {  	s0 =	sor.u32 s1, s0  }
0xbc: {  	s0 =	sadd.s32 $0x8F2B, s0  }
0xbd: {  	[sflag:s0] =	ssyncadd.remote.s32 $0x1  }
0xbe: {  	_ =	sfence.sel $0xFFFF  }
0xbf: {  	[dreg:$0x0] =	wrdreg $0xFFFFFFFF;
	(pc) =	sbr.abs _section_cstart, $3  }
0xc0: {  	[dreg:$0x1] =	wrdreg $0xFFFFFFFF  }
0xc1: {  	_ =	task.clear_ibuf [dreg:s6], $0x2FFFF;
	_ =	strace $0x9FFFFFFF  }
0xc2: {  	(tm) =	ssettm $0x7FFFFFFF  }
0xc3: {  	_ =	shalt  }
tec
execute0_lowered:
.L_overlay_start_1:
0x0: {  	(tag) =	ssettag $0x1  }
0x1: {  	s0 =	rddreg [dreg:$0x0]  }
0x2: {  	s2 =	rddreg [dreg:$0x1];
	s3 =	simm.s32 $0x0;
	s1 =	srdreg.scid  }
0x3: {  	s9 =	stileid.u32;
	s13 =	simm.s32 $0x80;
	s16 =	simm.s32 $0xA  }
0x4: {  	s11 =	simm.s32 $0x14;
	s12 =	simm.s32 $0x13;
	s19 =	simm.s32 $0x5000  }
0x5: {  	s20 =	simm.s32 $0x5800;
	s28 =	simm.s32 $0x1;
	s29 =	simm.s32 $0x7800  }
0x6: {  	s30 =	simm.s32 $0x2;
	s31 =	simm.s32 $0x8000;
	s15 =	simm.s32 $0x4  }
0x7: {  	s10 =	simm.s32 $0xF;
	[smem:$0x7FF] =	sst s3;
	s21 =	smul.u32 $0x2800, s9  }
0x8: {  	s1 =	sand.u32 $0x1, s1;
	s4 =	sshll.u32 s9, $0x5;
	s6 =	smul.u32 $0x500, s9  }
0x9: {  	s24 =	sshll.u32 s9, $0x6;
	s9 =	simm.s32 $0x0;
	s5 =	sshll.u32 s1, $0x4  }
0xa: {  	_ =	strace $0x8000004A;
	s7 =	smul.u32 $0x5000, s1;
	s1 =	ssub.s32 $0x2, s1  }
0xb: {  	[dreg:$0x4] =	wrdreg s24;
	s5 =	sor.u32 s5, s4;
	s4 =	sadd.s32 $0x1B200, s0  }
0xc: {  	s8 =	sshrl.u32 s21, $0x3;
	s22 =	sshrl.u32 s1, $0x1;
	s3 =	sadd.s32 s21, s2  }
0xd: {  	s21 =	simm.s32 $0x9000;
	s5 =	sadd.s32 s5, s0;
	s6 =	sadd.s32 s6, s7  }
0xe: {  	s8 =	sadd.s32 s8, s0;
	s1 =	ssub.s32 s1, s22;
	s22 =	simm.s32 $0x6000  }
0xf: {  	s0 =	sadd.s32 s6, s0;
	s23 =	sadd.s32 $0x16200, s8;
	s6 =	sor.u32 $0x1C0A, s24  }
0x10: {  	s25 =	sadd.s32 $0xC200, s5;
	s5 =	sadd.s32 $0x2200, s5;
	[dreg:$0x3] =	wrdreg s23  }
0x11: {  	s26 =	smax.u32 s1, $0x1;
	s8 =	sshrl.u32 s3, $0x3;
	[dreg:$0x5] =	wrdreg s6  }
.Ltmp0:
0x12: {  	s24 =	simm.s32 $0x6800;
	[dreg:$0x6] =	wrdreg s25;
	(pc) =	sbr.rel .LBB2_1-.Ltmp0, $4  }
0x13: {  	s1 =	simm.s32 $0x8800;
	s3 =	simm.s32 $0x6;
	[dreg:$0x7] =	wrdreg s5  }
0x14: {  	s0 =	sadd.s32 $0x20200, s0;
	[dreg:$0x9] =	wrdreg s26;
	s26 =	simm.s32 $0x7000  }
0x15: {  	s23 =	simm.s32 $0x5;
	s25 =	simm.s32 $0x9800;
	[dreg:$0xa] =	wrdreg s8  }
0x16: {  	s5 =	simm.s32 $0x8;
	[dreg:$0x8] =	wrdreg s0;
	s0 =	simm.s32 $0x3  }
.LBB2_4:
0x17: {  	s6 =	simm.s32 $0xB  }
0x18: {  	_ =	swait.ge [sflag:s6], $0x800  }
0x19: {  	[sflag:s6] =	ssyncset.done $0x0  }
0x1a: {  	s18 =	simm.s32 $0xC;
	[sflag:s6] =	ssyncadd.s32 $0xFFFFF800  }
0x1b: {  	_ =	swait.ge [sflag:s18], $0x800  }
0x1c: {  	[sflag:s18] =	ssyncset.done $0x0  }
0x1d: {  	s7 =	simm.s32 $0xD;
	[sflag:s18] =	ssyncadd.s32 $0xFFFFF800  }
0x1e: {  	_ =	swait.ge [sflag:s7], $0x800  }
0x1f: {  	[sflag:s7] =	ssyncset.done $0x0  }
0x20: {  	s8 =	simm.s32 $0xE;
	[sflag:s7] =	ssyncadd.s32 $0xFFFFF800  }
0x21: {  	_ =	swait.ge [sflag:s8], $0x800  }
0x22: {  	[sflag:s8] =	ssyncset.done $0x0  }
0x23: {  	[sflag:s8] =	ssyncadd.s32 $0xFFFFF800  }
0x24: {  	_ =	swait.ge [sflag:s10], $0x800  }
0x25: {  	[sflag:s10] =	ssyncset.done $0x0  }
0x26: {  	s9 =	simm.s32 $0x10;
	[sflag:s10] =	ssyncadd.s32 $0xFFFFF800  }
0x27: {  	_ =	swait.ge [sflag:s9], $0x800  }
0x28: {  	[sflag:s9] =	ssyncset.done $0x0  }
0x29: {  	s11 =	simm.s32 $0x11;
	[sflag:s9] =	ssyncadd.s32 $0xFFFFF800  }
0x2a: {  	_ =	swait.ge [sflag:s11], $0x800  }
0x2b: {  	[sflag:s11] =	ssyncset.done $0x0  }
0x2c: {  	s12 =	simm.s32 $0x12;
	[sflag:s11] =	ssyncadd.s32 $0xFFFFF800  }
0x2d: {  	_ =	swait.ge [sflag:s12], $0x800  }
0x2e: {  	[sflag:s12] =	ssyncset.done $0x0  }
0x2f: {  	[sflag:s12] =	ssyncadd.s32 $0xFFFFF800;
	s12 =	simm.s32 $0x13  }
0x30: {  	_ =	swait.ge [sflag:s12], $0x800  }
0x31: {  	[sflag:s12] =	ssyncset.done $0x0  }
0x32: {  	s11 =	simm.s32 $0x14;
	[sflag:s12] =	ssyncadd.s32 $0xFFFFF800  }
0x33: {  	_ =	swait.ge [sflag:s11], $0x800  }
0x34: {  	[sflag:s11] =	ssyncset.done $0x0  }
0x35: {  	[sflag:s11] =	ssyncadd.s32 $0xFFFFF800  }
0x36: {  	[bflag:$0x0] =	sbarrier.arrive $0xFFFF  }
0x37: {  	s14 =	rddreg [dreg:$0x4]  }
0x38: {  	s7 =	rddreg [dreg:$0x8]  }
0x39: {  	s17 =	simm.s32 $0x15;
	s8 =	rddreg [dreg:$0xa];
	s6 =	sor.u32 $0x1C15, s14  }
0x3a: {  	[hbm:s7], [sflag:s6] =	dma.local [spmem:s8], $0x500  }
0x3b: {  	_ =	swait.ge [sflag:s17], $0x500  }
0x3c: {  	s9 =	rddreg [dreg:$0xb]  }
0x3d: {  	s18 =	rddreg [dreg:$0x9];
	s9 =	sadd.s32 $0x1, s9  }
0x3e: {  	p0 =	sne.s32 s9, s18  }
.Ltmp1:
0x3f: {  	_ = 	snop;
	(pc) =	sbr.rel @!p0 .LBB2_5-.Ltmp1, $3  }
0x40: {  	_ =	sdelay $0x1  }
0x41: {  	[sflag:s17] =	ssyncset.done $0x0  }
0x42: {  	[sflag:s17] =	ssyncadd.s32 $0xFFFFFB00  }
.LBB2_1:
0x43: {  	[dreg:$0xb] =	wrdreg s9  }
0x44: {  	s6 =	rddreg [dreg:$0x3]  }
0x45: {  	s7 =	rddreg [dreg:$0x5]  }
0x46: {  	[spmem:s8], [sflag:s7] =	dma.local [hbm:s6], $0x500  }
0x47: {  	s14 =	simm.s32 $0x1000;
	s6 =	simm.s32 $0x0;
	s7 =	rddreg [dreg:$0x6]  }
0x48: {  	[tilespmem:s6], [sflag:$0x14] =	stream.strided.gather [hbm4b:s7+s13], $0x2800, s14, s13, $0x38;
	[tilespmem:$0xC800] =	vst v63  }
0x49: {  	s18 =	simm.s32 $0x2800;
	s17 =	rddreg [dreg:$0x7]  }
0x4a: {  	[tilespmem:s18], [sflag:$0x13] =	stream.strided.gather [hbm4b:s17+s13], $0x2800, s14, s13, $0x38;
	[tilespmem:$0xC800] =	vst v63  }
0x4b: {  	_ =	swait.ge [sflag:s16], $0x500  }
0x4c: {  	[sflag:s16] =	ssyncset.done $0x0  }
0x4d: {  	[sflag:s16] =	ssyncadd.s32 $0xFFFFFB00  }
0x4e: {  	_ =	swait.ge [sflag:s11], $0x2800  }
0x4f: {  	[sflag:s11] =	ssyncset.done $0x0  }
0x50: {  	[sflag:s11] =	ssyncadd.s32 $0xFFFFD800  }
0x51: {  	_ =	swait.ge [sflag:s12], $0x2800  }
0x52: {  	[sflag:s12] =	ssyncset.done $0x0  }
0x53: {  	[sflag:s12] =	ssyncadd.s32 $0xFFFFD800  }
0x54: {  	[bflag:$0x0] =	sbarrier.arrive $0xFFFF  }
0x55: {  	[tilespmem:s19], [sflag:$0x1] =	stream.indirect.gather [hbm4b:s4+s13], $0x10, s6, s13, $0xb8;
	[tilespmem:$0xC800] =	vst v63  }
0x56: {  	_ = 	snop  }
0x57: {  	[tilespmem:s20], [sflag:$0x2] =	stream.indirect.gather [hbm4b:s4+s13], $0x10, s13, s13, $0xb8;
	[tilespmem:$0xC800] =	vst v63  }
0x58: {  	s14 =	simm.s32 $0x100  }
0x59: {  	[tilespmem:s22], [sflag:$0x3] =	stream.indirect.gather [hbm4b:s4+s13], $0x10, s14, s13, $0xb8;
	[tilespmem:$0xC800] =	vst v63  }
0x5a: {  	s17 =	simm.s32 $0x180  }
0x5b: {  	[tilespmem:s24], [sflag:$0x4] =	stream.indirect.gather [hbm4b:s4+s13], $0x10, s17, s13, $0xb8;
	[tilespmem:$0xC800] =	vst v63  }
0x5c: {  	s18 =	simm.s32 $0x200;
	s11 =	simm.s32 $0x0;
	s14 =	simm.s32 $0xFFFFFFFA  }
0x5d: {  	[tilespmem:s26], [sflag:$0x5] =	stream.indirect.gather [hbm4b:s4+s13], $0x10, s18, s13, $0xb8;
	[tilespmem:$0xC800] =	vst v63  }
.LBB2_2:
0x5e: {  	_ =	swait.ge [sflag:s28], $0x800  }
0x5f: {  	s6 =	sshra.s32 s11, $0x2;
	[sflag:s28] =	ssyncset.done $0x0  }
0x60: {  	p0 =	sgt.u32 s14, $0x45;
	s7 =	sadd.s32 $0x2800, s6;
	[sflag:s28] =	ssyncadd.s32 $0xFFFFF800  }
0x61: {  	[spmem:s2] =	stream.indirect.scatter.add.f32 [tilespmem:s19], [sflag:$0xB], $0x10, s7, s13, $0xb8;
	[tilespmem:$0xC800] =	vst v63  }
0x62: {  	s7 =	simm.s32 @!p0 $0x10  }
0x63: {  	_ =	swait.ge @!p0 [sflag:s7], $0x800  }
0x64: {  	[sflag:s7] =	ssyncset.done @!p0 $0x0  }
0x65: {  	s9 =	sadd.s32 $0x280, s6;
	[sflag:s7] =	ssyncadd.s32 @!p0 $0xFFFFF800  }
0x66: {  	[tilespmem:s29], [sflag:$0x6] =	stream.indirect.gather [hbm4b:s4+s13], $0x10, s9, s13, $0xb8;
	[tilespmem:$0xC800] =	vst v63  }
0x67: {  	s17 =	sadd.s32 $0x2, s14;
	_ =	swait.ge [sflag:s30], $0x800  }
0x68: {  	p0 =	sgt.u32 s17, $0x45;
	[sflag:s30] =	ssyncset.done $0x0  }
0x69: {  	s12 =	sadd.s32 $0x2880, s6;
	s7 =	simm.s32 @!p0 $0x11;
	[sflag:s30] =	ssyncadd.s32 $0xFFFFF800  }
0x6a: {  	[spmem:s2] =	stream.indirect.scatter.add.f32 [tilespmem:s20], [sflag:$0xC], $0x10, s12, s13, $0xb8;
	[tilespmem:$0xC800] =	vst v63  }
0x6b: {  	_ =	swait.ge @!p0 [sflag:s7], $0x800  }
0x6c: {  	[sflag:s7] =	ssyncset.done @!p0 $0x0  }
0x6d: {  	s18 =	sadd.s32 $0x300, s6;
	[sflag:s7] =	ssyncadd.s32 @!p0 $0xFFFFF800  }
0x6e: {  	[tilespmem:s31], [sflag:$0x7] =	stream.indirect.gather [hbm4b:s4+s13], $0x10, s18, s13, $0xb8;
	[tilespmem:$0xC800] =	vst v63  }
0x6f: {  	_ =	swait.ge [sflag:s0], $0x800  }
0x70: {  	[sflag:s0] =	ssyncset.done $0x0  }
0x71: {  	s8 =	sadd.s32 $0x2900, s6;
	s7 =	simm.s32 @!p0 $0x12;
	[sflag:s0] =	ssyncadd.s32 $0xFFFFF800  }
0x72: {  	[spmem:s2] =	stream.indirect.scatter.add.f32 [tilespmem:s22], [sflag:$0xD], $0x10, s8, s13, $0xb8;
	[tilespmem:$0xC800] =	vst v63  }
0x73: {  	_ =	swait.ge @!p0 [sflag:s7], $0x800  }
0x74: {  	[sflag:s7] =	ssyncset.done @!p0 $0x0  }
0x75: {  	s9 =	sadd.s32 $0x380, s6;
	[sflag:s7] =	ssyncadd.s32 @!p0 $0xFFFFF800  }
0x76: {  	[tilespmem:s1], [sflag:$0x8] =	stream.indirect.gather [hbm4b:s4+s13], $0x10, s9, s13, $0xb8;
	[tilespmem:$0xC800] =	vst v63  }
0x77: {  	s17 =	sadd.s32 $0x4, s14;
	_ =	swait.ge [sflag:s15], $0x800  }
0x78: {  	p0 =	sgt.u32 s17, $0x45;
	[sflag:s15] =	ssyncset.done $0x0  }
0x79: {  	s12 =	sadd.s32 $0x2980, s6;
	s7 =	simm.s32 @!p0 $0x13;
	[sflag:s15] =	ssyncadd.s32 $0xFFFFF800  }
0x7a: {  	[spmem:s2] =	stream.indirect.scatter.add.f32 [tilespmem:s24], [sflag:$0xE], $0x10, s12, s13, $0xb8;
	[tilespmem:$0xC800] =	vst v63  }
0x7b: {  	_ =	swait.ge @!p0 [sflag:s7], $0x800  }
0x7c: {  	[sflag:s7] =	ssyncset.done @!p0 $0x0  }
0x7d: {  	s18 =	sadd.s32 $0x400, s6;
	[sflag:s7] =	ssyncadd.s32 @!p0 $0xFFFFF800  }
0x7e: {  	[tilespmem:s21], [sflag:$0x9] =	stream.indirect.gather [hbm4b:s4+s13], $0x10, s18, s13, $0xb8;
	[tilespmem:$0xC800] =	vst v63  }
0x7f: {  	_ =	swait.ge [sflag:s23], $0x800  }
0x80: {  	[sflag:s23] =	ssyncset.done $0x0  }
0x81: {  	s8 =	sadd.s32 $0x2A00, s6;
	s7 =	simm.s32 @!p0 $0x14;
	[sflag:s23] =	ssyncadd.s32 $0xFFFFF800  }
0x82: {  	[spmem:s2] =	stream.indirect.scatter.add.f32 [tilespmem:s26], [sflag:$0xF], $0x10, s8, s13, $0xb8;
	[tilespmem:$0xC800] =	vst v63  }
0x83: {  	_ =	swait.ge @!p0 [sflag:s7], $0x800  }
0x84: {  	[sflag:s7] =	ssyncset.done @!p0 $0x0  }
0x85: {  	s9 =	sadd.s32 $0x480, s6;
	[sflag:s7] =	ssyncadd.s32 @!p0 $0xFFFFF800  }
0x86: {  	[tilespmem:s25], [sflag:$0xA] =	stream.indirect.gather [hbm4b:s4+s13], $0x10, s9, s13, $0xb8;
	[tilespmem:$0xC800] =	vst v63  }
0x87: {  	_ =	swait.ge [sflag:s3], $0x800  }
0x88: {  	p0 =	seq.s32 s11, $0x8C00;
	[sflag:s3] =	ssyncset.done $0x0  }
0x89: {  	s12 =	sadd.s32 $0x2A80, s6;
	s7 =	simm.s32 @p0 $0x7;
	[sflag:s3] =	ssyncadd.s32 $0xFFFFF800  }
0x8a: {  	[spmem:s2] =	stream.indirect.scatter.add.f32 [tilespmem:s29], [sflag:$0x10], $0x10, s12, s13, $0xb8;
	[tilespmem:$0xC800] =	vst v63  }
0x8b: {  	_ =	swait.ge @p0 [sflag:s7], $0x800  }
0x8c: {  	[sflag:s7] =	ssyncset.done @p0 $0x0  }
0x8d: {  	[sflag:s7] =	ssyncadd.s32 @p0 $0xFFFFF800;
	s7 =	sshra.s32 @p0 s11, $0x2  }
0x8e: {  	s17 =	simm.s32 @p0 $0x8000;
	s12 =	simm.s32 @p0 $0x80;
	s8 =	sadd.s32 @p0 $0x2B00, s7  }
0x8f: {  	[spmem:s2] =	stream.indirect.scatter.add.f32 @p0 [tilespmem:s17], [sflag:$0x11], $0x10, s8, s12, $0xb8;
	[tilespmem:$0xC800] =	vst v63  }
0x90: {  	s8 =	simm.s32 @!p0 $0xB  }
0x91: {  	_ =	swait.ge @!p0 [sflag:s8], $0x800  }
0x92: {  	[sflag:s8] =	ssyncset.done @!p0 $0x0  }
0x93: {  	[sflag:s8] =	ssyncadd.s32 @!p0 $0xFFFFF800;
	s8 =	sshra.s32 @!p0 s11, $0x2  }
0x94: {  	s18 =	simm.s32 @!p0 $0x80;
	s9 =	simm.s32 @!p0 $0x5000;
	s17 =	sadd.s32 @!p0 $0x500, s8  }
0x95: {  	[tilespmem:s9], [sflag:$0x1] =	stream.indirect.gather @!p0 [hbm4b:s4+s18], $0x10, s17, s18, $0xb8;
	[tilespmem:$0xC800] =	vst v63  }
0x96: {  	s9 =	simm.s32 @!p0 $0x7  }
0x97: {  	_ =	swait.ge @!p0 [sflag:s9], $0x800  }
0x98: {  	[sflag:s9] =	ssyncset.done @!p0 $0x0  }
0x99: {  	s17 =	simm.s32 @!p0 $0x8000;
	[sflag:s9] =	ssyncadd.s32 @!p0 $0xFFFFF800;
	s9 =	sadd.s32 @!p0 $0x2B00, s8  }
0x9a: {  	[spmem:s2] =	stream.indirect.scatter.add.f32 @!p0 [tilespmem:s17], [sflag:$0x11], $0x10, s9, s18, $0xb8;
	[tilespmem:$0xC800] =	vst v63  }
0x9b: {  	s9 =	simm.s32 @!p0 $0xC  }
0x9c: {  	_ =	swait.ge @!p0 [sflag:s9], $0x800  }
0x9d: {  	[sflag:s9] =	ssyncset.done @!p0 $0x0  }
0x9e: {  	s17 =	simm.s32 @!p0 $0x5800;
	[sflag:s9] =	ssyncadd.s32 @!p0 $0xFFFFF800;
	s9 =	sadd.s32 @!p0 $0x580, s8  }
0x9f: {  	[tilespmem:s17], [sflag:$0x2] =	stream.indirect.gather @!p0 [hbm4b:s4+s18], $0x10, s9, s18, $0xb8;
	[tilespmem:$0xC800] =	vst v63  }
0xa0: {  	_ =	swait.ge [sflag:s5], $0x800  }
0xa1: {  	[sflag:s5] =	ssyncset.done $0x0  }
0xa2: {  	s17 =	sadd.s32 $0x2B80, s6;
	s9 =	simm.s32 @p0 $0x9;
	[sflag:s5] =	ssyncadd.s32 $0xFFFFF800  }
0xa3: {  	[spmem:s2] =	stream.indirect.scatter.add.f32 [tilespmem:s1], [sflag:$0x12], $0x10, s17, s13, $0xb8;
	[tilespmem:$0xC800] =	vst v63  }
0xa4: {  	_ =	swait.ge @p0 [sflag:s9], $0x800  }
0xa5: {  	[sflag:s9] =	ssyncset.done @p0 $0x0  }
0xa6: {  	s7 =	sadd.s32 @p0 $0x2C00, s7;
	[sflag:s9] =	ssyncadd.s32 @p0 $0xFFFFF800;
	s9 =	simm.s32 @p0 $0x9000  }
0xa7: {  	[spmem:s2] =	stream.indirect.scatter.add.f32 @p0 [tilespmem:s9], [sflag:$0x13], $0x10, s7, s12, $0xb8;
	[tilespmem:$0xC800] =	vst v63  }
0xa8: {  	s7 =	simm.s32 @!p0 $0xD  }
0xa9: {  	_ =	swait.ge @!p0 [sflag:s7], $0x800  }
0xaa: {  	[sflag:s7] =	ssyncset.done @!p0 $0x0  }
0xab: {  	s9 =	simm.s32 @!p0 $0x6000;
	[sflag:s7] =	ssyncadd.s32 @!p0 $0xFFFFF800;
	s7 =	sadd.s32 @!p0 $0x600, s8  }
0xac: {  	[tilespmem:s9], [sflag:$0x3] =	stream.indirect.gather @!p0 [hbm4b:s4+s18], $0x10, s7, s18, $0xb8;
	[tilespmem:$0xC800] =	vst v63  }
0xad: {  	s7 =	simm.s32 @!p0 $0x9  }
0xae: {  	_ =	swait.ge @!p0 [sflag:s7], $0x800  }
0xaf: {  	[sflag:s7] =	ssyncset.done @!p0 $0x0  }
0xb0: {  	s9 =	simm.s32 @!p0 $0x9000;
	[sflag:s7] =	ssyncadd.s32 @!p0 $0xFFFFF800;
	s7 =	sadd.s32 @!p0 $0x2C00, s8  }
0xb1: {  	[spmem:s2] =	stream.indirect.scatter.add.f32 @!p0 [tilespmem:s9], [sflag:$0x13], $0x10, s7, s18, $0xb8;
	[tilespmem:$0xC800] =	vst v63  }
0xb2: {  	s7 =	simm.s32 @!p0 $0xE  }
0xb3: {  	_ =	swait.ge @!p0 [sflag:s7], $0x800  }
0xb4: {  	[sflag:s7] =	ssyncset.done @!p0 $0x0  }
0xb5: {  	[sflag:s7] =	ssyncadd.s32 @!p0 $0xFFFFF800;
	s7 =	sadd.s32 @!p0 $0x680, s8;
	s8 =	simm.s32 @!p0 $0x6800  }
0xb6: {  	[tilespmem:s8], [sflag:$0x4] =	stream.indirect.gather @!p0 [hbm4b:s4+s18], $0x10, s7, s18, $0xb8;
	[tilespmem:$0xC800] =	vst v63  }
.Ltmp2:
0xb7: {  	_ = 	snop;
	(pc) =	sbr.rel @p0 .LBB2_4-.Ltmp2, $4  }
0xb8: {  	_ =	swait.ge [sflag:s16], $0x800  }
0xb9: {  	[sflag:s16] =	ssyncset.done $0x0  }
0xba: {  	s18 =	sadd.s32 $0x2C80, s6;
	[sflag:s16] =	ssyncadd.s32 $0xFFFFF800  }
0xbb: {  	[spmem:s2] =	stream.indirect.scatter.add.f32 [tilespmem:s25], [sflag:$0x14], $0x10, s18, s13, $0xb8;
	[tilespmem:$0xC800] =	vst v63  }
.Ltmp3:
0xbc: {  	(pc) =	sbr.rel .LBB2_2-.Ltmp3, $4  }
0xbd: {  	_ =	swait.ge [sflag:s10], $0x800  }
0xbe: {  	s6 =	sadd.s32 $0x700, s6;
	[sflag:s10] =	ssyncset.done $0x0  }
0xbf: {  	s11 =	sadd.s32 $0x1400, s11;
	s14 =	sadd.s32 $0xA, s14;
	[sflag:s10] =	ssyncadd.s32 $0xFFFFF800  }
0xc0: {  	[tilespmem:s26], [sflag:$0x5] =	stream.indirect.gather [hbm4b:s4+s13], $0x10, s6, s13, $0xb8;
	[tilespmem:$0xC800] =	vst v63  }
.LBB2_5:
0xc1: {  	_ =	sfence.sel $0x180000  }
0xc2: {  	[bflag:$0x0] =	sbarrier.arrive $0xFFFF  }
0xc3: {  	_ =	strace $0x9000004A  }
0xc4: {  	s0 =	stileid.u32;
	[bflag:$0x2] =	sbarrier.arrive $0xFFFF  }
0xc5: {  	p0 =	sne.s32 s0, $0x0;
	s0 =	rddreg [dreg:$0x2]  }
0xc6: {  	s0 =	sadd.s32 @!p0 $0x100000, s0  }
0xc7: {  	[sflag:s0] =	ssyncadd.tile.s32 @!p0 $0x1;
	_ =	shalt  }
.Lfunc_end2:
_tile_overlayer_lowered:
.L_overlay_start_2:
0xc8: {  	(tag) =	ssettag $0x2  }
0xc9: {  	s0 =	rddreg [dreg:$0x0];
	s2 =	stileid.u32  }
0xca: {  	s1 =	rddreg [dreg:$0x1];
	p0 =	sne.s32 s2, $0x0  }
0xcb: {  	s3 =	rddreg [dreg:$0x2];
	[bflag:$0x3] =	sbarrier.arrive $0xFFFF;
	s2 =	simm.s32 @!p0 $0x1C15  }
0xcc: {  	[timem:s3], [sflag:s2] =	dma.local @!p0 [hbm:s0], s1  }
0xcd: {  	s0 =	simm.s32 @!p0 $0x15  }
0xce: {  	_ =	swait.ge @!p0 [sflag:s0], s1  }
0xcf: {  	s1 =	ssub.s32 @!p0 $0x0, s1;
	[sflag:s0] =	ssyncset.done @!p0 $0x0  }
0xd0: {  	[sflag:s0] =	ssyncadd.s32 @!p0 s1  }
0xd1: {  	[bflag:$0x3] =	sbarrier.arrive $0xFFFF  }
0xd2: {  	_ =	shalt  }

// kernel: kernel.15.cloned.1.call-start
scs
__scs_entry_jumppad:
0x0: {  	(pc) =	sbr.rel $0x88, $3  }
0x1: {  	(tag) =	ssettag $0x0;
	lr =	simm.s32 $0x1  }
0x2: {  	[smem:$0x3F9B] =	sst lr;
	_ =	strace $0xD0000000  }
0x3: {  	_ = 	snop  }
0x4: {  	_ = 	snop  }
0x5: {  	_ = 	snop  }
0x6: {  	_ = 	snop  }
0x7: {  	_ = 	snop  }
__scs_overlays_trampoline_lowered:
0x8: {  	[smem:$0x3FAA] =	sst s0  }
0x9: {  	[smem:$0x3FAB] =	sst s1  }
0xa: {  	[smem:$0x3FAC] =	sst s2  }
0xb: {  	[smem:$0x3FAD] =	sst s3  }
0xc: {  	[smem:$0x3FAE] =	sst s4  }
0xd: {  	[smem:$0x3FAF] =	sst s5  }
0xe: {  	[smem:$0x3FB0] =	sst s6  }
0xf: {  	[smem:$0x3FB1] =	sst s7  }
0x10: {  	[smem:$0x3FB2] =	sst s8  }
0x11: {  	[smem:$0x3FB3] =	sst s9;
	s0 =	simm.s32 @!p0 $0x0  }
0x12: {  	s1 =	sld [smem:$0x3F99];
	s0 =	simm.s32 @p0 $0x1  }
0x13: {  	[smem:$0x3FB4] =	sst s0;
	s0 =	simm.s32 @!p1 $0x0  }
0x14: {  	s2 =	sld [smem:$0x3F98];
	s0 =	simm.s32 @p1 $0x1  }
0x15: {  	[smem:$0x3FB5] =	sst s0;
	s0 =	simm.s32 @!p2 $0x0  }
0x16: {  	s3 =	sld [smem:$0x3FDB];
	s0 =	simm.s32 @p2 $0x1  }
0x17: {  	s4 =	simm.s32 $0x1BF5;
	[smem:$0x3FB7] =	sst s0  }
0x18: {  	s0 =	sld [smem:$0x3F9A];
	_ =	swait.ge [sflag:s4], $0x0  }
0x19: {  	s7 =	sld [smem:$0x3F9B]  }
0x1a: {  	s8 =	sadd.s32 $0xFFFFE003, lr  }
0x1b: {  	s9 =	sadd.s32 $0xFFFFFEF7, lr;
	s5 =	simm.s32 $0xFFFFFFFF;
	p2 =	slt.u32 s8, $0xFFFFF086  }
0x1c: {  	p1 =	slt.u32 s9, $0xF7A;
	s5 =	simm.s32 @!p2 $0x0  }
0x1d: {  	s5 =	simm.s32 @p1 $0x1;
	p0 =	seq.s32 s7, s2  }
0x1e: {  	s7 =	smul.u32 @!p0 $0xF7A, s2;
	p2 =	seq.s32 @!p0 s5, $0x0  }
0x1f: {  	s9 =	smul.u32 $0xF7A, s1;
	s8 =	simm.s32 @!p0 $0x1BF5;
	p2 =	por !p2, p0  }
0x20: {  	[sflag:s8] =	ssyncset.s32 @!p0 $0xFFFFF086;
	s6 =	sadd.s32 @!p0 s3, s7;
	s7 =	simm.s32 @!p0 $0x108  }
0x21: {  	s3 =	sadd.s32 s3, s9;
	s6 =	sadd.s32 @!p0 $0x88, s6;
	s7 =	simm.s32 @p2 $0x1082  }
0x22: {  	[simem:s7], [sflag:s8] =	dma.local @!p0 [hbm:s6], $0xF7A  }
0x23: {  	s9 =	sor.u32 $0xD0000000, s2;
	s6 =	simm.s32 $0x108;
	_ =	swait.ge @!p0 [sflag:s8], $0x0  }
0x24: {  	s3 =	sadd.s32 $0x88, s3;
	s6 =	simm.s32 @!p1 $0x1082;
	[sflag:s4] =	ssyncset.s32 $0xFFFFF086  }
0x25: {  	[simem:s6], [sflag:s4] =	dma.local [hbm:s3], $0xF7A  }
0x26: {  	[smem:$0x3F9B] =	sst s1;
	(tag) =	ssettag s2;
	_ =	strace s9  }
0x27: {  	s1 =	sld [smem:$0x3FAB]  }
0x28: {  	s2 =	sld [smem:$0x3FAC]  }
0x29: {  	s4 =	sld [smem:$0x3FAE]  }
0x2a: {  	p0 =	seq.s32 s5, $0x0;
	s5 =	sld [smem:$0x3FAF]  }
0x2b: {  	s6 =	sld [smem:$0x3FB0]  }
0x2c: {  	s7 =	sld [smem:$0x3FB1]  }
0x2d: {  	s3 =	simm.s32 $0x108;
	s8 =	sld [smem:$0x3FB2]  }
0x2e: {  	s3 =	simm.s32 @!p0 $0x1082;
	s9 =	sld [smem:$0x3FB3]  }
0x2f: {  	lr =	sadd.s32 s0, s3;
	s0 =	sld [smem:$0x3FAA]  }
0x30: {  	s3 =	sld [smem:$0x3FAD]  }
0x31: {  	[smem:$0x3FB6] =	sst s10  }
0x32: {  	s10 =	sld [smem:$0x3FB4];
	_ =	sdelay $0x3  }
0x33: {  	p0 =	seq.s32 s10, $0x1;
	s10 =	sld [smem:$0x3FB6];
	_ =	sdelay $0x3  }
0x34: {  	[smem:$0x3FB6] =	sst s10  }
0x35: {  	s10 =	sld [smem:$0x3FB5];
	_ =	sdelay $0x3  }
0x36: {  	p1 =	seq.s32 s10, $0x1;
	s10 =	sld [smem:$0x3FB6];
	_ =	sdelay $0x3  }
0x37: {  	[smem:$0x3FB6] =	sst s10  }
0x38: {  	s10 =	sld [smem:$0x3FB7]  }
0x39: {  	_ = 	snop;
	(pc) =	sbr.ind lr, $3  }
0x3a: {  	_ = 	snop  }
0x3b: {  	_ = 	snop  }
0x3c: {  	p2 =	seq.s32 s10, $0x1;
	s10 =	sld [smem:$0x3FB6]  }
0x3d: {  	_ =	shalt  }
0x3e: {  	_ =	shalt  }
0x3f: {  	_ =	shalt  }
0x40: {  	_ =	shalt  }
0x41: {  	_ =	shalt  }
0x42: {  	_ =	shalt  }
0x43: {  	_ =	shalt  }
0x44: {  	_ =	shalt  }
0x45: {  	_ =	shalt  }
0x46: {  	_ =	shalt  }
0x47: {  	_ =	shalt  }
0x48: {  	_ =	shalt  }
0x49: {  	_ =	shalt  }
0x4a: {  	_ =	shalt  }
0x4b: {  	_ =	shalt  }
0x4c: {  	_ =	shalt  }
0x4d: {  	_ =	shalt  }
0x4e: {  	_ =	shalt  }
0x4f: {  	_ =	shalt  }
0x50: {  	_ =	shalt  }
0x51: {  	_ =	shalt  }
0x52: {  	_ =	shalt  }
0x53: {  	_ =	shalt  }
0x54: {  	_ =	shalt  }
0x55: {  	_ =	shalt  }
0x56: {  	_ =	shalt  }
0x57: {  	_ =	shalt  }
0x58: {  	_ =	shalt  }
0x59: {  	_ =	shalt  }
0x5a: {  	_ =	shalt  }
0x5b: {  	_ =	shalt  }
0x5c: {  	_ =	shalt  }
0x5d: {  	_ =	shalt  }
0x5e: {  	_ =	shalt  }
0x5f: {  	_ =	shalt  }
0x60: {  	_ =	shalt  }
0x61: {  	_ =	shalt  }
0x62: {  	_ =	shalt  }
0x63: {  	_ =	shalt  }
0x64: {  	_ =	shalt  }
0x65: {  	_ =	shalt  }
0x66: {  	_ =	shalt  }
0x67: {  	_ =	shalt  }
0x68: {  	_ =	shalt  }
0x69: {  	_ =	shalt  }
0x6a: {  	_ =	shalt  }
0x6b: {  	_ =	shalt  }
0x6c: {  	_ =	shalt  }
0x6d: {  	_ =	shalt  }
0x6e: {  	_ =	shalt  }
0x6f: {  	_ =	shalt  }
0x70: {  	_ =	shalt  }
0x71: {  	_ =	shalt  }
0x72: {  	_ =	shalt  }
0x73: {  	_ =	shalt  }
0x74: {  	_ =	shalt  }
0x75: {  	_ =	shalt  }
0x76: {  	_ =	shalt  }
0x77: {  	_ =	shalt  }
0x78: {  	_ =	shalt  }
0x79: {  	_ =	shalt  }
0x7a: {  	_ =	shalt  }
0x7b: {  	_ =	shalt  }
0x7c: {  	_ =	shalt  }
0x7d: {  	_ =	shalt  }
0x7e: {  	_ =	shalt  }
0x7f: {  	_ =	shalt  }
0x80: {  	_ =	shalt  }
0x81: {  	_ =	shalt  }
0x82: {  	_ =	shalt  }
0x83: {  	_ =	shalt  }
0x84: {  	_ =	shalt  }
0x85: {  	_ =	shalt  }
0x86: {  	_ =	shalt  }
0x87: {  	_ =	shalt  }
.Lfunc_end0:
.L_simem_size_0:
called_computation.2_lowered:
.L_overlay_start_0:
0x88: {  	s2 =	sld [smem:$0x3FD9]  }
0x89: {  	s3 =	sld [smem:$0x3FFE];
	_ =	sdelay $0x1  }
0x8a: {  	s1 =	srdreg.scid  }
0x8b: {  	s0 =	sand.u32 $0x1, s1  }
0x8c: {  	s16 =	sshll.u32 s0, $0xA;
	s2 =	sadd.s32 s3, s2  }
0x8d: {  	s2 =	sadd.s32 s2, s16  }
0x8e: {  	[smem:$0x3FC2] =	sst s2  }
0x8f: {  	_ = 	snop  }
0x90: {  	(tm) =	ssettm $0x1  }
0x91: {  	s17 =	sld [smem:$0x3FFB];
	_ =	sdelay $0x3  }
0x92: {  	_ =	strace s17  }
0x93: {  	s2 =	sld [smem:$0x3FFC];
	_ =	sdelay $0x3  }
0x94: {  	_ =	strace s2  }
0x95: {  	s2 =	sld [smem:$0x3FFD];
	_ =	sdelay $0x3  }
0x96: {  	_ =	strace s2  }
0x97: {  	_ =	strace $0x8FFFFFFF  }
0x98: {  	s18 =	sld [smem:$0x3FDB];
	_ =	sdelay $0x1  }
0x99: {  	s19 =	simm.s32 $_scs_section_size  }
0x9a: {  	s4 =	simm.s32 $_size__tile_overlayer_lowered;
	s5 =	simm.s32 $_tile_overlayer_lowered  }
0x9b: {  	s22 =	simm.s32 $0x1BFF;
	s21 =	sshll.u32 s5, $0x1;
	s2 =	sadd.s32 s19, s18  }
0x9c: {  	s6 =	simm.s32 $0x0;
	s20 =	sshll.u32 s4, $0x1;
	s4 =	sadd.s32 s21, s2  }
0x9d: {  	[timem:s6], [sflag:s22] =	dma.local [hbm:s4], s20  }
0x9e: {  	_ =	swait.ge [sflag:s22], s20  }
0x9f: {  	s3 =	ssub.s32 $0x0, s20;
	[sflag:s22] =	ssyncset.done $0x0  }
0xa0: {  	[sflag:s22] =	ssyncadd.s32 s3;
	_ =	sdelay $0x1  }
0xa1: {  	s23 =	simm.s32 $0x1B8B  }
0xa2: {  	_ =	swait.ge [sflag:s23], $0x1  }
0xa3: {  	[sflag:s23] =	ssyncset.done $0x0  }
0xa4: {  	s25 =	simm.s32 $0x1B8E;
	s24 =	sld [smem:$0x3FFE];
	[sflag:s23] =	ssyncadd.s32 $0xFFFFFFFF  }
0xa5: {  	s26 =	simm.s32 $execute0_lowered;
	[smem:$0x3FD2] =	sst s25  }
0xa6: {  	s4 =	sshll.u32 s26, $0x1;
	_ =	strace $0x8000004C;
	[dreg:$0x1] =	wrdreg $0xFFFFFFFF  }
0xa7: {  	s28 =	simm.s32 $_size_execute0_lowered;
	s2 =	sadd.s32 s2, s4;
	[dreg:$0x0] =	wrdreg $0x0  }
0xa8: {  	s4 =	sshll.u32 s28, $0x1;
	[dreg:$0x2] =	wrdreg s2  }
0xa9: {  	[dreg:$0x3] =	wrdreg s4  }
0xaa: {  	[dreg:$0x4] =	wrdreg $0xC0  }
0xab: {  	_ =	task [dreg:s6], $0x5FFFF  }
0xac: {  	[dreg:$0x1] =	wrdreg $0xFFFFFFFF  }
0xad: {  	[dreg:$0x0] =	wrdreg $0x60  }
0xae: {  	[dreg:$0x2] =	wrdreg s24  }
0xaf: {  	[dreg:$0x3] =	wrdreg $0xA0000  }
0xb0: {  	[dreg:$0x4] =	wrdreg $0x9  }
0xb1: {  	_ =	task.clear_ibuf [dreg:s6], $0x5FFFF;
	_ =	strace $0x9000004C  }
0xb2: {  	s29 =	simm.s32 $0x9;
	_ =	strace $0x8000004E  }
0xb3: {  	_ =	swait.ge [sflag:s29], $0x1  }
0xb4: {  	[sflag:s29] =	ssyncadd.s32 $0xFFFFFFFF  }
0xb5: {  	_ =	strace $0x9000004E  }
0xb6: {  	_ =	sfence  }
0xb7: {  	s30 =	sld [smem:$0x0];
	_ =	sdelay $0x2  }
0xb8: {  	s31 =	sshll.u32 s1, $0xD;
	s1 =	sshrl.u32 s1, $0x2  }
0xb9: {  	s3 =	sand.u32 $0x4000, s31;
	s1 =	sadd.s32 s1, s30  }
0xba: {  	s0 =	sor.u32 s3, s0;
	s1 =	sshll.u32 s1, $0x11  }
0xbb: {  	s0 =	sor.u32 s1, s0  }
0xbc: {  	s0 =	sadd.s32 $0x8F2B, s0  }
0xbd: {  	[sflag:s0] =	ssyncadd.remote.s32 $0x1  }
0xbe: {  	_ =	sfence.sel $0xFFFF  }
0xbf: {  	[dreg:$0x0] =	wrdreg $0xFFFFFFFF;
	(pc) =	sbr.abs _section_cstart, $3  }
0xc0: {  	[dreg:$0x1] =	wrdreg $0xFFFFFFFF  }
0xc1: {  	_ =	task.clear_ibuf [dreg:s6], $0x2FFFF;
	_ =	strace $0x9FFFFFFF  }
0xc2: {  	(tm) =	ssettm $0x7FFFFFFF  }
0xc3: {  	_ =	shalt  }
tec
execute0_lowered:
.L_overlay_start_1:
0x0: {  	(tag) =	ssettag $0x1  }
0x1: {  	s0 =	rddreg [dreg:$0x0]  }
0x2: {  	s2 =	rddreg [dreg:$0x1];
	s3 =	simm.s32 $0x0;
	s1 =	srdreg.scid  }
0x3: {  	s9 =	stileid.u32;
	s13 =	simm.s32 $0x80;
	s16 =	simm.s32 $0xA  }
0x4: {  	s11 =	simm.s32 $0x14;
	s12 =	simm.s32 $0x13;
	s19 =	simm.s32 $0x5000  }
0x5: {  	s20 =	simm.s32 $0x5800;
	s28 =	simm.s32 $0x1;
	s29 =	simm.s32 $0x7800  }
0x6: {  	s30 =	simm.s32 $0x2;
	s31 =	simm.s32 $0x8000;
	s15 =	simm.s32 $0x4  }
0x7: {  	s10 =	simm.s32 $0xF;
	[smem:$0x7FF] =	sst s3;
	s21 =	smul.u32 $0x2800, s9  }
0x8: {  	s1 =	sand.u32 $0x1, s1;
	s4 =	sshll.u32 s9, $0x5;
	s6 =	smul.u32 $0x500, s9  }
0x9: {  	s24 =	sshll.u32 s9, $0x6;
	s9 =	simm.s32 $0x0;
	s5 =	sshll.u32 s1, $0x4  }
0xa: {  	_ =	strace $0x8000004D;
	s7 =	smul.u32 $0x5000, s1;
	s1 =	ssub.s32 $0x2, s1  }
0xb: {  	[dreg:$0x4] =	wrdreg s24;
	s5 =	sor.u32 s5, s4;
	s4 =	sadd.s32 $0x1B200, s0  }
0xc: {  	s8 =	sshrl.u32 s21, $0x3;
	s22 =	sshrl.u32 s1, $0x1;
	s3 =	sadd.s32 s21, s2  }
0xd: {  	s21 =	simm.s32 $0x9000;
	s5 =	sadd.s32 s5, s0;
	s6 =	sadd.s32 s6, s7  }
0xe: {  	s8 =	sadd.s32 s8, s0;
	s1 =	ssub.s32 s1, s22;
	s22 =	simm.s32 $0x6000  }
0xf: {  	s0 =	sadd.s32 s6, s0;
	s23 =	sadd.s32 $0x16200, s8;
	s6 =	sor.u32 $0x1C0A, s24  }
0x10: {  	s25 =	sadd.s32 $0xC200, s5;
	s5 =	sadd.s32 $0x2200, s5;
	[dreg:$0x3] =	wrdreg s23  }
0x11: {  	s26 =	smax.u32 s1, $0x1;
	s8 =	sshrl.u32 s3, $0x3;
	[dreg:$0x5] =	wrdreg s6  }
.Ltmp0:
0x12: {  	s24 =	simm.s32 $0x6800;
	[dreg:$0x6] =	wrdreg s25;
	(pc) =	sbr.rel .LBB2_1-.Ltmp0, $4  }
0x13: {  	s1 =	simm.s32 $0x8800;
	s3 =	simm.s32 $0x6;
	[dreg:$0x7] =	wrdreg s5  }
0x14: {  	s0 =	sadd.s32 $0x20200, s0;
	[dreg:$0x9] =	wrdreg s26;
	s26 =	simm.s32 $0x7000  }
0x15: {  	s23 =	simm.s32 $0x5;
	s25 =	simm.s32 $0x9800;
	[dreg:$0xa] =	wrdreg s8  }
0x16: {  	s5 =	simm.s32 $0x8;
	[dreg:$0x8] =	wrdreg s0;
	s0 =	simm.s32 $0x3  }
.LBB2_4:
0x17: {  	s6 =	simm.s32 $0xB  }
0x18: {  	_ =	swait.ge [sflag:s6], $0x800  }
0x19: {  	[sflag:s6] =	ssyncset.done $0x0  }
0x1a: {  	s18 =	simm.s32 $0xC;
	[sflag:s6] =	ssyncadd.s32 $0xFFFFF800  }
0x1b: {  	_ =	swait.ge [sflag:s18], $0x800  }
0x1c: {  	[sflag:s18] =	ssyncset.done $0x0  }
0x1d: {  	s7 =	simm.s32 $0xD;
	[sflag:s18] =	ssyncadd.s32 $0xFFFFF800  }
0x1e: {  	_ =	swait.ge [sflag:s7], $0x800  }
0x1f: {  	[sflag:s7] =	ssyncset.done $0x0  }
0x20: {  	s8 =	simm.s32 $0xE;
	[sflag:s7] =	ssyncadd.s32 $0xFFFFF800  }
0x21: {  	_ =	swait.ge [sflag:s8], $0x800  }
0x22: {  	[sflag:s8] =	ssyncset.done $0x0  }
0x23: {  	[sflag:s8] =	ssyncadd.s32 $0xFFFFF800  }
0x24: {  	_ =	swait.ge [sflag:s10], $0x800  }
0x25: {  	[sflag:s10] =	ssyncset.done $0x0  }
0x26: {  	s9 =	simm.s32 $0x10;
	[sflag:s10] =	ssyncadd.s32 $0xFFFFF800  }
0x27: {  	_ =	swait.ge [sflag:s9], $0x800  }
0x28: {  	[sflag:s9] =	ssyncset.done $0x0  }
0x29: {  	s11 =	simm.s32 $0x11;
	[sflag:s9] =	ssyncadd.s32 $0xFFFFF800  }
0x2a: {  	_ =	swait.ge [sflag:s11], $0x800  }
0x2b: {  	[sflag:s11] =	ssyncset.done $0x0  }
0x2c: {  	s12 =	simm.s32 $0x12;
	[sflag:s11] =	ssyncadd.s32 $0xFFFFF800  }
0x2d: {  	_ =	swait.ge [sflag:s12], $0x800  }
0x2e: {  	[sflag:s12] =	ssyncset.done $0x0  }
0x2f: {  	[sflag:s12] =	ssyncadd.s32 $0xFFFFF800;
	s12 =	simm.s32 $0x13  }
0x30: {  	_ =	swait.ge [sflag:s12], $0x800  }
0x31: {  	[sflag:s12] =	ssyncset.done $0x0  }
0x32: {  	s11 =	simm.s32 $0x14;
	[sflag:s12] =	ssyncadd.s32 $0xFFFFF800  }
0x33: {  	_ =	swait.ge [sflag:s11], $0x800  }
0x34: {  	[sflag:s11] =	ssyncset.done $0x0  }
0x35: {  	[sflag:s11] =	ssyncadd.s32 $0xFFFFF800  }
0x36: {  	[bflag:$0x0] =	sbarrier.arrive $0xFFFF  }
0x37: {  	s14 =	rddreg [dreg:$0x4]  }
0x38: {  	s7 =	rddreg [dreg:$0x8]  }
0x39: {  	s17 =	simm.s32 $0x15;
	s8 =	rddreg [dreg:$0xa];
	s6 =	sor.u32 $0x1C15, s14  }
0x3a: {  	[hbm:s7], [sflag:s6] =	dma.local [spmem:s8], $0x500  }
0x3b: {  	_ =	swait.ge [sflag:s17], $0x500  }
0x3c: {  	s9 =	rddreg [dreg:$0xb]  }
0x3d: {  	s18 =	rddreg [dreg:$0x9];
	s9 =	sadd.s32 $0x1, s9  }
0x3e: {  	p0 =	sne.s32 s9, s18  }
.Ltmp1:
0x3f: {  	_ = 	snop;
	(pc) =	sbr.rel @!p0 .LBB2_5-.Ltmp1, $3  }
0x40: {  	_ =	sdelay $0x1  }
0x41: {  	[sflag:s17] =	ssyncset.done $0x0  }
0x42: {  	[sflag:s17] =	ssyncadd.s32 $0xFFFFFB00  }
.LBB2_1:
0x43: {  	[dreg:$0xb] =	wrdreg s9  }
0x44: {  	s6 =	rddreg [dreg:$0x3]  }
0x45: {  	s7 =	rddreg [dreg:$0x5]  }
0x46: {  	[spmem:s8], [sflag:s7] =	dma.local [hbm:s6], $0x500  }
0x47: {  	s14 =	simm.s32 $0x1000;
	s6 =	simm.s32 $0x0;
	s7 =	rddreg [dreg:$0x6]  }
0x48: {  	[tilespmem:s6], [sflag:$0x14] =	stream.strided.gather [hbm4b:s7+s13], $0x2800, s14, s13, $0x38;
	[tilespmem:$0xC800] =	vst v63  }
0x49: {  	s18 =	simm.s32 $0x2800;
	s17 =	rddreg [dreg:$0x7]  }
0x4a: {  	[tilespmem:s18], [sflag:$0x13] =	stream.strided.gather [hbm4b:s17+s13], $0x2800, s14, s13, $0x38;
	[tilespmem:$0xC800] =	vst v63  }
0x4b: {  	_ =	swait.ge [sflag:s16], $0x500  }
0x4c: {  	[sflag:s16] =	ssyncset.done $0x0  }
0x4d: {  	[sflag:s16] =	ssyncadd.s32 $0xFFFFFB00  }
0x4e: {  	_ =	swait.ge [sflag:s11], $0x2800  }
0x4f: {  	[sflag:s11] =	ssyncset.done $0x0  }
0x50: {  	[sflag:s11] =	ssyncadd.s32 $0xFFFFD800  }
0x51: {  	_ =	swait.ge [sflag:s12], $0x2800  }
0x52: {  	[sflag:s12] =	ssyncset.done $0x0  }
0x53: {  	[sflag:s12] =	ssyncadd.s32 $0xFFFFD800  }
0x54: {  	[bflag:$0x0] =	sbarrier.arrive $0xFFFF  }
0x55: {  	[tilespmem:s19], [sflag:$0x1] =	stream.indirect.gather [hbm4b:s4+s13], $0x10, s6, s13, $0xb8;
	[tilespmem:$0xC800] =	vst v63  }
0x56: {  	_ = 	snop  }
0x57: {  	[tilespmem:s20], [sflag:$0x2] =	stream.indirect.gather [hbm4b:s4+s13], $0x10, s13, s13, $0xb8;
	[tilespmem:$0xC800] =	vst v63  }
0x58: {  	s14 =	simm.s32 $0x100  }
0x59: {  	[tilespmem:s22], [sflag:$0x3] =	stream.indirect.gather [hbm4b:s4+s13], $0x10, s14, s13, $0xb8;
	[tilespmem:$0xC800] =	vst v63  }
0x5a: {  	s17 =	simm.s32 $0x180  }
0x5b: {  	[tilespmem:s24], [sflag:$0x4] =	stream.indirect.gather [hbm4b:s4+s13], $0x10, s17, s13, $0xb8;
	[tilespmem:$0xC800] =	vst v63  }
0x5c: {  	s18 =	simm.s32 $0x200;
	s11 =	simm.s32 $0x0;
	s14 =	simm.s32 $0xFFFFFFFA  }
0x5d: {  	[tilespmem:s26], [sflag:$0x5] =	stream.indirect.gather [hbm4b:s4+s13], $0x10, s18, s13, $0xb8;
	[tilespmem:$0xC800] =	vst v63  }
.LBB2_2:
0x5e: {  	_ =	swait.ge [sflag:s28], $0x800  }
0x5f: {  	s6 =	sshra.s32 s11, $0x2;
	[sflag:s28] =	ssyncset.done $0x0  }
0x60: {  	p0 =	sgt.u32 s14, $0x45;
	s7 =	sadd.s32 $0x2800, s6;
	[sflag:s28] =	ssyncadd.s32 $0xFFFFF800  }
0x61: {  	[spmem:s2] =	stream.indirect.scatter.add.f32 [tilespmem:s19], [sflag:$0xB], $0x10, s7, s13, $0xb8;
	[tilespmem:$0xC800] =	vst v63  }
0x62: {  	s7 =	simm.s32 @!p0 $0x10  }
0x63: {  	_ =	swait.ge @!p0 [sflag:s7], $0x800  }
0x64: {  	[sflag:s7] =	ssyncset.done @!p0 $0x0  }
0x65: {  	s9 =	sadd.s32 $0x280, s6;
	[sflag:s7] =	ssyncadd.s32 @!p0 $0xFFFFF800  }
0x66: {  	[tilespmem:s29], [sflag:$0x6] =	stream.indirect.gather [hbm4b:s4+s13], $0x10, s9, s13, $0xb8;
	[tilespmem:$0xC800] =	vst v63  }
0x67: {  	s17 =	sadd.s32 $0x2, s14;
	_ =	swait.ge [sflag:s30], $0x800  }
0x68: {  	p0 =	sgt.u32 s17, $0x45;
	[sflag:s30] =	ssyncset.done $0x0  }
0x69: {  	s12 =	sadd.s32 $0x2880, s6;
	s7 =	simm.s32 @!p0 $0x11;
	[sflag:s30] =	ssyncadd.s32 $0xFFFFF800  }
0x6a: {  	[spmem:s2] =	stream.indirect.scatter.add.f32 [tilespmem:s20], [sflag:$0xC], $0x10, s12, s13, $0xb8;
	[tilespmem:$0xC800] =	vst v63  }
0x6b: {  	_ =	swait.ge @!p0 [sflag:s7], $0x800  }
0x6c: {  	[sflag:s7] =	ssyncset.done @!p0 $0x0  }
0x6d: {  	s18 =	sadd.s32 $0x300, s6;
	[sflag:s7] =	ssyncadd.s32 @!p0 $0xFFFFF800  }
0x6e: {  	[tilespmem:s31], [sflag:$0x7] =	stream.indirect.gather [hbm4b:s4+s13], $0x10, s18, s13, $0xb8;
	[tilespmem:$0xC800] =	vst v63  }
0x6f: {  	_ =	swait.ge [sflag:s0], $0x800  }
0x70: {  	[sflag:s0] =	ssyncset.done $0x0  }
0x71: {  	s8 =	sadd.s32 $0x2900, s6;
	s7 =	simm.s32 @!p0 $0x12;
	[sflag:s0] =	ssyncadd.s32 $0xFFFFF800  }
0x72: {  	[spmem:s2] =	stream.indirect.scatter.add.f32 [tilespmem:s22], [sflag:$0xD], $0x10, s8, s13, $0xb8;
	[tilespmem:$0xC800] =	vst v63  }
0x73: {  	_ =	swait.ge @!p0 [sflag:s7], $0x800  }
0x74: {  	[sflag:s7] =	ssyncset.done @!p0 $0x0  }
0x75: {  	s9 =	sadd.s32 $0x380, s6;
	[sflag:s7] =	ssyncadd.s32 @!p0 $0xFFFFF800  }
0x76: {  	[tilespmem:s1], [sflag:$0x8] =	stream.indirect.gather [hbm4b:s4+s13], $0x10, s9, s13, $0xb8;
	[tilespmem:$0xC800] =	vst v63  }
0x77: {  	s17 =	sadd.s32 $0x4, s14;
	_ =	swait.ge [sflag:s15], $0x800  }
0x78: {  	p0 =	sgt.u32 s17, $0x45;
	[sflag:s15] =	ssyncset.done $0x0  }
0x79: {  	s12 =	sadd.s32 $0x2980, s6;
	s7 =	simm.s32 @!p0 $0x13;
	[sflag:s15] =	ssyncadd.s32 $0xFFFFF800  }
0x7a: {  	[spmem:s2] =	stream.indirect.scatter.add.f32 [tilespmem:s24], [sflag:$0xE], $0x10, s12, s13, $0xb8;
	[tilespmem:$0xC800] =	vst v63  }
0x7b: {  	_ =	swait.ge @!p0 [sflag:s7], $0x800  }
0x7c: {  	[sflag:s7] =	ssyncset.done @!p0 $0x0  }
0x7d: {  	s18 =	sadd.s32 $0x400, s6;
	[sflag:s7] =	ssyncadd.s32 @!p0 $0xFFFFF800  }
0x7e: {  	[tilespmem:s21], [sflag:$0x9] =	stream.indirect.gather [hbm4b:s4+s13], $0x10, s18, s13, $0xb8;
	[tilespmem:$0xC800] =	vst v63  }
0x7f: {  	_ =	swait.ge [sflag:s23], $0x800  }
0x80: {  	[sflag:s23] =	ssyncset.done $0x0  }
0x81: {  	s8 =	sadd.s32 $0x2A00, s6;
	s7 =	simm.s32 @!p0 $0x14;
	[sflag:s23] =	ssyncadd.s32 $0xFFFFF800  }
0x82: {  	[spmem:s2] =	stream.indirect.scatter.add.f32 [tilespmem:s26], [sflag:$0xF], $0x10, s8, s13, $0xb8;
	[tilespmem:$0xC800] =	vst v63  }
0x83: {  	_ =	swait.ge @!p0 [sflag:s7], $0x800  }
0x84: {  	[sflag:s7] =	ssyncset.done @!p0 $0x0  }
0x85: {  	s9 =	sadd.s32 $0x480, s6;
	[sflag:s7] =	ssyncadd.s32 @!p0 $0xFFFFF800  }
0x86: {  	[tilespmem:s25], [sflag:$0xA] =	stream.indirect.gather [hbm4b:s4+s13], $0x10, s9, s13, $0xb8;
	[tilespmem:$0xC800] =	vst v63  }
0x87: {  	_ =	swait.ge [sflag:s3], $0x800  }
0x88: {  	p0 =	seq.s32 s11, $0x8C00;
	[sflag:s3] =	ssyncset.done $0x0  }
0x89: {  	s12 =	sadd.s32 $0x2A80, s6;
	s7 =	simm.s32 @p0 $0x7;
	[sflag:s3] =	ssyncadd.s32 $0xFFFFF800  }
0x8a: {  	[spmem:s2] =	stream.indirect.scatter.add.f32 [tilespmem:s29], [sflag:$0x10], $0x10, s12, s13, $0xb8;
	[tilespmem:$0xC800] =	vst v63  }
0x8b: {  	_ =	swait.ge @p0 [sflag:s7], $0x800  }
0x8c: {  	[sflag:s7] =	ssyncset.done @p0 $0x0  }
0x8d: {  	[sflag:s7] =	ssyncadd.s32 @p0 $0xFFFFF800;
	s7 =	sshra.s32 @p0 s11, $0x2  }
0x8e: {  	s17 =	simm.s32 @p0 $0x8000;
	s12 =	simm.s32 @p0 $0x80;
	s8 =	sadd.s32 @p0 $0x2B00, s7  }
0x8f: {  	[spmem:s2] =	stream.indirect.scatter.add.f32 @p0 [tilespmem:s17], [sflag:$0x11], $0x10, s8, s12, $0xb8;
	[tilespmem:$0xC800] =	vst v63  }
0x90: {  	s8 =	simm.s32 @!p0 $0xB  }
0x91: {  	_ =	swait.ge @!p0 [sflag:s8], $0x800  }
0x92: {  	[sflag:s8] =	ssyncset.done @!p0 $0x0  }
0x93: {  	[sflag:s8] =	ssyncadd.s32 @!p0 $0xFFFFF800;
	s8 =	sshra.s32 @!p0 s11, $0x2  }
0x94: {  	s18 =	simm.s32 @!p0 $0x80;
	s9 =	simm.s32 @!p0 $0x5000;
	s17 =	sadd.s32 @!p0 $0x500, s8  }
0x95: {  	[tilespmem:s9], [sflag:$0x1] =	stream.indirect.gather @!p0 [hbm4b:s4+s18], $0x10, s17, s18, $0xb8;
	[tilespmem:$0xC800] =	vst v63  }
0x96: {  	s9 =	simm.s32 @!p0 $0x7  }
0x97: {  	_ =	swait.ge @!p0 [sflag:s9], $0x800  }
0x98: {  	[sflag:s9] =	ssyncset.done @!p0 $0x0  }
0x99: {  	s17 =	simm.s32 @!p0 $0x8000;
	[sflag:s9] =	ssyncadd.s32 @!p0 $0xFFFFF800;
	s9 =	sadd.s32 @!p0 $0x2B00, s8  }
0x9a: {  	[spmem:s2] =	stream.indirect.scatter.add.f32 @!p0 [tilespmem:s17], [sflag:$0x11], $0x10, s9, s18, $0xb8;
	[tilespmem:$0xC800] =	vst v63  }
0x9b: {  	s9 =	simm.s32 @!p0 $0xC  }
0x9c: {  	_ =	swait.ge @!p0 [sflag:s9], $0x800  }
0x9d: {  	[sflag:s9] =	ssyncset.done @!p0 $0x0  }
0x9e: {  	s17 =	simm.s32 @!p0 $0x5800;
	[sflag:s9] =	ssyncadd.s32 @!p0 $0xFFFFF800;
	s9 =	sadd.s32 @!p0 $0x580, s8  }
0x9f: {  	[tilespmem:s17], [sflag:$0x2] =	stream.indirect.gather @!p0 [hbm4b:s4+s18], $0x10, s9, s18, $0xb8;
	[tilespmem:$0xC800] =	vst v63  }
0xa0: {  	_ =	swait.ge [sflag:s5], $0x800  }
0xa1: {  	[sflag:s5] =	ssyncset.done $0x0  }
0xa2: {  	s17 =	sadd.s32 $0x2B80, s6;
	s9 =	simm.s32 @p0 $0x9;
	[sflag:s5] =	ssyncadd.s32 $0xFFFFF800  }
0xa3: {  	[spmem:s2] =	stream.indirect.scatter.add.f32 [tilespmem:s1], [sflag:$0x12], $0x10, s17, s13, $0xb8;
	[tilespmem:$0xC800] =	vst v63  }
0xa4: {  	_ =	swait.ge @p0 [sflag:s9], $0x800  }
0xa5: {  	[sflag:s9] =	ssyncset.done @p0 $0x0  }
0xa6: {  	s7 =	sadd.s32 @p0 $0x2C00, s7;
	[sflag:s9] =	ssyncadd.s32 @p0 $0xFFFFF800;
	s9 =	simm.s32 @p0 $0x9000  }
0xa7: {  	[spmem:s2] =	stream.indirect.scatter.add.f32 @p0 [tilespmem:s9], [sflag:$0x13], $0x10, s7, s12, $0xb8;
	[tilespmem:$0xC800] =	vst v63  }
0xa8: {  	s7 =	simm.s32 @!p0 $0xD  }
0xa9: {  	_ =	swait.ge @!p0 [sflag:s7], $0x800  }
0xaa: {  	[sflag:s7] =	ssyncset.done @!p0 $0x0  }
0xab: {  	s9 =	simm.s32 @!p0 $0x6000;
	[sflag:s7] =	ssyncadd.s32 @!p0 $0xFFFFF800;
	s7 =	sadd.s32 @!p0 $0x600, s8  }
0xac: {  	[tilespmem:s9], [sflag:$0x3] =	stream.indirect.gather @!p0 [hbm4b:s4+s18], $0x10, s7, s18, $0xb8;
	[tilespmem:$0xC800] =	vst v63  }
0xad: {  	s7 =	simm.s32 @!p0 $0x9  }
0xae: {  	_ =	swait.ge @!p0 [sflag:s7], $0x800  }
0xaf: {  	[sflag:s7] =	ssyncset.done @!p0 $0x0  }
0xb0: {  	s9 =	simm.s32 @!p0 $0x9000;
	[sflag:s7] =	ssyncadd.s32 @!p0 $0xFFFFF800;
	s7 =	sadd.s32 @!p0 $0x2C00, s8  }
0xb1: {  	[spmem:s2] =	stream.indirect.scatter.add.f32 @!p0 [tilespmem:s9], [sflag:$0x13], $0x10, s7, s18, $0xb8;
	[tilespmem:$0xC800] =	vst v63  }
0xb2: {  	s7 =	simm.s32 @!p0 $0xE  }
0xb3: {  	_ =	swait.ge @!p0 [sflag:s7], $0x800  }
0xb4: {  	[sflag:s7] =	ssyncset.done @!p0 $0x0  }
0xb5: {  	[sflag:s7] =	ssyncadd.s32 @!p0 $0xFFFFF800;
	s7 =	sadd.s32 @!p0 $0x680, s8;
	s8 =	simm.s32 @!p0 $0x6800  }
0xb6: {  	[tilespmem:s8], [sflag:$0x4] =	stream.indirect.gather @!p0 [hbm4b:s4+s18], $0x10, s7, s18, $0xb8;
	[tilespmem:$0xC800] =	vst v63  }
.Ltmp2:
0xb7: {  	_ = 	snop;
	(pc) =	sbr.rel @p0 .LBB2_4-.Ltmp2, $4  }
0xb8: {  	_ =	swait.ge [sflag:s16], $0x800  }
0xb9: {  	[sflag:s16] =	ssyncset.done $0x0  }
0xba: {  	s18 =	sadd.s32 $0x2C80, s6;
	[sflag:s16] =	ssyncadd.s32 $0xFFFFF800  }
0xbb: {  	[spmem:s2] =	stream.indirect.scatter.add.f32 [tilespmem:s25], [sflag:$0x14], $0x10, s18, s13, $0xb8;
	[tilespmem:$0xC800] =	vst v63  }
.Ltmp3:
0xbc: {  	(pc) =	sbr.rel .LBB2_2-.Ltmp3, $4  }
0xbd: {  	_ =	swait.ge [sflag:s10], $0x800  }
0xbe: {  	s6 =	sadd.s32 $0x700, s6;
	[sflag:s10] =	ssyncset.done $0x0  }
0xbf: {  	s11 =	sadd.s32 $0x1400, s11;
	s14 =	sadd.s32 $0xA, s14;
	[sflag:s10] =	ssyncadd.s32 $0xFFFFF800  }
0xc0: {  	[tilespmem:s26], [sflag:$0x5] =	stream.indirect.gather [hbm4b:s4+s13], $0x10, s6, s13, $0xb8;
	[tilespmem:$0xC800] =	vst v63  }
.LBB2_5:
0xc1: {  	_ =	sfence.sel $0x180000  }
0xc2: {  	[bflag:$0x0] =	sbarrier.arrive $0xFFFF  }
0xc3: {  	_ =	strace $0x9000004D  }
0xc4: {  	s0 =	stileid.u32;
	[bflag:$0x2] =	sbarrier.arrive $0xFFFF  }
0xc5: {  	p0 =	sne.s32 s0, $0x0;
	s0 =	rddreg [dreg:$0x2]  }
0xc6: {  	s0 =	sadd.s32 @!p0 $0x100000, s0  }
0xc7: {  	[sflag:s0] =	ssyncadd.tile.s32 @!p0 $0x1;
	_ =	shalt  }
.Lfunc_end2:
_tile_overlayer_lowered:
.L_overlay_start_2:
0xc8: {  	(tag) =	ssettag $0x2  }
0xc9: {  	s0 =	rddreg [dreg:$0x0];
	s2 =	stileid.u32  }
0xca: {  	s1 =	rddreg [dreg:$0x1];
	p0 =	sne.s32 s2, $0x0  }
0xcb: {  	s3 =	rddreg [dreg:$0x2];
	[bflag:$0x3] =	sbarrier.arrive $0xFFFF;
	s2 =	simm.s32 @!p0 $0x1C15  }
0xcc: {  	[timem:s3], [sflag:s2] =	dma.local @!p0 [hbm:s0], s1  }
0xcd: {  	s0 =	simm.s32 @!p0 $0x15  }
0xce: {  	_ =	swait.ge @!p0 [sflag:s0], s1  }
0xcf: {  	s1 =	ssub.s32 @!p0 $0x0, s1;
	[sflag:s0] =	ssyncset.done @!p0 $0x0  }
0xd0: {  	[sflag:s0] =	ssyncadd.s32 @!p0 s1  }
0xd1: {  	[bflag:$0x3] =	sbarrier.arrive $0xFFFF  }
0xd2: {  	_ =	shalt  }

// kernel: kernel.9.cloned.1.call-start
scs
__scs_entry_jumppad:
0x0: {  	(pc) =	sbr.rel $0x88, $3  }
0x1: {  	(tag) =	ssettag $0x0;
	lr =	simm.s32 $0x1  }
0x2: {  	[smem:$0x3F9B] =	sst lr;
	_ =	strace $0xD0000000  }
0x3: {  	_ = 	snop  }
0x4: {  	_ = 	snop  }
0x5: {  	_ = 	snop  }
0x6: {  	_ = 	snop  }
0x7: {  	_ = 	snop  }
__scs_overlays_trampoline_lowered:
0x8: {  	[smem:$0x3FAA] =	sst s0  }
0x9: {  	[smem:$0x3FAB] =	sst s1  }
0xa: {  	[smem:$0x3FAC] =	sst s2  }
0xb: {  	[smem:$0x3FAD] =	sst s3  }
0xc: {  	[smem:$0x3FAE] =	sst s4  }
0xd: {  	[smem:$0x3FAF] =	sst s5  }
0xe: {  	[smem:$0x3FB0] =	sst s6  }
0xf: {  	[smem:$0x3FB1] =	sst s7  }
0x10: {  	[smem:$0x3FB2] =	sst s8  }
0x11: {  	[smem:$0x3FB3] =	sst s9;
	s0 =	simm.s32 @!p0 $0x0  }
0x12: {  	s1 =	sld [smem:$0x3F99];
	s0 =	simm.s32 @p0 $0x1  }
0x13: {  	[smem:$0x3FB4] =	sst s0;
	s0 =	simm.s32 @!p1 $0x0  }
0x14: {  	s2 =	sld [smem:$0x3F98];
	s0 =	simm.s32 @p1 $0x1  }
0x15: {  	[smem:$0x3FB5] =	sst s0;
	s0 =	simm.s32 @!p2 $0x0  }
0x16: {  	s3 =	sld [smem:$0x3FDB];
	s0 =	simm.s32 @p2 $0x1  }
0x17: {  	s4 =	simm.s32 $0x1BF5;
	[smem:$0x3FB7] =	sst s0  }
0x18: {  	s0 =	sld [smem:$0x3F9A];
	_ =	swait.ge [sflag:s4], $0x0  }
0x19: {  	s7 =	sld [smem:$0x3F9B]  }
0x1a: {  	s8 =	sadd.s32 $0xFFFFE003, lr  }
0x1b: {  	s9 =	sadd.s32 $0xFFFFFEF7, lr;
	s5 =	simm.s32 $0xFFFFFFFF;
	p2 =	slt.u32 s8, $0xFFFFF086  }
0x1c: {  	p1 =	slt.u32 s9, $0xF7A;
	s5 =	simm.s32 @!p2 $0x0  }
0x1d: {  	s5 =	simm.s32 @p1 $0x1;
	p0 =	seq.s32 s7, s2  }
0x1e: {  	s7 =	smul.u32 @!p0 $0xF7A, s2;
	p2 =	seq.s32 @!p0 s5, $0x0  }
0x1f: {  	s9 =	smul.u32 $0xF7A, s1;
	s8 =	simm.s32 @!p0 $0x1BF5;
	p2 =	por !p2, p0  }
0x20: {  	[sflag:s8] =	ssyncset.s32 @!p0 $0xFFFFF086;
	s6 =	sadd.s32 @!p0 s3, s7;
	s7 =	simm.s32 @!p0 $0x108  }
0x21: {  	s3 =	sadd.s32 s3, s9;
	s6 =	sadd.s32 @!p0 $0x88, s6;
	s7 =	simm.s32 @p2 $0x1082  }
0x22: {  	[simem:s7], [sflag:s8] =	dma.local @!p0 [hbm:s6], $0xF7A  }
0x23: {  	s9 =	sor.u32 $0xD0000000, s2;
	s6 =	simm.s32 $0x108;
	_ =	swait.ge @!p0 [sflag:s8], $0x0  }
0x24: {  	s3 =	sadd.s32 $0x88, s3;
	s6 =	simm.s32 @!p1 $0x1082;
	[sflag:s4] =	ssyncset.s32 $0xFFFFF086  }
0x25: {  	[simem:s6], [sflag:s4] =	dma.local [hbm:s3], $0xF7A  }
0x26: {  	[smem:$0x3F9B] =	sst s1;
	(tag) =	ssettag s2;
	_ =	strace s9  }
0x27: {  	s1 =	sld [smem:$0x3FAB]  }
0x28: {  	s2 =	sld [smem:$0x3FAC]  }
0x29: {  	s4 =	sld [smem:$0x3FAE]  }
0x2a: {  	p0 =	seq.s32 s5, $0x0;
	s5 =	sld [smem:$0x3FAF]  }
0x2b: {  	s6 =	sld [smem:$0x3FB0]  }
0x2c: {  	s7 =	sld [smem:$0x3FB1]  }
0x2d: {  	s3 =	simm.s32 $0x108;
	s8 =	sld [smem:$0x3FB2]  }
0x2e: {  	s3 =	simm.s32 @!p0 $0x1082;
	s9 =	sld [smem:$0x3FB3]  }
0x2f: {  	lr =	sadd.s32 s0, s3;
	s0 =	sld [smem:$0x3FAA]  }
0x30: {  	s3 =	sld [smem:$0x3FAD]  }
0x31: {  	[smem:$0x3FB6] =	sst s10  }
0x32: {  	s10 =	sld [smem:$0x3FB4];
	_ =	sdelay $0x3  }
0x33: {  	p0 =	seq.s32 s10, $0x1;
	s10 =	sld [smem:$0x3FB6];
	_ =	sdelay $0x3  }
0x34: {  	[smem:$0x3FB6] =	sst s10  }
0x35: {  	s10 =	sld [smem:$0x3FB5];
	_ =	sdelay $0x3  }
0x36: {  	p1 =	seq.s32 s10, $0x1;
	s10 =	sld [smem:$0x3FB6];
	_ =	sdelay $0x3  }
0x37: {  	[smem:$0x3FB6] =	sst s10  }
0x38: {  	s10 =	sld [smem:$0x3FB7]  }
0x39: {  	_ = 	snop;
	(pc) =	sbr.ind lr, $3  }
0x3a: {  	_ = 	snop  }
0x3b: {  	_ = 	snop  }
0x3c: {  	p2 =	seq.s32 s10, $0x1;
	s10 =	sld [smem:$0x3FB6]  }
0x3d: {  	_ =	shalt  }
0x3e: {  	_ =	shalt  }
0x3f: {  	_ =	shalt  }
0x40: {  	_ =	shalt  }
0x41: {  	_ =	shalt  }
0x42: {  	_ =	shalt  }
0x43: {  	_ =	shalt  }
0x44: {  	_ =	shalt  }
0x45: {  	_ =	shalt  }
0x46: {  	_ =	shalt  }
0x47: {  	_ =	shalt  }
0x48: {  	_ =	shalt  }
0x49: {  	_ =	shalt  }
0x4a: {  	_ =	shalt  }
0x4b: {  	_ =	shalt  }
0x4c: {  	_ =	shalt  }
0x4d: {  	_ =	shalt  }
0x4e: {  	_ =	shalt  }
0x4f: {  	_ =	shalt  }
0x50: {  	_ =	shalt  }
0x51: {  	_ =	shalt  }
0x52: {  	_ =	shalt  }
0x53: {  	_ =	shalt  }
0x54: {  	_ =	shalt  }
0x55: {  	_ =	shalt  }
0x56: {  	_ =	shalt  }
0x57: {  	_ =	shalt  }
0x58: {  	_ =	shalt  }
0x59: {  	_ =	shalt  }
0x5a: {  	_ =	shalt  }
0x5b: {  	_ =	shalt  }
0x5c: {  	_ =	shalt  }
0x5d: {  	_ =	shalt  }
0x5e: {  	_ =	shalt  }
0x5f: {  	_ =	shalt  }
0x60: {  	_ =	shalt  }
0x61: {  	_ =	shalt  }
0x62: {  	_ =	shalt  }
0x63: {  	_ =	shalt  }
0x64: {  	_ =	shalt  }
0x65: {  	_ =	shalt  }
0x66: {  	_ =	shalt  }
0x67: {  	_ =	shalt  }
0x68: {  	_ =	shalt  }
0x69: {  	_ =	shalt  }
0x6a: {  	_ =	shalt  }
0x6b: {  	_ =	shalt  }
0x6c: {  	_ =	shalt  }
0x6d: {  	_ =	shalt  }
0x6e: {  	_ =	shalt  }
0x6f: {  	_ =	shalt  }
0x70: {  	_ =	shalt  }
0x71: {  	_ =	shalt  }
0x72: {  	_ =	shalt  }
0x73: {  	_ =	shalt  }
0x74: {  	_ =	shalt  }
0x75: {  	_ =	shalt  }
0x76: {  	_ =	shalt  }
0x77: {  	_ =	shalt  }
0x78: {  	_ =	shalt  }
0x79: {  	_ =	shalt  }
0x7a: {  	_ =	shalt  }
0x7b: {  	_ =	shalt  }
0x7c: {  	_ =	shalt  }
0x7d: {  	_ =	shalt  }
0x7e: {  	_ =	shalt  }
0x7f: {  	_ =	shalt  }
0x80: {  	_ =	shalt  }
0x81: {  	_ =	shalt  }
0x82: {  	_ =	shalt  }
0x83: {  	_ =	shalt  }
0x84: {  	_ =	shalt  }
0x85: {  	_ =	shalt  }
0x86: {  	_ =	shalt  }
0x87: {  	_ =	shalt  }
.Lfunc_end0:
.L_simem_size_0:
called_computation_lowered:
.L_overlay_start_0:
0x88: {  	s2 =	sld [smem:$0x3FD9]  }
0x89: {  	s3 =	sld [smem:$0x3FFE];
	_ =	sdelay $0x1  }
0x8a: {  	s1 =	srdreg.scid  }
0x8b: {  	s0 =	sand.u32 $0x1, s1  }
0x8c: {  	s17 =	sshll.u32 s0, $0xA;
	s2 =	sadd.s32 s3, s2  }
0x8d: {  	s2 =	sadd.s32 s2, s17  }
0x8e: {  	[smem:$0x3FC2] =	sst s2  }
0x8f: {  	_ = 	snop  }
0x90: {  	s2 =	sld [smem:$0x3FD0];
	(tm) =	ssettm $0x1  }
0x91: {  	s18 =	sld [smem:$0x3FFB];
	_ =	sdelay $0x3  }
0x92: {  	_ =	strace s18  }
0x93: {  	s3 =	sld [smem:$0x3FFC];
	_ =	sdelay $0x3  }
0x94: {  	_ =	strace s3  }
0x95: {  	s3 =	sld [smem:$0x3FFD];
	_ =	sdelay $0x3  }
0x96: {  	_ =	strace s3  }
0x97: {  	_ =	strace $0x8FFFFFFF  }
0x98: {  	s19 =	sld [smem:$0x3FDB];
	_ =	sdelay $0x1  }
0x99: {  	s4 =	simm.s32 $_scs_section_size  }
0x9a: {  	s5 =	simm.s32 $_size__tile_overlayer_lowered;
	s6 =	simm.s32 $_tile_overlayer_lowered  }
0x9b: {  	s22 =	simm.s32 $0x1BFF;
	s21 =	sshll.u32 s6, $0x1;
	s3 =	sadd.s32 s4, s19  }
0x9c: {  	s7 =	simm.s32 $0x0;
	s20 =	sshll.u32 s5, $0x1;
	s5 =	sadd.s32 s21, s3  }
0x9d: {  	[timem:s7], [sflag:s22] =	dma.local [hbm:s5], s20  }
0x9e: {  	_ =	swait.ge [sflag:s22], s20  }
0x9f: {  	s4 =	ssub.s32 $0x0, s20;
	[sflag:s22] =	ssyncset.done $0x0  }
0xa0: {  	[sflag:s22] =	ssyncadd.s32 s4;
	_ =	sdelay $0x1  }
0xa1: {  	s23 =	simm.s32 $0x1B8B  }
0xa2: {  	_ =	swait.ge [sflag:s23], $0x1  }
0xa3: {  	[sflag:s23] =	ssyncset.done $0x0  }
0xa4: {  	s25 =	simm.s32 $0x1B8E;
	s24 =	sld [smem:$0x3FFE];
	[sflag:s23] =	ssyncadd.s32 $0xFFFFFFFF  }
0xa5: {  	s26 =	simm.s32 $execute0_lowered;
	[smem:$0x3FD2] =	sst s25  }
0xa6: {  	s5 =	sshll.u32 s26, $0x1;
	_ =	strace $0x80000046;
	[dreg:$0x1] =	wrdreg $0xFFFFFFFF  }
0xa7: {  	s28 =	simm.s32 $_size_execute0_lowered;
	s3 =	sadd.s32 s3, s5;
	[dreg:$0x0] =	wrdreg $0x0  }
0xa8: {  	s5 =	sshll.u32 s28, $0x1;
	[dreg:$0x2] =	wrdreg s3  }
0xa9: {  	[dreg:$0x3] =	wrdreg s5  }
0xaa: {  	[dreg:$0x4] =	wrdreg $0xC0  }
0xab: {  	_ =	task [dreg:s7], $0x5FFFF  }
0xac: {  	[dreg:$0x1] =	wrdreg $0xFFFFFFFF  }
0xad: {  	[dreg:$0x0] =	wrdreg $0x60  }
0xae: {  	[dreg:$0x2] =	wrdreg s24  }
0xaf: {  	[dreg:$0x3] =	wrdreg s2  }
0xb0: {  	[dreg:$0x4] =	wrdreg $0x30000  }
0xb1: {  	[dreg:$0x5] =	wrdreg $0x9  }
0xb2: {  	_ =	task.clear_ibuf [dreg:s7], $0x6FFFF;
	_ =	strace $0x90000046  }
0xb3: {  	s29 =	simm.s32 $0x9;
	_ =	strace $0x80000048  }
0xb4: {  	_ =	swait.ge [sflag:s29], $0x1  }
0xb5: {  	[sflag:s29] =	ssyncadd.s32 $0xFFFFFFFF  }
0xb6: {  	_ =	strace $0x90000048  }
0xb7: {  	_ =	sfence  }
0xb8: {  	s30 =	sld [smem:$0x0];
	_ =	sdelay $0x2  }
0xb9: {  	s31 =	sshll.u32 s1, $0xD;
	s1 =	sshrl.u32 s1, $0x2  }
0xba: {  	s3 =	sand.u32 $0x4000, s31;
	s1 =	sadd.s32 s1, s30  }
0xbb: {  	s0 =	sor.u32 s3, s0;
	s1 =	sshll.u32 s1, $0x11  }
0xbc: {  	s0 =	sor.u32 s1, s0  }
0xbd: {  	s0 =	sadd.s32 $0x8F2B, s0  }
0xbe: {  	[sflag:s0] =	ssyncadd.remote.s32 $0x1  }
0xbf: {  	_ =	sfence.sel $0xFFFF  }
0xc0: {  	[dreg:$0x0] =	wrdreg $0xFFFFFFFF;
	(pc) =	sbr.abs _section_cstart, $3  }
0xc1: {  	[dreg:$0x1] =	wrdreg $0xFFFFFFFF  }
0xc2: {  	_ =	task.clear_ibuf [dreg:s7], $0x2FFFF;
	_ =	strace $0x9FFFFFFF  }
0xc3: {  	(tm) =	ssettm $0x7FFFFFFF  }
tec
execute0_lowered:
.L_overlay_start_1:
0x0: {  	(tag) =	ssettag $0x1  }
0x1: {  	s0 =	rddreg [dreg:$0x0]  }
0x2: {  	s3 =	rddreg [dreg:$0x2]  }
0x3: {  	s9 =	stileid.u32;
	s1 =	srdreg.scid  }
0x4: {  	s4 =	simm.s32 $0x0;
	s12 =	simm.s32 $0x2800;
	s13 =	simm.s32 $0x80  }
0x5: {  	s15 =	simm.s32 $0xA;
	s16 =	simm.s32 $0x9;
	s17 =	simm.s32 $0x8  }
0x6: {  	s21 =	simm.s32 $0x280;
	s22 =	simm.s32 $0x300;
	s23 =	simm.s32 $0x380  }
0x7: {  	s24 =	simm.s32 $0x400;
	s28 =	simm.s32 $0x2;
	s29 =	simm.s32 $0x3  }
0x8: {  	s30 =	simm.s32 $0x4;
	s31 =	simm.s32 $0x5;
	s2 =	smul.u32 $0x2800, s9  }
0x9: {  	s14 =	simm.s32 $0x0;
	s1 =	sand.u32 $0x1, s1;
	s5 =	smul.u32 $0x500, s9  }
0xa: {  	[smem:$0x7FF] =	sst s4;
	s6 =	sshll.u32 s1, $0x4;
	s7 =	smul.u32 $0x5000, s1  }
0xb: {  	_ =	strace $0x80000047;
	s1 =	ssub.s32 $0x2, s1;
	s8 =	sadd.s32 s6, s0  }
0xc: {  	s25 =	sshrl.u32 s2, $0x3;
	s26 =	sshrl.u32 s1, $0x1;
	s2 =	sadd.s32 s2, s3  }
0xd: {  	s5 =	sadd.s32 s5, s7;
	s6 =	sadd.s32 s25, s0;
	s1 =	ssub.s32 s1, s26  }
0xe: {  	s11 =	sshrl.u32 s2, $0x3;
	s25 =	simm.s32 $0x480;
	s26 =	simm.s32 $0x1  }
0xf: {  	s2 =	simm.s32 $0xB;
	s0 =	sadd.s32 s5, s0;
	s5 =	sshll.u32 s9, $0x6  }
0x10: {  	s9 =	sshll.u32 s9, $0x5;
	s6 =	sadd.s32 $0x16200, s6;
	s10 =	smax.u32 s1, $0x1  }
0x11: {  	s1 =	simm.s32 $0x7;
	s7 =	sor.u32 $0x1C0A, s5;
	s8 =	sadd.s32 s9, s8  }
0x12: {  	s9 =	sadd.s32 $0x1B200, s0;
	s0 =	simm.s32 $0x6;
	s8 =	sadd.s32 $0x2200, s8  }
.LBB2_1:
0x13: {  	[spmem:s11], [sflag:s7] =	dma.local [hbm:s6], $0x500  }
0x14: {  	s18 =	rddreg [dreg:$0x1]  }
0x15: {  	[tilespmem:s12], [sflag:$0x9] =	stream.linear.gather [hbm4b:s18+s4], $0x800, $0x38;
	[tilespmem:$0x5800] =	vst v63  }
0x16: {  	s20 =	simm.s32 $0x1000  }
0x17: {  	[tilespmem:s4], [sflag:$0x8] =	stream.strided.gather [hbm4b:s8+s13], $0x2800, s20, s13, $0x38;
	[tilespmem:$0x5800] =	vst v63  }
0x18: {  	_ =	swait.ge [sflag:s15], $0x500  }
0x19: {  	[sflag:s15] =	ssyncset.done $0x0  }
0x1a: {  	[sflag:s15] =	ssyncadd.s32 $0xFFFFFB00  }
0x1b: {  	_ =	swait.ge [sflag:s16], $0x800  }
0x1c: {  	[sflag:s16] =	ssyncset.done $0x0  }
0x1d: {  	[sflag:s16] =	ssyncadd.s32 $0xFFFFF800  }
0x1e: {  	_ =	swait.ge [sflag:s17], $0x2800  }
0x1f: {  	[sflag:s17] =	ssyncset.done $0x0  }
0x20: {  	[sflag:s17] =	ssyncadd.s32 $0xFFFFD800  }
0x21: {  	[bflag:$0x0] =	sbarrier.arrive $0xFFFF  }
0x22: {  	[spmem:s3] =	stream.indirect.scatter.add.f32 [tilespmem:s12], [sflag:$0x1], $0x10, s4, s13, $0xb8;
	[tilespmem:$0x5800] =	vst v63  }
0x23: {  	_ = 	snop  }
0x24: {  	[spmem:s3] =	stream.indirect.scatter.add.f32 [tilespmem:s12], [sflag:$0x2], $0x10, s13, s13, $0xb8;
	[tilespmem:$0x5800] =	vst v63  }
0x25: {  	s19 =	simm.s32 $0x100  }
0x26: {  	[spmem:s3] =	stream.indirect.scatter.add.f32 [tilespmem:s12], [sflag:$0x3], $0x10, s19, s13, $0xb8;
	[tilespmem:$0x5800] =	vst v63  }
0x27: {  	s20 =	simm.s32 $0x180  }
0x28: {  	[spmem:s3] =	stream.indirect.scatter.add.f32 [tilespmem:s12], [sflag:$0x4], $0x10, s20, s13, $0xb8;
	[tilespmem:$0x5800] =	vst v63  }
0x29: {  	s19 =	simm.s32 $0x200  }
0x2a: {  	[spmem:s3] =	stream.indirect.scatter.add.f32 [tilespmem:s12], [sflag:$0x5], $0x10, s19, s13, $0xb8;
	[tilespmem:$0x5800] =	vst v63  }
0x2b: {  	_ = 	snop  }
0x2c: {  	[spmem:s3] =	stream.indirect.scatter.add.f32 [tilespmem:s12], [sflag:$0x6], $0x10, s21, s13, $0xb8;
	[tilespmem:$0x5800] =	vst v63  }
0x2d: {  	_ = 	snop  }
0x2e: {  	[spmem:s3] =	stream.indirect.scatter.add.f32 [tilespmem:s12], [sflag:$0x7], $0x10, s22, s13, $0xb8;
	[tilespmem:$0x5800] =	vst v63  }
0x2f: {  	_ = 	snop  }
0x30: {  	[spmem:s3] =	stream.indirect.scatter.add.f32 [tilespmem:s12], [sflag:$0x8], $0x10, s23, s13, $0xb8;
	[tilespmem:$0x5800] =	vst v63  }
0x31: {  	_ = 	snop  }
0x32: {  	[spmem:s3] =	stream.indirect.scatter.add.f32 [tilespmem:s12], [sflag:$0x9], $0x10, s24, s13, $0xb8;
	[tilespmem:$0x5800] =	vst v63  }
0x33: {  	_ = 	snop  }
0x34: {  	[spmem:s3] =	stream.indirect.scatter.add.f32 [tilespmem:s12], [sflag:$0xA], $0x10, s25, s13, $0xb8;
	[tilespmem:$0x5800] =	vst v63  }
0x35: {  	_ =	swait.ge [sflag:s26], $0x800  }
0x36: {  	[sflag:s26] =	ssyncset.done $0x0  }
0x37: {  	s20 =	simm.s32 $0x500;
	[sflag:s26] =	ssyncadd.s32 $0xFFFFF800  }
0x38: {  	[spmem:s3] =	stream.indirect.scatter.add.f32 [tilespmem:s12], [sflag:$0x1], $0x10, s20, s13, $0xb8;
	[tilespmem:$0x5800] =	vst v63  }
0x39: {  	_ =	swait.ge [sflag:s28], $0x800  }
0x3a: {  	[sflag:s28] =	ssyncset.done $0x0  }
0x3b: {  	s19 =	simm.s32 $0x580;
	[sflag:s28] =	ssyncadd.s32 $0xFFFFF800  }
0x3c: {  	[spmem:s3] =	stream.indirect.scatter.add.f32 [tilespmem:s12], [sflag:$0x2], $0x10, s19, s13, $0xb8;
	[tilespmem:$0x5800] =	vst v63  }
0x3d: {  	_ =	swait.ge [sflag:s29], $0x800  }
0x3e: {  	[sflag:s29] =	ssyncset.done $0x0  }
0x3f: {  	s20 =	simm.s32 $0x600;
	[sflag:s29] =	ssyncadd.s32 $0xFFFFF800  }
0x40: {  	[spmem:s3] =	stream.indirect.scatter.add.f32 [tilespmem:s12], [sflag:$0x3], $0x10, s20, s13, $0xb8;
	[tilespmem:$0x5800] =	vst v63  }
0x41: {  	_ =	swait.ge [sflag:s30], $0x800  }
0x42: {  	[sflag:s30] =	ssyncset.done $0x0  }
0x43: {  	s19 =	simm.s32 $0x680;
	[sflag:s30] =	ssyncadd.s32 $0xFFFFF800  }
0x44: {  	[spmem:s3] =	stream.indirect.scatter.add.f32 [tilespmem:s12], [sflag:$0x4], $0x10, s19, s13, $0xb8;
	[tilespmem:$0x5800] =	vst v63  }
0x45: {  	_ =	swait.ge [sflag:s31], $0x800  }
0x46: {  	[sflag:s31] =	ssyncset.done $0x0  }
0x47: {  	s20 =	simm.s32 $0x700;
	[sflag:s31] =	ssyncadd.s32 $0xFFFFF800  }
0x48: {  	[spmem:s3] =	stream.indirect.scatter.add.f32 [tilespmem:s12], [sflag:$0x5], $0x10, s20, s13, $0xb8;
	[tilespmem:$0x5800] =	vst v63  }
0x49: {  	_ =	swait.ge [sflag:s0], $0x800  }
0x4a: {  	[sflag:s0] =	ssyncset.done $0x0  }
0x4b: {  	s19 =	simm.s32 $0x780;
	[sflag:s0] =	ssyncadd.s32 $0xFFFFF800  }
0x4c: {  	[spmem:s3] =	stream.indirect.scatter.add.f32 [tilespmem:s12], [sflag:$0x6], $0x10, s19, s13, $0xb8;
	[tilespmem:$0x5800] =	vst v63  }
0x4d: {  	_ =	swait.ge [sflag:s1], $0x800  }
0x4e: {  	[sflag:s1] =	ssyncset.done $0x0  }
0x4f: {  	s20 =	simm.s32 $0x800;
	[sflag:s1] =	ssyncadd.s32 $0xFFFFF800  }
0x50: {  	[spmem:s3] =	stream.indirect.scatter.add.f32 [tilespmem:s12], [sflag:$0x7], $0x10, s20, s13, $0xb8;
	[tilespmem:$0x5800] =	vst v63  }
0x51: {  	_ =	swait.ge [sflag:s17], $0x800  }
0x52: {  	[sflag:s17] =	ssyncset.done $0x0  }
0x53: {  	s19 =	simm.s32 $0x880;
	[sflag:s17] =	ssyncadd.s32 $0xFFFFF800  }
0x54: {  	[spmem:s3] =	stream.indirect.scatter.add.f32 [tilespmem:s12], [sflag:$0x8], $0x10, s19, s13, $0xb8;
	[tilespmem:$0x5800] =	vst v63  }
0x55: {  	_ =	swait.ge [sflag:s16], $0x800  }
0x56: {  	[sflag:s16] =	ssyncset.done $0x0  }
0x57: {  	s20 =	simm.s32 $0x900;
	[sflag:s16] =	ssyncadd.s32 $0xFFFFF800  }
0x58: {  	[spmem:s3] =	stream.indirect.scatter.add.f32 [tilespmem:s12], [sflag:$0x9], $0x10, s20, s13, $0xb8;
	[tilespmem:$0x5800] =	vst v63  }
0x59: {  	_ =	swait.ge [sflag:s15], $0x800  }
0x5a: {  	[sflag:s15] =	ssyncset.done $0x0  }
0x5b: {  	s18 =	simm.s32 $0x1400;
	s19 =	simm.s32 $0x980;
	[sflag:s15] =	ssyncadd.s32 $0xFFFFF800  }
.LBB2_2:
0x5c: {  	[spmem:s3] =	stream.indirect.scatter.add.f32 [tilespmem:s12], [sflag:$0xA], $0x10, s19, s13, $0xb8;
	[tilespmem:$0x5800] =	vst v63  }
0x5d: {  	s19 =	smov.u32 s18  }
0x5e: {  	p0 =	sne.s32 s18, $0x7800;
	s18 =	sadd.s32 $0x1400, s18;
	_ =	swait.ge [sflag:s26], $0x800  }
0x5f: {  	s19 =	sshra.s32 s19, $0x2;
	[sflag:s26] =	ssyncset.done $0x0  }
0x60: {  	s20 =	sadd.s32 $0x500, s19;
	[sflag:s26] =	ssyncadd.s32 $0xFFFFF800  }
0x61: {  	[spmem:s3] =	stream.indirect.scatter.add.f32 [tilespmem:s12], [sflag:$0x1], $0x10, s20, s13, $0xb8;
	[tilespmem:$0x5800] =	vst v63  }
0x62: {  	_ =	swait.ge [sflag:s28], $0x800  }
0x63: {  	[sflag:s28] =	ssyncset.done $0x0  }
0x64: {  	s20 =	sadd.s32 $0x580, s19;
	[sflag:s28] =	ssyncadd.s32 $0xFFFFF800  }
0x65: {  	[spmem:s3] =	stream.indirect.scatter.add.f32 [tilespmem:s12], [sflag:$0x2], $0x10, s20, s13, $0xb8;
	[tilespmem:$0x5800] =	vst v63  }
0x66: {  	_ =	swait.ge [sflag:s29], $0x800  }
0x67: {  	[sflag:s29] =	ssyncset.done $0x0  }
0x68: {  	s20 =	sadd.s32 $0x600, s19;
	[sflag:s29] =	ssyncadd.s32 $0xFFFFF800  }
0x69: {  	[spmem:s3] =	stream.indirect.scatter.add.f32 [tilespmem:s12], [sflag:$0x3], $0x10, s20, s13, $0xb8;
	[tilespmem:$0x5800] =	vst v63  }
0x6a: {  	_ =	swait.ge [sflag:s30], $0x800  }
0x6b: {  	[sflag:s30] =	ssyncset.done $0x0  }
0x6c: {  	s20 =	sadd.s32 $0x680, s19;
	[sflag:s30] =	ssyncadd.s32 $0xFFFFF800  }
0x6d: {  	[spmem:s3] =	stream.indirect.scatter.add.f32 [tilespmem:s12], [sflag:$0x4], $0x10, s20, s13, $0xb8;
	[tilespmem:$0x5800] =	vst v63  }
0x6e: {  	_ =	swait.ge [sflag:s31], $0x800  }
0x6f: {  	[sflag:s31] =	ssyncset.done $0x0  }
0x70: {  	s20 =	sadd.s32 $0x700, s19;
	[sflag:s31] =	ssyncadd.s32 $0xFFFFF800  }
0x71: {  	[spmem:s3] =	stream.indirect.scatter.add.f32 [tilespmem:s12], [sflag:$0x5], $0x10, s20, s13, $0xb8;
	[tilespmem:$0x5800] =	vst v63  }
0x72: {  	_ =	swait.ge [sflag:s0], $0x800  }
0x73: {  	[sflag:s0] =	ssyncset.done $0x0  }
0x74: {  	s20 =	sadd.s32 $0x780, s19;
	[sflag:s0] =	ssyncadd.s32 $0xFFFFF800  }
0x75: {  	[spmem:s3] =	stream.indirect.scatter.add.f32 [tilespmem:s12], [sflag:$0x6], $0x10, s20, s13, $0xb8;
	[tilespmem:$0x5800] =	vst v63  }
0x76: {  	_ =	swait.ge [sflag:s1], $0x800  }
0x77: {  	[sflag:s1] =	ssyncset.done $0x0  }
0x78: {  	s20 =	sadd.s32 $0x800, s19;
	[sflag:s1] =	ssyncadd.s32 $0xFFFFF800  }
0x79: {  	[spmem:s3] =	stream.indirect.scatter.add.f32 [tilespmem:s12], [sflag:$0x7], $0x10, s20, s13, $0xb8;
	[tilespmem:$0x5800] =	vst v63  }
0x7a: {  	_ =	swait.ge [sflag:s17], $0x800  }
0x7b: {  	[sflag:s17] =	ssyncset.done $0x0  }
0x7c: {  	s20 =	sadd.s32 $0x880, s19;
	[sflag:s17] =	ssyncadd.s32 $0xFFFFF800  }
0x7d: {  	[spmem:s3] =	stream.indirect.scatter.add.f32 [tilespmem:s12], [sflag:$0x8], $0x10, s20, s13, $0xb8;
	[tilespmem:$0x5800] =	vst v63  }
0x7e: {  	_ =	swait.ge [sflag:s16], $0x800  }
0x7f: {  	[sflag:s16] =	ssyncset.done $0x0  }
.Ltmp0:
0x80: {  	s20 =	sadd.s32 $0x900, s19;
	[sflag:s16] =	ssyncadd.s32 $0xFFFFF800;
	(pc) =	sbr.rel @p0 .LBB2_2-.Ltmp0, $4  }
0x81: {  	[spmem:s3] =	stream.indirect.scatter.add.f32 [tilespmem:s12], [sflag:$0x9], $0x10, s20, s13, $0xb8;
	[tilespmem:$0x5800] =	vst v63  }
0x82: {  	_ =	swait.ge [sflag:s15], $0x800  }
0x83: {  	[sflag:s15] =	ssyncset.done $0x0  }
0x84: {  	s19 =	sadd.s32 $0x980, s19;
	[sflag:s15] =	ssyncadd.s32 $0xFFFFF800  }
0x85: {  	[spmem:s3] =	stream.indirect.scatter.add.f32 [tilespmem:s12], [sflag:$0xA], $0x10, s19, s13, $0xb8;
	[tilespmem:$0x5800] =	vst v63  }
0x86: {  	_ =	swait.ge [sflag:s26], $0x800  }
0x87: {  	[sflag:s26] =	ssyncset.done $0x0  }
0x88: {  	[sflag:s26] =	ssyncadd.s32 $0xFFFFF800  }
0x89: {  	_ =	swait.ge [sflag:s28], $0x800  }
0x8a: {  	[sflag:s28] =	ssyncset.done $0x0  }
0x8b: {  	[sflag:s28] =	ssyncadd.s32 $0xFFFFF800  }
0x8c: {  	_ =	swait.ge [sflag:s29], $0x800  }
0x8d: {  	[sflag:s29] =	ssyncset.done $0x0  }
0x8e: {  	[sflag:s29] =	ssyncadd.s32 $0xFFFFF800  }
0x8f: {  	_ =	swait.ge [sflag:s30], $0x800  }
0x90: {  	[sflag:s30] =	ssyncset.done $0x0  }
0x91: {  	[sflag:s30] =	ssyncadd.s32 $0xFFFFF800  }
0x92: {  	_ =	swait.ge [sflag:s31], $0x800  }
0x93: {  	[sflag:s31] =	ssyncset.done $0x0  }
0x94: {  	[sflag:s31] =	ssyncadd.s32 $0xFFFFF800  }
0x95: {  	_ =	swait.ge [sflag:s0], $0x800  }
0x96: {  	[sflag:s0] =	ssyncset.done $0x0  }
0x97: {  	[sflag:s0] =	ssyncadd.s32 $0xFFFFF800  }
0x98: {  	_ =	swait.ge [sflag:s1], $0x800  }
0x99: {  	[sflag:s1] =	ssyncset.done $0x0  }
0x9a: {  	[sflag:s1] =	ssyncadd.s32 $0xFFFFF800  }
0x9b: {  	_ =	swait.ge [sflag:s17], $0x800  }
0x9c: {  	[sflag:s17] =	ssyncset.done $0x0  }
0x9d: {  	[sflag:s17] =	ssyncadd.s32 $0xFFFFF800  }
0x9e: {  	_ =	swait.ge [sflag:s16], $0x800  }
0x9f: {  	[sflag:s16] =	ssyncset.done $0x0  }
0xa0: {  	[sflag:s16] =	ssyncadd.s32 $0xFFFFF800  }
0xa1: {  	_ =	swait.ge [sflag:s15], $0x800  }
0xa2: {  	s14 =	sadd.s32 $0x1, s14;
	[sflag:s15] =	ssyncset.done $0x0  }
0xa3: {  	p0 =	sne.s32 s14, s10;
	[sflag:s15] =	ssyncadd.s32 $0xFFFFF800  }
.Ltmp1:
0xa4: {  	s18 =	sor.u32 $0x1C0B, s5;
	[bflag:$0x0] =	sbarrier.arrive $0xFFFF;
	(pc) =	sbr.rel @p0 .LBB2_1-.Ltmp1, $4  }
0xa5: {  	[hbm:s9], [sflag:s18] =	dma.local [spmem:s11], $0x500  }
0xa6: {  	_ =	swait.ge [sflag:s2], $0x500  }
0xa7: {  	[sflag:s2] =	ssyncset.done $0x0  }
0xa8: {  	[sflag:s2] =	ssyncadd.s32 $0xFFFFFB00  }
0xa9: {  	_ =	sfence.sel $0x180000  }
0xaa: {  	[bflag:$0x0] =	sbarrier.arrive $0xFFFF  }
0xab: {  	_ =	strace $0x90000047  }
0xac: {  	s0 =	stileid.u32;
	[bflag:$0x2] =	sbarrier.arrive $0xFFFF  }
0xad: {  	p0 =	sne.s32 s0, $0x0;
	s0 =	rddreg [dreg:$0x3]  }
0xae: {  	s0 =	sadd.s32 @!p0 $0x100000, s0  }
0xaf: {  	[sflag:s0] =	ssyncadd.tile.s32 @!p0 $0x1;
	_ =	shalt  }
.Lfunc_end2:
_tile_overlayer_lowered:
.L_overlay_start_2:
0xb0: {  	(tag) =	ssettag $0x2  }
0xb1: {  	s0 =	rddreg [dreg:$0x0];
	s2 =	stileid.u32  }
0xb2: {  	s1 =	rddreg [dreg:$0x1];
	p0 =	sne.s32 s2, $0x0  }
0xb3: {  	s3 =	rddreg [dreg:$0x2];
	[bflag:$0x3] =	sbarrier.arrive $0xFFFF;
	s2 =	simm.s32 @!p0 $0x1C0B  }
0xb4: {  	[timem:s3], [sflag:s2] =	dma.local @!p0 [hbm:s0], s1  }
0xb5: {  	s0 =	simm.s32 @!p0 $0xB  }
0xb6: {  	_ =	swait.ge @!p0 [sflag:s0], s1  }
0xb7: {  	s1 =	ssub.s32 @!p0 $0x0, s1;
	[sflag:s0] =	ssyncset.done @!p0 $0x0  }
0xb8: {  	[sflag:s0] =	ssyncadd.s32 @!p0 s1  }
0xb9: {  	[bflag:$0x3] =	sbarrier.arrive $0xFFFF  }
0xba: {  	_ =	shalt  }

</sc_bundles>
